<compile_context>
chip_gen: v7x
topology: tpu7x:2x2x1
jax: 0.10.2.dev20260603
libtpu: 0.0.44.dev20260713+nightly
codegen_flags: <defaults>
</compile_context>

<pallas_src>
import functools

import jax
import jax.numpy as jnp
from jax import lax
from jax.experimental import pallas as pl
from jax.experimental.pallas import tpu as pltpu
from jax.experimental.pallas import tpu_sc as plsc

N = 4096
K = 16
RB = 256
GRID = N // RB
NEG_CAP = -3.4028234663852886e38



CB = 1024
NCB = N // CB


def _knn_body(seg_ref, x_ref, xt_ref, brow_ref, bcol_ref, idx_ref,
              runv_ref, runi_ref):
    i = pl.program_id(0)
    j = pl.program_id(1)

    @pl.when(j == 0)
    def _init():
        runv_ref[...] = jnp.full((RB, K), -jnp.inf, jnp.float32)
        runi_ref[...] = N + lax.broadcasted_iota(jnp.int32, (RB, K), 1)

    c0 = seg_ref[i]
    c1 = seg_ref[GRID + i]
    active = (j * CB < c1) & (j * CB + CB > c0)

    @pl.when(active)
    def _tile():
        xb = x_ref[...]
        xt = xt_ref[...]
        sq_r = jnp.sum(xb * xb, axis=1, keepdims=True)
        sq_c = jnp.sum(xt * xt, axis=0, keepdims=True)
        prod = jnp.dot(xb, xt, preferred_element_type=jnp.float32)
        dist = (sq_r + sq_c) - 2.0 * prod
        col = j * CB + lax.broadcasted_iota(jnp.int32, (RB, CB), 1)
        row = i * RB + lax.broadcasted_iota(jnp.int32, (RB, CB), 0)
        valid = (brow_ref[...] == bcol_ref[...]) & (col != row)
        nd = jnp.where(valid, -dist, NEG_CAP)
        rv = runv_ref[...]
        ri = runi_ref[...]
        for t in range(K):
            m = jnp.maximum(jnp.max(nd, axis=1, keepdims=True),
                            jnp.max(rv, axis=1, keepdims=True))
            cn = jnp.min(jnp.where(nd == m, col, 2 * N), axis=1, keepdims=True)
            cr = jnp.min(jnp.where(rv == m, ri, 2 * N), axis=1, keepdims=True)
            am = jnp.minimum(cn, cr)
            runv_ref[:, t:t + 1] = m
            runi_ref[:, t:t + 1] = am
            nd = jnp.where(col == am, -jnp.inf, nd)
            rv = jnp.where(ri == am, -jnp.inf, rv)

    @pl.when(j == NCB - 1)
    def _emit():
        idx_ref[...] = runi_ref[...]


def _knn(xf, segs, brow, d):
    xt = xf.T
    bcol = brow.reshape(1, N)
    grid_spec = pltpu.PrefetchScalarGridSpec(
        num_scalar_prefetch=1,
        grid=(GRID, NCB),
        in_specs=[
            pl.BlockSpec((RB, d), lambda i, j, s: (i, 0)),
            pl.BlockSpec((d, CB), lambda i, j, s: (0, j)),
            pl.BlockSpec((RB, 1), lambda i, j, s: (i, 0)),
            pl.BlockSpec((1, CB), lambda i, j, s: (0, j)),
        ],
        out_specs=pl.BlockSpec((RB, K), lambda i, j, s: (i, 0)),
        scratch_shapes=[pltpu.VMEM((RB, K), jnp.float32),
                        pltpu.VMEM((RB, K), jnp.int32)],
    )
    return pl.pallas_call(
        _knn_body,
        grid_spec=grid_spec,
        out_shape=jax.ShapeDtypeStruct((N, K), jnp.int32),
    )(segs, xf, xt, brow, bcol)



_SC_CH = 128


@functools.cache
def _make_gather(d, b):
    info = plsc.get_sparse_core_info()
    nw = info.num_cores * info.num_subcores
    b_per_w = b // nw
    n_chunks = b_per_w // _SC_CH
    mesh = plsc.VectorSubcoreMesh(core_axis_name="c", subcore_axis_name="s")

    n_pairs = n_chunks // 2

    @functools.partial(
        pl.kernel,
        mesh=mesh,
        out_type=jax.ShapeDtypeStruct((b, d), jnp.float32),
        scratch_types=[
            pltpu.VMEM((b_per_w,), jnp.int32),
            pltpu.VMEM((_SC_CH, d), jnp.float32),
            pltpu.VMEM((_SC_CH, d), jnp.float32),
            pltpu.SemaphoreType.DMA,
            pltpu.SemaphoreType.DMA,
            pltpu.SemaphoreType.DMA,
            pltpu.SemaphoreType.DMA,
        ],
    )
    def gk(table_hbm, idx_hbm, out_hbm, idx_v, rows0, rows1,
           sem_g0, sem_g1, sem_w0, sem_w1):
        wid = lax.axis_index("s") * info.num_cores + lax.axis_index("c")
        base = wid * b_per_w
        pltpu.sync_copy(idx_hbm.at[pl.ds(base, b_per_w)], idx_v)

        def gsl(c):
            return table_hbm.at[idx_v.at[pl.ds(c * _SC_CH, _SC_CH)]]

        def osl(c):
            return out_hbm.at[pl.ds(base + c * _SC_CH, _SC_CH)]

        pltpu.async_copy(gsl(0), rows0, sem_g0)
        pltpu.async_copy(gsl(1), rows1, sem_g1)

        def body(p, carry):
            c = 2 * p
            pltpu.make_async_copy(gsl(c), rows0, sem_g0).wait()
            pltpu.async_copy(rows0, osl(c), sem_w0)
            pltpu.make_async_copy(gsl(c + 1), rows1, sem_g1).wait()
            pltpu.async_copy(rows1, osl(c + 1), sem_w1)

            @pl.when(p < n_pairs - 1)
            def _next():
                pltpu.make_async_copy(rows0, osl(c), sem_w0).wait()
                pltpu.async_copy(gsl(c + 2), rows0, sem_g0)
                pltpu.make_async_copy(rows1, osl(c + 1), sem_w1).wait()
                pltpu.async_copy(gsl(c + 3), rows1, sem_g1)

            return carry

        lax.fori_loop(0, n_pairs, body, 0)
        pltpu.make_async_copy(rows0, osl(2 * n_pairs - 2), sem_w0).wait()
        pltpu.make_async_copy(rows1, osl(2 * n_pairs - 1), sem_w1).wait()

    return gk


def _gather_rows(table, flat_idx):
    return _make_gather(table.shape[1], flat_idx.shape[0])(table, flat_idx)



def _conv_body(x_ref, xj_ref, wa_ref, ba_ref, wb_ref, bb_ref, h_ref):
    xb = x_ref[...]
    d = xb.shape[1]
    wa = wa_ref[...]
    wb = wb_ref[...]
    ba = ba_ref[...]
    acc = jnp.full((RB, wb.shape[1]), -jnp.inf, jnp.float32)
    for t in range(K):
        xj = xj_ref[t][:, :d]
        e = jnp.concatenate([xb, xj - xb], axis=1)
        pre = jnp.maximum(jnp.dot(e, wa, preferred_element_type=jnp.float32) + ba, 0.0)
        acc = jnp.maximum(acc, jnp.dot(pre, wb, preferred_element_type=jnp.float32))
    h_ref[...] = acc + bb_ref[...]


def _conv(xf, xj, wa, ba, wb, bb, d, dg, emb, blk0, nblk):
    return pl.pallas_call(
        _conv_body,
        grid=(nblk,),
        in_specs=[
            pl.BlockSpec((RB, d), lambda i: (blk0 + i, 0)),
            pl.BlockSpec((K, RB, dg), lambda i: (0, i, 0)),
            pl.BlockSpec((2 * d, emb), lambda i: (0, 0)),
            pl.BlockSpec((1, emb), lambda i: (0, 0)),
            pl.BlockSpec((emb, emb), lambda i: (0, 0)),
            pl.BlockSpec((1, emb), lambda i: (0, 0)),
        ],
        out_specs=pl.BlockSpec((RB, emb), lambda i: (i, 0)),
        out_shape=jax.ShapeDtypeStruct((nblk * RB, emb), jnp.float32),
    )(xf, xj, wa, ba, wb, bb)



def _final_body(h_ref, hj_ref, w1_ref, b1_ref, w2_ref, b2_ref, out_ref):
    hd = h_ref[...]
    w1 = w1_ref[...]
    b1 = b1_ref[...]
    w2 = w2_ref[...]
    b2 = b2_ref[...]
    for t in range(K):
        hs = hj_ref[t]
        e = jnp.concatenate([hs, hd], axis=1)
        pre = jnp.maximum(jnp.dot(e, w1, preferred_element_type=jnp.float32) + b1, 0.0)
        lg = jnp.dot(pre, w2, preferred_element_type=jnp.float32) + b2
        out_ref[:, t:t + 1] = jax.nn.sigmoid(lg)


def _final(h, hj, w1, b1, w2, b2, emb, hid, blk0, nblk):
    return pl.pallas_call(
        _final_body,
        grid=(nblk,),
        in_specs=[
            pl.BlockSpec((RB, emb), lambda i: (blk0 + i, 0)),
            pl.BlockSpec((K, RB, emb), lambda i: (0, i, 0)),
            pl.BlockSpec((2 * emb, hid), lambda i: (0, 0)),
            pl.BlockSpec((1, hid), lambda i: (0, 0)),
            pl.BlockSpec((hid, 1), lambda i: (0, 0)),
            pl.BlockSpec((1, 1), lambda i: (0, 0)),
        ],
        out_specs=pl.BlockSpec((RB, K), lambda i: (i, 0)),
        out_shape=jax.ShapeDtypeStruct((nblk * RB, K), jnp.float32),
    )(h, hj, w1, b1, w2, b2)



def _edge_conv_layer(xf, segs, brow, wa, ba, wb, bb):
    d = xf.shape[1]
    emb = wb.shape[1]
    idx = _knn(xf, segs, brow, d)
    table = xf if d % 128 == 0 else jnp.concatenate(
        [xf, jnp.zeros((N, 128 - d % 128), jnp.float32)], axis=1)
    dg = table.shape[1]
    xj = _gather_rows(table, idx.T.reshape(-1))
    return _conv(xf, xj.reshape(K, N, dg), wa, ba.reshape(1, emb),
                 wb, bb.reshape(1, emb), d, dg, emb, 0, GRID)


def kernel(x, batch, W1a, b1a, W1b, b1b, W2a, b2a, W2b, b2b, Wm1, bm1, Wm2, bm2):
    brow = batch.reshape(N, 1)
    starts = jnp.searchsorted(batch, batch[::RB]).astype(jnp.int32)
    ends = jnp.searchsorted(batch, batch[RB - 1::RB], side='right').astype(jnp.int32)
    segs = jnp.concatenate([starts, ends])
    h = _edge_conv_layer(x, segs, brow, W1a, b1a, W1b, b1b)
    h = _edge_conv_layer(h, segs, brow, W2a, b2a, W2b, b2b)
    emb = h.shape[1]
    hid = Wm1.shape[1]
    idx = _knn(h, segs, brow, emb)
    hj = _gather_rows(h, idx.T.reshape(-1))
    probs = _final(h, hj.reshape(K, N, emb), Wm1, bm1.reshape(1, hid),
                   Wm2, bm2.reshape(1, 1), emb, hid, 0, GRID)
    link_probs = probs.reshape(N * K, 1)
    src = idx.reshape(-1)
    dst = jnp.repeat(jnp.arange(N, dtype=jnp.int32), K)
    edge_index = jnp.stack([src, dst], axis=0)
    return link_probs, edge_index

# --- scband reference (transcript-rebuilt; emitter-appended) ---
"""Pipeline reference for scband-edge-prediction-gnn-68951404970526 (READ-ONLY COPY).

The authoritative reference and input builder live on the scoring server;
editing this copy changes nothing except your own understanding.
"""

import jax, jax.numpy as jnp
import numpy as np

IN_C = 64
EMB = 256
HID = 256
K = 16
N = 4096
NSEG = 8


def setup_inputs(seed: int = 0):
    key = jax.random.key(seed)
    ks = jax.random.split(key, 16)
    x = jax.random.normal(ks[0], (N, IN_C), dtype=jnp.float32)
    batch = jnp.sort(jax.random.randint(ks[1], (N,), 0, NSEG)).astype(jnp.int32)
    w = lambda k_, shape: jax.random.normal(k_, shape, dtype=jnp.float32) * 0.02
    return {
        'x': x,
        'batch': batch,
        'W1a': w(ks[2], (2 * IN_C, EMB)), 'b1a': jnp.zeros((EMB,), jnp.float32),
        'W1b': w(ks[3], (EMB, EMB)),      'b1b': jnp.zeros((EMB,), jnp.float32),
        'W2a': w(ks[4], (2 * EMB, EMB)),  'b2a': jnp.zeros((EMB,), jnp.float32),
        'W2b': w(ks[5], (EMB, EMB)),      'b2b': jnp.zeros((EMB,), jnp.float32),
        'Wm1': w(ks[6], (2 * EMB, HID)),  'bm1': jnp.zeros((HID,), jnp.float32),
        'Wm2': w(ks[7], (HID, 1)),        'bm2': jnp.zeros((1,), jnp.float32),
    }


def _mlp2(h, Wa, ba, Wb, bb):
    h = jnp.maximum(h @ Wa + ba, 0.0)
    return h @ Wb + bb


def _knn_idx(x, batch, k):
    sq = jnp.sum(x * x, axis=1)
    dist = sq[:, None] + sq[None, :] - 2.0 * (x @ x.T)
    valid = (batch[:, None] == batch[None, :]) & (~jnp.eye(x.shape[0], dtype=bool))
    dist = jnp.where(valid, dist, jnp.inf)
    _, idx = jax.lax.top_k(-dist, k)
    return idx


def _edge_conv(x, batch, k, Wa, ba, Wb, bb):
    # DynamicEdgeConv: knn graph on current features, message = nn([x_i, x_j - x_i]), max-aggregate
    idx = _knn_idx(x, batch, k)
    xj = x[idx]  # [N, k, d]
    xi = jnp.broadcast_to(x[:, None, :], xj.shape)
    msg = _mlp2(jnp.concatenate([xi, xj - xi], axis=-1), Wa, ba, Wb, bb)
    return jnp.max(msg, axis=1)


def reference(x, batch, W1a, b1a, W1b, b1b, W2a, b2a, W2b, b2b, Wm1, bm1, Wm2, bm2):
    h = _edge_conv(x, batch, K, W1a, b1a, W1b, b1b)
    h = _edge_conv(h, batch, K, W2a, b2a, W2b, b2b)
    idx = _knn_idx(h, batch, K)
    n = h.shape[0]
    src = idx.reshape(-1)
    dst = jnp.repeat(jnp.arange(n), K)
    edge_index = jnp.stack([src, dst], axis=0)
    ef = jnp.concatenate([h[src], h[dst]], axis=1)
    logits = _mlp2(ef, Wm1, bm1, Wm2, bm2)
    link_probs = jax.nn.sigmoid(logits)
    return link_probs, edge_index

if __name__ == "__main__":
    import jax
    _d = setup_inputs()
    print(jax.jit(kernel)(*tuple(_d.values())))

</pallas_src>

<mosaic_0001>
#map = affine_map<(d0, d1) -> (0, 0)>
#map1 = affine_map<(d0, d1) -> (0)>
module attributes {stable_mosaic.version = 14 : i64} {
  func.func @gk(%arg0: i32, %arg1: i32, %arg2: memref<4096x128xf32, #tpu.memory_space<hbm>>, %arg3: memref<65536xi32, #tpu.memory_space<hbm>>, %arg4: memref<65536x128xf32, #tpu.memory_space<hbm>>, %arg5: memref<2048xi32, #tpu.memory_space<vmem>>, %arg6: memref<128x128xf32, #tpu.memory_space<vmem>>, %arg7: memref<128x128xf32, #tpu.memory_space<vmem>>, %arg8: memref<!tpu.dma_semaphore, #tpu.memory_space<semaphore_mem>>, %arg9: memref<!tpu.dma_semaphore, #tpu.memory_space<semaphore_mem>>, %arg10: memref<!tpu.dma_semaphore, #tpu.memory_space<semaphore_mem>>, %arg11: memref<!tpu.dma_semaphore, #tpu.memory_space<semaphore_mem>>) attributes {dimension_semantics = [#tpu.dimension_semantics<core_parallel>, #tpu.dimension_semantics<subcore_parallel>], iteration_bounds = array<i64: 2, 16>, scalar_prefetch = 0 : i64, scratch_operands = 7 : i64, tpu.core_type = #tpu.core_type<sc_vector_subcore>, window_params = [{transform_indices = #map}, {transform_indices = #map1}, {transform_indices = #map}]} {
    %mul3A = arith.constant 2 : i32
    %mul3A_0 = arith.muli %arg1, %mul3A : i32
    %add3A = arith.addi %mul3A_0, %arg0 : i32
    %mul3A_1 = arith.constant 2048 : i32
    %mul3A_2 = arith.muli %add3A, %mul3A_1 : i32
    "tpu.region"() ({
      %run_scoped3A = tpu.sem_alloc : memref<!tpu.dma_semaphore, #tpu.memory_space<semaphore_mem>>
      %dma_start3A_28 = tpu.memref_slice %arg3[%mul3A_2] : memref<65536xi32, #tpu.memory_space<hbm>> -> memref<2048xi32, #tpu.memory_space<hbm>>
      %dma_start3A_29 = tpu.memref_slice %arg3[%mul3A_2] : memref<65536xi32, #tpu.memory_space<hbm>> -> memref<2048xi32, #tpu.memory_space<hbm>>
      tpu.enqueue_dma source(%dma_start3A_29 : memref<2048xi32, #tpu.memory_space<hbm>>) target(%arg5 : memref<2048xi32, #tpu.memory_space<vmem>>) target_semaphore(%run_scoped3A : memref<!tpu.dma_semaphore, #tpu.memory_space<semaphore_mem>>)
      %dma_wait3A_30 = tpu.memref_slice %arg3[%mul3A_2] : memref<65536xi32, #tpu.memory_space<hbm>> -> memref<2048xi32, #tpu.memory_space<hbm>>
      %dma_wait3A_31 = tpu.memref_slice %arg3[%mul3A_2] : memref<65536xi32, #tpu.memory_space<hbm>> -> memref<2048xi32, #tpu.memory_space<hbm>>
      tpu.wait_dma2 semaphore(%run_scoped3A : memref<!tpu.dma_semaphore, #tpu.memory_space<semaphore_mem>>) src(%dma_wait3A_31 : memref<2048xi32, #tpu.memory_space<hbm>>) dst(%arg5 : memref<2048xi32, #tpu.memory_space<vmem>>)
      tpu.yield
    }) : () -> ()
    %dma_start3A = arith.constant 0 : i32
    %dma_start3A_3 = tpu.memref_slice %arg5[%dma_start3A] : memref<2048xi32, #tpu.memory_space<vmem>> -> memref<128xi32, #tpu.memory_space<vmem>>
    %dma_start3A_4 = arith.constant 0 : i32
    %dma_start3A_5 = arith.constant 0 : i32
    %dma_start3A_6 = tpu.memref_slice %arg2[%dma_start3A_4, %dma_start3A_5] : memref<4096x128xf32, #tpu.memory_space<hbm>> -> memref<4096x128xf32, #tpu.memory_space<hbm>>
    tpu.enqueue_indirect_dma source(%dma_start3A_6 : memref<4096x128xf32, #tpu.memory_space<hbm>>) target(%arg6 : memref<128x128xf32, #tpu.memory_space<vmem>>) offsets(%dma_start3A_3 : memref<128xi32, #tpu.memory_space<vmem>>) semaphore(%arg8 : memref<!tpu.dma_semaphore, #tpu.memory_space<semaphore_mem>>)
    %dma_start3A_7 = arith.constant 128 : i32
    %dma_start3A_8 = tpu.memref_slice %arg5[%dma_start3A_7] : memref<2048xi32, #tpu.memory_space<vmem>> -> memref<128xi32, #tpu.memory_space<vmem>>
    %dma_start3A_9 = arith.constant 0 : i32
    %dma_start3A_10 = arith.constant 0 : i32
    %dma_start3A_11 = tpu.memref_slice %arg2[%dma_start3A_9, %dma_start3A_10] : memref<4096x128xf32, #tpu.memory_space<hbm>> -> memref<4096x128xf32, #tpu.memory_space<hbm>>
    tpu.enqueue_indirect_dma source(%dma_start3A_11 : memref<4096x128xf32, #tpu.memory_space<hbm>>) target(%arg7 : memref<128x128xf32, #tpu.memory_space<vmem>>) offsets(%dma_start3A_8 : memref<128xi32, #tpu.memory_space<vmem>>) semaphore(%arg9 : memref<!tpu.dma_semaphore, #tpu.memory_space<semaphore_mem>>)
    %scan3A = arith.constant 0 : i32
    %scan3A_12 = arith.constant 0 : i32
    %scan3A_13 = arith.constant 8 : i32
    %scan3A_14 = arith.addi %scan3A_12, %scan3A_13 : i32
    %scan3A_15 = arith.constant 1 : i32
    scf.for %scan3A_28 = %scan3A_12 to %scan3A_14 step %scan3A_15  : i32 {
      %mul3A_29 = arith.constant 2 : i32
      %mul3A_30 = arith.muli %mul3A_29, %scan3A_28 : i32
      %mul3A_31 = arith.constant 128 : i32
      %mul3A_32 = arith.muli %mul3A_30, %mul3A_31 : i32
      %dma_wait3A_33 = tpu.memref_slice %arg5[%mul3A_32] : memref<2048xi32, #tpu.memory_space<vmem>> -> memref<128xi32, #tpu.memory_space<vmem>>
      %dma_wait3A_34 = arith.constant 0 : i32
      %dma_wait3A_35 = arith.constant 0 : i32
      %dma_wait3A_36 = tpu.memref_slice %arg2[%dma_wait3A_34, %dma_wait3A_35] : memref<4096x128xf32, #tpu.memory_space<hbm>> -> memref<4096x128xf32, #tpu.memory_space<hbm>>
      tpu.wait_indirect_dma semaphore(%arg8 : memref<!tpu.dma_semaphore, #tpu.memory_space<semaphore_mem>>) src(%dma_wait3A_36 : memref<4096x128xf32, #tpu.memory_space<hbm>>) dst(%arg6 : memref<128x128xf32, #tpu.memory_space<vmem>>)
      %mul3A_37 = arith.constant 128 : i32
      %mul3A_38 = arith.muli %mul3A_30, %mul3A_37 : i32
      %add3A_39 = arith.addi %mul3A_2, %mul3A_38 : i32
      %dma_start3A_40 = arith.constant 0 : i32
      %dma_start3A_41 = tpu.memref_slice %arg4[%add3A_39, %dma_start3A_40] : memref<65536x128xf32, #tpu.memory_space<hbm>> -> memref<128x128xf32, #tpu.memory_space<hbm>>
      %dma_start3A_42 = arith.constant 0 : i32
      %dma_start3A_43 = tpu.memref_slice %arg4[%add3A_39, %dma_start3A_42] : memref<65536x128xf32, #tpu.memory_space<hbm>> -> memref<128x128xf32, #tpu.memory_space<hbm>>
      tpu.enqueue_dma source(%arg6 : memref<128x128xf32, #tpu.memory_space<vmem>>) target(%dma_start3A_43 : memref<128x128xf32, #tpu.memory_space<hbm>>) target_semaphore(%arg10 : memref<!tpu.dma_semaphore, #tpu.memory_space<semaphore_mem>>)
      %add3A_44 = arith.constant 1 : i32
      %add3A_45 = arith.addi %mul3A_30, %add3A_44 : i32
      %mul3A_46 = arith.constant 128 : i32
      %mul3A_47 = arith.muli %add3A_45, %mul3A_46 : i32
      %dma_wait3A_48 = tpu.memref_slice %arg5[%mul3A_47] : memref<2048xi32, #tpu.memory_space<vmem>> -> memref<128xi32, #tpu.memory_space<vmem>>
      %dma_wait3A_49 = arith.constant 0 : i32
      %dma_wait3A_50 = arith.constant 0 : i32
      %dma_wait3A_51 = tpu.memref_slice %arg2[%dma_wait3A_49, %dma_wait3A_50] : memref<4096x128xf32, #tpu.memory_space<hbm>> -> memref<4096x128xf32, #tpu.memory_space<hbm>>
      tpu.wait_indirect_dma semaphore(%arg9 : memref<!tpu.dma_semaphore, #tpu.memory_space<semaphore_mem>>) src(%dma_wait3A_51 : memref<4096x128xf32, #tpu.memory_space<hbm>>) dst(%arg7 : memref<128x128xf32, #tpu.memory_space<vmem>>)
      %add3A_52 = arith.constant 1 : i32
      %add3A_53 = arith.addi %mul3A_30, %add3A_52 : i32
      %mul3A_54 = arith.constant 128 : i32
      %mul3A_55 = arith.muli %add3A_53, %mul3A_54 : i32
      %add3A_56 = arith.addi %mul3A_2, %mul3A_55 : i32
      %dma_start3A_57 = arith.constant 0 : i32
      %dma_start3A_58 = tpu.memref_slice %arg4[%add3A_56, %dma_start3A_57] : memref<65536x128xf32, #tpu.memory_space<hbm>> -> memref<128x128xf32, #tpu.memory_space<hbm>>
      %dma_start3A_59 = arith.constant 0 : i32
      %dma_start3A_60 = tpu.memref_slice %arg4[%add3A_56, %dma_start3A_59] : memref<65536x128xf32, #tpu.memory_space<hbm>> -> memref<128x128xf32, #tpu.memory_space<hbm>>
      tpu.enqueue_dma source(%arg7 : memref<128x128xf32, #tpu.memory_space<vmem>>) target(%dma_start3A_60 : memref<128x128xf32, #tpu.memory_space<hbm>>) target_semaphore(%arg11 : memref<!tpu.dma_semaphore, #tpu.memory_space<semaphore_mem>>)
      %lt3A = arith.constant 7 : i32
      %lt3A_61 = arith.cmpi slt, %scan3A_28, %lt3A : i32
      %convert_element_type3A = arith.extui %lt3A_61 : i1 to i32
      %cond3A = arith.constant 0 : i32
      %cond3A_62 = arith.cmpi ne, %convert_element_type3A, %cond3A : i32
      scf.if %cond3A_62 {
        %mul3A_63 = arith.constant 128 : i32
        %mul3A_64 = arith.muli %mul3A_30, %mul3A_63 : i32
        %add3A_65 = arith.addi %mul3A_2, %mul3A_64 : i32
        %dma_wait3A_66 = arith.constant 0 : i32
        %dma_wait3A_67 = tpu.memref_slice %arg4[%add3A_65, %dma_wait3A_66] : memref<65536x128xf32, #tpu.memory_space<hbm>> -> memref<128x128xf32, #tpu.memory_space<hbm>>
        %dma_wait3A_68 = arith.constant 0 : i32
        %dma_wait3A_69 = tpu.memref_slice %arg4[%add3A_65, %dma_wait3A_68] : memref<65536x128xf32, #tpu.memory_space<hbm>> -> memref<128x128xf32, #tpu.memory_space<hbm>>
        tpu.wait_dma2 semaphore(%arg10 : memref<!tpu.dma_semaphore, #tpu.memory_space<semaphore_mem>>) src(%arg6 : memref<128x128xf32, #tpu.memory_space<vmem>>) dst(%dma_wait3A_69 : memref<128x128xf32, #tpu.memory_space<hbm>>)
        %add3A_70 = arith.constant 2 : i32
        %add3A_71 = arith.addi %mul3A_30, %add3A_70 : i32
        %mul3A_72 = arith.constant 128 : i32
        %mul3A_73 = arith.muli %add3A_71, %mul3A_72 : i32
        %dma_start3A_74 = tpu.memref_slice %arg5[%mul3A_73] : memref<2048xi32, #tpu.memory_space<vmem>> -> memref<128xi32, #tpu.memory_space<vmem>>
        %dma_start3A_75 = arith.constant 0 : i32
        %dma_start3A_76 = arith.constant 0 : i32
        %dma_start3A_77 = tpu.memref_slice %arg2[%dma_start3A_75, %dma_start3A_76] : memref<4096x128xf32, #tpu.memory_space<hbm>> -> memref<4096x128xf32, #tpu.memory_space<hbm>>
        tpu.enqueue_indirect_dma source(%dma_start3A_77 : memref<4096x128xf32, #tpu.memory_space<hbm>>) target(%arg6 : memref<128x128xf32, #tpu.memory_space<vmem>>) offsets(%dma_start3A_74 : memref<128xi32, #tpu.memory_space<vmem>>) semaphore(%arg8 : memref<!tpu.dma_semaphore, #tpu.memory_space<semaphore_mem>>)
        %add3A_78 = arith.constant 1 : i32
        %add3A_79 = arith.addi %mul3A_30, %add3A_78 : i32
        %mul3A_80 = arith.constant 128 : i32
        %mul3A_81 = arith.muli %add3A_79, %mul3A_80 : i32
        %add3A_82 = arith.addi %mul3A_2, %mul3A_81 : i32
        %dma_wait3A_83 = arith.constant 0 : i32
        %dma_wait3A_84 = tpu.memref_slice %arg4[%add3A_82, %dma_wait3A_83] : memref<65536x128xf32, #tpu.memory_space<hbm>> -> memref<128x128xf32, #tpu.memory_space<hbm>>
        %dma_wait3A_85 = arith.constant 0 : i32
        %dma_wait3A_86 = tpu.memref_slice %arg4[%add3A_82, %dma_wait3A_85] : memref<65536x128xf32, #tpu.memory_space<hbm>> -> memref<128x128xf32, #tpu.memory_space<hbm>>
        tpu.wait_dma2 semaphore(%arg11 : memref<!tpu.dma_semaphore, #tpu.memory_space<semaphore_mem>>) src(%arg7 : memref<128x128xf32, #tpu.memory_space<vmem>>) dst(%dma_wait3A_86 : memref<128x128xf32, #tpu.memory_space<hbm>>)
        %add3A_87 = arith.constant 3 : i32
        %add3A_88 = arith.addi %mul3A_30, %add3A_87 : i32
        %mul3A_89 = arith.constant 128 : i32
        %mul3A_90 = arith.muli %add3A_88, %mul3A_89 : i32
        %dma_start3A_91 = tpu.memref_slice %arg5[%mul3A_90] : memref<2048xi32, #tpu.memory_space<vmem>> -> memref<128xi32, #tpu.memory_space<vmem>>
        %dma_start3A_92 = arith.constant 0 : i32
        %dma_start3A_93 = arith.constant 0 : i32
        %dma_start3A_94 = tpu.memref_slice %arg2[%dma_start3A_92, %dma_start3A_93] : memref<4096x128xf32, #tpu.memory_space<hbm>> -> memref<4096x128xf32, #tpu.memory_space<hbm>>
        tpu.enqueue_indirect_dma source(%dma_start3A_94 : memref<4096x128xf32, #tpu.memory_space<hbm>>) target(%arg7 : memref<128x128xf32, #tpu.memory_space<vmem>>) offsets(%dma_start3A_91 : memref<128xi32, #tpu.memory_space<vmem>>) semaphore(%arg9 : memref<!tpu.dma_semaphore, #tpu.memory_space<semaphore_mem>>)
      } else {
      }
    }
    %scan3A_16 = arith.constant 8 : i32
    %add3A_17 = arith.constant 1792 : i32
    %add3A_18 = arith.addi %mul3A_2, %add3A_17 : i32
    %dma_wait3A = arith.constant 0 : i32
    %dma_wait3A_19 = tpu.memref_slice %arg4[%add3A_18, %dma_wait3A] : memref<65536x128xf32, #tpu.memory_space<hbm>> -> memref<128x128xf32, #tpu.memory_space<hbm>>
    %dma_wait3A_20 = arith.constant 0 : i32
    %dma_wait3A_21 = tpu.memref_slice %arg4[%add3A_18, %dma_wait3A_20] : memref<65536x128xf32, #tpu.memory_space<hbm>> -> memref<128x128xf32, #tpu.memory_space<hbm>>
    tpu.wait_dma2 semaphore(%arg10 : memref<!tpu.dma_semaphore, #tpu.memory_space<semaphore_mem>>) src(%arg6 : memref<128x128xf32, #tpu.memory_space<vmem>>) dst(%dma_wait3A_21 : memref<128x128xf32, #tpu.memory_space<hbm>>)
    %add3A_22 = arith.constant 1920 : i32
    %add3A_23 = arith.addi %mul3A_2, %add3A_22 : i32
    %dma_wait3A_24 = arith.constant 0 : i32
    %dma_wait3A_25 = tpu.memref_slice %arg4[%add3A_23, %dma_wait3A_24] : memref<65536x128xf32, #tpu.memory_space<hbm>> -> memref<128x128xf32, #tpu.memory_space<hbm>>
    %dma_wait3A_26 = arith.constant 0 : i32
    %dma_wait3A_27 = tpu.memref_slice %arg4[%add3A_23, %dma_wait3A_26] : memref<65536x128xf32, #tpu.memory_space<hbm>> -> memref<128x128xf32, #tpu.memory_space<hbm>>
    tpu.wait_dma2 semaphore(%arg11 : memref<!tpu.dma_semaphore, #tpu.memory_space<semaphore_mem>>) src(%arg7 : memref<128x128xf32, #tpu.memory_space<vmem>>) dst(%dma_wait3A_27 : memref<128x128xf32, #tpu.memory_space<hbm>>)
    return
  }
}

#map = affine_map<(d0, d1) -> (0, 0)>
#map1 = affine_map<(d0, d1) -> (0)>
module attributes {stable_mosaic.version = 14 : i64} {
  func.func @gk(%arg0: i32, %arg1: i32, %arg2: memref<4096x256xf32, #tpu.memory_space<hbm>>, %arg3: memref<65536xi32, #tpu.memory_space<hbm>>, %arg4: memref<65536x256xf32, #tpu.memory_space<hbm>>, %arg5: memref<2048xi32, #tpu.memory_space<vmem>>, %arg6: memref<128x256xf32, #tpu.memory_space<vmem>>, %arg7: memref<128x256xf32, #tpu.memory_space<vmem>>, %arg8: memref<!tpu.dma_semaphore, #tpu.memory_space<semaphore_mem>>, %arg9: memref<!tpu.dma_semaphore, #tpu.memory_space<semaphore_mem>>, %arg10: memref<!tpu.dma_semaphore, #tpu.memory_space<semaphore_mem>>, %arg11: memref<!tpu.dma_semaphore, #tpu.memory_space<semaphore_mem>>) attributes {dimension_semantics = [#tpu.dimension_semantics<core_parallel>, #tpu.dimension_semantics<subcore_parallel>], iteration_bounds = array<i64: 2, 16>, scalar_prefetch = 0 : i64, scratch_operands = 7 : i64, tpu.core_type = #tpu.core_type<sc_vector_subcore>, window_params = [{transform_indices = #map}, {transform_indices = #map1}, {transform_indices = #map}]} {
    %mul3A = arith.constant 2 : i32
    %mul3A_0 = arith.muli %arg1, %mul3A : i32
    %add3A = arith.addi %mul3A_0, %arg0 : i32
    %mul3A_1 = arith.constant 2048 : i32
    %mul3A_2 = arith.muli %add3A, %mul3A_1 : i32
    "tpu.region"() ({
      %run_scoped3A = tpu.sem_alloc : memref<!tpu.dma_semaphore, #tpu.memory_space<semaphore_mem>>
      %dma_start3A_28 = tpu.memref_slice %arg3[%mul3A_2] : memref<65536xi32, #tpu.memory_space<hbm>> -> memref<2048xi32, #tpu.memory_space<hbm>>
      %dma_start3A_29 = tpu.memref_slice %arg3[%mul3A_2] : memref<65536xi32, #tpu.memory_space<hbm>> -> memref<2048xi32, #tpu.memory_space<hbm>>
      tpu.enqueue_dma source(%dma_start3A_29 : memref<2048xi32, #tpu.memory_space<hbm>>) target(%arg5 : memref<2048xi32, #tpu.memory_space<vmem>>) target_semaphore(%run_scoped3A : memref<!tpu.dma_semaphore, #tpu.memory_space<semaphore_mem>>)
      %dma_wait3A_30 = tpu.memref_slice %arg3[%mul3A_2] : memref<65536xi32, #tpu.memory_space<hbm>> -> memref<2048xi32, #tpu.memory_space<hbm>>
      %dma_wait3A_31 = tpu.memref_slice %arg3[%mul3A_2] : memref<65536xi32, #tpu.memory_space<hbm>> -> memref<2048xi32, #tpu.memory_space<hbm>>
      tpu.wait_dma2 semaphore(%run_scoped3A : memref<!tpu.dma_semaphore, #tpu.memory_space<semaphore_mem>>) src(%dma_wait3A_31 : memref<2048xi32, #tpu.memory_space<hbm>>) dst(%arg5 : memref<2048xi32, #tpu.memory_space<vmem>>)
      tpu.yield
    }) : () -> ()
    %dma_start3A = arith.constant 0 : i32
    %dma_start3A_3 = tpu.memref_slice %arg5[%dma_start3A] : memref<2048xi32, #tpu.memory_space<vmem>> -> memref<128xi32, #tpu.memory_space<vmem>>
    %dma_start3A_4 = arith.constant 0 : i32
    %dma_start3A_5 = arith.constant 0 : i32
    %dma_start3A_6 = tpu.memref_slice %arg2[%dma_start3A_4, %dma_start3A_5] : memref<4096x256xf32, #tpu.memory_space<hbm>> -> memref<4096x256xf32, #tpu.memory_space<hbm>>
    tpu.enqueue_indirect_dma source(%dma_start3A_6 : memref<4096x256xf32, #tpu.memory_space<hbm>>) target(%arg6 : memref<128x256xf32, #tpu.memory_space<vmem>>) offsets(%dma_start3A_3 : memref<128xi32, #tpu.memory_space<vmem>>) semaphore(%arg8 : memref<!tpu.dma_semaphore, #tpu.memory_space<semaphore_mem>>)
    %dma_start3A_7 = arith.constant 128 : i32
    %dma_start3A_8 = tpu.memref_slice %arg5[%dma_start3A_7] : memref<2048xi32, #tpu.memory_space<vmem>> -> memref<128xi32, #tpu.memory_space<vmem>>
    %dma_start3A_9 = arith.constant 0 : i32
    %dma_start3A_10 = arith.constant 0 : i32
    %dma_start3A_11 = tpu.memref_slice %arg2[%dma_start3A_9, %dma_start3A_10] : memref<4096x256xf32, #tpu.memory_space<hbm>> -> memref<4096x256xf32, #tpu.memory_space<hbm>>
    tpu.enqueue_indirect_dma source(%dma_start3A_11 : memref<4096x256xf32, #tpu.memory_space<hbm>>) target(%arg7 : memref<128x256xf32, #tpu.memory_space<vmem>>) offsets(%dma_start3A_8 : memref<128xi32, #tpu.memory_space<vmem>>) semaphore(%arg9 : memref<!tpu.dma_semaphore, #tpu.memory_space<semaphore_mem>>)
    %scan3A = arith.constant 0 : i32
    %scan3A_12 = arith.constant 0 : i32
    %scan3A_13 = arith.constant 8 : i32
    %scan3A_14 = arith.addi %scan3A_12, %scan3A_13 : i32
    %scan3A_15 = arith.constant 1 : i32
    scf.for %scan3A_28 = %scan3A_12 to %scan3A_14 step %scan3A_15  : i32 {
      %mul3A_29 = arith.constant 2 : i32
      %mul3A_30 = arith.muli %mul3A_29, %scan3A_28 : i32
      %mul3A_31 = arith.constant 128 : i32
      %mul3A_32 = arith.muli %mul3A_30, %mul3A_31 : i32
      %dma_wait3A_33 = tpu.memref_slice %arg5[%mul3A_32] : memref<2048xi32, #tpu.memory_space<vmem>> -> memref<128xi32, #tpu.memory_space<vmem>>
      %dma_wait3A_34 = arith.constant 0 : i32
      %dma_wait3A_35 = arith.constant 0 : i32
      %dma_wait3A_36 = tpu.memref_slice %arg2[%dma_wait3A_34, %dma_wait3A_35] : memref<4096x256xf32, #tpu.memory_space<hbm>> -> memref<4096x256xf32, #tpu.memory_space<hbm>>
      tpu.wait_indirect_dma semaphore(%arg8 : memref<!tpu.dma_semaphore, #tpu.memory_space<semaphore_mem>>) src(%dma_wait3A_36 : memref<4096x256xf32, #tpu.memory_space<hbm>>) dst(%arg6 : memref<128x256xf32, #tpu.memory_space<vmem>>)
      %mul3A_37 = arith.constant 128 : i32
      %mul3A_38 = arith.muli %mul3A_30, %mul3A_37 : i32
      %add3A_39 = arith.addi %mul3A_2, %mul3A_38 : i32
      %dma_start3A_40 = arith.constant 0 : i32
      %dma_start3A_41 = tpu.memref_slice %arg4[%add3A_39, %dma_start3A_40] : memref<65536x256xf32, #tpu.memory_space<hbm>> -> memref<128x256xf32, #tpu.memory_space<hbm>>
      %dma_start3A_42 = arith.constant 0 : i32
      %dma_start3A_43 = tpu.memref_slice %arg4[%add3A_39, %dma_start3A_42] : memref<65536x256xf32, #tpu.memory_space<hbm>> -> memref<128x256xf32, #tpu.memory_space<hbm>>
      tpu.enqueue_dma source(%arg6 : memref<128x256xf32, #tpu.memory_space<vmem>>) target(%dma_start3A_43 : memref<128x256xf32, #tpu.memory_space<hbm>>) target_semaphore(%arg10 : memref<!tpu.dma_semaphore, #tpu.memory_space<semaphore_mem>>)
      %add3A_44 = arith.constant 1 : i32
      %add3A_45 = arith.addi %mul3A_30, %add3A_44 : i32
      %mul3A_46 = arith.constant 128 : i32
      %mul3A_47 = arith.muli %add3A_45, %mul3A_46 : i32
      %dma_wait3A_48 = tpu.memref_slice %arg5[%mul3A_47] : memref<2048xi32, #tpu.memory_space<vmem>> -> memref<128xi32, #tpu.memory_space<vmem>>
      %dma_wait3A_49 = arith.constant 0 : i32
      %dma_wait3A_50 = arith.constant 0 : i32
      %dma_wait3A_51 = tpu.memref_slice %arg2[%dma_wait3A_49, %dma_wait3A_50] : memref<4096x256xf32, #tpu.memory_space<hbm>> -> memref<4096x256xf32, #tpu.memory_space<hbm>>
      tpu.wait_indirect_dma semaphore(%arg9 : memref<!tpu.dma_semaphore, #tpu.memory_space<semaphore_mem>>) src(%dma_wait3A_51 : memref<4096x256xf32, #tpu.memory_space<hbm>>) dst(%arg7 : memref<128x256xf32, #tpu.memory_space<vmem>>)
      %add3A_52 = arith.constant 1 : i32
      %add3A_53 = arith.addi %mul3A_30, %add3A_52 : i32
      %mul3A_54 = arith.constant 128 : i32
      %mul3A_55 = arith.muli %add3A_53, %mul3A_54 : i32
      %add3A_56 = arith.addi %mul3A_2, %mul3A_55 : i32
      %dma_start3A_57 = arith.constant 0 : i32
      %dma_start3A_58 = tpu.memref_slice %arg4[%add3A_56, %dma_start3A_57] : memref<65536x256xf32, #tpu.memory_space<hbm>> -> memref<128x256xf32, #tpu.memory_space<hbm>>
      %dma_start3A_59 = arith.constant 0 : i32
      %dma_start3A_60 = tpu.memref_slice %arg4[%add3A_56, %dma_start3A_59] : memref<65536x256xf32, #tpu.memory_space<hbm>> -> memref<128x256xf32, #tpu.memory_space<hbm>>
      tpu.enqueue_dma source(%arg7 : memref<128x256xf32, #tpu.memory_space<vmem>>) target(%dma_start3A_60 : memref<128x256xf32, #tpu.memory_space<hbm>>) target_semaphore(%arg11 : memref<!tpu.dma_semaphore, #tpu.memory_space<semaphore_mem>>)
      %lt3A = arith.constant 7 : i32
      %lt3A_61 = arith.cmpi slt, %scan3A_28, %lt3A : i32
      %convert_element_type3A = arith.extui %lt3A_61 : i1 to i32
      %cond3A = arith.constant 0 : i32
      %cond3A_62 = arith.cmpi ne, %convert_element_type3A, %cond3A : i32
      scf.if %cond3A_62 {
        %mul3A_63 = arith.constant 128 : i32
        %mul3A_64 = arith.muli %mul3A_30, %mul3A_63 : i32
        %add3A_65 = arith.addi %mul3A_2, %mul3A_64 : i32
        %dma_wait3A_66 = arith.constant 0 : i32
        %dma_wait3A_67 = tpu.memref_slice %arg4[%add3A_65, %dma_wait3A_66] : memref<65536x256xf32, #tpu.memory_space<hbm>> -> memref<128x256xf32, #tpu.memory_space<hbm>>
        %dma_wait3A_68 = arith.constant 0 : i32
        %dma_wait3A_69 = tpu.memref_slice %arg4[%add3A_65, %dma_wait3A_68] : memref<65536x256xf32, #tpu.memory_space<hbm>> -> memref<128x256xf32, #tpu.memory_space<hbm>>
        tpu.wait_dma2 semaphore(%arg10 : memref<!tpu.dma_semaphore, #tpu.memory_space<semaphore_mem>>) src(%arg6 : memref<128x256xf32, #tpu.memory_space<vmem>>) dst(%dma_wait3A_69 : memref<128x256xf32, #tpu.memory_space<hbm>>)
        %add3A_70 = arith.constant 2 : i32
        %add3A_71 = arith.addi %mul3A_30, %add3A_70 : i32
        %mul3A_72 = arith.constant 128 : i32
        %mul3A_73 = arith.muli %add3A_71, %mul3A_72 : i32
        %dma_start3A_74 = tpu.memref_slice %arg5[%mul3A_73] : memref<2048xi32, #tpu.memory_space<vmem>> -> memref<128xi32, #tpu.memory_space<vmem>>
        %dma_start3A_75 = arith.constant 0 : i32
        %dma_start3A_76 = arith.constant 0 : i32
        %dma_start3A_77 = tpu.memref_slice %arg2[%dma_start3A_75, %dma_start3A_76] : memref<4096x256xf32, #tpu.memory_space<hbm>> -> memref<4096x256xf32, #tpu.memory_space<hbm>>
        tpu.enqueue_indirect_dma source(%dma_start3A_77 : memref<4096x256xf32, #tpu.memory_space<hbm>>) target(%arg6 : memref<128x256xf32, #tpu.memory_space<vmem>>) offsets(%dma_start3A_74 : memref<128xi32, #tpu.memory_space<vmem>>) semaphore(%arg8 : memref<!tpu.dma_semaphore, #tpu.memory_space<semaphore_mem>>)
        %add3A_78 = arith.constant 1 : i32
        %add3A_79 = arith.addi %mul3A_30, %add3A_78 : i32
        %mul3A_80 = arith.constant 128 : i32
        %mul3A_81 = arith.muli %add3A_79, %mul3A_80 : i32
        %add3A_82 = arith.addi %mul3A_2, %mul3A_81 : i32
        %dma_wait3A_83 = arith.constant 0 : i32
        %dma_wait3A_84 = tpu.memref_slice %arg4[%add3A_82, %dma_wait3A_83] : memref<65536x256xf32, #tpu.memory_space<hbm>> -> memref<128x256xf32, #tpu.memory_space<hbm>>
        %dma_wait3A_85 = arith.constant 0 : i32
        %dma_wait3A_86 = tpu.memref_slice %arg4[%add3A_82, %dma_wait3A_85] : memref<65536x256xf32, #tpu.memory_space<hbm>> -> memref<128x256xf32, #tpu.memory_space<hbm>>
        tpu.wait_dma2 semaphore(%arg11 : memref<!tpu.dma_semaphore, #tpu.memory_space<semaphore_mem>>) src(%arg7 : memref<128x256xf32, #tpu.memory_space<vmem>>) dst(%dma_wait3A_86 : memref<128x256xf32, #tpu.memory_space<hbm>>)
        %add3A_87 = arith.constant 3 : i32
        %add3A_88 = arith.addi %mul3A_30, %add3A_87 : i32
        %mul3A_89 = arith.constant 128 : i32
        %mul3A_90 = arith.muli %add3A_88, %mul3A_89 : i32
        %dma_start3A_91 = tpu.memref_slice %arg5[%mul3A_90] : memref<2048xi32, #tpu.memory_space<vmem>> -> memref<128xi32, #tpu.memory_space<vmem>>
        %dma_start3A_92 = arith.constant 0 : i32
        %dma_start3A_93 = arith.constant 0 : i32
        %dma_start3A_94 = tpu.memref_slice %arg2[%dma_start3A_92, %dma_start3A_93] : memref<4096x256xf32, #tpu.memory_space<hbm>> -> memref<4096x256xf32, #tpu.memory_space<hbm>>
        tpu.enqueue_indirect_dma source(%dma_start3A_94 : memref<4096x256xf32, #tpu.memory_space<hbm>>) target(%arg7 : memref<128x256xf32, #tpu.memory_space<vmem>>) offsets(%dma_start3A_91 : memref<128xi32, #tpu.memory_space<vmem>>) semaphore(%arg9 : memref<!tpu.dma_semaphore, #tpu.memory_space<semaphore_mem>>)
      } else {
      }
    }
    %scan3A_16 = arith.constant 8 : i32
    %add3A_17 = arith.constant 1792 : i32
    %add3A_18 = arith.addi %mul3A_2, %add3A_17 : i32
    %dma_wait3A = arith.constant 0 : i32
    %dma_wait3A_19 = tpu.memref_slice %arg4[%add3A_18, %dma_wait3A] : memref<65536x256xf32, #tpu.memory_space<hbm>> -> memref<128x256xf32, #tpu.memory_space<hbm>>
    %dma_wait3A_20 = arith.constant 0 : i32
    %dma_wait3A_21 = tpu.memref_slice %arg4[%add3A_18, %dma_wait3A_20] : memref<65536x256xf32, #tpu.memory_space<hbm>> -> memref<128x256xf32, #tpu.memory_space<hbm>>
    tpu.wait_dma2 semaphore(%arg10 : memref<!tpu.dma_semaphore, #tpu.memory_space<semaphore_mem>>) src(%arg6 : memref<128x256xf32, #tpu.memory_space<vmem>>) dst(%dma_wait3A_21 : memref<128x256xf32, #tpu.memory_space<hbm>>)
    %add3A_22 = arith.constant 1920 : i32
    %add3A_23 = arith.addi %mul3A_2, %add3A_22 : i32
    %dma_wait3A_24 = arith.constant 0 : i32
    %dma_wait3A_25 = tpu.memref_slice %arg4[%add3A_23, %dma_wait3A_24] : memref<65536x256xf32, #tpu.memory_space<hbm>> -> memref<128x256xf32, #tpu.memory_space<hbm>>
    %dma_wait3A_26 = arith.constant 0 : i32
    %dma_wait3A_27 = tpu.memref_slice %arg4[%add3A_23, %dma_wait3A_26] : memref<65536x256xf32, #tpu.memory_space<hbm>> -> memref<128x256xf32, #tpu.memory_space<hbm>>
    tpu.wait_dma2 semaphore(%arg11 : memref<!tpu.dma_semaphore, #tpu.memory_space<semaphore_mem>>) src(%arg7 : memref<128x256xf32, #tpu.memory_space<vmem>>) dst(%dma_wait3A_27 : memref<128x256xf32, #tpu.memory_space<hbm>>)
    return
  }
}

#map = affine_map<(d0, d1) -> (0, 0)>
#map1 = affine_map<(d0, d1) -> (0)>
module attributes {stable_mosaic.version = 14 : i64} {
  func.func @gk(%arg0: i32, %arg1: i32, %arg2: memref<4096x256xf32, #tpu.memory_space<hbm>>, %arg3: memref<65536xi32, #tpu.memory_space<hbm>>, %arg4: memref<65536x256xf32, #tpu.memory_space<hbm>>, %arg5: memref<2048xi32, #tpu.memory_space<vmem>>, %arg6: memref<128x256xf32, #tpu.memory_space<vmem>>, %arg7: memref<128x256xf32, #tpu.memory_space<vmem>>, %arg8: memref<!tpu.dma_semaphore, #tpu.memory_space<semaphore_mem>>, %arg9: memref<!tpu.dma_semaphore, #tpu.memory_space<semaphore_mem>>, %arg10: memref<!tpu.dma_semaphore, #tpu.memory_space<semaphore_mem>>, %arg11: memref<!tpu.dma_semaphore, #tpu.memory_space<semaphore_mem>>) attributes {dimension_semantics = [#tpu.dimension_semantics<core_parallel>, #tpu.dimension_semantics<subcore_parallel>], iteration_bounds = array<i64: 2, 16>, scalar_prefetch = 0 : i64, scratch_operands = 7 : i64, tpu.core_type = #tpu.core_type<sc_vector_subcore>, window_params = [{transform_indices = #map}, {transform_indices = #map1}, {transform_indices = #map}]} {
    %mul3A = arith.constant 2 : i32
    %mul3A_0 = arith.muli %arg1, %mul3A : i32
    %add3A = arith.addi %mul3A_0, %arg0 : i32
    %mul3A_1 = arith.constant 2048 : i32
    %mul3A_2 = arith.muli %add3A, %mul3A_1 : i32
    "tpu.region"() ({
      %run_scoped3A = tpu.sem_alloc : memref<!tpu.dma_semaphore, #tpu.memory_space<semaphore_mem>>
      %dma_start3A_28 = tpu.memref_slice %arg3[%mul3A_2] : memref<65536xi32, #tpu.memory_space<hbm>> -> memref<2048xi32, #tpu.memory_space<hbm>>
      %dma_start3A_29 = tpu.memref_slice %arg3[%mul3A_2] : memref<65536xi32, #tpu.memory_space<hbm>> -> memref<2048xi32, #tpu.memory_space<hbm>>
      tpu.enqueue_dma source(%dma_start3A_29 : memref<2048xi32, #tpu.memory_space<hbm>>) target(%arg5 : memref<2048xi32, #tpu.memory_space<vmem>>) target_semaphore(%run_scoped3A : memref<!tpu.dma_semaphore, #tpu.memory_space<semaphore_mem>>)
      %dma_wait3A_30 = tpu.memref_slice %arg3[%mul3A_2] : memref<65536xi32, #tpu.memory_space<hbm>> -> memref<2048xi32, #tpu.memory_space<hbm>>
      %dma_wait3A_31 = tpu.memref_slice %arg3[%mul3A_2] : memref<65536xi32, #tpu.memory_space<hbm>> -> memref<2048xi32, #tpu.memory_space<hbm>>
      tpu.wait_dma2 semaphore(%run_scoped3A : memref<!tpu.dma_semaphore, #tpu.memory_space<semaphore_mem>>) src(%dma_wait3A_31 : memref<2048xi32, #tpu.memory_space<hbm>>) dst(%arg5 : memref<2048xi32, #tpu.memory_space<vmem>>)
      tpu.yield
    }) : () -> ()
    %dma_start3A = arith.constant 0 : i32
    %dma_start3A_3 = tpu.memref_slice %arg5[%dma_start3A] : memref<2048xi32, #tpu.memory_space<vmem>> -> memref<128xi32, #tpu.memory_space<vmem>>
    %dma_start3A_4 = arith.constant 0 : i32
    %dma_start3A_5 = arith.constant 0 : i32
    %dma_start3A_6 = tpu.memref_slice %arg2[%dma_start3A_4, %dma_start3A_5] : memref<4096x256xf32, #tpu.memory_space<hbm>> -> memref<4096x256xf32, #tpu.memory_space<hbm>>
    tpu.enqueue_indirect_dma source(%dma_start3A_6 : memref<4096x256xf32, #tpu.memory_space<hbm>>) target(%arg6 : memref<128x256xf32, #tpu.memory_space<vmem>>) offsets(%dma_start3A_3 : memref<128xi32, #tpu.memory_space<vmem>>) semaphore(%arg8 : memref<!tpu.dma_semaphore, #tpu.memory_space<semaphore_mem>>)
    %dma_start3A_7 = arith.constant 128 : i32
    %dma_start3A_8 = tpu.memref_slice %arg5[%dma_start3A_7] : memref<2048xi32, #tpu.memory_space<vmem>> -> memref<128xi32, #tpu.memory_space<vmem>>
    %dma_start3A_9 = arith.constant 0 : i32
    %dma_start3A_10 = arith.constant 0 : i32
    %dma_start3A_11 = tpu.memref_slice %arg2[%dma_start3A_9, %dma_start3A_10] : memref<4096x256xf32, #tpu.memory_space<hbm>> -> memref<4096x256xf32, #tpu.memory_space<hbm>>
    tpu.enqueue_indirect_dma source(%dma_start3A_11 : memref<4096x256xf32, #tpu.memory_space<hbm>>) target(%arg7 : memref<128x256xf32, #tpu.memory_space<vmem>>) offsets(%dma_start3A_8 : memref<128xi32, #tpu.memory_space<vmem>>) semaphore(%arg9 : memref<!tpu.dma_semaphore, #tpu.memory_space<semaphore_mem>>)
    %scan3A = arith.constant 0 : i32
    %scan3A_12 = arith.constant 0 : i32
    %scan3A_13 = arith.constant 8 : i32
    %scan3A_14 = arith.addi %scan3A_12, %scan3A_13 : i32
    %scan3A_15 = arith.constant 1 : i32
    scf.for %scan3A_28 = %scan3A_12 to %scan3A_14 step %scan3A_15  : i32 {
      %mul3A_29 = arith.constant 2 : i32
      %mul3A_30 = arith.muli %mul3A_29, %scan3A_28 : i32
      %mul3A_31 = arith.constant 128 : i32
      %mul3A_32 = arith.muli %mul3A_30, %mul3A_31 : i32
      %dma_wait3A_33 = tpu.memref_slice %arg5[%mul3A_32] : memref<2048xi32, #tpu.memory_space<vmem>> -> memref<128xi32, #tpu.memory_space<vmem>>
      %dma_wait3A_34 = arith.constant 0 : i32
      %dma_wait3A_35 = arith.constant 0 : i32
      %dma_wait3A_36 = tpu.memref_slice %arg2[%dma_wait3A_34, %dma_wait3A_35] : memref<4096x256xf32, #tpu.memory_space<hbm>> -> memref<4096x256xf32, #tpu.memory_space<hbm>>
      tpu.wait_indirect_dma semaphore(%arg8 : memref<!tpu.dma_semaphore, #tpu.memory_space<semaphore_mem>>) src(%dma_wait3A_36 : memref<4096x256xf32, #tpu.memory_space<hbm>>) dst(%arg6 : memref<128x256xf32, #tpu.memory_space<vmem>>)
      %mul3A_37 = arith.constant 128 : i32
      %mul3A_38 = arith.muli %mul3A_30, %mul3A_37 : i32
      %add3A_39 = arith.addi %mul3A_2, %mul3A_38 : i32
      %dma_start3A_40 = arith.constant 0 : i32
      %dma_start3A_41 = tpu.memref_slice %arg4[%add3A_39, %dma_start3A_40] : memref<65536x256xf32, #tpu.memory_space<hbm>> -> memref<128x256xf32, #tpu.memory_space<hbm>>
      %dma_start3A_42 = arith.constant 0 : i32
      %dma_start3A_43 = tpu.memref_slice %arg4[%add3A_39, %dma_start3A_42] : memref<65536x256xf32, #tpu.memory_space<hbm>> -> memref<128x256xf32, #tpu.memory_space<hbm>>
      tpu.enqueue_dma source(%arg6 : memref<128x256xf32, #tpu.memory_space<vmem>>) target(%dma_start3A_43 : memref<128x256xf32, #tpu.memory_space<hbm>>) target_semaphore(%arg10 : memref<!tpu.dma_semaphore, #tpu.memory_space<semaphore_mem>>)
      %add3A_44 = arith.constant 1 : i32
      %add3A_45 = arith.addi %mul3A_30, %add3A_44 : i32
      %mul3A_46 = arith.constant 128 : i32
      %mul3A_47 = arith.muli %add3A_45, %mul3A_46 : i32
      %dma_wait3A_48 = tpu.memref_slice %arg5[%mul3A_47] : memref<2048xi32, #tpu.memory_space<vmem>> -> memref<128xi32, #tpu.memory_space<vmem>>
      %dma_wait3A_49 = arith.constant 0 : i32
      %dma_wait3A_50 = arith.constant 0 : i32
      %dma_wait3A_51 = tpu.memref_slice %arg2[%dma_wait3A_49, %dma_wait3A_50] : memref<4096x256xf32, #tpu.memory_space<hbm>> -> memref<4096x256xf32, #tpu.memory_space<hbm>>
      tpu.wait_indirect_dma semaphore(%arg9 : memref<!tpu.dma_semaphore, #tpu.memory_space<semaphore_mem>>) src(%dma_wait3A_51 : memref<4096x256xf32, #tpu.memory_space<hbm>>) dst(%arg7 : memref<128x256xf32, #tpu.memory_space<vmem>>)
      %add3A_52 = arith.constant 1 : i32
      %add3A_53 = arith.addi %mul3A_30, %add3A_52 : i32
      %mul3A_54 = arith.constant 128 : i32
      %mul3A_55 = arith.muli %add3A_53, %mul3A_54 : i32
      %add3A_56 = arith.addi %mul3A_2, %mul3A_55 : i32
      %dma_start3A_57 = arith.constant 0 : i32
      %dma_start3A_58 = tpu.memref_slice %arg4[%add3A_56, %dma_start3A_57] : memref<65536x256xf32, #tpu.memory_space<hbm>> -> memref<128x256xf32, #tpu.memory_space<hbm>>
      %dma_start3A_59 = arith.constant 0 : i32
      %dma_start3A_60 = tpu.memref_slice %arg4[%add3A_56, %dma_start3A_59] : memref<65536x256xf32, #tpu.memory_space<hbm>> -> memref<128x256xf32, #tpu.memory_space<hbm>>
      tpu.enqueue_dma source(%arg7 : memref<128x256xf32, #tpu.memory_space<vmem>>) target(%dma_start3A_60 : memref<128x256xf32, #tpu.memory_space<hbm>>) target_semaphore(%arg11 : memref<!tpu.dma_semaphore, #tpu.memory_space<semaphore_mem>>)
      %lt3A = arith.constant 7 : i32
      %lt3A_61 = arith.cmpi slt, %scan3A_28, %lt3A : i32
      %convert_element_type3A = arith.extui %lt3A_61 : i1 to i32
      %cond3A = arith.constant 0 : i32
      %cond3A_62 = arith.cmpi ne, %convert_element_type3A, %cond3A : i32
      scf.if %cond3A_62 {
        %mul3A_63 = arith.constant 128 : i32
        %mul3A_64 = arith.muli %mul3A_30, %mul3A_63 : i32
        %add3A_65 = arith.addi %mul3A_2, %mul3A_64 : i32
        %dma_wait3A_66 = arith.constant 0 : i32
        %dma_wait3A_67 = tpu.memref_slice %arg4[%add3A_65, %dma_wait3A_66] : memref<65536x256xf32, #tpu.memory_space<hbm>> -> memref<128x256xf32, #tpu.memory_space<hbm>>
        %dma_wait3A_68 = arith.constant 0 : i32
        %dma_wait3A_69 = tpu.memref_slice %arg4[%add3A_65, %dma_wait3A_68] : memref<65536x256xf32, #tpu.memory_space<hbm>> -> memref<128x256xf32, #tpu.memory_space<hbm>>
        tpu.wait_dma2 semaphore(%arg10 : memref<!tpu.dma_semaphore, #tpu.memory_space<semaphore_mem>>) src(%arg6 : memref<128x256xf32, #tpu.memory_space<vmem>>) dst(%dma_wait3A_69 : memref<128x256xf32, #tpu.memory_space<hbm>>)
        %add3A_70 = arith.constant 2 : i32
        %add3A_71 = arith.addi %mul3A_30, %add3A_70 : i32
        %mul3A_72 = arith.constant 128 : i32
        %mul3A_73 = arith.muli %add3A_71, %mul3A_72 : i32
        %dma_start3A_74 = tpu.memref_slice %arg5[%mul3A_73] : memref<2048xi32, #tpu.memory_space<vmem>> -> memref<128xi32, #tpu.memory_space<vmem>>
        %dma_start3A_75 = arith.constant 0 : i32
        %dma_start3A_76 = arith.constant 0 : i32
        %dma_start3A_77 = tpu.memref_slice %arg2[%dma_start3A_75, %dma_start3A_76] : memref<4096x256xf32, #tpu.memory_space<hbm>> -> memref<4096x256xf32, #tpu.memory_space<hbm>>
        tpu.enqueue_indirect_dma source(%dma_start3A_77 : memref<4096x256xf32, #tpu.memory_space<hbm>>) target(%arg6 : memref<128x256xf32, #tpu.memory_space<vmem>>) offsets(%dma_start3A_74 : memref<128xi32, #tpu.memory_space<vmem>>) semaphore(%arg8 : memref<!tpu.dma_semaphore, #tpu.memory_space<semaphore_mem>>)
        %add3A_78 = arith.constant 1 : i32
        %add3A_79 = arith.addi %mul3A_30, %add3A_78 : i32
        %mul3A_80 = arith.constant 128 : i32
        %mul3A_81 = arith.muli %add3A_79, %mul3A_80 : i32
        %add3A_82 = arith.addi %mul3A_2, %mul3A_81 : i32
        %dma_wait3A_83 = arith.constant 0 : i32
        %dma_wait3A_84 = tpu.memref_slice %arg4[%add3A_82, %dma_wait3A_83] : memref<65536x256xf32, #tpu.memory_space<hbm>> -> memref<128x256xf32, #tpu.memory_space<hbm>>
        %dma_wait3A_85 = arith.constant 0 : i32
        %dma_wait3A_86 = tpu.memref_slice %arg4[%add3A_82, %dma_wait3A_85] : memref<65536x256xf32, #tpu.memory_space<hbm>> -> memref<128x256xf32, #tpu.memory_space<hbm>>
        tpu.wait_dma2 semaphore(%arg11 : memref<!tpu.dma_semaphore, #tpu.memory_space<semaphore_mem>>) src(%arg7 : memref<128x256xf32, #tpu.memory_space<vmem>>) dst(%dma_wait3A_86 : memref<128x256xf32, #tpu.memory_space<hbm>>)
        %add3A_87 = arith.constant 3 : i32
        %add3A_88 = arith.addi %mul3A_30, %add3A_87 : i32
        %mul3A_89 = arith.constant 128 : i32
        %mul3A_90 = arith.muli %add3A_88, %mul3A_89 : i32
        %dma_start3A_91 = tpu.memref_slice %arg5[%mul3A_90] : memref<2048xi32, #tpu.memory_space<vmem>> -> memref<128xi32, #tpu.memory_space<vmem>>
        %dma_start3A_92 = arith.constant 0 : i32
        %dma_start3A_93 = arith.constant 0 : i32
        %dma_start3A_94 = tpu.memref_slice %arg2[%dma_start3A_92, %dma_start3A_93] : memref<4096x256xf32, #tpu.memory_space<hbm>> -> memref<4096x256xf32, #tpu.memory_space<hbm>>
        tpu.enqueue_indirect_dma source(%dma_start3A_94 : memref<4096x256xf32, #tpu.memory_space<hbm>>) target(%arg7 : memref<128x256xf32, #tpu.memory_space<vmem>>) offsets(%dma_start3A_91 : memref<128xi32, #tpu.memory_space<vmem>>) semaphore(%arg9 : memref<!tpu.dma_semaphore, #tpu.memory_space<semaphore_mem>>)
      } else {
      }
    }
    %scan3A_16 = arith.constant 8 : i32
    %add3A_17 = arith.constant 1792 : i32
    %add3A_18 = arith.addi %mul3A_2, %add3A_17 : i32
    %dma_wait3A = arith.constant 0 : i32
    %dma_wait3A_19 = tpu.memref_slice %arg4[%add3A_18, %dma_wait3A] : memref<65536x256xf32, #tpu.memory_space<hbm>> -> memref<128x256xf32, #tpu.memory_space<hbm>>
    %dma_wait3A_20 = arith.constant 0 : i32
    %dma_wait3A_21 = tpu.memref_slice %arg4[%add3A_18, %dma_wait3A_20] : memref<65536x256xf32, #tpu.memory_space<hbm>> -> memref<128x256xf32, #tpu.memory_space<hbm>>
    tpu.wait_dma2 semaphore(%arg10 : memref<!tpu.dma_semaphore, #tpu.memory_space<semaphore_mem>>) src(%arg6 : memref<128x256xf32, #tpu.memory_space<vmem>>) dst(%dma_wait3A_21 : memref<128x256xf32, #tpu.memory_space<hbm>>)
    %add3A_22 = arith.constant 1920 : i32
    %add3A_23 = arith.addi %mul3A_2, %add3A_22 : i32
    %dma_wait3A_24 = arith.constant 0 : i32
    %dma_wait3A_25 = tpu.memref_slice %arg4[%add3A_23, %dma_wait3A_24] : memref<65536x256xf32, #tpu.memory_space<hbm>> -> memref<128x256xf32, #tpu.memory_space<hbm>>
    %dma_wait3A_26 = arith.constant 0 : i32
    %dma_wait3A_27 = tpu.memref_slice %arg4[%add3A_23, %dma_wait3A_26] : memref<65536x256xf32, #tpu.memory_space<hbm>> -> memref<128x256xf32, #tpu.memory_space<hbm>>
    tpu.wait_dma2 semaphore(%arg11 : memref<!tpu.dma_semaphore, #tpu.memory_space<semaphore_mem>>) src(%arg7 : memref<128x256xf32, #tpu.memory_space<vmem>>) dst(%dma_wait3A_27 : memref<128x256xf32, #tpu.memory_space<hbm>>)
    return
  }
}

module attributes {stable_mosaic.version = 14 : i64} {
  func.func @_knn_body(%arg0: i32, %arg1: i32, %arg2: memref<32xi32, #tpu.memory_space<smem>>, %arg3: memref<256x64xf32, #tpu.memory_space<vmem>>, %arg4: memref<64x1024xf32, #tpu.memory_space<vmem>>, %arg5: memref<256x1xi32, #tpu.memory_space<vmem>>, %arg6: memref<1x1024xi32, #tpu.memory_space<vmem>>, %arg7: memref<256x16xi32, #tpu.memory_space<vmem>>, %arg8: memref<256x16xf32, #tpu.memory_space<vmem>>, %arg9: memref<256x16xi32, #tpu.memory_space<vmem>>) attributes {dimension_semantics = [#tpu.dimension_semantics<arbitrary>, #tpu.dimension_semantics<arbitrary>], iteration_bounds = array<i64: 16, 4>, scalar_prefetch = 1 : i64, scratch_operands = 2 : i64, tpu.core_type = #tpu.core_type<tc>, window_params = [{transform_indices = @transform_0, window_bounds = array<i64: 256, 64>}, {transform_indices = @transform_1, window_bounds = array<i64: 64, 1024>}, {transform_indices = @transform_2, window_bounds = array<i64: 256, 1>}, {transform_indices = @transform_3, window_bounds = array<i64: 1, 1024>}, {transform_indices = @transform_4, window_bounds = array<i64: 256, 16>}]} {
    %eq3A = arith.constant 0 : i32
    %eq3A_0 = arith.cmpi eq, %arg1, %eq3A : i32
    %convert_element_type3A = arith.extui %eq3A_0 : i1 to i32
    %cond3A = arith.constant 0 : i32
    %cond3A_1 = arith.cmpi ne, %convert_element_type3A, %cond3A : i32
    scf.if %cond3A_1 {
      %broadcast_in_dim3A = arith.constant 0xFF800000 : f32
      %broadcast_in_dim3A_19 = vector.broadcast %broadcast_in_dim3A : f32 to vector<256x16xf32>
      %swap3A = arith.constant 0 : index
      %swap3A_20 = arith.constant 0 : index
      %swap3A_21 = vector.load %arg8[%swap3A, %swap3A_20] : memref<256x16xf32, #tpu.memory_space<vmem>>, vector<256x16xf32>
      tpu.vector_store %arg8[%swap3A, %swap3A_20], %broadcast_in_dim3A_19 {strides = array<i32>} : memref<256x16xf32, #tpu.memory_space<vmem>>, vector<256x16xf32>,
      %iota3A = tpu.iota {dimensions = array<i32: 1>} : vector<256x16xi32>
      %add3A_22 = arith.constant 4096 : i32
      %add3A_23 = vector.broadcast %add3A_22 : i32 to vector<256x16xi32>
      %add3A_24 = arith.addi %add3A_23, %iota3A : vector<256x16xi32>
      %swap3A_25 = arith.constant 0 : index
      %swap3A_26 = arith.constant 0 : index
      %swap3A_27 = vector.load %arg9[%swap3A_25, %swap3A_26] : memref<256x16xi32, #tpu.memory_space<vmem>>, vector<256x16xi32>
      tpu.vector_store %arg9[%swap3A_25, %swap3A_26], %add3A_24 {strides = array<i32>} : memref<256x16xi32, #tpu.memory_space<vmem>>, vector<256x16xi32>,
    } else {
    }
    %get3A = arith.index_cast %arg0 : i32 to index
    %get3A_2 = memref.load %arg2[%get3A] : memref<32xi32, #tpu.memory_space<smem>>
    %add3A = arith.constant 16 : i32
    %add3A_3 = arith.addi %add3A, %arg0 : i32
    %get3A_4 = arith.index_cast %add3A_3 : i32 to index
    %get3A_5 = memref.load %arg2[%get3A_4] : memref<32xi32, #tpu.memory_space<smem>>
    %mul3A = arith.constant 1024 : i32
    %mul3A_6 = arith.muli %arg1, %mul3A : i32
    %lt3A = arith.cmpi slt, %mul3A_6, %get3A_5 : i32
    %mul3A_7 = arith.constant 1024 : i32
    %mul3A_8 = arith.muli %arg1, %mul3A_7 : i32
    %add3A_9 = arith.constant 1024 : i32
    %add3A_10 = arith.addi %mul3A_8, %add3A_9 : i32
    %gt3A = arith.cmpi sgt, %add3A_10, %get3A_2 : i32
    %and3A = arith.andi %lt3A, %gt3A : i1
    %convert_element_type3A_11 = arith.extui %and3A : i1 to i32
    %cond3A_12 = arith.constant 0 : i32
    %cond3A_13 = arith.cmpi ne, %convert_element_type3A_11, %cond3A_12 : i32
    scf.if %cond3A_13 {
      %get3A_19 = arith.constant 0 : index
      %get3A_20 = arith.constant 0 : index
      %get3A_21 = vector.load %arg3[%get3A_19, %get3A_20] : memref<256x64xf32, #tpu.memory_space<vmem>>, vector<256x64xf32>
      %get3A_22 = arith.constant 0 : index
      %get3A_23 = arith.constant 0 : index
      %get3A_24 = vector.load %arg4[%get3A_22, %get3A_23] : memref<64x1024xf32, #tpu.memory_space<vmem>>, vector<64x1024xf32>
      %mul3A_25 = arith.mulf %get3A_21, %get3A_21 : vector<256x64xf32>
      %reduce_sum3A = arith.constant dense<0.000000e+00> : vector<256xf32>
      %reduce_sum3A_26 = vector.multi_reduction <add>, %mul3A_25, %reduce_sum3A [1] : vector<256x64xf32> to vector<256xf32>
      %broadcast_in_dim3A = vector.shape_cast %reduce_sum3A_26 : vector<256xf32> to vector<256x1xf32>
      %mul3A_27 = arith.mulf %get3A_24, %get3A_24 : vector<64x1024xf32>
      %reduce_sum3A_28 = arith.constant dense<0.000000e+00> : vector<1024xf32>
      %reduce_sum3A_29 = vector.multi_reduction <add>, %mul3A_27, %reduce_sum3A_28 [0] : vector<64x1024xf32> to vector<1024xf32>
      %broadcast_in_dim3A_30 = vector.shape_cast %reduce_sum3A_29 : vector<1024xf32> to vector<1x1024xf32>
      %dot_general3A = arith.constant dense<0.000000e+00> : vector<256x1024xf32>
      %dot_general3A_31 = tpu.matmul %get3A_21, %get3A_24, %dot_general3A {dimension_numbers = #tpu.dot_dimension_numbers<[1], [0], [0], [1], [0, 0, 1, 1], [], []>, transpose_lhs_hint = false} : vector<256x64xf32>, vector<64x1024xf32>, vector<256x1024xf32> -> vector<256x1024xf32>
      %add3A_32 = vector.broadcast %broadcast_in_dim3A : vector<256x1xf32> to vector<256x1024xf32>
      %add3A_33 = vector.broadcast %broadcast_in_dim3A_30 : vector<1x1024xf32> to vector<256x1024xf32>
      %add3A_34 = arith.addf %add3A_32, %add3A_33 : vector<256x1024xf32>
      %mul3A_35 = arith.constant 2.000000e+00 : f32
      %mul3A_36 = vector.broadcast %mul3A_35 : f32 to vector<256x1024xf32>
      %mul3A_37 = arith.mulf %mul3A_36, %dot_general3A_31 : vector<256x1024xf32>
      %sub3A = arith.subf %add3A_34, %mul3A_37 : vector<256x1024xf32>
      %mul3A_38 = arith.constant 1024 : i32
      %mul3A_39 = arith.muli %arg1, %mul3A_38 : i32
      %iota3A = tpu.iota {dimensions = array<i32: 1>} : vector<256x1024xi32>
      %add3A_40 = vector.broadcast %mul3A_39 : i32 to vector<256x1024xi32>
      %add3A_41 = arith.addi %add3A_40, %iota3A : vector<256x1024xi32>
      %mul3A_42 = arith.constant 256 : i32
      %mul3A_43 = arith.muli %arg0, %mul3A_42 : i32
      %iota3A_44 = tpu.iota {dimensions = array<i32: 0>} : vector<256x1024xi32>
      %add3A_45 = vector.broadcast %mul3A_43 : i32 to vector<256x1024xi32>
      %add3A_46 = arith.addi %add3A_45, %iota3A_44 : vector<256x1024xi32>
      %get3A_47 = arith.constant 0 : index
      %get3A_48 = arith.constant 0 : index
      %get3A_49 = vector.load %arg5[%get3A_47, %get3A_48] : memref<256x1xi32, #tpu.memory_space<vmem>>, vector<256x1xi32>
      %get3A_50 = arith.constant 0 : index
      %get3A_51 = arith.constant 0 : index
      %get3A_52 = vector.load %arg6[%get3A_50, %get3A_51] : memref<1x1024xi32, #tpu.memory_space<vmem>>, vector<1x1024xi32>
      %eq3A_53 = vector.broadcast %get3A_49 : vector<256x1xi32> to vector<256x1024xi32>
      %eq3A_54 = vector.broadcast %get3A_52 : vector<1x1024xi32> to vector<256x1024xi32>
      %eq3A_55 = arith.cmpi eq, %eq3A_53, %eq3A_54 : vector<256x1024xi32>
      %ne3A = arith.cmpi ne, %add3A_41, %add3A_46 : vector<256x1024xi32>
      %and3A_56 = arith.andi %eq3A_55, %ne3A : vector<256x1024xi1>
      %neg3A = arith.constant 0.000000e+00 : f32
      %neg3A_57 = vector.broadcast %neg3A : f32 to vector<256x1024xf32>
      %neg3A_58 = arith.subf %neg3A_57, %sub3A : vector<256x1024xf32>
      %jit3A = arith.constant -3.40282347E+38 : f32
      %broadcast_in_dim3A_59 = vector.broadcast %jit3A : f32 to vector<256x1024xf32>
      %select_n3A = arith.select %and3A_56, %neg3A_58, %broadcast_in_dim3A_59 : vector<256x1024xi1>, vector<256x1024xf32>
      %get3A_60 = arith.constant 0 : index
      %get3A_61 = arith.constant 0 : index
      %get3A_62 = vector.load %arg8[%get3A_60, %get3A_61] : memref<256x16xf32, #tpu.memory_space<vmem>>, vector<256x16xf32>
      %get3A_63 = arith.constant 0 : index
      %get3A_64 = arith.constant 0 : index
      %get3A_65 = vector.load %arg9[%get3A_63, %get3A_64] : memref<256x16xi32, #tpu.memory_space<vmem>>, vector<256x16xi32>
      %reduce_max3A = arith.constant dense<0xFF800000> : vector<256xf32>
      %reduce_max3A_66 = vector.multi_reduction <maximumf>, %select_n3A, %reduce_max3A [1] : vector<256x1024xf32> to vector<256xf32>
      %broadcast_in_dim3A_67 = vector.shape_cast %reduce_max3A_66 : vector<256xf32> to vector<256x1xf32>
      %reduce_max3A_68 = arith.constant dense<0xFF800000> : vector<256xf32>
      %reduce_max3A_69 = vector.multi_reduction <maximumf>, %get3A_62, %reduce_max3A_68 [1] : vector<256x16xf32> to vector<256xf32>
      %broadcast_in_dim3A_70 = vector.shape_cast %reduce_max3A_69 : vector<256xf32> to vector<256x1xf32>
      %max3A = arith.maximumf %broadcast_in_dim3A_67, %broadcast_in_dim3A_70 : vector<256x1xf32>
      %eq3A_71 = vector.broadcast %max3A : vector<256x1xf32> to vector<256x1024xf32>
      %eq3A_72 = arith.cmpf oeq, %select_n3A, %eq3A_71 : vector<256x1024xf32>
      %jit3A_73 = arith.constant 8192 : i32
      %broadcast_in_dim3A_74 = vector.broadcast %jit3A_73 : i32 to vector<256x1024xi32>
      %select_n3A_75 = arith.select %eq3A_72, %add3A_41, %broadcast_in_dim3A_74 : vector<256x1024xi1>, vector<256x1024xi32>
      %reduce_min3A = arith.constant dense<2147483647> : vector<256xi32>
      %reduce_min3A_76 = vector.multi_reduction <minsi>, %select_n3A_75, %reduce_min3A [1] : vector<256x1024xi32> to vector<256xi32>
      %broadcast_in_dim3A_77 = vector.shape_cast %reduce_min3A_76 : vector<256xi32> to vector<256x1xi32>
      %eq3A_78 = vector.broadcast %max3A : vector<256x1xf32> to vector<256x16xf32>
      %eq3A_79 = arith.cmpf oeq, %get3A_62, %eq3A_78 : vector<256x16xf32>
      %jit3A_80 = arith.constant 8192 : i32
      %broadcast_in_dim3A_81 = vector.broadcast %jit3A_80 : i32 to vector<256x16xi32>
      %select_n3A_82 = arith.select %eq3A_79, %get3A_65, %broadcast_in_dim3A_81 : vector<256x16xi1>, vector<256x16xi32>
      %reduce_min3A_83 = arith.constant dense<2147483647> : vector<256xi32>
      %reduce_min3A_84 = vector.multi_reduction <minsi>, %select_n3A_82, %reduce_min3A_83 [1] : vector<256x16xi32> to vector<256xi32>
      %broadcast_in_dim3A_85 = vector.shape_cast %reduce_min3A_84 : vector<256xi32> to vector<256x1xi32>
      %min3A = arith.minsi %broadcast_in_dim3A_77, %broadcast_in_dim3A_85 : vector<256x1xi32>
      %swap3A = arith.constant 0 : index
      %swap3A_86 = arith.constant 0 : index
      %swap3A_87 = vector.load %arg8[%swap3A, %swap3A_86] : memref<256x16xf32, #tpu.memory_space<vmem>>, vector<256x1xf32>
      tpu.vector_store %arg8[%swap3A, %swap3A_86], %max3A {strides = array<i32>} : memref<256x16xf32, #tpu.memory_space<vmem>>, vector<256x1xf32>,
      %swap3A_88 = arith.constant 0 : index
      %swap3A_89 = arith.constant 0 : index
      %swap3A_90 = vector.load %arg9[%swap3A_88, %swap3A_89] : memref<256x16xi32, #tpu.memory_space<vmem>>, vector<256x1xi32>
      tpu.vector_store %arg9[%swap3A_88, %swap3A_89], %min3A {strides = array<i32>} : memref<256x16xi32, #tpu.memory_space<vmem>>, vector<256x1xi32>,
      %eq3A_91 = vector.broadcast %min3A : vector<256x1xi32> to vector<256x1024xi32>
      %eq3A_92 = arith.cmpi eq, %add3A_41, %eq3A_91 : vector<256x1024xi32>
      %jit3A_93 = arith.constant 0xFF800000 : f32
      %broadcast_in_dim3A_94 = vector.broadcast %jit3A_93 : f32 to vector<256x1024xf32>
      %select_n3A_95 = arith.select %eq3A_92, %broadcast_in_dim3A_94, %select_n3A : vector<256x1024xi1>, vector<256x1024xf32>
      %eq3A_96 = vector.broadcast %min3A : vector<256x1xi32> to vector<256x16xi32>
      %eq3A_97 = arith.cmpi eq, %get3A_65, %eq3A_96 : vector<256x16xi32>
      %jit3A_98 = arith.constant 0xFF800000 : f32
      %broadcast_in_dim3A_99 = vector.broadcast %jit3A_98 : f32 to vector<256x16xf32>
      %select_n3A_100 = arith.select %eq3A_97, %broadcast_in_dim3A_99, %get3A_62 : vector<256x16xi1>, vector<256x16xf32>
      %reduce_max3A_101 = arith.constant dense<0xFF800000> : vector<256xf32>
      %reduce_max3A_102 = vector.multi_reduction <maximumf>, %select_n3A_95, %reduce_max3A_101 [1] : vector<256x1024xf32> to vector<256xf32>
      %broadcast_in_dim3A_103 = vector.shape_cast %reduce_max3A_102 : vector<256xf32> to vector<256x1xf32>
      %reduce_max3A_104 = arith.constant dense<0xFF800000> : vector<256xf32>
      %reduce_max3A_105 = vector.multi_reduction <maximumf>, %select_n3A_100, %reduce_max3A_104 [1] : vector<256x16xf32> to vector<256xf32>
      %broadcast_in_dim3A_106 = vector.shape_cast %reduce_max3A_105 : vector<256xf32> to vector<256x1xf32>
      %max3A_107 = arith.maximumf %broadcast_in_dim3A_103, %broadcast_in_dim3A_106 : vector<256x1xf32>
      %eq3A_108 = vector.broadcast %max3A_107 : vector<256x1xf32> to vector<256x1024xf32>
      %eq3A_109 = arith.cmpf oeq, %select_n3A_95, %eq3A_108 : vector<256x1024xf32>
      %jit3A_110 = arith.constant 8192 : i32
      %broadcast_in_dim3A_111 = vector.broadcast %jit3A_110 : i32 to vector<256x1024xi32>
      %select_n3A_112 = arith.select %eq3A_109, %add3A_41, %broadcast_in_dim3A_111 : vector<256x1024xi1>, vector<256x1024xi32>
      %reduce_min3A_113 = arith.constant dense<2147483647> : vector<256xi32>
      %reduce_min3A_114 = vector.multi_reduction <minsi>, %select_n3A_112, %reduce_min3A_113 [1] : vector<256x1024xi32> to vector<256xi32>
      %broadcast_in_dim3A_115 = vector.shape_cast %reduce_min3A_114 : vector<256xi32> to vector<256x1xi32>
      %eq3A_116 = vector.broadcast %max3A_107 : vector<256x1xf32> to vector<256x16xf32>
      %eq3A_117 = arith.cmpf oeq, %select_n3A_100, %eq3A_116 : vector<256x16xf32>
      %jit3A_118 = arith.constant 8192 : i32
      %broadcast_in_dim3A_119 = vector.broadcast %jit3A_118 : i32 to vector<256x16xi32>
      %select_n3A_120 = arith.select %eq3A_117, %get3A_65, %broadcast_in_dim3A_119 : vector<256x16xi1>, vector<256x16xi32>
      %reduce_min3A_121 = arith.constant dense<2147483647> : vector<256xi32>
      %reduce_min3A_122 = vector.multi_reduction <minsi>, %select_n3A_120, %reduce_min3A_121 [1] : vector<256x16xi32> to vector<256xi32>
      %broadcast_in_dim3A_123 = vector.shape_cast %reduce_min3A_122 : vector<256xi32> to vector<256x1xi32>
      %min3A_124 = arith.minsi %broadcast_in_dim3A_115, %broadcast_in_dim3A_123 : vector<256x1xi32>
      %swap3A_125 = arith.constant 0 : index
      %swap3A_126 = arith.constant 1 : index
      %swap3A_127 = vector.load %arg8[%swap3A_125, %swap3A_126] : memref<256x16xf32, #tpu.memory_space<vmem>>, vector<256x1xf32>
      tpu.vector_store %arg8[%swap3A_125, %swap3A_126], %max3A_107 {strides = array<i32>} : memref<256x16xf32, #tpu.memory_space<vmem>>, vector<256x1xf32>,
      %swap3A_128 = arith.constant 0 : index
      %swap3A_129 = arith.constant 1 : index
      %swap3A_130 = vector.load %arg9[%swap3A_128, %swap3A_129] : memref<256x16xi32, #tpu.memory_space<vmem>>, vector<256x1xi32>
      tpu.vector_store %arg9[%swap3A_128, %swap3A_129], %min3A_124 {strides = array<i32>} : memref<256x16xi32, #tpu.memory_space<vmem>>, vector<256x1xi32>,
      %eq3A_131 = vector.broadcast %min3A_124 : vector<256x1xi32> to vector<256x1024xi32>
      %eq3A_132 = arith.cmpi eq, %add3A_41, %eq3A_131 : vector<256x1024xi32>
      %jit3A_133 = arith.constant 0xFF800000 : f32
      %broadcast_in_dim3A_134 = vector.broadcast %jit3A_133 : f32 to vector<256x1024xf32>
      %select_n3A_135 = arith.select %eq3A_132, %broadcast_in_dim3A_134, %select_n3A_95 : vector<256x1024xi1>, vector<256x1024xf32>
      %eq3A_136 = vector.broadcast %min3A_124 : vector<256x1xi32> to vector<256x16xi32>
      %eq3A_137 = arith.cmpi eq, %get3A_65, %eq3A_136 : vector<256x16xi32>
      %jit3A_138 = arith.constant 0xFF800000 : f32
      %broadcast_in_dim3A_139 = vector.broadcast %jit3A_138 : f32 to vector<256x16xf32>
      %select_n3A_140 = arith.select %eq3A_137, %broadcast_in_dim3A_139, %select_n3A_100 : vector<256x16xi1>, vector<256x16xf32>
      %reduce_max3A_141 = arith.constant dense<0xFF800000> : vector<256xf32>
      %reduce_max3A_142 = vector.multi_reduction <maximumf>, %select_n3A_135, %reduce_max3A_141 [1] : vector<256x1024xf32> to vector<256xf32>
      %broadcast_in_dim3A_143 = vector.shape_cast %reduce_max3A_142 : vector<256xf32> to vector<256x1xf32>
      %reduce_max3A_144 = arith.constant dense<0xFF800000> : vector<256xf32>
      %reduce_max3A_145 = vector.multi_reduction <maximumf>, %select_n3A_140, %reduce_max3A_144 [1] : vector<256x16xf32> to vector<256xf32>
      %broadcast_in_dim3A_146 = vector.shape_cast %reduce_max3A_145 : vector<256xf32> to vector<256x1xf32>
      %max3A_147 = arith.maximumf %broadcast_in_dim3A_143, %broadcast_in_dim3A_146 : vector<256x1xf32>
      %eq3A_148 = vector.broadcast %max3A_147 : vector<256x1xf32> to vector<256x1024xf32>
      %eq3A_149 = arith.cmpf oeq, %select_n3A_135, %eq3A_148 : vector<256x1024xf32>
      %jit3A_150 = arith.constant 8192 : i32
      %broadcast_in_dim3A_151 = vector.broadcast %jit3A_150 : i32 to vector<256x1024xi32>
      %select_n3A_152 = arith.select %eq3A_149, %add3A_41, %broadcast_in_dim3A_151 : vector<256x1024xi1>, vector<256x1024xi32>
      %reduce_min3A_153 = arith.constant dense<2147483647> : vector<256xi32>
      %reduce_min3A_154 = vector.multi_reduction <minsi>, %select_n3A_152, %reduce_min3A_153 [1] : vector<256x1024xi32> to vector<256xi32>
      %broadcast_in_dim3A_155 = vector.shape_cast %reduce_min3A_154 : vector<256xi32> to vector<256x1xi32>
      %eq3A_156 = vector.broadcast %max3A_147 : vector<256x1xf32> to vector<256x16xf32>
      %eq3A_157 = arith.cmpf oeq, %select_n3A_140, %eq3A_156 : vector<256x16xf32>
      %jit3A_158 = arith.constant 8192 : i32
      %broadcast_in_dim3A_159 = vector.broadcast %jit3A_158 : i32 to vector<256x16xi32>
      %select_n3A_160 = arith.select %eq3A_157, %get3A_65, %broadcast_in_dim3A_159 : vector<256x16xi1>, vector<256x16xi32>
      %reduce_min3A_161 = arith.constant dense<2147483647> : vector<256xi32>
      %reduce_min3A_162 = vector.multi_reduction <minsi>, %select_n3A_160, %reduce_min3A_161 [1] : vector<256x16xi32> to vector<256xi32>
      %broadcast_in_dim3A_163 = vector.shape_cast %reduce_min3A_162 : vector<256xi32> to vector<256x1xi32>
      %min3A_164 = arith.minsi %broadcast_in_dim3A_155, %broadcast_in_dim3A_163 : vector<256x1xi32>
      %swap3A_165 = arith.constant 0 : index
      %swap3A_166 = arith.constant 2 : index
      %swap3A_167 = vector.load %arg8[%swap3A_165, %swap3A_166] : memref<256x16xf32, #tpu.memory_space<vmem>>, vector<256x1xf32>
      tpu.vector_store %arg8[%swap3A_165, %swap3A_166], %max3A_147 {strides = array<i32>} : memref<256x16xf32, #tpu.memory_space<vmem>>, vector<256x1xf32>,
      %swap3A_168 = arith.constant 0 : index
      %swap3A_169 = arith.constant 2 : index
      %swap3A_170 = vector.load %arg9[%swap3A_168, %swap3A_169] : memref<256x16xi32, #tpu.memory_space<vmem>>, vector<256x1xi32>
      tpu.vector_store %arg9[%swap3A_168, %swap3A_169], %min3A_164 {strides = array<i32>} : memref<256x16xi32, #tpu.memory_space<vmem>>, vector<256x1xi32>,
      %eq3A_171 = vector.broadcast %min3A_164 : vector<256x1xi32> to vector<256x1024xi32>
      %eq3A_172 = arith.cmpi eq, %add3A_41, %eq3A_171 : vector<256x1024xi32>
      %jit3A_173 = arith.constant 0xFF800000 : f32
      %broadcast_in_dim3A_174 = vector.broadcast %jit3A_173 : f32 to vector<256x1024xf32>
      %select_n3A_175 = arith.select %eq3A_172, %broadcast_in_dim3A_174, %select_n3A_135 : vector<256x1024xi1>, vector<256x1024xf32>
      %eq3A_176 = vector.broadcast %min3A_164 : vector<256x1xi32> to vector<256x16xi32>
      %eq3A_177 = arith.cmpi eq, %get3A_65, %eq3A_176 : vector<256x16xi32>
      %jit3A_178 = arith.constant 0xFF800000 : f32
      %broadcast_in_dim3A_179 = vector.broadcast %jit3A_178 : f32 to vector<256x16xf32>
      %select_n3A_180 = arith.select %eq3A_177, %broadcast_in_dim3A_179, %select_n3A_140 : vector<256x16xi1>, vector<256x16xf32>
      %reduce_max3A_181 = arith.constant dense<0xFF800000> : vector<256xf32>
      %reduce_max3A_182 = vector.multi_reduction <maximumf>, %select_n3A_175, %reduce_max3A_181 [1] : vector<256x1024xf32> to vector<256xf32>
      %broadcast_in_dim3A_183 = vector.shape_cast %reduce_max3A_182 : vector<256xf32> to vector<256x1xf32>
      %reduce_max3A_184 = arith.constant dense<0xFF800000> : vector<256xf32>
      %reduce_max3A_185 = vector.multi_reduction <maximumf>, %select_n3A_180, %reduce_max3A_184 [1] : vector<256x16xf32> to vector<256xf32>
      %broadcast_in_dim3A_186 = vector.shape_cast %reduce_max3A_185 : vector<256xf32> to vector<256x1xf32>
      %max3A_187 = arith.maximumf %broadcast_in_dim3A_183, %broadcast_in_dim3A_186 : vector<256x1xf32>
      %eq3A_188 = vector.broadcast %max3A_187 : vector<256x1xf32> to vector<256x1024xf32>
      %eq3A_189 = arith.cmpf oeq, %select_n3A_175, %eq3A_188 : vector<256x1024xf32>
      %jit3A_190 = arith.constant 8192 : i32
      %broadcast_in_dim3A_191 = vector.broadcast %jit3A_190 : i32 to vector<256x1024xi32>
      %select_n3A_192 = arith.select %eq3A_189, %add3A_41, %broadcast_in_dim3A_191 : vector<256x1024xi1>, vector<256x1024xi32>
      %reduce_min3A_193 = arith.constant dense<2147483647> : vector<256xi32>
      %reduce_min3A_194 = vector.multi_reduction <minsi>, %select_n3A_192, %reduce_min3A_193 [1] : vector<256x1024xi32> to vector<256xi32>
      %broadcast_in_dim3A_195 = vector.shape_cast %reduce_min3A_194 : vector<256xi32> to vector<256x1xi32>
      %eq3A_196 = vector.broadcast %max3A_187 : vector<256x1xf32> to vector<256x16xf32>
      %eq3A_197 = arith.cmpf oeq, %select_n3A_180, %eq3A_196 : vector<256x16xf32>
      %jit3A_198 = arith.constant 8192 : i32
      %broadcast_in_dim3A_199 = vector.broadcast %jit3A_198 : i32 to vector<256x16xi32>
      %select_n3A_200 = arith.select %eq3A_197, %get3A_65, %broadcast_in_dim3A_199 : vector<256x16xi1>, vector<256x16xi32>
      %reduce_min3A_201 = arith.constant dense<2147483647> : vector<256xi32>
      %reduce_min3A_202 = vector.multi_reduction <minsi>, %select_n3A_200, %reduce_min3A_201 [1] : vector<256x16xi32> to vector<256xi32>
      %broadcast_in_dim3A_203 = vector.shape_cast %reduce_min3A_202 : vector<256xi32> to vector<256x1xi32>
      %min3A_204 = arith.minsi %broadcast_in_dim3A_195, %broadcast_in_dim3A_203 : vector<256x1xi32>
      %swap3A_205 = arith.constant 0 : index
      %swap3A_206 = arith.constant 3 : index
      %swap3A_207 = vector.load %arg8[%swap3A_205, %swap3A_206] : memref<256x16xf32, #tpu.memory_space<vmem>>, vector<256x1xf32>
      tpu.vector_store %arg8[%swap3A_205, %swap3A_206], %max3A_187 {strides = array<i32>} : memref<256x16xf32, #tpu.memory_space<vmem>>, vector<256x1xf32>,
      %swap3A_208 = arith.constant 0 : index
      %swap3A_209 = arith.constant 3 : index
      %swap3A_210 = vector.load %arg9[%swap3A_208, %swap3A_209] : memref<256x16xi32, #tpu.memory_space<vmem>>, vector<256x1xi32>
      tpu.vector_store %arg9[%swap3A_208, %swap3A_209], %min3A_204 {strides = array<i32>} : memref<256x16xi32, #tpu.memory_space<vmem>>, vector<256x1xi32>,
      %eq3A_211 = vector.broadcast %min3A_204 : vector<256x1xi32> to vector<256x1024xi32>
      %eq3A_212 = arith.cmpi eq, %add3A_41, %eq3A_211 : vector<256x1024xi32>
      %jit3A_213 = arith.constant 0xFF800000 : f32
      %broadcast_in_dim3A_214 = vector.broadcast %jit3A_213 : f32 to vector<256x1024xf32>
      %select_n3A_215 = arith.select %eq3A_212, %broadcast_in_dim3A_214, %select_n3A_175 : vector<256x1024xi1>, vector<256x1024xf32>
      %eq3A_216 = vector.broadcast %min3A_204 : vector<256x1xi32> to vector<256x16xi32>
      %eq3A_217 = arith.cmpi eq, %get3A_65, %eq3A_216 : vector<256x16xi32>
      %jit3A_218 = arith.constant 0xFF800000 : f32
      %broadcast_in_dim3A_219 = vector.broadcast %jit3A_218 : f32 to vector<256x16xf32>
      %select_n3A_220 = arith.select %eq3A_217, %broadcast_in_dim3A_219, %select_n3A_180 : vector<256x16xi1>, vector<256x16xf32>
      %reduce_max3A_221 = arith.constant dense<0xFF800000> : vector<256xf32>
      %reduce_max3A_222 = vector.multi_reduction <maximumf>, %select_n3A_215, %reduce_max3A_221 [1] : vector<256x1024xf32> to vector<256xf32>
      %broadcast_in_dim3A_223 = vector.shape_cast %reduce_max3A_222 : vector<256xf32> to vector<256x1xf32>
      %reduce_max3A_224 = arith.constant dense<0xFF800000> : vector<256xf32>
      %reduce_max3A_225 = vector.multi_reduction <maximumf>, %select_n3A_220, %reduce_max3A_224 [1] : vector<256x16xf32> to vector<256xf32>
      %broadcast_in_dim3A_226 = vector.shape_cast %reduce_max3A_225 : vector<256xf32> to vector<256x1xf32>
      %max3A_227 = arith.maximumf %broadcast_in_dim3A_223, %broadcast_in_dim3A_226 : vector<256x1xf32>
      %eq3A_228 = vector.broadcast %max3A_227 : vector<256x1xf32> to vector<256x1024xf32>
      %eq3A_229 = arith.cmpf oeq, %select_n3A_215, %eq3A_228 : vector<256x1024xf32>
      %jit3A_230 = arith.constant 8192 : i32
      %broadcast_in_dim3A_231 = vector.broadcast %jit3A_230 : i32 to vector<256x1024xi32>
      %select_n3A_232 = arith.select %eq3A_229, %add3A_41, %broadcast_in_dim3A_231 : vector<256x1024xi1>, vector<256x1024xi32>
      %reduce_min3A_233 = arith.constant dense<2147483647> : vector<256xi32>
      %reduce_min3A_234 = vector.multi_reduction <minsi>, %select_n3A_232, %reduce_min3A_233 [1] : vector<256x1024xi32> to vector<256xi32>
      %broadcast_in_dim3A_235 = vector.shape_cast %reduce_min3A_234 : vector<256xi32> to vector<256x1xi32>
      %eq3A_236 = vector.broadcast %max3A_227 : vector<256x1xf32> to vector<256x16xf32>
      %eq3A_237 = arith.cmpf oeq, %select_n3A_220, %eq3A_236 : vector<256x16xf32>
      %jit3A_238 = arith.constant 8192 : i32
      %broadcast_in_dim3A_239 = vector.broadcast %jit3A_238 : i32 to vector<256x16xi32>
      %select_n3A_240 = arith.select %eq3A_237, %get3A_65, %broadcast_in_dim3A_239 : vector<256x16xi1>, vector<256x16xi32>
      %reduce_min3A_241 = arith.constant dense<2147483647> : vector<256xi32>
      %reduce_min3A_242 = vector.multi_reduction <minsi>, %select_n3A_240, %reduce_min3A_241 [1] : vector<256x16xi32> to vector<256xi32>
      %broadcast_in_dim3A_243 = vector.shape_cast %reduce_min3A_242 : vector<256xi32> to vector<256x1xi32>
      %min3A_244 = arith.minsi %broadcast_in_dim3A_235, %broadcast_in_dim3A_243 : vector<256x1xi32>
      %swap3A_245 = arith.constant 0 : index
      %swap3A_246 = arith.constant 4 : index
      %swap3A_247 = vector.load %arg8[%swap3A_245, %swap3A_246] : memref<256x16xf32, #tpu.memory_space<vmem>>, vector<256x1xf32>
      tpu.vector_store %arg8[%swap3A_245, %swap3A_246], %max3A_227 {strides = array<i32>} : memref<256x16xf32, #tpu.memory_space<vmem>>, vector<256x1xf32>,
      %swap3A_248 = arith.constant 0 : index
      %swap3A_249 = arith.constant 4 : index
      %swap3A_250 = vector.load %arg9[%swap3A_248, %swap3A_249] : memref<256x16xi32, #tpu.memory_space<vmem>>, vector<256x1xi32>
      tpu.vector_store %arg9[%swap3A_248, %swap3A_249], %min3A_244 {strides = array<i32>} : memref<256x16xi32, #tpu.memory_space<vmem>>, vector<256x1xi32>,
      %eq3A_251 = vector.broadcast %min3A_244 : vector<256x1xi32> to vector<256x1024xi32>
      %eq3A_252 = arith.cmpi eq, %add3A_41, %eq3A_251 : vector<256x1024xi32>
      %jit3A_253 = arith.constant 0xFF800000 : f32
      %broadcast_in_dim3A_254 = vector.broadcast %jit3A_253 : f32 to vector<256x1024xf32>
      %select_n3A_255 = arith.select %eq3A_252, %broadcast_in_dim3A_254, %select_n3A_215 : vector<256x1024xi1>, vector<256x1024xf32>
      %eq3A_256 = vector.broadcast %min3A_244 : vector<256x1xi32> to vector<256x16xi32>
      %eq3A_257 = arith.cmpi eq, %get3A_65, %eq3A_256 : vector<256x16xi32>
      %jit3A_258 = arith.constant 0xFF800000 : f32
      %broadcast_in_dim3A_259 = vector.broadcast %jit3A_258 : f32 to vector<256x16xf32>
      %select_n3A_260 = arith.select %eq3A_257, %broadcast_in_dim3A_259, %select_n3A_220 : vector<256x16xi1>, vector<256x16xf32>
      %reduce_max3A_261 = arith.constant dense<0xFF800000> : vector<256xf32>
      %reduce_max3A_262 = vector.multi_reduction <maximumf>, %select_n3A_255, %reduce_max3A_261 [1] : vector<256x1024xf32> to vector<256xf32>
      %broadcast_in_dim3A_263 = vector.shape_cast %reduce_max3A_262 : vector<256xf32> to vector<256x1xf32>
      %reduce_max3A_264 = arith.constant dense<0xFF800000> : vector<256xf32>
      %reduce_max3A_265 = vector.multi_reduction <maximumf>, %select_n3A_260, %reduce_max3A_264 [1] : vector<256x16xf32> to vector<256xf32>
      %broadcast_in_dim3A_266 = vector.shape_cast %reduce_max3A_265 : vector<256xf32> to vector<256x1xf32>
      %max3A_267 = arith.maximumf %broadcast_in_dim3A_263, %broadcast_in_dim3A_266 : vector<256x1xf32>
      %eq3A_268 = vector.broadcast %max3A_267 : vector<256x1xf32> to vector<256x1024xf32>
      %eq3A_269 = arith.cmpf oeq, %select_n3A_255, %eq3A_268 : vector<256x1024xf32>
      %jit3A_270 = arith.constant 8192 : i32
      %broadcast_in_dim3A_271 = vector.broadcast %jit3A_270 : i32 to vector<256x1024xi32>
      %select_n3A_272 = arith.select %eq3A_269, %add3A_41, %broadcast_in_dim3A_271 : vector<256x1024xi1>, vector<256x1024xi32>
      %reduce_min3A_273 = arith.constant dense<2147483647> : vector<256xi32>
      %reduce_min3A_274 = vector.multi_reduction <minsi>, %select_n3A_272, %reduce_min3A_273 [1] : vector<256x1024xi32> to vector<256xi32>
      %broadcast_in_dim3A_275 = vector.shape_cast %reduce_min3A_274 : vector<256xi32> to vector<256x1xi32>
      %eq3A_276 = vector.broadcast %max3A_267 : vector<256x1xf32> to vector<256x16xf32>
      %eq3A_277 = arith.cmpf oeq, %select_n3A_260, %eq3A_276 : vector<256x16xf32>
      %jit3A_278 = arith.constant 8192 : i32
      %broadcast_in_dim3A_279 = vector.broadcast %jit3A_278 : i32 to vector<256x16xi32>
      %select_n3A_280 = arith.select %eq3A_277, %get3A_65, %broadcast_in_dim3A_279 : vector<256x16xi1>, vector<256x16xi32>
      %reduce_min3A_281 = arith.constant dense<2147483647> : vector<256xi32>
      %reduce_min3A_282 = vector.multi_reduction <minsi>, %select_n3A_280, %reduce_min3A_281 [1] : vector<256x16xi32> to vector<256xi32>
      %broadcast_in_dim3A_283 = vector.shape_cast %reduce_min3A_282 : vector<256xi32> to vector<256x1xi32>
      %min3A_284 = arith.minsi %broadcast_in_dim3A_275, %broadcast_in_dim3A_283 : vector<256x1xi32>
      %swap3A_285 = arith.constant 0 : index
      %swap3A_286 = arith.constant 5 : index
      %swap3A_287 = vector.load %arg8[%swap3A_285, %swap3A_286] : memref<256x16xf32, #tpu.memory_space<vmem>>, vector<256x1xf32>
      tpu.vector_store %arg8[%swap3A_285, %swap3A_286], %max3A_267 {strides = array<i32>} : memref<256x16xf32, #tpu.memory_space<vmem>>, vector<256x1xf32>,
      %swap3A_288 = arith.constant 0 : index
      %swap3A_289 = arith.constant 5 : index
      %swap3A_290 = vector.load %arg9[%swap3A_288, %swap3A_289] : memref<256x16xi32, #tpu.memory_space<vmem>>, vector<256x1xi32>
      tpu.vector_store %arg9[%swap3A_288, %swap3A_289], %min3A_284 {strides = array<i32>} : memref<256x16xi32, #tpu.memory_space<vmem>>, vector<256x1xi32>,
      %eq3A_291 = vector.broadcast %min3A_284 : vector<256x1xi32> to vector<256x1024xi32>
      %eq3A_292 = arith.cmpi eq, %add3A_41, %eq3A_291 : vector<256x1024xi32>
      %jit3A_293 = arith.constant 0xFF800000 : f32
      %broadcast_in_dim3A_294 = vector.broadcast %jit3A_293 : f32 to vector<256x1024xf32>
      %select_n3A_295 = arith.select %eq3A_292, %broadcast_in_dim3A_294, %select_n3A_255 : vector<256x1024xi1>, vector<256x1024xf32>
      %eq3A_296 = vector.broadcast %min3A_284 : vector<256x1xi32> to vector<256x16xi32>
      %eq3A_297 = arith.cmpi eq, %get3A_65, %eq3A_296 : vector<256x16xi32>
      %jit3A_298 = arith.constant 0xFF800000 : f32
      %broadcast_in_dim3A_299 = vector.broadcast %jit3A_298 : f32 to vector<256x16xf32>
      %select_n3A_300 = arith.select %eq3A_297, %broadcast_in_dim3A_299, %select_n3A_260 : vector<256x16xi1>, vector<256x16xf32>
      %reduce_max3A_301 = arith.constant dense<0xFF800000> : vector<256xf32>
      %reduce_max3A_302 = vector.multi_reduction <maximumf>, %select_n3A_295, %reduce_max3A_301 [1] : vector<256x1024xf32> to vector<256xf32>
      %broadcast_in_dim3A_303 = vector.shape_cast %reduce_max3A_302 : vector<256xf32> to vector<256x1xf32>
      %reduce_max3A_304 = arith.constant dense<0xFF800000> : vector<256xf32>
      %reduce_max3A_305 = vector.multi_reduction <maximumf>, %select_n3A_300, %reduce_max3A_304 [1] : vector<256x16xf32> to vector<256xf32>
      %broadcast_in_dim3A_306 = vector.shape_cast %reduce_max3A_305 : vector<256xf32> to vector<256x1xf32>
      %max3A_307 = arith.maximumf %broadcast_in_dim3A_303, %broadcast_in_dim3A_306 : vector<256x1xf32>
      %eq3A_308 = vector.broadcast %max3A_307 : vector<256x1xf32> to vector<256x1024xf32>
      %eq3A_309 = arith.cmpf oeq, %select_n3A_295, %eq3A_308 : vector<256x1024xf32>
      %jit3A_310 = arith.constant 8192 : i32
      %broadcast_in_dim3A_311 = vector.broadcast %jit3A_310 : i32 to vector<256x1024xi32>
      %select_n3A_312 = arith.select %eq3A_309, %add3A_41, %broadcast_in_dim3A_311 : vector<256x1024xi1>, vector<256x1024xi32>
      %reduce_min3A_313 = arith.constant dense<2147483647> : vector<256xi32>
      %reduce_min3A_314 = vector.multi_reduction <minsi>, %select_n3A_312, %reduce_min3A_313 [1] : vector<256x1024xi32> to vector<256xi32>
      %broadcast_in_dim3A_315 = vector.shape_cast %reduce_min3A_314 : vector<256xi32> to vector<256x1xi32>
      %eq3A_316 = vector.broadcast %max3A_307 : vector<256x1xf32> to vector<256x16xf32>
      %eq3A_317 = arith.cmpf oeq, %select_n3A_300, %eq3A_316 : vector<256x16xf32>
      %jit3A_318 = arith.constant 8192 : i32
      %broadcast_in_dim3A_319 = vector.broadcast %jit3A_318 : i32 to vector<256x16xi32>
      %select_n3A_320 = arith.select %eq3A_317, %get3A_65, %broadcast_in_dim3A_319 : vector<256x16xi1>, vector<256x16xi32>
      %reduce_min3A_321 = arith.constant dense<2147483647> : vector<256xi32>
      %reduce_min3A_322 = vector.multi_reduction <minsi>, %select_n3A_320, %reduce_min3A_321 [1] : vector<256x16xi32> to vector<256xi32>
      %broadcast_in_dim3A_323 = vector.shape_cast %reduce_min3A_322 : vector<256xi32> to vector<256x1xi32>
      %min3A_324 = arith.minsi %broadcast_in_dim3A_315, %broadcast_in_dim3A_323 : vector<256x1xi32>
      %swap3A_325 = arith.constant 0 : index
      %swap3A_326 = arith.constant 6 : index
      %swap3A_327 = vector.load %arg8[%swap3A_325, %swap3A_326] : memref<256x16xf32, #tpu.memory_space<vmem>>, vector<256x1xf32>
      tpu.vector_store %arg8[%swap3A_325, %swap3A_326], %max3A_307 {strides = array<i32>} : memref<256x16xf32, #tpu.memory_space<vmem>>, vector<256x1xf32>,
      %swap3A_328 = arith.constant 0 : index
      %swap3A_329 = arith.constant 6 : index
      %swap3A_330 = vector.load %arg9[%swap3A_328, %swap3A_329] : memref<256x16xi32, #tpu.memory_space<vmem>>, vector<256x1xi32>
      tpu.vector_store %arg9[%swap3A_328, %swap3A_329], %min3A_324 {strides = array<i32>} : memref<256x16xi32, #tpu.memory_space<vmem>>, vector<256x1xi32>,
      %eq3A_331 = vector.broadcast %min3A_324 : vector<256x1xi32> to vector<256x1024xi32>
      %eq3A_332 = arith.cmpi eq, %add3A_41, %eq3A_331 : vector<256x1024xi32>
      %jit3A_333 = arith.constant 0xFF800000 : f32
      %broadcast_in_dim3A_334 = vector.broadcast %jit3A_333 : f32 to vector<256x1024xf32>
      %select_n3A_335 = arith.select %eq3A_332, %broadcast_in_dim3A_334, %select_n3A_295 : vector<256x1024xi1>, vector<256x1024xf32>
      %eq3A_336 = vector.broadcast %min3A_324 : vector<256x1xi32> to vector<256x16xi32>
      %eq3A_337 = arith.cmpi eq, %get3A_65, %eq3A_336 : vector<256x16xi32>
      %jit3A_338 = arith.constant 0xFF800000 : f32
      %broadcast_in_dim3A_339 = vector.broadcast %jit3A_338 : f32 to vector<256x16xf32>
      %select_n3A_340 = arith.select %eq3A_337, %broadcast_in_dim3A_339, %select_n3A_300 : vector<256x16xi1>, vector<256x16xf32>
      %reduce_max3A_341 = arith.constant dense<0xFF800000> : vector<256xf32>
      %reduce_max3A_342 = vector.multi_reduction <maximumf>, %select_n3A_335, %reduce_max3A_341 [1] : vector<256x1024xf32> to vector<256xf32>
      %broadcast_in_dim3A_343 = vector.shape_cast %reduce_max3A_342 : vector<256xf32> to vector<256x1xf32>
      %reduce_max3A_344 = arith.constant dense<0xFF800000> : vector<256xf32>
      %reduce_max3A_345 = vector.multi_reduction <maximumf>, %select_n3A_340, %reduce_max3A_344 [1] : vector<256x16xf32> to vector<256xf32>
      %broadcast_in_dim3A_346 = vector.shape_cast %reduce_max3A_345 : vector<256xf32> to vector<256x1xf32>
      %max3A_347 = arith.maximumf %broadcast_in_dim3A_343, %broadcast_in_dim3A_346 : vector<256x1xf32>
      %eq3A_348 = vector.broadcast %max3A_347 : vector<256x1xf32> to vector<256x1024xf32>
      %eq3A_349 = arith.cmpf oeq, %select_n3A_335, %eq3A_348 : vector<256x1024xf32>
      %jit3A_350 = arith.constant 8192 : i32
      %broadcast_in_dim3A_351 = vector.broadcast %jit3A_350 : i32 to vector<256x1024xi32>
      %select_n3A_352 = arith.select %eq3A_349, %add3A_41, %broadcast_in_dim3A_351 : vector<256x1024xi1>, vector<256x1024xi32>
      %reduce_min3A_353 = arith.constant dense<2147483647> : vector<256xi32>
      %reduce_min3A_354 = vector.multi_reduction <minsi>, %select_n3A_352, %reduce_min3A_353 [1] : vector<256x1024xi32> to vector<256xi32>
      %broadcast_in_dim3A_355 = vector.shape_cast %reduce_min3A_354 : vector<256xi32> to vector<256x1xi32>
      %eq3A_356 = vector.broadcast %max3A_347 : vector<256x1xf32> to vector<256x16xf32>
      %eq3A_357 = arith.cmpf oeq, %select_n3A_340, %eq3A_356 : vector<256x16xf32>
      %jit3A_358 = arith.constant 8192 : i32
      %broadcast_in_dim3A_359 = vector.broadcast %jit3A_358 : i32 to vector<256x16xi32>
      %select_n3A_360 = arith.select %eq3A_357, %get3A_65, %broadcast_in_dim3A_359 : vector<256x16xi1>, vector<256x16xi32>
      %reduce_min3A_361 = arith.constant dense<2147483647> : vector<256xi32>
      %reduce_min3A_362 = vector.multi_reduction <minsi>, %select_n3A_360, %reduce_min3A_361 [1] : vector<256x16xi32> to vector<256xi32>
      %broadcast_in_dim3A_363 = vector.shape_cast %reduce_min3A_362 : vector<256xi32> to vector<256x1xi32>
      %min3A_364 = arith.minsi %broadcast_in_dim3A_355, %broadcast_in_dim3A_363 : vector<256x1xi32>
      %swap3A_365 = arith.constant 0 : index
      %swap3A_366 = arith.constant 7 : index
      %swap3A_367 = vector.load %arg8[%swap3A_365, %swap3A_366] : memref<256x16xf32, #tpu.memory_space<vmem>>, vector<256x1xf32>
      tpu.vector_store %arg8[%swap3A_365, %swap3A_366], %max3A_347 {strides = array<i32>} : memref<256x16xf32, #tpu.memory_space<vmem>>, vector<256x1xf32>,
      %swap3A_368 = arith.constant 0 : index
      %swap3A_369 = arith.constant 7 : index
      %swap3A_370 = vector.load %arg9[%swap3A_368, %swap3A_369] : memref<256x16xi32, #tpu.memory_space<vmem>>, vector<256x1xi32>
      tpu.vector_store %arg9[%swap3A_368, %swap3A_369], %min3A_364 {strides = array<i32>} : memref<256x16xi32, #tpu.memory_space<vmem>>, vector<256x1xi32>,
      %eq3A_371 = vector.broadcast %min3A_364 : vector<256x1xi32> to vector<256x1024xi32>
      %eq3A_372 = arith.cmpi eq, %add3A_41, %eq3A_371 : vector<256x1024xi32>
      %jit3A_373 = arith.constant 0xFF800000 : f32
      %broadcast_in_dim3A_374 = vector.broadcast %jit3A_373 : f32 to vector<256x1024xf32>
      %select_n3A_375 = arith.select %eq3A_372, %broadcast_in_dim3A_374, %select_n3A_335 : vector<256x1024xi1>, vector<256x1024xf32>
      %eq3A_376 = vector.broadcast %min3A_364 : vector<256x1xi32> to vector<256x16xi32>
      %eq3A_377 = arith.cmpi eq, %get3A_65, %eq3A_376 : vector<256x16xi32>
      %jit3A_378 = arith.constant 0xFF800000 : f32
      %broadcast_in_dim3A_379 = vector.broadcast %jit3A_378 : f32 to vector<256x16xf32>
      %select_n3A_380 = arith.select %eq3A_377, %broadcast_in_dim3A_379, %select_n3A_340 : vector<256x16xi1>, vector<256x16xf32>
      %reduce_max3A_381 = arith.constant dense<0xFF800000> : vector<256xf32>
      %reduce_max3A_382 = vector.multi_reduction <maximumf>, %select_n3A_375, %reduce_max3A_381 [1] : vector<256x1024xf32> to vector<256xf32>
      %broadcast_in_dim3A_383 = vector.shape_cast %reduce_max3A_382 : vector<256xf32> to vector<256x1xf32>
      %reduce_max3A_384 = arith.constant dense<0xFF800000> : vector<256xf32>
      %reduce_max3A_385 = vector.multi_reduction <maximumf>, %select_n3A_380, %reduce_max3A_384 [1] : vector<256x16xf32> to vector<256xf32>
      %broadcast_in_dim3A_386 = vector.shape_cast %reduce_max3A_385 : vector<256xf32> to vector<256x1xf32>
      %max3A_387 = arith.maximumf %broadcast_in_dim3A_383, %broadcast_in_dim3A_386 : vector<256x1xf32>
      %eq3A_388 = vector.broadcast %max3A_387 : vector<256x1xf32> to vector<256x1024xf32>
      %eq3A_389 = arith.cmpf oeq, %select_n3A_375, %eq3A_388 : vector<256x1024xf32>
      %jit3A_390 = arith.constant 8192 : i32
      %broadcast_in_dim3A_391 = vector.broadcast %jit3A_390 : i32 to vector<256x1024xi32>
      %select_n3A_392 = arith.select %eq3A_389, %add3A_41, %broadcast_in_dim3A_391 : vector<256x1024xi1>, vector<256x1024xi32>
      %reduce_min3A_393 = arith.constant dense<2147483647> : vector<256xi32>
      %reduce_min3A_394 = vector.multi_reduction <minsi>, %select_n3A_392, %reduce_min3A_393 [1] : vector<256x1024xi32> to vector<256xi32>
      %broadcast_in_dim3A_395 = vector.shape_cast %reduce_min3A_394 : vector<256xi32> to vector<256x1xi32>
      %eq3A_396 = vector.broadcast %max3A_387 : vector<256x1xf32> to vector<256x16xf32>
      %eq3A_397 = arith.cmpf oeq, %select_n3A_380, %eq3A_396 : vector<256x16xf32>
      %jit3A_398 = arith.constant 8192 : i32
      %broadcast_in_dim3A_399 = vector.broadcast %jit3A_398 : i32 to vector<256x16xi32>
      %select_n3A_400 = arith.select %eq3A_397, %get3A_65, %broadcast_in_dim3A_399 : vector<256x16xi1>, vector<256x16xi32>
      %reduce_min3A_401 = arith.constant dense<2147483647> : vector<256xi32>
      %reduce_min3A_402 = vector.multi_reduction <minsi>, %select_n3A_400, %reduce_min3A_401 [1] : vector<256x16xi32> to vector<256xi32>
      %broadcast_in_dim3A_403 = vector.shape_cast %reduce_min3A_402 : vector<256xi32> to vector<256x1xi32>
      %min3A_404 = arith.minsi %broadcast_in_dim3A_395, %broadcast_in_dim3A_403 : vector<256x1xi32>
      %swap3A_405 = arith.constant 0 : index
      %swap3A_406 = arith.constant 8 : index
      %swap3A_407 = vector.load %arg8[%swap3A_405, %swap3A_406] : memref<256x16xf32, #tpu.memory_space<vmem>>, vector<256x1xf32>
      tpu.vector_store %arg8[%swap3A_405, %swap3A_406], %max3A_387 {strides = array<i32>} : memref<256x16xf32, #tpu.memory_space<vmem>>, vector<256x1xf32>,
      %swap3A_408 = arith.constant 0 : index
      %swap3A_409 = arith.constant 8 : index
      %swap3A_410 = vector.load %arg9[%swap3A_408, %swap3A_409] : memref<256x16xi32, #tpu.memory_space<vmem>>, vector<256x1xi32>
      tpu.vector_store %arg9[%swap3A_408, %swap3A_409], %min3A_404 {strides = array<i32>} : memref<256x16xi32, #tpu.memory_space<vmem>>, vector<256x1xi32>,
      %eq3A_411 = vector.broadcast %min3A_404 : vector<256x1xi32> to vector<256x1024xi32>
      %eq3A_412 = arith.cmpi eq, %add3A_41, %eq3A_411 : vector<256x1024xi32>
      %jit3A_413 = arith.constant 0xFF800000 : f32
      %broadcast_in_dim3A_414 = vector.broadcast %jit3A_413 : f32 to vector<256x1024xf32>
      %select_n3A_415 = arith.select %eq3A_412, %broadcast_in_dim3A_414, %select_n3A_375 : vector<256x1024xi1>, vector<256x1024xf32>
      %eq3A_416 = vector.broadcast %min3A_404 : vector<256x1xi32> to vector<256x16xi32>
      %eq3A_417 = arith.cmpi eq, %get3A_65, %eq3A_416 : vector<256x16xi32>
      %jit3A_418 = arith.constant 0xFF800000 : f32
      %broadcast_in_dim3A_419 = vector.broadcast %jit3A_418 : f32 to vector<256x16xf32>
      %select_n3A_420 = arith.select %eq3A_417, %broadcast_in_dim3A_419, %select_n3A_380 : vector<256x16xi1>, vector<256x16xf32>
      %reduce_max3A_421 = arith.constant dense<0xFF800000> : vector<256xf32>
      %reduce_max3A_422 = vector.multi_reduction <maximumf>, %select_n3A_415, %reduce_max3A_421 [1] : vector<256x1024xf32> to vector<256xf32>
      %broadcast_in_dim3A_423 = vector.shape_cast %reduce_max3A_422 : vector<256xf32> to vector<256x1xf32>
      %reduce_max3A_424 = arith.constant dense<0xFF800000> : vector<256xf32>
      %reduce_max3A_425 = vector.multi_reduction <maximumf>, %select_n3A_420, %reduce_max3A_424 [1] : vector<256x16xf32> to vector<256xf32>
      %broadcast_in_dim3A_426 = vector.shape_cast %reduce_max3A_425 : vector<256xf32> to vector<256x1xf32>
      %max3A_427 = arith.maximumf %broadcast_in_dim3A_423, %broadcast_in_dim3A_426 : vector<256x1xf32>
      %eq3A_428 = vector.broadcast %max3A_427 : vector<256x1xf32> to vector<256x1024xf32>
      %eq3A_429 = arith.cmpf oeq, %select_n3A_415, %eq3A_428 : vector<256x1024xf32>
      %jit3A_430 = arith.constant 8192 : i32
      %broadcast_in_dim3A_431 = vector.broadcast %jit3A_430 : i32 to vector<256x1024xi32>
      %select_n3A_432 = arith.select %eq3A_429, %add3A_41, %broadcast_in_dim3A_431 : vector<256x1024xi1>, vector<256x1024xi32>
      %reduce_min3A_433 = arith.constant dense<2147483647> : vector<256xi32>
      %reduce_min3A_434 = vector.multi_reduction <minsi>, %select_n3A_432, %reduce_min3A_433 [1] : vector<256x1024xi32> to vector<256xi32>
      %broadcast_in_dim3A_435 = vector.shape_cast %reduce_min3A_434 : vector<256xi32> to vector<256x1xi32>
      %eq3A_436 = vector.broadcast %max3A_427 : vector<256x1xf32> to vector<256x16xf32>
      %eq3A_437 = arith.cmpf oeq, %select_n3A_420, %eq3A_436 : vector<256x16xf32>
      %jit3A_438 = arith.constant 8192 : i32
      %broadcast_in_dim3A_439 = vector.broadcast %jit3A_438 : i32 to vector<256x16xi32>
      %select_n3A_440 = arith.select %eq3A_437, %get3A_65, %broadcast_in_dim3A_439 : vector<256x16xi1>, vector<256x16xi32>
      %reduce_min3A_441 = arith.constant dense<2147483647> : vector<256xi32>
      %reduce_min3A_442 = vector.multi_reduction <minsi>, %select_n3A_440, %reduce_min3A_441 [1] : vector<256x16xi32> to vector<256xi32>
      %broadcast_in_dim3A_443 = vector.shape_cast %reduce_min3A_442 : vector<256xi32> to vector<256x1xi32>
      %min3A_444 = arith.minsi %broadcast_in_dim3A_435, %broadcast_in_dim3A_443 : vector<256x1xi32>
      %swap3A_445 = arith.constant 0 : index
      %swap3A_446 = arith.constant 9 : index
      %swap3A_447 = vector.load %arg8[%swap3A_445, %swap3A_446] : memref<256x16xf32, #tpu.memory_space<vmem>>, vector<256x1xf32>
      tpu.vector_store %arg8[%swap3A_445, %swap3A_446], %max3A_427 {strides = array<i32>} : memref<256x16xf32, #tpu.memory_space<vmem>>, vector<256x1xf32>,
      %swap3A_448 = arith.constant 0 : index
      %swap3A_449 = arith.constant 9 : index
      %swap3A_450 = vector.load %arg9[%swap3A_448, %swap3A_449] : memref<256x16xi32, #tpu.memory_space<vmem>>, vector<256x1xi32>
      tpu.vector_store %arg9[%swap3A_448, %swap3A_449], %min3A_444 {strides = array<i32>} : memref<256x16xi32, #tpu.memory_space<vmem>>, vector<256x1xi32>,
      %eq3A_451 = vector.broadcast %min3A_444 : vector<256x1xi32> to vector<256x1024xi32>
      %eq3A_452 = arith.cmpi eq, %add3A_41, %eq3A_451 : vector<256x1024xi32>
      %jit3A_453 = arith.constant 0xFF800000 : f32
      %broadcast_in_dim3A_454 = vector.broadcast %jit3A_453 : f32 to vector<256x1024xf32>
      %select_n3A_455 = arith.select %eq3A_452, %broadcast_in_dim3A_454, %select_n3A_415 : vector<256x1024xi1>, vector<256x1024xf32>
      %eq3A_456 = vector.broadcast %min3A_444 : vector<256x1xi32> to vector<256x16xi32>
      %eq3A_457 = arith.cmpi eq, %get3A_65, %eq3A_456 : vector<256x16xi32>
      %jit3A_458 = arith.constant 0xFF800000 : f32
      %broadcast_in_dim3A_459 = vector.broadcast %jit3A_458 : f32 to vector<256x16xf32>
      %select_n3A_460 = arith.select %eq3A_457, %broadcast_in_dim3A_459, %select_n3A_420 : vector<256x16xi1>, vector<256x16xf32>
      %reduce_max3A_461 = arith.constant dense<0xFF800000> : vector<256xf32>
      %reduce_max3A_462 = vector.multi_reduction <maximumf>, %select_n3A_455, %reduce_max3A_461 [1] : vector<256x1024xf32> to vector<256xf32>
      %broadcast_in_dim3A_463 = vector.shape_cast %reduce_max3A_462 : vector<256xf32> to vector<256x1xf32>
      %reduce_max3A_464 = arith.constant dense<0xFF800000> : vector<256xf32>
      %reduce_max3A_465 = vector.multi_reduction <maximumf>, %select_n3A_460, %reduce_max3A_464 [1] : vector<256x16xf32> to vector<256xf32>
      %broadcast_in_dim3A_466 = vector.shape_cast %reduce_max3A_465 : vector<256xf32> to vector<256x1xf32>
      %max3A_467 = arith.maximumf %broadcast_in_dim3A_463, %broadcast_in_dim3A_466 : vector<256x1xf32>
      %eq3A_468 = vector.broadcast %max3A_467 : vector<256x1xf32> to vector<256x1024xf32>
      %eq3A_469 = arith.cmpf oeq, %select_n3A_455, %eq3A_468 : vector<256x1024xf32>
      %jit3A_470 = arith.constant 8192 : i32
      %broadcast_in_dim3A_471 = vector.broadcast %jit3A_470 : i32 to vector<256x1024xi32>
      %select_n3A_472 = arith.select %eq3A_469, %add3A_41, %broadcast_in_dim3A_471 : vector<256x1024xi1>, vector<256x1024xi32>
      %reduce_min3A_473 = arith.constant dense<2147483647> : vector<256xi32>
      %reduce_min3A_474 = vector.multi_reduction <minsi>, %select_n3A_472, %reduce_min3A_473 [1] : vector<256x1024xi32> to vector<256xi32>
      %broadcast_in_dim3A_475 = vector.shape_cast %reduce_min3A_474 : vector<256xi32> to vector<256x1xi32>
      %eq3A_476 = vector.broadcast %max3A_467 : vector<256x1xf32> to vector<256x16xf32>
      %eq3A_477 = arith.cmpf oeq, %select_n3A_460, %eq3A_476 : vector<256x16xf32>
      %jit3A_478 = arith.constant 8192 : i32
      %broadcast_in_dim3A_479 = vector.broadcast %jit3A_478 : i32 to vector<256x16xi32>
      %select_n3A_480 = arith.select %eq3A_477, %get3A_65, %broadcast_in_dim3A_479 : vector<256x16xi1>, vector<256x16xi32>
      %reduce_min3A_481 = arith.constant dense<2147483647> : vector<256xi32>
      %reduce_min3A_482 = vector.multi_reduction <minsi>, %select_n3A_480, %reduce_min3A_481 [1] : vector<256x16xi32> to vector<256xi32>
      %broadcast_in_dim3A_483 = vector.shape_cast %reduce_min3A_482 : vector<256xi32> to vector<256x1xi32>
      %min3A_484 = arith.minsi %broadcast_in_dim3A_475, %broadcast_in_dim3A_483 : vector<256x1xi32>
      %swap3A_485 = arith.constant 0 : index
      %swap3A_486 = arith.constant 10 : index
      %swap3A_487 = vector.load %arg8[%swap3A_485, %swap3A_486] : memref<256x16xf32, #tpu.memory_space<vmem>>, vector<256x1xf32>
      tpu.vector_store %arg8[%swap3A_485, %swap3A_486], %max3A_467 {strides = array<i32>} : memref<256x16xf32, #tpu.memory_space<vmem>>, vector<256x1xf32>,
      %swap3A_488 = arith.constant 0 : index
      %swap3A_489 = arith.constant 10 : index
      %swap3A_490 = vector.load %arg9[%swap3A_488, %swap3A_489] : memref<256x16xi32, #tpu.memory_space<vmem>>, vector<256x1xi32>
      tpu.vector_store %arg9[%swap3A_488, %swap3A_489], %min3A_484 {strides = array<i32>} : memref<256x16xi32, #tpu.memory_space<vmem>>, vector<256x1xi32>,
      %eq3A_491 = vector.broadcast %min3A_484 : vector<256x1xi32> to vector<256x1024xi32>
      %eq3A_492 = arith.cmpi eq, %add3A_41, %eq3A_491 : vector<256x1024xi32>
      %jit3A_493 = arith.constant 0xFF800000 : f32
      %broadcast_in_dim3A_494 = vector.broadcast %jit3A_493 : f32 to vector<256x1024xf32>
      %select_n3A_495 = arith.select %eq3A_492, %broadcast_in_dim3A_494, %select_n3A_455 : vector<256x1024xi1>, vector<256x1024xf32>
      %eq3A_496 = vector.broadcast %min3A_484 : vector<256x1xi32> to vector<256x16xi32>
      %eq3A_497 = arith.cmpi eq, %get3A_65, %eq3A_496 : vector<256x16xi32>
      %jit3A_498 = arith.constant 0xFF800000 : f32
      %broadcast_in_dim3A_499 = vector.broadcast %jit3A_498 : f32 to vector<256x16xf32>
      %select_n3A_500 = arith.select %eq3A_497, %broadcast_in_dim3A_499, %select_n3A_460 : vector<256x16xi1>, vector<256x16xf32>
      %reduce_max3A_501 = arith.constant dense<0xFF800000> : vector<256xf32>
      %reduce_max3A_502 = vector.multi_reduction <maximumf>, %select_n3A_495, %reduce_max3A_501 [1] : vector<256x1024xf32> to vector<256xf32>
      %broadcast_in_dim3A_503 = vector.shape_cast %reduce_max3A_502 : vector<256xf32> to vector<256x1xf32>
      %reduce_max3A_504 = arith.constant dense<0xFF800000> : vector<256xf32>
      %reduce_max3A_505 = vector.multi_reduction <maximumf>, %select_n3A_500, %reduce_max3A_504 [1] : vector<256x16xf32> to vector<256xf32>
      %broadcast_in_dim3A_506 = vector.shape_cast %reduce_max3A_505 : vector<256xf32> to vector<256x1xf32>
      %max3A_507 = arith.maximumf %broadcast_in_dim3A_503, %broadcast_in_dim3A_506 : vector<256x1xf32>
      %eq3A_508 = vector.broadcast %max3A_507 : vector<256x1xf32> to vector<256x1024xf32>
      %eq3A_509 = arith.cmpf oeq, %select_n3A_495, %eq3A_508 : vector<256x1024xf32>
      %jit3A_510 = arith.constant 8192 : i32
      %broadcast_in_dim3A_511 = vector.broadcast %jit3A_510 : i32 to vector<256x1024xi32>
      %select_n3A_512 = arith.select %eq3A_509, %add3A_41, %broadcast_in_dim3A_511 : vector<256x1024xi1>, vector<256x1024xi32>
      %reduce_min3A_513 = arith.constant dense<2147483647> : vector<256xi32>
      %reduce_min3A_514 = vector.multi_reduction <minsi>, %select_n3A_512, %reduce_min3A_513 [1] : vector<256x1024xi32> to vector<256xi32>
      %broadcast_in_dim3A_515 = vector.shape_cast %reduce_min3A_514 : vector<256xi32> to vector<256x1xi32>
      %eq3A_516 = vector.broadcast %max3A_507 : vector<256x1xf32> to vector<256x16xf32>
      %eq3A_517 = arith.cmpf oeq, %select_n3A_500, %eq3A_516 : vector<256x16xf32>
      %jit3A_518 = arith.constant 8192 : i32
      %broadcast_in_dim3A_519 = vector.broadcast %jit3A_518 : i32 to vector<256x16xi32>
      %select_n3A_520 = arith.select %eq3A_517, %get3A_65, %broadcast_in_dim3A_519 : vector<256x16xi1>, vector<256x16xi32>
      %reduce_min3A_521 = arith.constant dense<2147483647> : vector<256xi32>
      %reduce_min3A_522 = vector.multi_reduction <minsi>, %select_n3A_520, %reduce_min3A_521 [1] : vector<256x16xi32> to vector<256xi32>
      %broadcast_in_dim3A_523 = vector.shape_cast %reduce_min3A_522 : vector<256xi32> to vector<256x1xi32>
      %min3A_524 = arith.minsi %broadcast_in_dim3A_515, %broadcast_in_dim3A_523 : vector<256x1xi32>
      %swap3A_525 = arith.constant 0 : index
      %swap3A_526 = arith.constant 11 : index
      %swap3A_527 = vector.load %arg8[%swap3A_525, %swap3A_526] : memref<256x16xf32, #tpu.memory_space<vmem>>, vector<256x1xf32>
      tpu.vector_store %arg8[%swap3A_525, %swap3A_526], %max3A_507 {strides = array<i32>} : memref<256x16xf32, #tpu.memory_space<vmem>>, vector<256x1xf32>,
      %swap3A_528 = arith.constant 0 : index
      %swap3A_529 = arith.constant 11 : index
      %swap3A_530 = vector.load %arg9[%swap3A_528, %swap3A_529] : memref<256x16xi32, #tpu.memory_space<vmem>>, vector<256x1xi32>
      tpu.vector_store %arg9[%swap3A_528, %swap3A_529], %min3A_524 {strides = array<i32>} : memref<256x16xi32, #tpu.memory_space<vmem>>, vector<256x1xi32>,
      %eq3A_531 = vector.broadcast %min3A_524 : vector<256x1xi32> to vector<256x1024xi32>
      %eq3A_532 = arith.cmpi eq, %add3A_41, %eq3A_531 : vector<256x1024xi32>
      %jit3A_533 = arith.constant 0xFF800000 : f32
      %broadcast_in_dim3A_534 = vector.broadcast %jit3A_533 : f32 to vector<256x1024xf32>
      %select_n3A_535 = arith.select %eq3A_532, %broadcast_in_dim3A_534, %select_n3A_495 : vector<256x1024xi1>, vector<256x1024xf32>
      %eq3A_536 = vector.broadcast %min3A_524 : vector<256x1xi32> to vector<256x16xi32>
      %eq3A_537 = arith.cmpi eq, %get3A_65, %eq3A_536 : vector<256x16xi32>
      %jit3A_538 = arith.constant 0xFF800000 : f32
      %broadcast_in_dim3A_539 = vector.broadcast %jit3A_538 : f32 to vector<256x16xf32>
      %select_n3A_540 = arith.select %eq3A_537, %broadcast_in_dim3A_539, %select_n3A_500 : vector<256x16xi1>, vector<256x16xf32>
      %reduce_max3A_541 = arith.constant dense<0xFF800000> : vector<256xf32>
      %reduce_max3A_542 = vector.multi_reduction <maximumf>, %select_n3A_535, %reduce_max3A_541 [1] : vector<256x1024xf32> to vector<256xf32>
      %broadcast_in_dim3A_543 = vector.shape_cast %reduce_max3A_542 : vector<256xf32> to vector<256x1xf32>
      %reduce_max3A_544 = arith.constant dense<0xFF800000> : vector<256xf32>
      %reduce_max3A_545 = vector.multi_reduction <maximumf>, %select_n3A_540, %reduce_max3A_544 [1] : vector<256x16xf32> to vector<256xf32>
      %broadcast_in_dim3A_546 = vector.shape_cast %reduce_max3A_545 : vector<256xf32> to vector<256x1xf32>
      %max3A_547 = arith.maximumf %broadcast_in_dim3A_543, %broadcast_in_dim3A_546 : vector<256x1xf32>
      %eq3A_548 = vector.broadcast %max3A_547 : vector<256x1xf32> to vector<256x1024xf32>
      %eq3A_549 = arith.cmpf oeq, %select_n3A_535, %eq3A_548 : vector<256x1024xf32>
      %jit3A_550 = arith.constant 8192 : i32
      %broadcast_in_dim3A_551 = vector.broadcast %jit3A_550 : i32 to vector<256x1024xi32>
      %select_n3A_552 = arith.select %eq3A_549, %add3A_41, %broadcast_in_dim3A_551 : vector<256x1024xi1>, vector<256x1024xi32>
      %reduce_min3A_553 = arith.constant dense<2147483647> : vector<256xi32>
      %reduce_min3A_554 = vector.multi_reduction <minsi>, %select_n3A_552, %reduce_min3A_553 [1] : vector<256x1024xi32> to vector<256xi32>
      %broadcast_in_dim3A_555 = vector.shape_cast %reduce_min3A_554 : vector<256xi32> to vector<256x1xi32>
      %eq3A_556 = vector.broadcast %max3A_547 : vector<256x1xf32> to vector<256x16xf32>
      %eq3A_557 = arith.cmpf oeq, %select_n3A_540, %eq3A_556 : vector<256x16xf32>
      %jit3A_558 = arith.constant 8192 : i32
      %broadcast_in_dim3A_559 = vector.broadcast %jit3A_558 : i32 to vector<256x16xi32>
      %select_n3A_560 = arith.select %eq3A_557, %get3A_65, %broadcast_in_dim3A_559 : vector<256x16xi1>, vector<256x16xi32>
      %reduce_min3A_561 = arith.constant dense<2147483647> : vector<256xi32>
      %reduce_min3A_562 = vector.multi_reduction <minsi>, %select_n3A_560, %reduce_min3A_561 [1] : vector<256x16xi32> to vector<256xi32>
      %broadcast_in_dim3A_563 = vector.shape_cast %reduce_min3A_562 : vector<256xi32> to vector<256x1xi32>
      %min3A_564 = arith.minsi %broadcast_in_dim3A_555, %broadcast_in_dim3A_563 : vector<256x1xi32>
      %swap3A_565 = arith.constant 0 : index
      %swap3A_566 = arith.constant 12 : index
      %swap3A_567 = vector.load %arg8[%swap3A_565, %swap3A_566] : memref<256x16xf32, #tpu.memory_space<vmem>>, vector<256x1xf32>
      tpu.vector_store %arg8[%swap3A_565, %swap3A_566], %max3A_547 {strides = array<i32>} : memref<256x16xf32, #tpu.memory_space<vmem>>, vector<256x1xf32>,
      %swap3A_568 = arith.constant 0 : index
      %swap3A_569 = arith.constant 12 : index
      %swap3A_570 = vector.load %arg9[%swap3A_568, %swap3A_569] : memref<256x16xi32, #tpu.memory_space<vmem>>, vector<256x1xi32>
      tpu.vector_store %arg9[%swap3A_568, %swap3A_569], %min3A_564 {strides = array<i32>} : memref<256x16xi32, #tpu.memory_space<vmem>>, vector<256x1xi32>,
      %eq3A_571 = vector.broadcast %min3A_564 : vector<256x1xi32> to vector<256x1024xi32>
      %eq3A_572 = arith.cmpi eq, %add3A_41, %eq3A_571 : vector<256x1024xi32>
      %jit3A_573 = arith.constant 0xFF800000 : f32
      %broadcast_in_dim3A_574 = vector.broadcast %jit3A_573 : f32 to vector<256x1024xf32>
      %select_n3A_575 = arith.select %eq3A_572, %broadcast_in_dim3A_574, %select_n3A_535 : vector<256x1024xi1>, vector<256x1024xf32>
      %eq3A_576 = vector.broadcast %min3A_564 : vector<256x1xi32> to vector<256x16xi32>
      %eq3A_577 = arith.cmpi eq, %get3A_65, %eq3A_576 : vector<256x16xi32>
      %jit3A_578 = arith.constant 0xFF800000 : f32
      %broadcast_in_dim3A_579 = vector.broadcast %jit3A_578 : f32 to vector<256x16xf32>
      %select_n3A_580 = arith.select %eq3A_577, %broadcast_in_dim3A_579, %select_n3A_540 : vector<256x16xi1>, vector<256x16xf32>
      %reduce_max3A_581 = arith.constant dense<0xFF800000> : vector<256xf32>
      %reduce_max3A_582 = vector.multi_reduction <maximumf>, %select_n3A_575, %reduce_max3A_581 [1] : vector<256x1024xf32> to vector<256xf32>
      %broadcast_in_dim3A_583 = vector.shape_cast %reduce_max3A_582 : vector<256xf32> to vector<256x1xf32>
      %reduce_max3A_584 = arith.constant dense<0xFF800000> : vector<256xf32>
      %reduce_max3A_585 = vector.multi_reduction <maximumf>, %select_n3A_580, %reduce_max3A_584 [1] : vector<256x16xf32> to vector<256xf32>
      %broadcast_in_dim3A_586 = vector.shape_cast %reduce_max3A_585 : vector<256xf32> to vector<256x1xf32>
      %max3A_587 = arith.maximumf %broadcast_in_dim3A_583, %broadcast_in_dim3A_586 : vector<256x1xf32>
      %eq3A_588 = vector.broadcast %max3A_587 : vector<256x1xf32> to vector<256x1024xf32>
      %eq3A_589 = arith.cmpf oeq, %select_n3A_575, %eq3A_588 : vector<256x1024xf32>
      %jit3A_590 = arith.constant 8192 : i32
      %broadcast_in_dim3A_591 = vector.broadcast %jit3A_590 : i32 to vector<256x1024xi32>
      %select_n3A_592 = arith.select %eq3A_589, %add3A_41, %broadcast_in_dim3A_591 : vector<256x1024xi1>, vector<256x1024xi32>
      %reduce_min3A_593 = arith.constant dense<2147483647> : vector<256xi32>
      %reduce_min3A_594 = vector.multi_reduction <minsi>, %select_n3A_592, %reduce_min3A_593 [1] : vector<256x1024xi32> to vector<256xi32>
      %broadcast_in_dim3A_595 = vector.shape_cast %reduce_min3A_594 : vector<256xi32> to vector<256x1xi32>
      %eq3A_596 = vector.broadcast %max3A_587 : vector<256x1xf32> to vector<256x16xf32>
      %eq3A_597 = arith.cmpf oeq, %select_n3A_580, %eq3A_596 : vector<256x16xf32>
      %jit3A_598 = arith.constant 8192 : i32
      %broadcast_in_dim3A_599 = vector.broadcast %jit3A_598 : i32 to vector<256x16xi32>
      %select_n3A_600 = arith.select %eq3A_597, %get3A_65, %broadcast_in_dim3A_599 : vector<256x16xi1>, vector<256x16xi32>
      %reduce_min3A_601 = arith.constant dense<2147483647> : vector<256xi32>
      %reduce_min3A_602 = vector.multi_reduction <minsi>, %select_n3A_600, %reduce_min3A_601 [1] : vector<256x16xi32> to vector<256xi32>
      %broadcast_in_dim3A_603 = vector.shape_cast %reduce_min3A_602 : vector<256xi32> to vector<256x1xi32>
      %min3A_604 = arith.minsi %broadcast_in_dim3A_595, %broadcast_in_dim3A_603 : vector<256x1xi32>
      %swap3A_605 = arith.constant 0 : index
      %swap3A_606 = arith.constant 13 : index
      %swap3A_607 = vector.load %arg8[%swap3A_605, %swap3A_606] : memref<256x16xf32, #tpu.memory_space<vmem>>, vector<256x1xf32>
      tpu.vector_store %arg8[%swap3A_605, %swap3A_606], %max3A_587 {strides = array<i32>} : memref<256x16xf32, #tpu.memory_space<vmem>>, vector<256x1xf32>,
      %swap3A_608 = arith.constant 0 : index
      %swap3A_609 = arith.constant 13 : index
      %swap3A_610 = vector.load %arg9[%swap3A_608, %swap3A_609] : memref<256x16xi32, #tpu.memory_space<vmem>>, vector<256x1xi32>
      tpu.vector_store %arg9[%swap3A_608, %swap3A_609], %min3A_604 {strides = array<i32>} : memref<256x16xi32, #tpu.memory_space<vmem>>, vector<256x1xi32>,
      %eq3A_611 = vector.broadcast %min3A_604 : vector<256x1xi32> to vector<256x1024xi32>
      %eq3A_612 = arith.cmpi eq, %add3A_41, %eq3A_611 : vector<256x1024xi32>
      %jit3A_613 = arith.constant 0xFF800000 : f32
      %broadcast_in_dim3A_614 = vector.broadcast %jit3A_613 : f32 to vector<256x1024xf32>
      %select_n3A_615 = arith.select %eq3A_612, %broadcast_in_dim3A_614, %select_n3A_575 : vector<256x1024xi1>, vector<256x1024xf32>
      %eq3A_616 = vector.broadcast %min3A_604 : vector<256x1xi32> to vector<256x16xi32>
      %eq3A_617 = arith.cmpi eq, %get3A_65, %eq3A_616 : vector<256x16xi32>
      %jit3A_618 = arith.constant 0xFF800000 : f32
      %broadcast_in_dim3A_619 = vector.broadcast %jit3A_618 : f32 to vector<256x16xf32>
      %select_n3A_620 = arith.select %eq3A_617, %broadcast_in_dim3A_619, %select_n3A_580 : vector<256x16xi1>, vector<256x16xf32>
      %reduce_max3A_621 = arith.constant dense<0xFF800000> : vector<256xf32>
      %reduce_max3A_622 = vector.multi_reduction <maximumf>, %select_n3A_615, %reduce_max3A_621 [1] : vector<256x1024xf32> to vector<256xf32>
      %broadcast_in_dim3A_623 = vector.shape_cast %reduce_max3A_622 : vector<256xf32> to vector<256x1xf32>
      %reduce_max3A_624 = arith.constant dense<0xFF800000> : vector<256xf32>
      %reduce_max3A_625 = vector.multi_reduction <maximumf>, %select_n3A_620, %reduce_max3A_624 [1] : vector<256x16xf32> to vector<256xf32>
      %broadcast_in_dim3A_626 = vector.shape_cast %reduce_max3A_625 : vector<256xf32> to vector<256x1xf32>
      %max3A_627 = arith.maximumf %broadcast_in_dim3A_623, %broadcast_in_dim3A_626 : vector<256x1xf32>
      %eq3A_628 = vector.broadcast %max3A_627 : vector<256x1xf32> to vector<256x1024xf32>
      %eq3A_629 = arith.cmpf oeq, %select_n3A_615, %eq3A_628 : vector<256x1024xf32>
      %jit3A_630 = arith.constant 8192 : i32
      %broadcast_in_dim3A_631 = vector.broadcast %jit3A_630 : i32 to vector<256x1024xi32>
      %select_n3A_632 = arith.select %eq3A_629, %add3A_41, %broadcast_in_dim3A_631 : vector<256x1024xi1>, vector<256x1024xi32>
      %reduce_min3A_633 = arith.constant dense<2147483647> : vector<256xi32>
      %reduce_min3A_634 = vector.multi_reduction <minsi>, %select_n3A_632, %reduce_min3A_633 [1] : vector<256x1024xi32> to vector<256xi32>
      %broadcast_in_dim3A_635 = vector.shape_cast %reduce_min3A_634 : vector<256xi32> to vector<256x1xi32>
      %eq3A_636 = vector.broadcast %max3A_627 : vector<256x1xf32> to vector<256x16xf32>
      %eq3A_637 = arith.cmpf oeq, %select_n3A_620, %eq3A_636 : vector<256x16xf32>
      %jit3A_638 = arith.constant 8192 : i32
      %broadcast_in_dim3A_639 = vector.broadcast %jit3A_638 : i32 to vector<256x16xi32>
      %select_n3A_640 = arith.select %eq3A_637, %get3A_65, %broadcast_in_dim3A_639 : vector<256x16xi1>, vector<256x16xi32>
      %reduce_min3A_641 = arith.constant dense<2147483647> : vector<256xi32>
      %reduce_min3A_642 = vector.multi_reduction <minsi>, %select_n3A_640, %reduce_min3A_641 [1] : vector<256x16xi32> to vector<256xi32>
      %broadcast_in_dim3A_643 = vector.shape_cast %reduce_min3A_642 : vector<256xi32> to vector<256x1xi32>
      %min3A_644 = arith.minsi %broadcast_in_dim3A_635, %broadcast_in_dim3A_643 : vector<256x1xi32>
      %swap3A_645 = arith.constant 0 : index
      %swap3A_646 = arith.constant 14 : index
      %swap3A_647 = vector.load %arg8[%swap3A_645, %swap3A_646] : memref<256x16xf32, #tpu.memory_space<vmem>>, vector<256x1xf32>
      tpu.vector_store %arg8[%swap3A_645, %swap3A_646], %max3A_627 {strides = array<i32>} : memref<256x16xf32, #tpu.memory_space<vmem>>, vector<256x1xf32>,
      %swap3A_648 = arith.constant 0 : index
      %swap3A_649 = arith.constant 14 : index
      %swap3A_650 = vector.load %arg9[%swap3A_648, %swap3A_649] : memref<256x16xi32, #tpu.memory_space<vmem>>, vector<256x1xi32>
      tpu.vector_store %arg9[%swap3A_648, %swap3A_649], %min3A_644 {strides = array<i32>} : memref<256x16xi32, #tpu.memory_space<vmem>>, vector<256x1xi32>,
      %eq3A_651 = vector.broadcast %min3A_644 : vector<256x1xi32> to vector<256x1024xi32>
      %eq3A_652 = arith.cmpi eq, %add3A_41, %eq3A_651 : vector<256x1024xi32>
      %jit3A_653 = arith.constant 0xFF800000 : f32
      %broadcast_in_dim3A_654 = vector.broadcast %jit3A_653 : f32 to vector<256x1024xf32>
      %select_n3A_655 = arith.select %eq3A_652, %broadcast_in_dim3A_654, %select_n3A_615 : vector<256x1024xi1>, vector<256x1024xf32>
      %eq3A_656 = vector.broadcast %min3A_644 : vector<256x1xi32> to vector<256x16xi32>
      %eq3A_657 = arith.cmpi eq, %get3A_65, %eq3A_656 : vector<256x16xi32>
      %jit3A_658 = arith.constant 0xFF800000 : f32
      %broadcast_in_dim3A_659 = vector.broadcast %jit3A_658 : f32 to vector<256x16xf32>
      %select_n3A_660 = arith.select %eq3A_657, %broadcast_in_dim3A_659, %select_n3A_620 : vector<256x16xi1>, vector<256x16xf32>
      %reduce_max3A_661 = arith.constant dense<0xFF800000> : vector<256xf32>
      %reduce_max3A_662 = vector.multi_reduction <maximumf>, %select_n3A_655, %reduce_max3A_661 [1] : vector<256x1024xf32> to vector<256xf32>
      %broadcast_in_dim3A_663 = vector.shape_cast %reduce_max3A_662 : vector<256xf32> to vector<256x1xf32>
      %reduce_max3A_664 = arith.constant dense<0xFF800000> : vector<256xf32>
      %reduce_max3A_665 = vector.multi_reduction <maximumf>, %select_n3A_660, %reduce_max3A_664 [1] : vector<256x16xf32> to vector<256xf32>
      %broadcast_in_dim3A_666 = vector.shape_cast %reduce_max3A_665 : vector<256xf32> to vector<256x1xf32>
      %max3A_667 = arith.maximumf %broadcast_in_dim3A_663, %broadcast_in_dim3A_666 : vector<256x1xf32>
      %eq3A_668 = vector.broadcast %max3A_667 : vector<256x1xf32> to vector<256x1024xf32>
      %eq3A_669 = arith.cmpf oeq, %select_n3A_655, %eq3A_668 : vector<256x1024xf32>
      %jit3A_670 = arith.constant 8192 : i32
      %broadcast_in_dim3A_671 = vector.broadcast %jit3A_670 : i32 to vector<256x1024xi32>
      %select_n3A_672 = arith.select %eq3A_669, %add3A_41, %broadcast_in_dim3A_671 : vector<256x1024xi1>, vector<256x1024xi32>
      %reduce_min3A_673 = arith.constant dense<2147483647> : vector<256xi32>
      %reduce_min3A_674 = vector.multi_reduction <minsi>, %select_n3A_672, %reduce_min3A_673 [1] : vector<256x1024xi32> to vector<256xi32>
      %broadcast_in_dim3A_675 = vector.shape_cast %reduce_min3A_674 : vector<256xi32> to vector<256x1xi32>
      %eq3A_676 = vector.broadcast %max3A_667 : vector<256x1xf32> to vector<256x16xf32>
      %eq3A_677 = arith.cmpf oeq, %select_n3A_660, %eq3A_676 : vector<256x16xf32>
      %jit3A_678 = arith.constant 8192 : i32
      %broadcast_in_dim3A_679 = vector.broadcast %jit3A_678 : i32 to vector<256x16xi32>
      %select_n3A_680 = arith.select %eq3A_677, %get3A_65, %broadcast_in_dim3A_679 : vector<256x16xi1>, vector<256x16xi32>
      %reduce_min3A_681 = arith.constant dense<2147483647> : vector<256xi32>
      %reduce_min3A_682 = vector.multi_reduction <minsi>, %select_n3A_680, %reduce_min3A_681 [1] : vector<256x16xi32> to vector<256xi32>
      %broadcast_in_dim3A_683 = vector.shape_cast %reduce_min3A_682 : vector<256xi32> to vector<256x1xi32>
      %min3A_684 = arith.minsi %broadcast_in_dim3A_675, %broadcast_in_dim3A_683 : vector<256x1xi32>
      %swap3A_685 = arith.constant 0 : index
      %swap3A_686 = arith.constant 15 : index
      %swap3A_687 = vector.load %arg8[%swap3A_685, %swap3A_686] : memref<256x16xf32, #tpu.memory_space<vmem>>, vector<256x1xf32>
      tpu.vector_store %arg8[%swap3A_685, %swap3A_686], %max3A_667 {strides = array<i32>} : memref<256x16xf32, #tpu.memory_space<vmem>>, vector<256x1xf32>,
      %swap3A_688 = arith.constant 0 : index
      %swap3A_689 = arith.constant 15 : index
      %swap3A_690 = vector.load %arg9[%swap3A_688, %swap3A_689] : memref<256x16xi32, #tpu.memory_space<vmem>>, vector<256x1xi32>
      tpu.vector_store %arg9[%swap3A_688, %swap3A_689], %min3A_684 {strides = array<i32>} : memref<256x16xi32, #tpu.memory_space<vmem>>, vector<256x1xi32>,
    } else {
    }
    %eq3A_14 = arith.constant 3 : i32
    %eq3A_15 = arith.cmpi eq, %arg1, %eq3A_14 : i32
    %convert_element_type3A_16 = arith.extui %eq3A_15 : i1 to i32
    %cond3A_17 = arith.constant 0 : i32
    %cond3A_18 = arith.cmpi ne, %convert_element_type3A_16, %cond3A_17 : i32
    scf.if %cond3A_18 {
      %get3A_19 = arith.constant 0 : index
      %get3A_20 = arith.constant 0 : index
      %get3A_21 = vector.load %arg9[%get3A_19, %get3A_20] : memref<256x16xi32, #tpu.memory_space<vmem>>, vector<256x16xi32>
      %swap3A = arith.constant 0 : index
      %swap3A_22 = arith.constant 0 : index
      %swap3A_23 = vector.load %arg7[%swap3A, %swap3A_22] : memref<256x16xi32, #tpu.memory_space<vmem>>, vector<256x16xi32>
      tpu.vector_store %arg7[%swap3A, %swap3A_22], %get3A_21 {strides = array<i32>} : memref<256x16xi32, #tpu.memory_space<vmem>>, vector<256x16xi32>,
    } else {
    }
    return
  }
  func.func @transform_0(%arg0: i32, %arg1: i32, %arg2: memref<32xi32, #tpu.memory_space<smem>>) -> (i32, i32) {
    %c0_i32 = arith.constant 0 : i32
    %c0_i32_0 = arith.constant 0 : i32
    return %arg0, %c0_i32 : i32, i32
  }
  func.func @transform_1(%arg0: i32, %arg1: i32, %arg2: memref<32xi32, #tpu.memory_space<smem>>) -> (i32, i32) {
    %c0_i32 = arith.constant 0 : i32
    %c0_i32_0 = arith.constant 0 : i32
    return %c0_i32, %arg1 : i32, i32
  }
  func.func @transform_2(%arg0: i32, %arg1: i32, %arg2: memref<32xi32, #tpu.memory_space<smem>>) -> (i32, i32) {
    %c0_i32 = arith.constant 0 : i32
    %c0_i32_0 = arith.constant 0 : i32
    return %arg0, %c0_i32 : i32, i32
  }
  func.func @transform_3(%arg0: i32, %arg1: i32, %arg2: memref<32xi32, #tpu.memory_space<smem>>) -> (i32, i32) {
    %c0_i32 = arith.constant 0 : i32
    %c0_i32_0 = arith.constant 0 : i32
    return %c0_i32, %arg1 : i32, i32
  }
  func.func @transform_4(%arg0: i32, %arg1: i32, %arg2: memref<32xi32, #tpu.memory_space<smem>>) -> (i32, i32) {
    %c0_i32 = arith.constant 0 : i32
    %c0_i32_0 = arith.constant 0 : i32
    return %arg0, %c0_i32 : i32, i32
  }
}

module attributes {stable_mosaic.version = 14 : i64} {
  func.func @_conv_body(%arg0: i32, %arg1: memref<256x64xf32, #tpu.memory_space<vmem>>, %arg2: memref<16x256x128xf32, #tpu.memory_space<vmem>>, %arg3: memref<128x256xf32, #tpu.memory_space<vmem>>, %arg4: memref<1x256xf32, #tpu.memory_space<vmem>>, %arg5: memref<256x256xf32, #tpu.memory_space<vmem>>, %arg6: memref<1x256xf32, #tpu.memory_space<vmem>>, %arg7: memref<256x256xf32, #tpu.memory_space<vmem>>) attributes {dimension_semantics = [#tpu.dimension_semantics<arbitrary>], iteration_bounds = array<i64: 16>, scalar_prefetch = 0 : i64, scratch_operands = 0 : i64, tpu.core_type = #tpu.core_type<tc>, window_params = [{transform_indices = @transform_0, window_bounds = array<i64: 256, 64>}, {transform_indices = @transform_1, window_bounds = array<i64: 16, 256, 128>}, {pipeline_mode = #tpu.pipeline_mode<synchronous>, transform_indices = @transform_2, window_bounds = array<i64: 128, 256>}, {pipeline_mode = #tpu.pipeline_mode<synchronous>, transform_indices = @transform_3, window_bounds = array<i64: 1, 256>}, {pipeline_mode = #tpu.pipeline_mode<synchronous>, transform_indices = @transform_4, window_bounds = array<i64: 256, 256>}, {pipeline_mode = #tpu.pipeline_mode<synchronous>, transform_indices = @transform_5, window_bounds = array<i64: 1, 256>}, {transform_indices = @transform_6, window_bounds = array<i64: 256, 256>}]} {
    %get3A = arith.constant 0 : index
    %get3A_0 = arith.constant 0 : index
    %get3A_1 = vector.load %arg1[%get3A, %get3A_0] : memref<256x64xf32, #tpu.memory_space<vmem>>, vector<256x64xf32>
    %get3A_2 = arith.constant 0 : index
    %get3A_3 = arith.constant 0 : index
    %get3A_4 = vector.load %arg3[%get3A_2, %get3A_3] : memref<128x256xf32, #tpu.memory_space<vmem>>, vector<128x256xf32>
    %get3A_5 = arith.constant 0 : index
    %get3A_6 = arith.constant 0 : index
    %get3A_7 = vector.load %arg5[%get3A_5, %get3A_6] : memref<256x256xf32, #tpu.memory_space<vmem>>, vector<256x256xf32>
    %get3A_8 = arith.constant 0 : index
    %get3A_9 = arith.constant 0 : index
    %get3A_10 = vector.load %arg4[%get3A_8, %get3A_9] : memref<1x256xf32, #tpu.memory_space<vmem>>, vector<1x256xf32>
    %broadcast_in_dim3A = arith.constant 0xFF800000 : f32
    %broadcast_in_dim3A_11 = vector.broadcast %broadcast_in_dim3A : f32 to vector<256x256xf32>
    %get3A_12 = arith.constant 0 : index
    %get3A_13 = arith.constant 0 : index
    %get3A_14 = arith.constant 0 : index
    %get3A_15 = vector.load %arg2[%get3A_12, %get3A_13, %get3A_14] : memref<16x256x128xf32, #tpu.memory_space<vmem>>, vector<1x256x128xf32>
    %get3A_16 = vector.shape_cast %get3A_15 : vector<1x256x128xf32> to vector<256x128xf32>
    %slice3A = vector.extract_strided_slice %get3A_16 {offsets = [0, 0], sizes = [256, 64], strides = [1, 1]} : vector<256x128xf32> to vector<256x64xf32>
    %sub3A = arith.subf %slice3A, %get3A_1 : vector<256x64xf32>
    %concatenate3A = tpu.concatenate %get3A_1, %sub3A in 1 : vector<256x64xf32>, vector<256x64xf32> -> vector<256x128xf32>
    %dot_general3A = arith.constant dense<0.000000e+00> : vector<256x256xf32>
    %dot_general3A_17 = tpu.matmul %concatenate3A, %get3A_4, %dot_general3A {dimension_numbers = #tpu.dot_dimension_numbers<[1], [0], [0], [1], [0, 0, 1, 1], [], []>, transpose_lhs_hint = false} : vector<256x128xf32>, vector<128x256xf32>, vector<256x256xf32> -> vector<256x256xf32>
    %add3A = vector.broadcast %get3A_10 : vector<1x256xf32> to vector<256x256xf32>
    %add3A_18 = arith.addf %dot_general3A_17, %add3A : vector<256x256xf32>
    %max3A = arith.constant 0.000000e+00 : f32
    %max3A_19 = vector.broadcast %max3A : f32 to vector<256x256xf32>
    %max3A_20 = arith.maximumf %add3A_18, %max3A_19 : vector<256x256xf32>
    %dot_general3A_21 = arith.constant dense<0.000000e+00> : vector<256x256xf32>
    %dot_general3A_22 = tpu.matmul %max3A_20, %get3A_7, %dot_general3A_21 {dimension_numbers = #tpu.dot_dimension_numbers<[1], [0], [0], [1], [0, 0, 1, 1], [], []>, transpose_lhs_hint = false} : vector<256x256xf32>, vector<256x256xf32>, vector<256x256xf32> -> vector<256x256xf32>
    %max3A_23 = arith.maximumf %broadcast_in_dim3A_11, %dot_general3A_22 : vector<256x256xf32>
    %get3A_24 = arith.constant 1 : index
    %get3A_25 = arith.constant 0 : index
    %get3A_26 = arith.constant 0 : index
    %get3A_27 = vector.load %arg2[%get3A_24, %get3A_25, %get3A_26] : memref<16x256x128xf32, #tpu.memory_space<vmem>>, vector<1x256x128xf32>
    %get3A_28 = vector.shape_cast %get3A_27 : vector<1x256x128xf32> to vector<256x128xf32>
    %slice3A_29 = vector.extract_strided_slice %get3A_28 {offsets = [0, 0], sizes = [256, 64], strides = [1, 1]} : vector<256x128xf32> to vector<256x64xf32>
    %sub3A_30 = arith.subf %slice3A_29, %get3A_1 : vector<256x64xf32>
    %concatenate3A_31 = tpu.concatenate %get3A_1, %sub3A_30 in 1 : vector<256x64xf32>, vector<256x64xf32> -> vector<256x128xf32>
    %dot_general3A_32 = arith.constant dense<0.000000e+00> : vector<256x256xf32>
    %dot_general3A_33 = tpu.matmul %concatenate3A_31, %get3A_4, %dot_general3A_32 {dimension_numbers = #tpu.dot_dimension_numbers<[1], [0], [0], [1], [0, 0, 1, 1], [], []>, transpose_lhs_hint = false} : vector<256x128xf32>, vector<128x256xf32>, vector<256x256xf32> -> vector<256x256xf32>
    %add3A_34 = vector.broadcast %get3A_10 : vector<1x256xf32> to vector<256x256xf32>
    %add3A_35 = arith.addf %dot_general3A_33, %add3A_34 : vector<256x256xf32>
    %max3A_36 = arith.constant 0.000000e+00 : f32
    %max3A_37 = vector.broadcast %max3A_36 : f32 to vector<256x256xf32>
    %max3A_38 = arith.maximumf %add3A_35, %max3A_37 : vector<256x256xf32>
    %dot_general3A_39 = arith.constant dense<0.000000e+00> : vector<256x256xf32>
    %dot_general3A_40 = tpu.matmul %max3A_38, %get3A_7, %dot_general3A_39 {dimension_numbers = #tpu.dot_dimension_numbers<[1], [0], [0], [1], [0, 0, 1, 1], [], []>, transpose_lhs_hint = false} : vector<256x256xf32>, vector<256x256xf32>, vector<256x256xf32> -> vector<256x256xf32>
    %max3A_41 = arith.maximumf %max3A_23, %dot_general3A_40 : vector<256x256xf32>
    %get3A_42 = arith.constant 2 : index
    %get3A_43 = arith.constant 0 : index
    %get3A_44 = arith.constant 0 : index
    %get3A_45 = vector.load %arg2[%get3A_42, %get3A_43, %get3A_44] : memref<16x256x128xf32, #tpu.memory_space<vmem>>, vector<1x256x128xf32>
    %get3A_46 = vector.shape_cast %get3A_45 : vector<1x256x128xf32> to vector<256x128xf32>
    %slice3A_47 = vector.extract_strided_slice %get3A_46 {offsets = [0, 0], sizes = [256, 64], strides = [1, 1]} : vector<256x128xf32> to vector<256x64xf32>
    %sub3A_48 = arith.subf %slice3A_47, %get3A_1 : vector<256x64xf32>
    %concatenate3A_49 = tpu.concatenate %get3A_1, %sub3A_48 in 1 : vector<256x64xf32>, vector<256x64xf32> -> vector<256x128xf32>
    %dot_general3A_50 = arith.constant dense<0.000000e+00> : vector<256x256xf32>
    %dot_general3A_51 = tpu.matmul %concatenate3A_49, %get3A_4, %dot_general3A_50 {dimension_numbers = #tpu.dot_dimension_numbers<[1], [0], [0], [1], [0, 0, 1, 1], [], []>, transpose_lhs_hint = false} : vector<256x128xf32>, vector<128x256xf32>, vector<256x256xf32> -> vector<256x256xf32>
    %add3A_52 = vector.broadcast %get3A_10 : vector<1x256xf32> to vector<256x256xf32>
    %add3A_53 = arith.addf %dot_general3A_51, %add3A_52 : vector<256x256xf32>
    %max3A_54 = arith.constant 0.000000e+00 : f32
    %max3A_55 = vector.broadcast %max3A_54 : f32 to vector<256x256xf32>
    %max3A_56 = arith.maximumf %add3A_53, %max3A_55 : vector<256x256xf32>
    %dot_general3A_57 = arith.constant dense<0.000000e+00> : vector<256x256xf32>
    %dot_general3A_58 = tpu.matmul %max3A_56, %get3A_7, %dot_general3A_57 {dimension_numbers = #tpu.dot_dimension_numbers<[1], [0], [0], [1], [0, 0, 1, 1], [], []>, transpose_lhs_hint = false} : vector<256x256xf32>, vector<256x256xf32>, vector<256x256xf32> -> vector<256x256xf32>
    %max3A_59 = arith.maximumf %max3A_41, %dot_general3A_58 : vector<256x256xf32>
    %get3A_60 = arith.constant 3 : index
    %get3A_61 = arith.constant 0 : index
    %get3A_62 = arith.constant 0 : index
    %get3A_63 = vector.load %arg2[%get3A_60, %get3A_61, %get3A_62] : memref<16x256x128xf32, #tpu.memory_space<vmem>>, vector<1x256x128xf32>
    %get3A_64 = vector.shape_cast %get3A_63 : vector<1x256x128xf32> to vector<256x128xf32>
    %slice3A_65 = vector.extract_strided_slice %get3A_64 {offsets = [0, 0], sizes = [256, 64], strides = [1, 1]} : vector<256x128xf32> to vector<256x64xf32>
    %sub3A_66 = arith.subf %slice3A_65, %get3A_1 : vector<256x64xf32>
    %concatenate3A_67 = tpu.concatenate %get3A_1, %sub3A_66 in 1 : vector<256x64xf32>, vector<256x64xf32> -> vector<256x128xf32>
    %dot_general3A_68 = arith.constant dense<0.000000e+00> : vector<256x256xf32>
    %dot_general3A_69 = tpu.matmul %concatenate3A_67, %get3A_4, %dot_general3A_68 {dimension_numbers = #tpu.dot_dimension_numbers<[1], [0], [0], [1], [0, 0, 1, 1], [], []>, transpose_lhs_hint = false} : vector<256x128xf32>, vector<128x256xf32>, vector<256x256xf32> -> vector<256x256xf32>
    %add3A_70 = vector.broadcast %get3A_10 : vector<1x256xf32> to vector<256x256xf32>
    %add3A_71 = arith.addf %dot_general3A_69, %add3A_70 : vector<256x256xf32>
    %max3A_72 = arith.constant 0.000000e+00 : f32
    %max3A_73 = vector.broadcast %max3A_72 : f32 to vector<256x256xf32>
    %max3A_74 = arith.maximumf %add3A_71, %max3A_73 : vector<256x256xf32>
    %dot_general3A_75 = arith.constant dense<0.000000e+00> : vector<256x256xf32>
    %dot_general3A_76 = tpu.matmul %max3A_74, %get3A_7, %dot_general3A_75 {dimension_numbers = #tpu.dot_dimension_numbers<[1], [0], [0], [1], [0, 0, 1, 1], [], []>, transpose_lhs_hint = false} : vector<256x256xf32>, vector<256x256xf32>, vector<256x256xf32> -> vector<256x256xf32>
    %max3A_77 = arith.maximumf %max3A_59, %dot_general3A_76 : vector<256x256xf32>
    %get3A_78 = arith.constant 4 : index
    %get3A_79 = arith.constant 0 : index
    %get3A_80 = arith.constant 0 : index
    %get3A_81 = vector.load %arg2[%get3A_78, %get3A_79, %get3A_80] : memref<16x256x128xf32, #tpu.memory_space<vmem>>, vector<1x256x128xf32>
    %get3A_82 = vector.shape_cast %get3A_81 : vector<1x256x128xf32> to vector<256x128xf32>
    %slice3A_83 = vector.extract_strided_slice %get3A_82 {offsets = [0, 0], sizes = [256, 64], strides = [1, 1]} : vector<256x128xf32> to vector<256x64xf32>
    %sub3A_84 = arith.subf %slice3A_83, %get3A_1 : vector<256x64xf32>
    %concatenate3A_85 = tpu.concatenate %get3A_1, %sub3A_84 in 1 : vector<256x64xf32>, vector<256x64xf32> -> vector<256x128xf32>
    %dot_general3A_86 = arith.constant dense<0.000000e+00> : vector<256x256xf32>
    %dot_general3A_87 = tpu.matmul %concatenate3A_85, %get3A_4, %dot_general3A_86 {dimension_numbers = #tpu.dot_dimension_numbers<[1], [0], [0], [1], [0, 0, 1, 1], [], []>, transpose_lhs_hint = false} : vector<256x128xf32>, vector<128x256xf32>, vector<256x256xf32> -> vector<256x256xf32>
    %add3A_88 = vector.broadcast %get3A_10 : vector<1x256xf32> to vector<256x256xf32>
    %add3A_89 = arith.addf %dot_general3A_87, %add3A_88 : vector<256x256xf32>
    %max3A_90 = arith.constant 0.000000e+00 : f32
    %max3A_91 = vector.broadcast %max3A_90 : f32 to vector<256x256xf32>
    %max3A_92 = arith.maximumf %add3A_89, %max3A_91 : vector<256x256xf32>
    %dot_general3A_93 = arith.constant dense<0.000000e+00> : vector<256x256xf32>
    %dot_general3A_94 = tpu.matmul %max3A_92, %get3A_7, %dot_general3A_93 {dimension_numbers = #tpu.dot_dimension_numbers<[1], [0], [0], [1], [0, 0, 1, 1], [], []>, transpose_lhs_hint = false} : vector<256x256xf32>, vector<256x256xf32>, vector<256x256xf32> -> vector<256x256xf32>
    %max3A_95 = arith.maximumf %max3A_77, %dot_general3A_94 : vector<256x256xf32>
    %get3A_96 = arith.constant 5 : index
    %get3A_97 = arith.constant 0 : index
    %get3A_98 = arith.constant 0 : index
    %get3A_99 = vector.load %arg2[%get3A_96, %get3A_97, %get3A_98] : memref<16x256x128xf32, #tpu.memory_space<vmem>>, vector<1x256x128xf32>
    %get3A_100 = vector.shape_cast %get3A_99 : vector<1x256x128xf32> to vector<256x128xf32>
    %slice3A_101 = vector.extract_strided_slice %get3A_100 {offsets = [0, 0], sizes = [256, 64], strides = [1, 1]} : vector<256x128xf32> to vector<256x64xf32>
    %sub3A_102 = arith.subf %slice3A_101, %get3A_1 : vector<256x64xf32>
    %concatenate3A_103 = tpu.concatenate %get3A_1, %sub3A_102 in 1 : vector<256x64xf32>, vector<256x64xf32> -> vector<256x128xf32>
    %dot_general3A_104 = arith.constant dense<0.000000e+00> : vector<256x256xf32>
    %dot_general3A_105 = tpu.matmul %concatenate3A_103, %get3A_4, %dot_general3A_104 {dimension_numbers = #tpu.dot_dimension_numbers<[1], [0], [0], [1], [0, 0, 1, 1], [], []>, transpose_lhs_hint = false} : vector<256x128xf32>, vector<128x256xf32>, vector<256x256xf32> -> vector<256x256xf32>
    %add3A_106 = vector.broadcast %get3A_10 : vector<1x256xf32> to vector<256x256xf32>
    %add3A_107 = arith.addf %dot_general3A_105, %add3A_106 : vector<256x256xf32>
    %max3A_108 = arith.constant 0.000000e+00 : f32
    %max3A_109 = vector.broadcast %max3A_108 : f32 to vector<256x256xf32>
    %max3A_110 = arith.maximumf %add3A_107, %max3A_109 : vector<256x256xf32>
    %dot_general3A_111 = arith.constant dense<0.000000e+00> : vector<256x256xf32>
    %dot_general3A_112 = tpu.matmul %max3A_110, %get3A_7, %dot_general3A_111 {dimension_numbers = #tpu.dot_dimension_numbers<[1], [0], [0], [1], [0, 0, 1, 1], [], []>, transpose_lhs_hint = false} : vector<256x256xf32>, vector<256x256xf32>, vector<256x256xf32> -> vector<256x256xf32>
    %max3A_113 = arith.maximumf %max3A_95, %dot_general3A_112 : vector<256x256xf32>
    %get3A_114 = arith.constant 6 : index
    %get3A_115 = arith.constant 0 : index
    %get3A_116 = arith.constant 0 : index
    %get3A_117 = vector.load %arg2[%get3A_114, %get3A_115, %get3A_116] : memref<16x256x128xf32, #tpu.memory_space<vmem>>, vector<1x256x128xf32>
    %get3A_118 = vector.shape_cast %get3A_117 : vector<1x256x128xf32> to vector<256x128xf32>
    %slice3A_119 = vector.extract_strided_slice %get3A_118 {offsets = [0, 0], sizes = [256, 64], strides = [1, 1]} : vector<256x128xf32> to vector<256x64xf32>
    %sub3A_120 = arith.subf %slice3A_119, %get3A_1 : vector<256x64xf32>
    %concatenate3A_121 = tpu.concatenate %get3A_1, %sub3A_120 in 1 : vector<256x64xf32>, vector<256x64xf32> -> vector<256x128xf32>
    %dot_general3A_122 = arith.constant dense<0.000000e+00> : vector<256x256xf32>
    %dot_general3A_123 = tpu.matmul %concatenate3A_121, %get3A_4, %dot_general3A_122 {dimension_numbers = #tpu.dot_dimension_numbers<[1], [0], [0], [1], [0, 0, 1, 1], [], []>, transpose_lhs_hint = false} : vector<256x128xf32>, vector<128x256xf32>, vector<256x256xf32> -> vector<256x256xf32>
    %add3A_124 = vector.broadcast %get3A_10 : vector<1x256xf32> to vector<256x256xf32>
    %add3A_125 = arith.addf %dot_general3A_123, %add3A_124 : vector<256x256xf32>
    %max3A_126 = arith.constant 0.000000e+00 : f32
    %max3A_127 = vector.broadcast %max3A_126 : f32 to vector<256x256xf32>
    %max3A_128 = arith.maximumf %add3A_125, %max3A_127 : vector<256x256xf32>
    %dot_general3A_129 = arith.constant dense<0.000000e+00> : vector<256x256xf32>
    %dot_general3A_130 = tpu.matmul %max3A_128, %get3A_7, %dot_general3A_129 {dimension_numbers = #tpu.dot_dimension_numbers<[1], [0], [0], [1], [0, 0, 1, 1], [], []>, transpose_lhs_hint = false} : vector<256x256xf32>, vector<256x256xf32>, vector<256x256xf32> -> vector<256x256xf32>
    %max3A_131 = arith.maximumf %max3A_113, %dot_general3A_130 : vector<256x256xf32>
    %get3A_132 = arith.constant 7 : index
    %get3A_133 = arith.constant 0 : index
    %get3A_134 = arith.constant 0 : index
    %get3A_135 = vector.load %arg2[%get3A_132, %get3A_133, %get3A_134] : memref<16x256x128xf32, #tpu.memory_space<vmem>>, vector<1x256x128xf32>
    %get3A_136 = vector.shape_cast %get3A_135 : vector<1x256x128xf32> to vector<256x128xf32>
    %slice3A_137 = vector.extract_strided_slice %get3A_136 {offsets = [0, 0], sizes = [256, 64], strides = [1, 1]} : vector<256x128xf32> to vector<256x64xf32>
    %sub3A_138 = arith.subf %slice3A_137, %get3A_1 : vector<256x64xf32>
    %concatenate3A_139 = tpu.concatenate %get3A_1, %sub3A_138 in 1 : vector<256x64xf32>, vector<256x64xf32> -> vector<256x128xf32>
    %dot_general3A_140 = arith.constant dense<0.000000e+00> : vector<256x256xf32>
    %dot_general3A_141 = tpu.matmul %concatenate3A_139, %get3A_4, %dot_general3A_140 {dimension_numbers = #tpu.dot_dimension_numbers<[1], [0], [0], [1], [0, 0, 1, 1], [], []>, transpose_lhs_hint = false} : vector<256x128xf32>, vector<128x256xf32>, vector<256x256xf32> -> vector<256x256xf32>
    %add3A_142 = vector.broadcast %get3A_10 : vector<1x256xf32> to vector<256x256xf32>
    %add3A_143 = arith.addf %dot_general3A_141, %add3A_142 : vector<256x256xf32>
    %max3A_144 = arith.constant 0.000000e+00 : f32
    %max3A_145 = vector.broadcast %max3A_144 : f32 to vector<256x256xf32>
    %max3A_146 = arith.maximumf %add3A_143, %max3A_145 : vector<256x256xf32>
    %dot_general3A_147 = arith.constant dense<0.000000e+00> : vector<256x256xf32>
    %dot_general3A_148 = tpu.matmul %max3A_146, %get3A_7, %dot_general3A_147 {dimension_numbers = #tpu.dot_dimension_numbers<[1], [0], [0], [1], [0, 0, 1, 1], [], []>, transpose_lhs_hint = false} : vector<256x256xf32>, vector<256x256xf32>, vector<256x256xf32> -> vector<256x256xf32>
    %max3A_149 = arith.maximumf %max3A_131, %dot_general3A_148 : vector<256x256xf32>
    %get3A_150 = arith.constant 8 : index
    %get3A_151 = arith.constant 0 : index
    %get3A_152 = arith.constant 0 : index
    %get3A_153 = vector.load %arg2[%get3A_150, %get3A_151, %get3A_152] : memref<16x256x128xf32, #tpu.memory_space<vmem>>, vector<1x256x128xf32>
    %get3A_154 = vector.shape_cast %get3A_153 : vector<1x256x128xf32> to vector<256x128xf32>
    %slice3A_155 = vector.extract_strided_slice %get3A_154 {offsets = [0, 0], sizes = [256, 64], strides = [1, 1]} : vector<256x128xf32> to vector<256x64xf32>
    %sub3A_156 = arith.subf %slice3A_155, %get3A_1 : vector<256x64xf32>
    %concatenate3A_157 = tpu.concatenate %get3A_1, %sub3A_156 in 1 : vector<256x64xf32>, vector<256x64xf32> -> vector<256x128xf32>
    %dot_general3A_158 = arith.constant dense<0.000000e+00> : vector<256x256xf32>
    %dot_general3A_159 = tpu.matmul %concatenate3A_157, %get3A_4, %dot_general3A_158 {dimension_numbers = #tpu.dot_dimension_numbers<[1], [0], [0], [1], [0, 0, 1, 1], [], []>, transpose_lhs_hint = false} : vector<256x128xf32>, vector<128x256xf32>, vector<256x256xf32> -> vector<256x256xf32>
    %add3A_160 = vector.broadcast %get3A_10 : vector<1x256xf32> to vector<256x256xf32>
    %add3A_161 = arith.addf %dot_general3A_159, %add3A_160 : vector<256x256xf32>
    %max3A_162 = arith.constant 0.000000e+00 : f32
    %max3A_163 = vector.broadcast %max3A_162 : f32 to vector<256x256xf32>
    %max3A_164 = arith.maximumf %add3A_161, %max3A_163 : vector<256x256xf32>
    %dot_general3A_165 = arith.constant dense<0.000000e+00> : vector<256x256xf32>
    %dot_general3A_166 = tpu.matmul %max3A_164, %get3A_7, %dot_general3A_165 {dimension_numbers = #tpu.dot_dimension_numbers<[1], [0], [0], [1], [0, 0, 1, 1], [], []>, transpose_lhs_hint = false} : vector<256x256xf32>, vector<256x256xf32>, vector<256x256xf32> -> vector<256x256xf32>
    %max3A_167 = arith.maximumf %max3A_149, %dot_general3A_166 : vector<256x256xf32>
    %get3A_168 = arith.constant 9 : index
    %get3A_169 = arith.constant 0 : index
    %get3A_170 = arith.constant 0 : index
    %get3A_171 = vector.load %arg2[%get3A_168, %get3A_169, %get3A_170] : memref<16x256x128xf32, #tpu.memory_space<vmem>>, vector<1x256x128xf32>
    %get3A_172 = vector.shape_cast %get3A_171 : vector<1x256x128xf32> to vector<256x128xf32>
    %slice3A_173 = vector.extract_strided_slice %get3A_172 {offsets = [0, 0], sizes = [256, 64], strides = [1, 1]} : vector<256x128xf32> to vector<256x64xf32>
    %sub3A_174 = arith.subf %slice3A_173, %get3A_1 : vector<256x64xf32>
    %concatenate3A_175 = tpu.concatenate %get3A_1, %sub3A_174 in 1 : vector<256x64xf32>, vector<256x64xf32> -> vector<256x128xf32>
    %dot_general3A_176 = arith.constant dense<0.000000e+00> : vector<256x256xf32>
    %dot_general3A_177 = tpu.matmul %concatenate3A_175, %get3A_4, %dot_general3A_176 {dimension_numbers = #tpu.dot_dimension_numbers<[1], [0], [0], [1], [0, 0, 1, 1], [], []>, transpose_lhs_hint = false} : vector<256x128xf32>, vector<128x256xf32>, vector<256x256xf32> -> vector<256x256xf32>
    %add3A_178 = vector.broadcast %get3A_10 : vector<1x256xf32> to vector<256x256xf32>
    %add3A_179 = arith.addf %dot_general3A_177, %add3A_178 : vector<256x256xf32>
    %max3A_180 = arith.constant 0.000000e+00 : f32
    %max3A_181 = vector.broadcast %max3A_180 : f32 to vector<256x256xf32>
    %max3A_182 = arith.maximumf %add3A_179, %max3A_181 : vector<256x256xf32>
    %dot_general3A_183 = arith.constant dense<0.000000e+00> : vector<256x256xf32>
    %dot_general3A_184 = tpu.matmul %max3A_182, %get3A_7, %dot_general3A_183 {dimension_numbers = #tpu.dot_dimension_numbers<[1], [0], [0], [1], [0, 0, 1, 1], [], []>, transpose_lhs_hint = false} : vector<256x256xf32>, vector<256x256xf32>, vector<256x256xf32> -> vector<256x256xf32>
    %max3A_185 = arith.maximumf %max3A_167, %dot_general3A_184 : vector<256x256xf32>
    %get3A_186 = arith.constant 10 : index
    %get3A_187 = arith.constant 0 : index
    %get3A_188 = arith.constant 0 : index
    %get3A_189 = vector.load %arg2[%get3A_186, %get3A_187, %get3A_188] : memref<16x256x128xf32, #tpu.memory_space<vmem>>, vector<1x256x128xf32>
    %get3A_190 = vector.shape_cast %get3A_189 : vector<1x256x128xf32> to vector<256x128xf32>
    %slice3A_191 = vector.extract_strided_slice %get3A_190 {offsets = [0, 0], sizes = [256, 64], strides = [1, 1]} : vector<256x128xf32> to vector<256x64xf32>
    %sub3A_192 = arith.subf %slice3A_191, %get3A_1 : vector<256x64xf32>
    %concatenate3A_193 = tpu.concatenate %get3A_1, %sub3A_192 in 1 : vector<256x64xf32>, vector<256x64xf32> -> vector<256x128xf32>
    %dot_general3A_194 = arith.constant dense<0.000000e+00> : vector<256x256xf32>
    %dot_general3A_195 = tpu.matmul %concatenate3A_193, %get3A_4, %dot_general3A_194 {dimension_numbers = #tpu.dot_dimension_numbers<[1], [0], [0], [1], [0, 0, 1, 1], [], []>, transpose_lhs_hint = false} : vector<256x128xf32>, vector<128x256xf32>, vector<256x256xf32> -> vector<256x256xf32>
    %add3A_196 = vector.broadcast %get3A_10 : vector<1x256xf32> to vector<256x256xf32>
    %add3A_197 = arith.addf %dot_general3A_195, %add3A_196 : vector<256x256xf32>
    %max3A_198 = arith.constant 0.000000e+00 : f32
    %max3A_199 = vector.broadcast %max3A_198 : f32 to vector<256x256xf32>
    %max3A_200 = arith.maximumf %add3A_197, %max3A_199 : vector<256x256xf32>
    %dot_general3A_201 = arith.constant dense<0.000000e+00> : vector<256x256xf32>
    %dot_general3A_202 = tpu.matmul %max3A_200, %get3A_7, %dot_general3A_201 {dimension_numbers = #tpu.dot_dimension_numbers<[1], [0], [0], [1], [0, 0, 1, 1], [], []>, transpose_lhs_hint = false} : vector<256x256xf32>, vector<256x256xf32>, vector<256x256xf32> -> vector<256x256xf32>
    %max3A_203 = arith.maximumf %max3A_185, %dot_general3A_202 : vector<256x256xf32>
    %get3A_204 = arith.constant 11 : index
    %get3A_205 = arith.constant 0 : index
    %get3A_206 = arith.constant 0 : index
    %get3A_207 = vector.load %arg2[%get3A_204, %get3A_205, %get3A_206] : memref<16x256x128xf32, #tpu.memory_space<vmem>>, vector<1x256x128xf32>
    %get3A_208 = vector.shape_cast %get3A_207 : vector<1x256x128xf32> to vector<256x128xf32>
    %slice3A_209 = vector.extract_strided_slice %get3A_208 {offsets = [0, 0], sizes = [256, 64], strides = [1, 1]} : vector<256x128xf32> to vector<256x64xf32>
    %sub3A_210 = arith.subf %slice3A_209, %get3A_1 : vector<256x64xf32>
    %concatenate3A_211 = tpu.concatenate %get3A_1, %sub3A_210 in 1 : vector<256x64xf32>, vector<256x64xf32> -> vector<256x128xf32>
    %dot_general3A_212 = arith.constant dense<0.000000e+00> : vector<256x256xf32>
    %dot_general3A_213 = tpu.matmul %concatenate3A_211, %get3A_4, %dot_general3A_212 {dimension_numbers = #tpu.dot_dimension_numbers<[1], [0], [0], [1], [0, 0, 1, 1], [], []>, transpose_lhs_hint = false} : vector<256x128xf32>, vector<128x256xf32>, vector<256x256xf32> -> vector<256x256xf32>
    %add3A_214 = vector.broadcast %get3A_10 : vector<1x256xf32> to vector<256x256xf32>
    %add3A_215 = arith.addf %dot_general3A_213, %add3A_214 : vector<256x256xf32>
    %max3A_216 = arith.constant 0.000000e+00 : f32
    %max3A_217 = vector.broadcast %max3A_216 : f32 to vector<256x256xf32>
    %max3A_218 = arith.maximumf %add3A_215, %max3A_217 : vector<256x256xf32>
    %dot_general3A_219 = arith.constant dense<0.000000e+00> : vector<256x256xf32>
    %dot_general3A_220 = tpu.matmul %max3A_218, %get3A_7, %dot_general3A_219 {dimension_numbers = #tpu.dot_dimension_numbers<[1], [0], [0], [1], [0, 0, 1, 1], [], []>, transpose_lhs_hint = false} : vector<256x256xf32>, vector<256x256xf32>, vector<256x256xf32> -> vector<256x256xf32>
    %max3A_221 = arith.maximumf %max3A_203, %dot_general3A_220 : vector<256x256xf32>
    %get3A_222 = arith.constant 12 : index
    %get3A_223 = arith.constant 0 : index
    %get3A_224 = arith.constant 0 : index
    %get3A_225 = vector.load %arg2[%get3A_222, %get3A_223, %get3A_224] : memref<16x256x128xf32, #tpu.memory_space<vmem>>, vector<1x256x128xf32>
    %get3A_226 = vector.shape_cast %get3A_225 : vector<1x256x128xf32> to vector<256x128xf32>
    %slice3A_227 = vector.extract_strided_slice %get3A_226 {offsets = [0, 0], sizes = [256, 64], strides = [1, 1]} : vector<256x128xf32> to vector<256x64xf32>
    %sub3A_228 = arith.subf %slice3A_227, %get3A_1 : vector<256x64xf32>
    %concatenate3A_229 = tpu.concatenate %get3A_1, %sub3A_228 in 1 : vector<256x64xf32>, vector<256x64xf32> -> vector<256x128xf32>
    %dot_general3A_230 = arith.constant dense<0.000000e+00> : vector<256x256xf32>
    %dot_general3A_231 = tpu.matmul %concatenate3A_229, %get3A_4, %dot_general3A_230 {dimension_numbers = #tpu.dot_dimension_numbers<[1], [0], [0], [1], [0, 0, 1, 1], [], []>, transpose_lhs_hint = false} : vector<256x128xf32>, vector<128x256xf32>, vector<256x256xf32> -> vector<256x256xf32>
    %add3A_232 = vector.broadcast %get3A_10 : vector<1x256xf32> to vector<256x256xf32>
    %add3A_233 = arith.addf %dot_general3A_231, %add3A_232 : vector<256x256xf32>
    %max3A_234 = arith.constant 0.000000e+00 : f32
    %max3A_235 = vector.broadcast %max3A_234 : f32 to vector<256x256xf32>
    %max3A_236 = arith.maximumf %add3A_233, %max3A_235 : vector<256x256xf32>
    %dot_general3A_237 = arith.constant dense<0.000000e+00> : vector<256x256xf32>
    %dot_general3A_238 = tpu.matmul %max3A_236, %get3A_7, %dot_general3A_237 {dimension_numbers = #tpu.dot_dimension_numbers<[1], [0], [0], [1], [0, 0, 1, 1], [], []>, transpose_lhs_hint = false} : vector<256x256xf32>, vector<256x256xf32>, vector<256x256xf32> -> vector<256x256xf32>
    %max3A_239 = arith.maximumf %max3A_221, %dot_general3A_238 : vector<256x256xf32>
    %get3A_240 = arith.constant 13 : index
    %get3A_241 = arith.constant 0 : index
    %get3A_242 = arith.constant 0 : index
    %get3A_243 = vector.load %arg2[%get3A_240, %get3A_241, %get3A_242] : memref<16x256x128xf32, #tpu.memory_space<vmem>>, vector<1x256x128xf32>
    %get3A_244 = vector.shape_cast %get3A_243 : vector<1x256x128xf32> to vector<256x128xf32>
    %slice3A_245 = vector.extract_strided_slice %get3A_244 {offsets = [0, 0], sizes = [256, 64], strides = [1, 1]} : vector<256x128xf32> to vector<256x64xf32>
    %sub3A_246 = arith.subf %slice3A_245, %get3A_1 : vector<256x64xf32>
    %concatenate3A_247 = tpu.concatenate %get3A_1, %sub3A_246 in 1 : vector<256x64xf32>, vector<256x64xf32> -> vector<256x128xf32>
    %dot_general3A_248 = arith.constant dense<0.000000e+00> : vector<256x256xf32>
    %dot_general3A_249 = tpu.matmul %concatenate3A_247, %get3A_4, %dot_general3A_248 {dimension_numbers = #tpu.dot_dimension_numbers<[1], [0], [0], [1], [0, 0, 1, 1], [], []>, transpose_lhs_hint = false} : vector<256x128xf32>, vector<128x256xf32>, vector<256x256xf32> -> vector<256x256xf32>
    %add3A_250 = vector.broadcast %get3A_10 : vector<1x256xf32> to vector<256x256xf32>
    %add3A_251 = arith.addf %dot_general3A_249, %add3A_250 : vector<256x256xf32>
    %max3A_252 = arith.constant 0.000000e+00 : f32
    %max3A_253 = vector.broadcast %max3A_252 : f32 to vector<256x256xf32>
    %max3A_254 = arith.maximumf %add3A_251, %max3A_253 : vector<256x256xf32>
    %dot_general3A_255 = arith.constant dense<0.000000e+00> : vector<256x256xf32>
    %dot_general3A_256 = tpu.matmul %max3A_254, %get3A_7, %dot_general3A_255 {dimension_numbers = #tpu.dot_dimension_numbers<[1], [0], [0], [1], [0, 0, 1, 1], [], []>, transpose_lhs_hint = false} : vector<256x256xf32>, vector<256x256xf32>, vector<256x256xf32> -> vector<256x256xf32>
    %max3A_257 = arith.maximumf %max3A_239, %dot_general3A_256 : vector<256x256xf32>
    %get3A_258 = arith.constant 14 : index
    %get3A_259 = arith.constant 0 : index
    %get3A_260 = arith.constant 0 : index
    %get3A_261 = vector.load %arg2[%get3A_258, %get3A_259, %get3A_260] : memref<16x256x128xf32, #tpu.memory_space<vmem>>, vector<1x256x128xf32>
    %get3A_262 = vector.shape_cast %get3A_261 : vector<1x256x128xf32> to vector<256x128xf32>
    %slice3A_263 = vector.extract_strided_slice %get3A_262 {offsets = [0, 0], sizes = [256, 64], strides = [1, 1]} : vector<256x128xf32> to vector<256x64xf32>
    %sub3A_264 = arith.subf %slice3A_263, %get3A_1 : vector<256x64xf32>
    %concatenate3A_265 = tpu.concatenate %get3A_1, %sub3A_264 in 1 : vector<256x64xf32>, vector<256x64xf32> -> vector<256x128xf32>
    %dot_general3A_266 = arith.constant dense<0.000000e+00> : vector<256x256xf32>
    %dot_general3A_267 = tpu.matmul %concatenate3A_265, %get3A_4, %dot_general3A_266 {dimension_numbers = #tpu.dot_dimension_numbers<[1], [0], [0], [1], [0, 0, 1, 1], [], []>, transpose_lhs_hint = false} : vector<256x128xf32>, vector<128x256xf32>, vector<256x256xf32> -> vector<256x256xf32>
    %add3A_268 = vector.broadcast %get3A_10 : vector<1x256xf32> to vector<256x256xf32>
    %add3A_269 = arith.addf %dot_general3A_267, %add3A_268 : vector<256x256xf32>
    %max3A_270 = arith.constant 0.000000e+00 : f32
    %max3A_271 = vector.broadcast %max3A_270 : f32 to vector<256x256xf32>
    %max3A_272 = arith.maximumf %add3A_269, %max3A_271 : vector<256x256xf32>
    %dot_general3A_273 = arith.constant dense<0.000000e+00> : vector<256x256xf32>
    %dot_general3A_274 = tpu.matmul %max3A_272, %get3A_7, %dot_general3A_273 {dimension_numbers = #tpu.dot_dimension_numbers<[1], [0], [0], [1], [0, 0, 1, 1], [], []>, transpose_lhs_hint = false} : vector<256x256xf32>, vector<256x256xf32>, vector<256x256xf32> -> vector<256x256xf32>
    %max3A_275 = arith.maximumf %max3A_257, %dot_general3A_274 : vector<256x256xf32>
    %get3A_276 = arith.constant 15 : index
    %get3A_277 = arith.constant 0 : index
    %get3A_278 = arith.constant 0 : index
    %get3A_279 = vector.load %arg2[%get3A_276, %get3A_277, %get3A_278] : memref<16x256x128xf32, #tpu.memory_space<vmem>>, vector<1x256x128xf32>
    %get3A_280 = vector.shape_cast %get3A_279 : vector<1x256x128xf32> to vector<256x128xf32>
    %slice3A_281 = vector.extract_strided_slice %get3A_280 {offsets = [0, 0], sizes = [256, 64], strides = [1, 1]} : vector<256x128xf32> to vector<256x64xf32>
    %sub3A_282 = arith.subf %slice3A_281, %get3A_1 : vector<256x64xf32>
    %concatenate3A_283 = tpu.concatenate %get3A_1, %sub3A_282 in 1 : vector<256x64xf32>, vector<256x64xf32> -> vector<256x128xf32>
    %dot_general3A_284 = arith.constant dense<0.000000e+00> : vector<256x256xf32>
    %dot_general3A_285 = tpu.matmul %concatenate3A_283, %get3A_4, %dot_general3A_284 {dimension_numbers = #tpu.dot_dimension_numbers<[1], [0], [0], [1], [0, 0, 1, 1], [], []>, transpose_lhs_hint = false} : vector<256x128xf32>, vector<128x256xf32>, vector<256x256xf32> -> vector<256x256xf32>
    %add3A_286 = vector.broadcast %get3A_10 : vector<1x256xf32> to vector<256x256xf32>
    %add3A_287 = arith.addf %dot_general3A_285, %add3A_286 : vector<256x256xf32>
    %max3A_288 = arith.constant 0.000000e+00 : f32
    %max3A_289 = vector.broadcast %max3A_288 : f32 to vector<256x256xf32>
    %max3A_290 = arith.maximumf %add3A_287, %max3A_289 : vector<256x256xf32>
    %dot_general3A_291 = arith.constant dense<0.000000e+00> : vector<256x256xf32>
    %dot_general3A_292 = tpu.matmul %max3A_290, %get3A_7, %dot_general3A_291 {dimension_numbers = #tpu.dot_dimension_numbers<[1], [0], [0], [1], [0, 0, 1, 1], [], []>, transpose_lhs_hint = false} : vector<256x256xf32>, vector<256x256xf32>, vector<256x256xf32> -> vector<256x256xf32>
    %max3A_293 = arith.maximumf %max3A_275, %dot_general3A_292 : vector<256x256xf32>
    %get3A_294 = arith.constant 0 : index
    %get3A_295 = arith.constant 0 : index
    %get3A_296 = vector.load %arg6[%get3A_294, %get3A_295] : memref<1x256xf32, #tpu.memory_space<vmem>>, vector<1x256xf32>
    %add3A_297 = vector.broadcast %get3A_296 : vector<1x256xf32> to vector<256x256xf32>
    %add3A_298 = arith.addf %max3A_293, %add3A_297 : vector<256x256xf32>
    %swap3A = arith.constant 0 : index
    %swap3A_299 = arith.constant 0 : index
    %swap3A_300 = vector.load %arg7[%swap3A, %swap3A_299] : memref<256x256xf32, #tpu.memory_space<vmem>>, vector<256x256xf32>
    tpu.vector_store %arg7[%swap3A, %swap3A_299], %add3A_298 {strides = array<i32>} : memref<256x256xf32, #tpu.memory_space<vmem>>, vector<256x256xf32>,
    return
  }
  func.func @transform_0(%arg0: i32) -> (i32, i32) {
    %add3A = arith.constant 0 : i32
    %add3A_0 = arith.addi %add3A, %arg0 : i32
    %c0_i32 = arith.constant 0 : i32
    %c0_i32_1 = arith.constant 0 : i32
    return %add3A_0, %c0_i32 : i32, i32
  }
  func.func @transform_1(%arg0: i32) -> (i32, i32, i32) {
    %c0_i32 = arith.constant 0 : i32
    %c0_i32_0 = arith.constant 0 : i32
    %c0_i32_1 = arith.constant 0 : i32
    return %c0_i32, %arg0, %c0_i32_0 : i32, i32, i32
  }
  func.func @transform_2(%arg0: i32) -> (i32, i32) {
    %c0_i32 = arith.constant 0 : i32
    %c0_i32_0 = arith.constant 0 : i32
    %c0_i32_1 = arith.constant 0 : i32
    return %c0_i32, %c0_i32_0 : i32, i32
  }
  func.func @transform_3(%arg0: i32) -> (i32, i32) {
    %c0_i32 = arith.constant 0 : i32
    %c0_i32_0 = arith.constant 0 : i32
    %c0_i32_1 = arith.constant 0 : i32
    return %c0_i32, %c0_i32_0 : i32, i32
  }
  func.func @transform_4(%arg0: i32) -> (i32, i32) {
    %c0_i32 = arith.constant 0 : i32
    %c0_i32_0 = arith.constant 0 : i32
    %c0_i32_1 = arith.constant 0 : i32
    return %c0_i32, %c0_i32_0 : i32, i32
  }
  func.func @transform_5(%arg0: i32) -> (i32, i32) {
    %c0_i32 = arith.constant 0 : i32
    %c0_i32_0 = arith.constant 0 : i32
    %c0_i32_1 = arith.constant 0 : i32
    return %c0_i32, %c0_i32_0 : i32, i32
  }
  func.func @transform_6(%arg0: i32) -> (i32, i32) {
    %c0_i32 = arith.constant 0 : i32
    %c0_i32_0 = arith.constant 0 : i32
    return %arg0, %c0_i32 : i32, i32
  }
}

module attributes {stable_mosaic.version = 14 : i64} {
  func.func @_knn_body(%arg0: i32, %arg1: i32, %arg2: memref<32xi32, #tpu.memory_space<smem>>, %arg3: memref<256x256xf32, #tpu.memory_space<vmem>>, %arg4: memref<256x1024xf32, #tpu.memory_space<vmem>>, %arg5: memref<256x1xi32, #tpu.memory_space<vmem>>, %arg6: memref<1x1024xi32, #tpu.memory_space<vmem>>, %arg7: memref<256x16xi32, #tpu.memory_space<vmem>>, %arg8: memref<256x16xf32, #tpu.memory_space<vmem>>, %arg9: memref<256x16xi32, #tpu.memory_space<vmem>>) attributes {dimension_semantics = [#tpu.dimension_semantics<arbitrary>, #tpu.dimension_semantics<arbitrary>], iteration_bounds = array<i64: 16, 4>, scalar_prefetch = 1 : i64, scratch_operands = 2 : i64, tpu.core_type = #tpu.core_type<tc>, window_params = [{transform_indices = @transform_0, window_bounds = array<i64: 256, 256>}, {transform_indices = @transform_1, window_bounds = array<i64: 256, 1024>}, {transform_indices = @transform_2, window_bounds = array<i64: 256, 1>}, {transform_indices = @transform_3, window_bounds = array<i64: 1, 1024>}, {transform_indices = @transform_4, window_bounds = array<i64: 256, 16>}]} {
    %eq3A = arith.constant 0 : i32
    %eq3A_0 = arith.cmpi eq, %arg1, %eq3A : i32
    %convert_element_type3A = arith.extui %eq3A_0 : i1 to i32
    %cond3A = arith.constant 0 : i32
    %cond3A_1 = arith.cmpi ne, %convert_element_type3A, %cond3A : i32
    scf.if %cond3A_1 {
      %broadcast_in_dim3A = arith.constant 0xFF800000 : f32
      %broadcast_in_dim3A_19 = vector.broadcast %broadcast_in_dim3A : f32 to vector<256x16xf32>
      %swap3A = arith.constant 0 : index
      %swap3A_20 = arith.constant 0 : index
      %swap3A_21 = vector.load %arg8[%swap3A, %swap3A_20] : memref<256x16xf32, #tpu.memory_space<vmem>>, vector<256x16xf32>
      tpu.vector_store %arg8[%swap3A, %swap3A_20], %broadcast_in_dim3A_19 {strides = array<i32>} : memref<256x16xf32, #tpu.memory_space<vmem>>, vector<256x16xf32>,
      %iota3A = tpu.iota {dimensions = array<i32: 1>} : vector<256x16xi32>
      %add3A_22 = arith.constant 4096 : i32
      %add3A_23 = vector.broadcast %add3A_22 : i32 to vector<256x16xi32>
      %add3A_24 = arith.addi %add3A_23, %iota3A : vector<256x16xi32>
      %swap3A_25 = arith.constant 0 : index
      %swap3A_26 = arith.constant 0 : index
      %swap3A_27 = vector.load %arg9[%swap3A_25, %swap3A_26] : memref<256x16xi32, #tpu.memory_space<vmem>>, vector<256x16xi32>
      tpu.vector_store %arg9[%swap3A_25, %swap3A_26], %add3A_24 {strides = array<i32>} : memref<256x16xi32, #tpu.memory_space<vmem>>, vector<256x16xi32>,
    } else {
    }
    %get3A = arith.index_cast %arg0 : i32 to index
    %get3A_2 = memref.load %arg2[%get3A] : memref<32xi32, #tpu.memory_space<smem>>
    %add3A = arith.constant 16 : i32
    %add3A_3 = arith.addi %add3A, %arg0 : i32
    %get3A_4 = arith.index_cast %add3A_3 : i32 to index
    %get3A_5 = memref.load %arg2[%get3A_4] : memref<32xi32, #tpu.memory_space<smem>>
    %mul3A = arith.constant 1024 : i32
    %mul3A_6 = arith.muli %arg1, %mul3A : i32
    %lt3A = arith.cmpi slt, %mul3A_6, %get3A_5 : i32
    %mul3A_7 = arith.constant 1024 : i32
    %mul3A_8 = arith.muli %arg1, %mul3A_7 : i32
    %add3A_9 = arith.constant 1024 : i32
    %add3A_10 = arith.addi %mul3A_8, %add3A_9 : i32
    %gt3A = arith.cmpi sgt, %add3A_10, %get3A_2 : i32
    %and3A = arith.andi %lt3A, %gt3A : i1
    %convert_element_type3A_11 = arith.extui %and3A : i1 to i32
    %cond3A_12 = arith.constant 0 : i32
    %cond3A_13 = arith.cmpi ne, %convert_element_type3A_11, %cond3A_12 : i32
    scf.if %cond3A_13 {
      %get3A_19 = arith.constant 0 : index
      %get3A_20 = arith.constant 0 : index
      %get3A_21 = vector.load %arg3[%get3A_19, %get3A_20] : memref<256x256xf32, #tpu.memory_space<vmem>>, vector<256x256xf32>
      %get3A_22 = arith.constant 0 : index
      %get3A_23 = arith.constant 0 : index
      %get3A_24 = vector.load %arg4[%get3A_22, %get3A_23] : memref<256x1024xf32, #tpu.memory_space<vmem>>, vector<256x1024xf32>
      %mul3A_25 = arith.mulf %get3A_21, %get3A_21 : vector<256x256xf32>
      %reduce_sum3A = arith.constant dense<0.000000e+00> : vector<256xf32>
      %reduce_sum3A_26 = vector.multi_reduction <add>, %mul3A_25, %reduce_sum3A [1] : vector<256x256xf32> to vector<256xf32>
      %broadcast_in_dim3A = vector.shape_cast %reduce_sum3A_26 : vector<256xf32> to vector<256x1xf32>
      %mul3A_27 = arith.mulf %get3A_24, %get3A_24 : vector<256x1024xf32>
      %reduce_sum3A_28 = arith.constant dense<0.000000e+00> : vector<1024xf32>
      %reduce_sum3A_29 = vector.multi_reduction <add>, %mul3A_27, %reduce_sum3A_28 [0] : vector<256x1024xf32> to vector<1024xf32>
      %broadcast_in_dim3A_30 = vector.shape_cast %reduce_sum3A_29 : vector<1024xf32> to vector<1x1024xf32>
      %dot_general3A = arith.constant dense<0.000000e+00> : vector<256x1024xf32>
      %dot_general3A_31 = tpu.matmul %get3A_21, %get3A_24, %dot_general3A {dimension_numbers = #tpu.dot_dimension_numbers<[1], [0], [0], [1], [0, 0, 1, 1], [], []>, transpose_lhs_hint = false} : vector<256x256xf32>, vector<256x1024xf32>, vector<256x1024xf32> -> vector<256x1024xf32>
      %add3A_32 = vector.broadcast %broadcast_in_dim3A : vector<256x1xf32> to vector<256x1024xf32>
      %add3A_33 = vector.broadcast %broadcast_in_dim3A_30 : vector<1x1024xf32> to vector<256x1024xf32>
      %add3A_34 = arith.addf %add3A_32, %add3A_33 : vector<256x1024xf32>
      %mul3A_35 = arith.constant 2.000000e+00 : f32
      %mul3A_36 = vector.broadcast %mul3A_35 : f32 to vector<256x1024xf32>
      %mul3A_37 = arith.mulf %mul3A_36, %dot_general3A_31 : vector<256x1024xf32>
      %sub3A = arith.subf %add3A_34, %mul3A_37 : vector<256x1024xf32>
      %mul3A_38 = arith.constant 1024 : i32
      %mul3A_39 = arith.muli %arg1, %mul3A_38 : i32
      %iota3A = tpu.iota {dimensions = array<i32: 1>} : vector<256x1024xi32>
      %add3A_40 = vector.broadcast %mul3A_39 : i32 to vector<256x1024xi32>
      %add3A_41 = arith.addi %add3A_40, %iota3A : vector<256x1024xi32>
      %mul3A_42 = arith.constant 256 : i32
      %mul3A_43 = arith.muli %arg0, %mul3A_42 : i32
      %iota3A_44 = tpu.iota {dimensions = array<i32: 0>} : vector<256x1024xi32>
      %add3A_45 = vector.broadcast %mul3A_43 : i32 to vector<256x1024xi32>
      %add3A_46 = arith.addi %add3A_45, %iota3A_44 : vector<256x1024xi32>
      %get3A_47 = arith.constant 0 : index
      %get3A_48 = arith.constant 0 : index
      %get3A_49 = vector.load %arg5[%get3A_47, %get3A_48] : memref<256x1xi32, #tpu.memory_space<vmem>>, vector<256x1xi32>
      %get3A_50 = arith.constant 0 : index
      %get3A_51 = arith.constant 0 : index
      %get3A_52 = vector.load %arg6[%get3A_50, %get3A_51] : memref<1x1024xi32, #tpu.memory_space<vmem>>, vector<1x1024xi32>
      %eq3A_53 = vector.broadcast %get3A_49 : vector<256x1xi32> to vector<256x1024xi32>
      %eq3A_54 = vector.broadcast %get3A_52 : vector<1x1024xi32> to vector<256x1024xi32>
      %eq3A_55 = arith.cmpi eq, %eq3A_53, %eq3A_54 : vector<256x1024xi32>
      %ne3A = arith.cmpi ne, %add3A_41, %add3A_46 : vector<256x1024xi32>
      %and3A_56 = arith.andi %eq3A_55, %ne3A : vector<256x1024xi1>
      %neg3A = arith.constant 0.000000e+00 : f32
      %neg3A_57 = vector.broadcast %neg3A : f32 to vector<256x1024xf32>
      %neg3A_58 = arith.subf %neg3A_57, %sub3A : vector<256x1024xf32>
      %jit3A = arith.constant -3.40282347E+38 : f32
      %broadcast_in_dim3A_59 = vector.broadcast %jit3A : f32 to vector<256x1024xf32>
      %select_n3A = arith.select %and3A_56, %neg3A_58, %broadcast_in_dim3A_59 : vector<256x1024xi1>, vector<256x1024xf32>
      %get3A_60 = arith.constant 0 : index
      %get3A_61 = arith.constant 0 : index
      %get3A_62 = vector.load %arg8[%get3A_60, %get3A_61] : memref<256x16xf32, #tpu.memory_space<vmem>>, vector<256x16xf32>
      %get3A_63 = arith.constant 0 : index
      %get3A_64 = arith.constant 0 : index
      %get3A_65 = vector.load %arg9[%get3A_63, %get3A_64] : memref<256x16xi32, #tpu.memory_space<vmem>>, vector<256x16xi32>
      %reduce_max3A = arith.constant dense<0xFF800000> : vector<256xf32>
      %reduce_max3A_66 = vector.multi_reduction <maximumf>, %select_n3A, %reduce_max3A [1] : vector<256x1024xf32> to vector<256xf32>
      %broadcast_in_dim3A_67 = vector.shape_cast %reduce_max3A_66 : vector<256xf32> to vector<256x1xf32>
      %reduce_max3A_68 = arith.constant dense<0xFF800000> : vector<256xf32>
      %reduce_max3A_69 = vector.multi_reduction <maximumf>, %get3A_62, %reduce_max3A_68 [1] : vector<256x16xf32> to vector<256xf32>
      %broadcast_in_dim3A_70 = vector.shape_cast %reduce_max3A_69 : vector<256xf32> to vector<256x1xf32>
      %max3A = arith.maximumf %broadcast_in_dim3A_67, %broadcast_in_dim3A_70 : vector<256x1xf32>
      %eq3A_71 = vector.broadcast %max3A : vector<256x1xf32> to vector<256x1024xf32>
      %eq3A_72 = arith.cmpf oeq, %select_n3A, %eq3A_71 : vector<256x1024xf32>
      %jit3A_73 = arith.constant 8192 : i32
      %broadcast_in_dim3A_74 = vector.broadcast %jit3A_73 : i32 to vector<256x1024xi32>
      %select_n3A_75 = arith.select %eq3A_72, %add3A_41, %broadcast_in_dim3A_74 : vector<256x1024xi1>, vector<256x1024xi32>
      %reduce_min3A = arith.constant dense<2147483647> : vector<256xi32>
      %reduce_min3A_76 = vector.multi_reduction <minsi>, %select_n3A_75, %reduce_min3A [1] : vector<256x1024xi32> to vector<256xi32>
      %broadcast_in_dim3A_77 = vector.shape_cast %reduce_min3A_76 : vector<256xi32> to vector<256x1xi32>
      %eq3A_78 = vector.broadcast %max3A : vector<256x1xf32> to vector<256x16xf32>
      %eq3A_79 = arith.cmpf oeq, %get3A_62, %eq3A_78 : vector<256x16xf32>
      %jit3A_80 = arith.constant 8192 : i32
      %broadcast_in_dim3A_81 = vector.broadcast %jit3A_80 : i32 to vector<256x16xi32>
      %select_n3A_82 = arith.select %eq3A_79, %get3A_65, %broadcast_in_dim3A_81 : vector<256x16xi1>, vector<256x16xi32>
      %reduce_min3A_83 = arith.constant dense<2147483647> : vector<256xi32>
      %reduce_min3A_84 = vector.multi_reduction <minsi>, %select_n3A_82, %reduce_min3A_83 [1] : vector<256x16xi32> to vector<256xi32>
      %broadcast_in_dim3A_85 = vector.shape_cast %reduce_min3A_84 : vector<256xi32> to vector<256x1xi32>
      %min3A = arith.minsi %broadcast_in_dim3A_77, %broadcast_in_dim3A_85 : vector<256x1xi32>
      %swap3A = arith.constant 0 : index
      %swap3A_86 = arith.constant 0 : index
      %swap3A_87 = vector.load %arg8[%swap3A, %swap3A_86] : memref<256x16xf32, #tpu.memory_space<vmem>>, vector<256x1xf32>
      tpu.vector_store %arg8[%swap3A, %swap3A_86], %max3A {strides = array<i32>} : memref<256x16xf32, #tpu.memory_space<vmem>>, vector<256x1xf32>,
      %swap3A_88 = arith.constant 0 : index
      %swap3A_89 = arith.constant 0 : index
      %swap3A_90 = vector.load %arg9[%swap3A_88, %swap3A_89] : memref<256x16xi32, #tpu.memory_space<vmem>>, vector<256x1xi32>
      tpu.vector_store %arg9[%swap3A_88, %swap3A_89], %min3A {strides = array<i32>} : memref<256x16xi32, #tpu.memory_space<vmem>>, vector<256x1xi32>,
      %eq3A_91 = vector.broadcast %min3A : vector<256x1xi32> to vector<256x1024xi32>
      %eq3A_92 = arith.cmpi eq, %add3A_41, %eq3A_91 : vector<256x1024xi32>
      %jit3A_93 = arith.constant 0xFF800000 : f32
      %broadcast_in_dim3A_94 = vector.broadcast %jit3A_93 : f32 to vector<256x1024xf32>
      %select_n3A_95 = arith.select %eq3A_92, %broadcast_in_dim3A_94, %select_n3A : vector<256x1024xi1>, vector<256x1024xf32>
      %eq3A_96 = vector.broadcast %min3A : vector<256x1xi32> to vector<256x16xi32>
      %eq3A_97 = arith.cmpi eq, %get3A_65, %eq3A_96 : vector<256x16xi32>
      %jit3A_98 = arith.constant 0xFF800000 : f32
      %broadcast_in_dim3A_99 = vector.broadcast %jit3A_98 : f32 to vector<256x16xf32>
      %select_n3A_100 = arith.select %eq3A_97, %broadcast_in_dim3A_99, %get3A_62 : vector<256x16xi1>, vector<256x16xf32>
      %reduce_max3A_101 = arith.constant dense<0xFF800000> : vector<256xf32>
      %reduce_max3A_102 = vector.multi_reduction <maximumf>, %select_n3A_95, %reduce_max3A_101 [1] : vector<256x1024xf32> to vector<256xf32>
      %broadcast_in_dim3A_103 = vector.shape_cast %reduce_max3A_102 : vector<256xf32> to vector<256x1xf32>
      %reduce_max3A_104 = arith.constant dense<0xFF800000> : vector<256xf32>
      %reduce_max3A_105 = vector.multi_reduction <maximumf>, %select_n3A_100, %reduce_max3A_104 [1] : vector<256x16xf32> to vector<256xf32>
      %broadcast_in_dim3A_106 = vector.shape_cast %reduce_max3A_105 : vector<256xf32> to vector<256x1xf32>
      %max3A_107 = arith.maximumf %broadcast_in_dim3A_103, %broadcast_in_dim3A_106 : vector<256x1xf32>
      %eq3A_108 = vector.broadcast %max3A_107 : vector<256x1xf32> to vector<256x1024xf32>
      %eq3A_109 = arith.cmpf oeq, %select_n3A_95, %eq3A_108 : vector<256x1024xf32>
      %jit3A_110 = arith.constant 8192 : i32
      %broadcast_in_dim3A_111 = vector.broadcast %jit3A_110 : i32 to vector<256x1024xi32>
      %select_n3A_112 = arith.select %eq3A_109, %add3A_41, %broadcast_in_dim3A_111 : vector<256x1024xi1>, vector<256x1024xi32>
      %reduce_min3A_113 = arith.constant dense<2147483647> : vector<256xi32>
      %reduce_min3A_114 = vector.multi_reduction <minsi>, %select_n3A_112, %reduce_min3A_113 [1] : vector<256x1024xi32> to vector<256xi32>
      %broadcast_in_dim3A_115 = vector.shape_cast %reduce_min3A_114 : vector<256xi32> to vector<256x1xi32>
      %eq3A_116 = vector.broadcast %max3A_107 : vector<256x1xf32> to vector<256x16xf32>
      %eq3A_117 = arith.cmpf oeq, %select_n3A_100, %eq3A_116 : vector<256x16xf32>
      %jit3A_118 = arith.constant 8192 : i32
      %broadcast_in_dim3A_119 = vector.broadcast %jit3A_118 : i32 to vector<256x16xi32>
      %select_n3A_120 = arith.select %eq3A_117, %get3A_65, %broadcast_in_dim3A_119 : vector<256x16xi1>, vector<256x16xi32>
      %reduce_min3A_121 = arith.constant dense<2147483647> : vector<256xi32>
      %reduce_min3A_122 = vector.multi_reduction <minsi>, %select_n3A_120, %reduce_min3A_121 [1] : vector<256x16xi32> to vector<256xi32>
      %broadcast_in_dim3A_123 = vector.shape_cast %reduce_min3A_122 : vector<256xi32> to vector<256x1xi32>
      %min3A_124 = arith.minsi %broadcast_in_dim3A_115, %broadcast_in_dim3A_123 : vector<256x1xi32>
      %swap3A_125 = arith.constant 0 : index
      %swap3A_126 = arith.constant 1 : index
      %swap3A_127 = vector.load %arg8[%swap3A_125, %swap3A_126] : memref<256x16xf32, #tpu.memory_space<vmem>>, vector<256x1xf32>
      tpu.vector_store %arg8[%swap3A_125, %swap3A_126], %max3A_107 {strides = array<i32>} : memref<256x16xf32, #tpu.memory_space<vmem>>, vector<256x1xf32>,
      %swap3A_128 = arith.constant 0 : index
      %swap3A_129 = arith.constant 1 : index
      %swap3A_130 = vector.load %arg9[%swap3A_128, %swap3A_129] : memref<256x16xi32, #tpu.memory_space<vmem>>, vector<256x1xi32>
      tpu.vector_store %arg9[%swap3A_128, %swap3A_129], %min3A_124 {strides = array<i32>} : memref<256x16xi32, #tpu.memory_space<vmem>>, vector<256x1xi32>,
      %eq3A_131 = vector.broadcast %min3A_124 : vector<256x1xi32> to vector<256x1024xi32>
      %eq3A_132 = arith.cmpi eq, %add3A_41, %eq3A_131 : vector<256x1024xi32>
      %jit3A_133 = arith.constant 0xFF800000 : f32
      %broadcast_in_dim3A_134 = vector.broadcast %jit3A_133 : f32 to vector<256x1024xf32>
      %select_n3A_135 = arith.select %eq3A_132, %broadcast_in_dim3A_134, %select_n3A_95 : vector<256x1024xi1>, vector<256x1024xf32>
      %eq3A_136 = vector.broadcast %min3A_124 : vector<256x1xi32> to vector<256x16xi32>
      %eq3A_137 = arith.cmpi eq, %get3A_65, %eq3A_136 : vector<256x16xi32>
      %jit3A_138 = arith.constant 0xFF800000 : f32
      %broadcast_in_dim3A_139 = vector.broadcast %jit3A_138 : f32 to vector<256x16xf32>
      %select_n3A_140 = arith.select %eq3A_137, %broadcast_in_dim3A_139, %select_n3A_100 : vector<256x16xi1>, vector<256x16xf32>
      %reduce_max3A_141 = arith.constant dense<0xFF800000> : vector<256xf32>
      %reduce_max3A_142 = vector.multi_reduction <maximumf>, %select_n3A_135, %reduce_max3A_141 [1] : vector<256x1024xf32> to vector<256xf32>
      %broadcast_in_dim3A_143 = vector.shape_cast %reduce_max3A_142 : vector<256xf32> to vector<256x1xf32>
      %reduce_max3A_144 = arith.constant dense<0xFF800000> : vector<256xf32>
      %reduce_max3A_145 = vector.multi_reduction <maximumf>, %select_n3A_140, %reduce_max3A_144 [1] : vector<256x16xf32> to vector<256xf32>
      %broadcast_in_dim3A_146 = vector.shape_cast %reduce_max3A_145 : vector<256xf32> to vector<256x1xf32>
      %max3A_147 = arith.maximumf %broadcast_in_dim3A_143, %broadcast_in_dim3A_146 : vector<256x1xf32>
      %eq3A_148 = vector.broadcast %max3A_147 : vector<256x1xf32> to vector<256x1024xf32>
      %eq3A_149 = arith.cmpf oeq, %select_n3A_135, %eq3A_148 : vector<256x1024xf32>
      %jit3A_150 = arith.constant 8192 : i32
      %broadcast_in_dim3A_151 = vector.broadcast %jit3A_150 : i32 to vector<256x1024xi32>
      %select_n3A_152 = arith.select %eq3A_149, %add3A_41, %broadcast_in_dim3A_151 : vector<256x1024xi1>, vector<256x1024xi32>
      %reduce_min3A_153 = arith.constant dense<2147483647> : vector<256xi32>
      %reduce_min3A_154 = vector.multi_reduction <minsi>, %select_n3A_152, %reduce_min3A_153 [1] : vector<256x1024xi32> to vector<256xi32>
      %broadcast_in_dim3A_155 = vector.shape_cast %reduce_min3A_154 : vector<256xi32> to vector<256x1xi32>
      %eq3A_156 = vector.broadcast %max3A_147 : vector<256x1xf32> to vector<256x16xf32>
      %eq3A_157 = arith.cmpf oeq, %select_n3A_140, %eq3A_156 : vector<256x16xf32>
      %jit3A_158 = arith.constant 8192 : i32
      %broadcast_in_dim3A_159 = vector.broadcast %jit3A_158 : i32 to vector<256x16xi32>
      %select_n3A_160 = arith.select %eq3A_157, %get3A_65, %broadcast_in_dim3A_159 : vector<256x16xi1>, vector<256x16xi32>
      %reduce_min3A_161 = arith.constant dense<2147483647> : vector<256xi32>
      %reduce_min3A_162 = vector.multi_reduction <minsi>, %select_n3A_160, %reduce_min3A_161 [1] : vector<256x16xi32> to vector<256xi32>
      %broadcast_in_dim3A_163 = vector.shape_cast %reduce_min3A_162 : vector<256xi32> to vector<256x1xi32>
      %min3A_164 = arith.minsi %broadcast_in_dim3A_155, %broadcast_in_dim3A_163 : vector<256x1xi32>
      %swap3A_165 = arith.constant 0 : index
      %swap3A_166 = arith.constant 2 : index
      %swap3A_167 = vector.load %arg8[%swap3A_165, %swap3A_166] : memref<256x16xf32, #tpu.memory_space<vmem>>, vector<256x1xf32>
      tpu.vector_store %arg8[%swap3A_165, %swap3A_166], %max3A_147 {strides = array<i32>} : memref<256x16xf32, #tpu.memory_space<vmem>>, vector<256x1xf32>,
      %swap3A_168 = arith.constant 0 : index
      %swap3A_169 = arith.constant 2 : index
      %swap3A_170 = vector.load %arg9[%swap3A_168, %swap3A_169] : memref<256x16xi32, #tpu.memory_space<vmem>>, vector<256x1xi32>
      tpu.vector_store %arg9[%swap3A_168, %swap3A_169], %min3A_164 {strides = array<i32>} : memref<256x16xi32, #tpu.memory_space<vmem>>, vector<256x1xi32>,
      %eq3A_171 = vector.broadcast %min3A_164 : vector<256x1xi32> to vector<256x1024xi32>
      %eq3A_172 = arith.cmpi eq, %add3A_41, %eq3A_171 : vector<256x1024xi32>
      %jit3A_173 = arith.constant 0xFF800000 : f32
      %broadcast_in_dim3A_174 = vector.broadcast %jit3A_173 : f32 to vector<256x1024xf32>
      %select_n3A_175 = arith.select %eq3A_172, %broadcast_in_dim3A_174, %select_n3A_135 : vector<256x1024xi1>, vector<256x1024xf32>
      %eq3A_176 = vector.broadcast %min3A_164 : vector<256x1xi32> to vector<256x16xi32>
      %eq3A_177 = arith.cmpi eq, %get3A_65, %eq3A_176 : vector<256x16xi32>
      %jit3A_178 = arith.constant 0xFF800000 : f32
      %broadcast_in_dim3A_179 = vector.broadcast %jit3A_178 : f32 to vector<256x16xf32>
      %select_n3A_180 = arith.select %eq3A_177, %broadcast_in_dim3A_179, %select_n3A_140 : vector<256x16xi1>, vector<256x16xf32>
      %reduce_max3A_181 = arith.constant dense<0xFF800000> : vector<256xf32>
      %reduce_max3A_182 = vector.multi_reduction <maximumf>, %select_n3A_175, %reduce_max3A_181 [1] : vector<256x1024xf32> to vector<256xf32>
      %broadcast_in_dim3A_183 = vector.shape_cast %reduce_max3A_182 : vector<256xf32> to vector<256x1xf32>
      %reduce_max3A_184 = arith.constant dense<0xFF800000> : vector<256xf32>
      %reduce_max3A_185 = vector.multi_reduction <maximumf>, %select_n3A_180, %reduce_max3A_184 [1] : vector<256x16xf32> to vector<256xf32>
      %broadcast_in_dim3A_186 = vector.shape_cast %reduce_max3A_185 : vector<256xf32> to vector<256x1xf32>
      %max3A_187 = arith.maximumf %broadcast_in_dim3A_183, %broadcast_in_dim3A_186 : vector<256x1xf32>
      %eq3A_188 = vector.broadcast %max3A_187 : vector<256x1xf32> to vector<256x1024xf32>
      %eq3A_189 = arith.cmpf oeq, %select_n3A_175, %eq3A_188 : vector<256x1024xf32>
      %jit3A_190 = arith.constant 8192 : i32
      %broadcast_in_dim3A_191 = vector.broadcast %jit3A_190 : i32 to vector<256x1024xi32>
      %select_n3A_192 = arith.select %eq3A_189, %add3A_41, %broadcast_in_dim3A_191 : vector<256x1024xi1>, vector<256x1024xi32>
      %reduce_min3A_193 = arith.constant dense<2147483647> : vector<256xi32>
      %reduce_min3A_194 = vector.multi_reduction <minsi>, %select_n3A_192, %reduce_min3A_193 [1] : vector<256x1024xi32> to vector<256xi32>
      %broadcast_in_dim3A_195 = vector.shape_cast %reduce_min3A_194 : vector<256xi32> to vector<256x1xi32>
      %eq3A_196 = vector.broadcast %max3A_187 : vector<256x1xf32> to vector<256x16xf32>
      %eq3A_197 = arith.cmpf oeq, %select_n3A_180, %eq3A_196 : vector<256x16xf32>
      %jit3A_198 = arith.constant 8192 : i32
      %broadcast_in_dim3A_199 = vector.broadcast %jit3A_198 : i32 to vector<256x16xi32>
      %select_n3A_200 = arith.select %eq3A_197, %get3A_65, %broadcast_in_dim3A_199 : vector<256x16xi1>, vector<256x16xi32>
      %reduce_min3A_201 = arith.constant dense<2147483647> : vector<256xi32>
      %reduce_min3A_202 = vector.multi_reduction <minsi>, %select_n3A_200, %reduce_min3A_201 [1] : vector<256x16xi32> to vector<256xi32>
      %broadcast_in_dim3A_203 = vector.shape_cast %reduce_min3A_202 : vector<256xi32> to vector<256x1xi32>
      %min3A_204 = arith.minsi %broadcast_in_dim3A_195, %broadcast_in_dim3A_203 : vector<256x1xi32>
      %swap3A_205 = arith.constant 0 : index
      %swap3A_206 = arith.constant 3 : index
      %swap3A_207 = vector.load %arg8[%swap3A_205, %swap3A_206] : memref<256x16xf32, #tpu.memory_space<vmem>>, vector<256x1xf32>
      tpu.vector_store %arg8[%swap3A_205, %swap3A_206], %max3A_187 {strides = array<i32>} : memref<256x16xf32, #tpu.memory_space<vmem>>, vector<256x1xf32>,
      %swap3A_208 = arith.constant 0 : index
      %swap3A_209 = arith.constant 3 : index
      %swap3A_210 = vector.load %arg9[%swap3A_208, %swap3A_209] : memref<256x16xi32, #tpu.memory_space<vmem>>, vector<256x1xi32>
      tpu.vector_store %arg9[%swap3A_208, %swap3A_209], %min3A_204 {strides = array<i32>} : memref<256x16xi32, #tpu.memory_space<vmem>>, vector<256x1xi32>,
      %eq3A_211 = vector.broadcast %min3A_204 : vector<256x1xi32> to vector<256x1024xi32>
      %eq3A_212 = arith.cmpi eq, %add3A_41, %eq3A_211 : vector<256x1024xi32>
      %jit3A_213 = arith.constant 0xFF800000 : f32
      %broadcast_in_dim3A_214 = vector.broadcast %jit3A_213 : f32 to vector<256x1024xf32>
      %select_n3A_215 = arith.select %eq3A_212, %broadcast_in_dim3A_214, %select_n3A_175 : vector<256x1024xi1>, vector<256x1024xf32>
      %eq3A_216 = vector.broadcast %min3A_204 : vector<256x1xi32> to vector<256x16xi32>
      %eq3A_217 = arith.cmpi eq, %get3A_65, %eq3A_216 : vector<256x16xi32>
      %jit3A_218 = arith.constant 0xFF800000 : f32
      %broadcast_in_dim3A_219 = vector.broadcast %jit3A_218 : f32 to vector<256x16xf32>
      %select_n3A_220 = arith.select %eq3A_217, %broadcast_in_dim3A_219, %select_n3A_180 : vector<256x16xi1>, vector<256x16xf32>
      %reduce_max3A_221 = arith.constant dense<0xFF800000> : vector<256xf32>
      %reduce_max3A_222 = vector.multi_reduction <maximumf>, %select_n3A_215, %reduce_max3A_221 [1] : vector<256x1024xf32> to vector<256xf32>
      %broadcast_in_dim3A_223 = vector.shape_cast %reduce_max3A_222 : vector<256xf32> to vector<256x1xf32>
      %reduce_max3A_224 = arith.constant dense<0xFF800000> : vector<256xf32>
      %reduce_max3A_225 = vector.multi_reduction <maximumf>, %select_n3A_220, %reduce_max3A_224 [1] : vector<256x16xf32> to vector<256xf32>
      %broadcast_in_dim3A_226 = vector.shape_cast %reduce_max3A_225 : vector<256xf32> to vector<256x1xf32>
      %max3A_227 = arith.maximumf %broadcast_in_dim3A_223, %broadcast_in_dim3A_226 : vector<256x1xf32>
      %eq3A_228 = vector.broadcast %max3A_227 : vector<256x1xf32> to vector<256x1024xf32>
      %eq3A_229 = arith.cmpf oeq, %select_n3A_215, %eq3A_228 : vector<256x1024xf32>
      %jit3A_230 = arith.constant 8192 : i32
      %broadcast_in_dim3A_231 = vector.broadcast %jit3A_230 : i32 to vector<256x1024xi32>
      %select_n3A_232 = arith.select %eq3A_229, %add3A_41, %broadcast_in_dim3A_231 : vector<256x1024xi1>, vector<256x1024xi32>
      %reduce_min3A_233 = arith.constant dense<2147483647> : vector<256xi32>
      %reduce_min3A_234 = vector.multi_reduction <minsi>, %select_n3A_232, %reduce_min3A_233 [1] : vector<256x1024xi32> to vector<256xi32>
      %broadcast_in_dim3A_235 = vector.shape_cast %reduce_min3A_234 : vector<256xi32> to vector<256x1xi32>
      %eq3A_236 = vector.broadcast %max3A_227 : vector<256x1xf32> to vector<256x16xf32>
      %eq3A_237 = arith.cmpf oeq, %select_n3A_220, %eq3A_236 : vector<256x16xf32>
      %jit3A_238 = arith.constant 8192 : i32
      %broadcast_in_dim3A_239 = vector.broadcast %jit3A_238 : i32 to vector<256x16xi32>
      %select_n3A_240 = arith.select %eq3A_237, %get3A_65, %broadcast_in_dim3A_239 : vector<256x16xi1>, vector<256x16xi32>
      %reduce_min3A_241 = arith.constant dense<2147483647> : vector<256xi32>
      %reduce_min3A_242 = vector.multi_reduction <minsi>, %select_n3A_240, %reduce_min3A_241 [1] : vector<256x16xi32> to vector<256xi32>
      %broadcast_in_dim3A_243 = vector.shape_cast %reduce_min3A_242 : vector<256xi32> to vector<256x1xi32>
      %min3A_244 = arith.minsi %broadcast_in_dim3A_235, %broadcast_in_dim3A_243 : vector<256x1xi32>
      %swap3A_245 = arith.constant 0 : index
      %swap3A_246 = arith.constant 4 : index
      %swap3A_247 = vector.load %arg8[%swap3A_245, %swap3A_246] : memref<256x16xf32, #tpu.memory_space<vmem>>, vector<256x1xf32>
      tpu.vector_store %arg8[%swap3A_245, %swap3A_246], %max3A_227 {strides = array<i32>} : memref<256x16xf32, #tpu.memory_space<vmem>>, vector<256x1xf32>,
      %swap3A_248 = arith.constant 0 : index
      %swap3A_249 = arith.constant 4 : index
      %swap3A_250 = vector.load %arg9[%swap3A_248, %swap3A_249] : memref<256x16xi32, #tpu.memory_space<vmem>>, vector<256x1xi32>
      tpu.vector_store %arg9[%swap3A_248, %swap3A_249], %min3A_244 {strides = array<i32>} : memref<256x16xi32, #tpu.memory_space<vmem>>, vector<256x1xi32>,
      %eq3A_251 = vector.broadcast %min3A_244 : vector<256x1xi32> to vector<256x1024xi32>
      %eq3A_252 = arith.cmpi eq, %add3A_41, %eq3A_251 : vector<256x1024xi32>
      %jit3A_253 = arith.constant 0xFF800000 : f32
      %broadcast_in_dim3A_254 = vector.broadcast %jit3A_253 : f32 to vector<256x1024xf32>
      %select_n3A_255 = arith.select %eq3A_252, %broadcast_in_dim3A_254, %select_n3A_215 : vector<256x1024xi1>, vector<256x1024xf32>
      %eq3A_256 = vector.broadcast %min3A_244 : vector<256x1xi32> to vector<256x16xi32>
      %eq3A_257 = arith.cmpi eq, %get3A_65, %eq3A_256 : vector<256x16xi32>
      %jit3A_258 = arith.constant 0xFF800000 : f32
      %broadcast_in_dim3A_259 = vector.broadcast %jit3A_258 : f32 to vector<256x16xf32>
      %select_n3A_260 = arith.select %eq3A_257, %broadcast_in_dim3A_259, %select_n3A_220 : vector<256x16xi1>, vector<256x16xf32>
      %reduce_max3A_261 = arith.constant dense<0xFF800000> : vector<256xf32>
      %reduce_max3A_262 = vector.multi_reduction <maximumf>, %select_n3A_255, %reduce_max3A_261 [1] : vector<256x1024xf32> to vector<256xf32>
      %broadcast_in_dim3A_263 = vector.shape_cast %reduce_max3A_262 : vector<256xf32> to vector<256x1xf32>
      %reduce_max3A_264 = arith.constant dense<0xFF800000> : vector<256xf32>
      %reduce_max3A_265 = vector.multi_reduction <maximumf>, %select_n3A_260, %reduce_max3A_264 [1] : vector<256x16xf32> to vector<256xf32>
      %broadcast_in_dim3A_266 = vector.shape_cast %reduce_max3A_265 : vector<256xf32> to vector<256x1xf32>
      %max3A_267 = arith.maximumf %broadcast_in_dim3A_263, %broadcast_in_dim3A_266 : vector<256x1xf32>
      %eq3A_268 = vector.broadcast %max3A_267 : vector<256x1xf32> to vector<256x1024xf32>
      %eq3A_269 = arith.cmpf oeq, %select_n3A_255, %eq3A_268 : vector<256x1024xf32>
      %jit3A_270 = arith.constant 8192 : i32
      %broadcast_in_dim3A_271 = vector.broadcast %jit3A_270 : i32 to vector<256x1024xi32>
      %select_n3A_272 = arith.select %eq3A_269, %add3A_41, %broadcast_in_dim3A_271 : vector<256x1024xi1>, vector<256x1024xi32>
      %reduce_min3A_273 = arith.constant dense<2147483647> : vector<256xi32>
      %reduce_min3A_274 = vector.multi_reduction <minsi>, %select_n3A_272, %reduce_min3A_273 [1] : vector<256x1024xi32> to vector<256xi32>
      %broadcast_in_dim3A_275 = vector.shape_cast %reduce_min3A_274 : vector<256xi32> to vector<256x1xi32>
      %eq3A_276 = vector.broadcast %max3A_267 : vector<256x1xf32> to vector<256x16xf32>
      %eq3A_277 = arith.cmpf oeq, %select_n3A_260, %eq3A_276 : vector<256x16xf32>
      %jit3A_278 = arith.constant 8192 : i32
      %broadcast_in_dim3A_279 = vector.broadcast %jit3A_278 : i32 to vector<256x16xi32>
      %select_n3A_280 = arith.select %eq3A_277, %get3A_65, %broadcast_in_dim3A_279 : vector<256x16xi1>, vector<256x16xi32>
      %reduce_min3A_281 = arith.constant dense<2147483647> : vector<256xi32>
      %reduce_min3A_282 = vector.multi_reduction <minsi>, %select_n3A_280, %reduce_min3A_281 [1] : vector<256x16xi32> to vector<256xi32>
      %broadcast_in_dim3A_283 = vector.shape_cast %reduce_min3A_282 : vector<256xi32> to vector<256x1xi32>
      %min3A_284 = arith.minsi %broadcast_in_dim3A_275, %broadcast_in_dim3A_283 : vector<256x1xi32>
      %swap3A_285 = arith.constant 0 : index
      %swap3A_286 = arith.constant 5 : index
      %swap3A_287 = vector.load %arg8[%swap3A_285, %swap3A_286] : memref<256x16xf32, #tpu.memory_space<vmem>>, vector<256x1xf32>
      tpu.vector_store %arg8[%swap3A_285, %swap3A_286], %max3A_267 {strides = array<i32>} : memref<256x16xf32, #tpu.memory_space<vmem>>, vector<256x1xf32>,
      %swap3A_288 = arith.constant 0 : index
      %swap3A_289 = arith.constant 5 : index
      %swap3A_290 = vector.load %arg9[%swap3A_288, %swap3A_289] : memref<256x16xi32, #tpu.memory_space<vmem>>, vector<256x1xi32>
      tpu.vector_store %arg9[%swap3A_288, %swap3A_289], %min3A_284 {strides = array<i32>} : memref<256x16xi32, #tpu.memory_space<vmem>>, vector<256x1xi32>,
      %eq3A_291 = vector.broadcast %min3A_284 : vector<256x1xi32> to vector<256x1024xi32>
      %eq3A_292 = arith.cmpi eq, %add3A_41, %eq3A_291 : vector<256x1024xi32>
      %jit3A_293 = arith.constant 0xFF800000 : f32
      %broadcast_in_dim3A_294 = vector.broadcast %jit3A_293 : f32 to vector<256x1024xf32>
      %select_n3A_295 = arith.select %eq3A_292, %broadcast_in_dim3A_294, %select_n3A_255 : vector<256x1024xi1>, vector<256x1024xf32>
      %eq3A_296 = vector.broadcast %min3A_284 : vector<256x1xi32> to vector<256x16xi32>
      %eq3A_297 = arith.cmpi eq, %get3A_65, %eq3A_296 : vector<256x16xi32>
      %jit3A_298 = arith.constant 0xFF800000 : f32
      %broadcast_in_dim3A_299 = vector.broadcast %jit3A_298 : f32 to vector<256x16xf32>
      %select_n3A_300 = arith.select %eq3A_297, %broadcast_in_dim3A_299, %select_n3A_260 : vector<256x16xi1>, vector<256x16xf32>
      %reduce_max3A_301 = arith.constant dense<0xFF800000> : vector<256xf32>
      %reduce_max3A_302 = vector.multi_reduction <maximumf>, %select_n3A_295, %reduce_max3A_301 [1] : vector<256x1024xf32> to vector<256xf32>
      %broadcast_in_dim3A_303 = vector.shape_cast %reduce_max3A_302 : vector<256xf32> to vector<256x1xf32>
      %reduce_max3A_304 = arith.constant dense<0xFF800000> : vector<256xf32>
      %reduce_max3A_305 = vector.multi_reduction <maximumf>, %select_n3A_300, %reduce_max3A_304 [1] : vector<256x16xf32> to vector<256xf32>
      %broadcast_in_dim3A_306 = vector.shape_cast %reduce_max3A_305 : vector<256xf32> to vector<256x1xf32>
      %max3A_307 = arith.maximumf %broadcast_in_dim3A_303, %broadcast_in_dim3A_306 : vector<256x1xf32>
      %eq3A_308 = vector.broadcast %max3A_307 : vector<256x1xf32> to vector<256x1024xf32>
      %eq3A_309 = arith.cmpf oeq, %select_n3A_295, %eq3A_308 : vector<256x1024xf32>
      %jit3A_310 = arith.constant 8192 : i32
      %broadcast_in_dim3A_311 = vector.broadcast %jit3A_310 : i32 to vector<256x1024xi32>
      %select_n3A_312 = arith.select %eq3A_309, %add3A_41, %broadcast_in_dim3A_311 : vector<256x1024xi1>, vector<256x1024xi32>
      %reduce_min3A_313 = arith.constant dense<2147483647> : vector<256xi32>
      %reduce_min3A_314 = vector.multi_reduction <minsi>, %select_n3A_312, %reduce_min3A_313 [1] : vector<256x1024xi32> to vector<256xi32>
      %broadcast_in_dim3A_315 = vector.shape_cast %reduce_min3A_314 : vector<256xi32> to vector<256x1xi32>
      %eq3A_316 = vector.broadcast %max3A_307 : vector<256x1xf32> to vector<256x16xf32>
      %eq3A_317 = arith.cmpf oeq, %select_n3A_300, %eq3A_316 : vector<256x16xf32>
      %jit3A_318 = arith.constant 8192 : i32
      %broadcast_in_dim3A_319 = vector.broadcast %jit3A_318 : i32 to vector<256x16xi32>
      %select_n3A_320 = arith.select %eq3A_317, %get3A_65, %broadcast_in_dim3A_319 : vector<256x16xi1>, vector<256x16xi32>
      %reduce_min3A_321 = arith.constant dense<2147483647> : vector<256xi32>
      %reduce_min3A_322 = vector.multi_reduction <minsi>, %select_n3A_320, %reduce_min3A_321 [1] : vector<256x16xi32> to vector<256xi32>
      %broadcast_in_dim3A_323 = vector.shape_cast %reduce_min3A_322 : vector<256xi32> to vector<256x1xi32>
      %min3A_324 = arith.minsi %broadcast_in_dim3A_315, %broadcast_in_dim3A_323 : vector<256x1xi32>
      %swap3A_325 = arith.constant 0 : index
      %swap3A_326 = arith.constant 6 : index
      %swap3A_327 = vector.load %arg8[%swap3A_325, %swap3A_326] : memref<256x16xf32, #tpu.memory_space<vmem>>, vector<256x1xf32>
      tpu.vector_store %arg8[%swap3A_325, %swap3A_326], %max3A_307 {strides = array<i32>} : memref<256x16xf32, #tpu.memory_space<vmem>>, vector<256x1xf32>,
      %swap3A_328 = arith.constant 0 : index
      %swap3A_329 = arith.constant 6 : index
      %swap3A_330 = vector.load %arg9[%swap3A_328, %swap3A_329] : memref<256x16xi32, #tpu.memory_space<vmem>>, vector<256x1xi32>
      tpu.vector_store %arg9[%swap3A_328, %swap3A_329], %min3A_324 {strides = array<i32>} : memref<256x16xi32, #tpu.memory_space<vmem>>, vector<256x1xi32>,
      %eq3A_331 = vector.broadcast %min3A_324 : vector<256x1xi32> to vector<256x1024xi32>
      %eq3A_332 = arith.cmpi eq, %add3A_41, %eq3A_331 : vector<256x1024xi32>
      %jit3A_333 = arith.constant 0xFF800000 : f32
      %broadcast_in_dim3A_334 = vector.broadcast %jit3A_333 : f32 to vector<256x1024xf32>
      %select_n3A_335 = arith.select %eq3A_332, %broadcast_in_dim3A_334, %select_n3A_295 : vector<256x1024xi1>, vector<256x1024xf32>
      %eq3A_336 = vector.broadcast %min3A_324 : vector<256x1xi32> to vector<256x16xi32>
      %eq3A_337 = arith.cmpi eq, %get3A_65, %eq3A_336 : vector<256x16xi32>
      %jit3A_338 = arith.constant 0xFF800000 : f32
      %broadcast_in_dim3A_339 = vector.broadcast %jit3A_338 : f32 to vector<256x16xf32>
      %select_n3A_340 = arith.select %eq3A_337, %broadcast_in_dim3A_339, %select_n3A_300 : vector<256x16xi1>, vector<256x16xf32>
      %reduce_max3A_341 = arith.constant dense<0xFF800000> : vector<256xf32>
      %reduce_max3A_342 = vector.multi_reduction <maximumf>, %select_n3A_335, %reduce_max3A_341 [1] : vector<256x1024xf32> to vector<256xf32>
      %broadcast_in_dim3A_343 = vector.shape_cast %reduce_max3A_342 : vector<256xf32> to vector<256x1xf32>
      %reduce_max3A_344 = arith.constant dense<0xFF800000> : vector<256xf32>
      %reduce_max3A_345 = vector.multi_reduction <maximumf>, %select_n3A_340, %reduce_max3A_344 [1] : vector<256x16xf32> to vector<256xf32>
      %broadcast_in_dim3A_346 = vector.shape_cast %reduce_max3A_345 : vector<256xf32> to vector<256x1xf32>
      %max3A_347 = arith.maximumf %broadcast_in_dim3A_343, %broadcast_in_dim3A_346 : vector<256x1xf32>
      %eq3A_348 = vector.broadcast %max3A_347 : vector<256x1xf32> to vector<256x1024xf32>
      %eq3A_349 = arith.cmpf oeq, %select_n3A_335, %eq3A_348 : vector<256x1024xf32>
      %jit3A_350 = arith.constant 8192 : i32
      %broadcast_in_dim3A_351 = vector.broadcast %jit3A_350 : i32 to vector<256x1024xi32>
      %select_n3A_352 = arith.select %eq3A_349, %add3A_41, %broadcast_in_dim3A_351 : vector<256x1024xi1>, vector<256x1024xi32>
      %reduce_min3A_353 = arith.constant dense<2147483647> : vector<256xi32>
      %reduce_min3A_354 = vector.multi_reduction <minsi>, %select_n3A_352, %reduce_min3A_353 [1] : vector<256x1024xi32> to vector<256xi32>
      %broadcast_in_dim3A_355 = vector.shape_cast %reduce_min3A_354 : vector<256xi32> to vector<256x1xi32>
      %eq3A_356 = vector.broadcast %max3A_347 : vector<256x1xf32> to vector<256x16xf32>
      %eq3A_357 = arith.cmpf oeq, %select_n3A_340, %eq3A_356 : vector<256x16xf32>
      %jit3A_358 = arith.constant 8192 : i32
      %broadcast_in_dim3A_359 = vector.broadcast %jit3A_358 : i32 to vector<256x16xi32>
      %select_n3A_360 = arith.select %eq3A_357, %get3A_65, %broadcast_in_dim3A_359 : vector<256x16xi1>, vector<256x16xi32>
      %reduce_min3A_361 = arith.constant dense<2147483647> : vector<256xi32>
      %reduce_min3A_362 = vector.multi_reduction <minsi>, %select_n3A_360, %reduce_min3A_361 [1] : vector<256x16xi32> to vector<256xi32>
      %broadcast_in_dim3A_363 = vector.shape_cast %reduce_min3A_362 : vector<256xi32> to vector<256x1xi32>
      %min3A_364 = arith.minsi %broadcast_in_dim3A_355, %broadcast_in_dim3A_363 : vector<256x1xi32>
      %swap3A_365 = arith.constant 0 : index
      %swap3A_366 = arith.constant 7 : index
      %swap3A_367 = vector.load %arg8[%swap3A_365, %swap3A_366] : memref<256x16xf32, #tpu.memory_space<vmem>>, vector<256x1xf32>
      tpu.vector_store %arg8[%swap3A_365, %swap3A_366], %max3A_347 {strides = array<i32>} : memref<256x16xf32, #tpu.memory_space<vmem>>, vector<256x1xf32>,
      %swap3A_368 = arith.constant 0 : index
      %swap3A_369 = arith.constant 7 : index
      %swap3A_370 = vector.load %arg9[%swap3A_368, %swap3A_369] : memref<256x16xi32, #tpu.memory_space<vmem>>, vector<256x1xi32>
      tpu.vector_store %arg9[%swap3A_368, %swap3A_369], %min3A_364 {strides = array<i32>} : memref<256x16xi32, #tpu.memory_space<vmem>>, vector<256x1xi32>,
      %eq3A_371 = vector.broadcast %min3A_364 : vector<256x1xi32> to vector<256x1024xi32>
      %eq3A_372 = arith.cmpi eq, %add3A_41, %eq3A_371 : vector<256x1024xi32>
      %jit3A_373 = arith.constant 0xFF800000 : f32
      %broadcast_in_dim3A_374 = vector.broadcast %jit3A_373 : f32 to vector<256x1024xf32>
      %select_n3A_375 = arith.select %eq3A_372, %broadcast_in_dim3A_374, %select_n3A_335 : vector<256x1024xi1>, vector<256x1024xf32>
      %eq3A_376 = vector.broadcast %min3A_364 : vector<256x1xi32> to vector<256x16xi32>
      %eq3A_377 = arith.cmpi eq, %get3A_65, %eq3A_376 : vector<256x16xi32>
      %jit3A_378 = arith.constant 0xFF800000 : f32
      %broadcast_in_dim3A_379 = vector.broadcast %jit3A_378 : f32 to vector<256x16xf32>
      %select_n3A_380 = arith.select %eq3A_377, %broadcast_in_dim3A_379, %select_n3A_340 : vector<256x16xi1>, vector<256x16xf32>
      %reduce_max3A_381 = arith.constant dense<0xFF800000> : vector<256xf32>
      %reduce_max3A_382 = vector.multi_reduction <maximumf>, %select_n3A_375, %reduce_max3A_381 [1] : vector<256x1024xf32> to vector<256xf32>
      %broadcast_in_dim3A_383 = vector.shape_cast %reduce_max3A_382 : vector<256xf32> to vector<256x1xf32>
      %reduce_max3A_384 = arith.constant dense<0xFF800000> : vector<256xf32>
      %reduce_max3A_385 = vector.multi_reduction <maximumf>, %select_n3A_380, %reduce_max3A_384 [1] : vector<256x16xf32> to vector<256xf32>
      %broadcast_in_dim3A_386 = vector.shape_cast %reduce_max3A_385 : vector<256xf32> to vector<256x1xf32>
      %max3A_387 = arith.maximumf %broadcast_in_dim3A_383, %broadcast_in_dim3A_386 : vector<256x1xf32>
      %eq3A_388 = vector.broadcast %max3A_387 : vector<256x1xf32> to vector<256x1024xf32>
      %eq3A_389 = arith.cmpf oeq, %select_n3A_375, %eq3A_388 : vector<256x1024xf32>
      %jit3A_390 = arith.constant 8192 : i32
      %broadcast_in_dim3A_391 = vector.broadcast %jit3A_390 : i32 to vector<256x1024xi32>
      %select_n3A_392 = arith.select %eq3A_389, %add3A_41, %broadcast_in_dim3A_391 : vector<256x1024xi1>, vector<256x1024xi32>
      %reduce_min3A_393 = arith.constant dense<2147483647> : vector<256xi32>
      %reduce_min3A_394 = vector.multi_reduction <minsi>, %select_n3A_392, %reduce_min3A_393 [1] : vector<256x1024xi32> to vector<256xi32>
      %broadcast_in_dim3A_395 = vector.shape_cast %reduce_min3A_394 : vector<256xi32> to vector<256x1xi32>
      %eq3A_396 = vector.broadcast %max3A_387 : vector<256x1xf32> to vector<256x16xf32>
      %eq3A_397 = arith.cmpf oeq, %select_n3A_380, %eq3A_396 : vector<256x16xf32>
      %jit3A_398 = arith.constant 8192 : i32
      %broadcast_in_dim3A_399 = vector.broadcast %jit3A_398 : i32 to vector<256x16xi32>
      %select_n3A_400 = arith.select %eq3A_397, %get3A_65, %broadcast_in_dim3A_399 : vector<256x16xi1>, vector<256x16xi32>
      %reduce_min3A_401 = arith.constant dense<2147483647> : vector<256xi32>
      %reduce_min3A_402 = vector.multi_reduction <minsi>, %select_n3A_400, %reduce_min3A_401 [1] : vector<256x16xi32> to vector<256xi32>
      %broadcast_in_dim3A_403 = vector.shape_cast %reduce_min3A_402 : vector<256xi32> to vector<256x1xi32>
      %min3A_404 = arith.minsi %broadcast_in_dim3A_395, %broadcast_in_dim3A_403 : vector<256x1xi32>
      %swap3A_405 = arith.constant 0 : index
      %swap3A_406 = arith.constant 8 : index
      %swap3A_407 = vector.load %arg8[%swap3A_405, %swap3A_406] : memref<256x16xf32, #tpu.memory_space<vmem>>, vector<256x1xf32>
      tpu.vector_store %arg8[%swap3A_405, %swap3A_406], %max3A_387 {strides = array<i32>} : memref<256x16xf32, #tpu.memory_space<vmem>>, vector<256x1xf32>,
      %swap3A_408 = arith.constant 0 : index
      %swap3A_409 = arith.constant 8 : index
      %swap3A_410 = vector.load %arg9[%swap3A_408, %swap3A_409] : memref<256x16xi32, #tpu.memory_space<vmem>>, vector<256x1xi32>
      tpu.vector_store %arg9[%swap3A_408, %swap3A_409], %min3A_404 {strides = array<i32>} : memref<256x16xi32, #tpu.memory_space<vmem>>, vector<256x1xi32>,
      %eq3A_411 = vector.broadcast %min3A_404 : vector<256x1xi32> to vector<256x1024xi32>
      %eq3A_412 = arith.cmpi eq, %add3A_41, %eq3A_411 : vector<256x1024xi32>
      %jit3A_413 = arith.constant 0xFF800000 : f32
      %broadcast_in_dim3A_414 = vector.broadcast %jit3A_413 : f32 to vector<256x1024xf32>
      %select_n3A_415 = arith.select %eq3A_412, %broadcast_in_dim3A_414, %select_n3A_375 : vector<256x1024xi1>, vector<256x1024xf32>
      %eq3A_416 = vector.broadcast %min3A_404 : vector<256x1xi32> to vector<256x16xi32>
      %eq3A_417 = arith.cmpi eq, %get3A_65, %eq3A_416 : vector<256x16xi32>
      %jit3A_418 = arith.constant 0xFF800000 : f32
      %broadcast_in_dim3A_419 = vector.broadcast %jit3A_418 : f32 to vector<256x16xf32>
      %select_n3A_420 = arith.select %eq3A_417, %broadcast_in_dim3A_419, %select_n3A_380 : vector<256x16xi1>, vector<256x16xf32>
      %reduce_max3A_421 = arith.constant dense<0xFF800000> : vector<256xf32>
      %reduce_max3A_422 = vector.multi_reduction <maximumf>, %select_n3A_415, %reduce_max3A_421 [1] : vector<256x1024xf32> to vector<256xf32>
      %broadcast_in_dim3A_423 = vector.shape_cast %reduce_max3A_422 : vector<256xf32> to vector<256x1xf32>
      %reduce_max3A_424 = arith.constant dense<0xFF800000> : vector<256xf32>
      %reduce_max3A_425 = vector.multi_reduction <maximumf>, %select_n3A_420, %reduce_max3A_424 [1] : vector<256x16xf32> to vector<256xf32>
      %broadcast_in_dim3A_426 = vector.shape_cast %reduce_max3A_425 : vector<256xf32> to vector<256x1xf32>
      %max3A_427 = arith.maximumf %broadcast_in_dim3A_423, %broadcast_in_dim3A_426 : vector<256x1xf32>
      %eq3A_428 = vector.broadcast %max3A_427 : vector<256x1xf32> to vector<256x1024xf32>
      %eq3A_429 = arith.cmpf oeq, %select_n3A_415, %eq3A_428 : vector<256x1024xf32>
      %jit3A_430 = arith.constant 8192 : i32
      %broadcast_in_dim3A_431 = vector.broadcast %jit3A_430 : i32 to vector<256x1024xi32>
      %select_n3A_432 = arith.select %eq3A_429, %add3A_41, %broadcast_in_dim3A_431 : vector<256x1024xi1>, vector<256x1024xi32>
      %reduce_min3A_433 = arith.constant dense<2147483647> : vector<256xi32>
      %reduce_min3A_434 = vector.multi_reduction <minsi>, %select_n3A_432, %reduce_min3A_433 [1] : vector<256x1024xi32> to vector<256xi32>
      %broadcast_in_dim3A_435 = vector.shape_cast %reduce_min3A_434 : vector<256xi32> to vector<256x1xi32>
      %eq3A_436 = vector.broadcast %max3A_427 : vector<256x1xf32> to vector<256x16xf32>
      %eq3A_437 = arith.cmpf oeq, %select_n3A_420, %eq3A_436 : vector<256x16xf32>
      %jit3A_438 = arith.constant 8192 : i32
      %broadcast_in_dim3A_439 = vector.broadcast %jit3A_438 : i32 to vector<256x16xi32>
      %select_n3A_440 = arith.select %eq3A_437, %get3A_65, %broadcast_in_dim3A_439 : vector<256x16xi1>, vector<256x16xi32>
      %reduce_min3A_441 = arith.constant dense<2147483647> : vector<256xi32>
      %reduce_min3A_442 = vector.multi_reduction <minsi>, %select_n3A_440, %reduce_min3A_441 [1] : vector<256x16xi32> to vector<256xi32>
      %broadcast_in_dim3A_443 = vector.shape_cast %reduce_min3A_442 : vector<256xi32> to vector<256x1xi32>
      %min3A_444 = arith.minsi %broadcast_in_dim3A_435, %broadcast_in_dim3A_443 : vector<256x1xi32>
      %swap3A_445 = arith.constant 0 : index
      %swap3A_446 = arith.constant 9 : index
      %swap3A_447 = vector.load %arg8[%swap3A_445, %swap3A_446] : memref<256x16xf32, #tpu.memory_space<vmem>>, vector<256x1xf32>
      tpu.vector_store %arg8[%swap3A_445, %swap3A_446], %max3A_427 {strides = array<i32>} : memref<256x16xf32, #tpu.memory_space<vmem>>, vector<256x1xf32>,
      %swap3A_448 = arith.constant 0 : index
      %swap3A_449 = arith.constant 9 : index
      %swap3A_450 = vector.load %arg9[%swap3A_448, %swap3A_449] : memref<256x16xi32, #tpu.memory_space<vmem>>, vector<256x1xi32>
      tpu.vector_store %arg9[%swap3A_448, %swap3A_449], %min3A_444 {strides = array<i32>} : memref<256x16xi32, #tpu.memory_space<vmem>>, vector<256x1xi32>,
      %eq3A_451 = vector.broadcast %min3A_444 : vector<256x1xi32> to vector<256x1024xi32>
      %eq3A_452 = arith.cmpi eq, %add3A_41, %eq3A_451 : vector<256x1024xi32>
      %jit3A_453 = arith.constant 0xFF800000 : f32
      %broadcast_in_dim3A_454 = vector.broadcast %jit3A_453 : f32 to vector<256x1024xf32>
      %select_n3A_455 = arith.select %eq3A_452, %broadcast_in_dim3A_454, %select_n3A_415 : vector<256x1024xi1>, vector<256x1024xf32>
      %eq3A_456 = vector.broadcast %min3A_444 : vector<256x1xi32> to vector<256x16xi32>
      %eq3A_457 = arith.cmpi eq, %get3A_65, %eq3A_456 : vector<256x16xi32>
      %jit3A_458 = arith.constant 0xFF800000 : f32
      %broadcast_in_dim3A_459 = vector.broadcast %jit3A_458 : f32 to vector<256x16xf32>
      %select_n3A_460 = arith.select %eq3A_457, %broadcast_in_dim3A_459, %select_n3A_420 : vector<256x16xi1>, vector<256x16xf32>
      %reduce_max3A_461 = arith.constant dense<0xFF800000> : vector<256xf32>
      %reduce_max3A_462 = vector.multi_reduction <maximumf>, %select_n3A_455, %reduce_max3A_461 [1] : vector<256x1024xf32> to vector<256xf32>
      %broadcast_in_dim3A_463 = vector.shape_cast %reduce_max3A_462 : vector<256xf32> to vector<256x1xf32>
      %reduce_max3A_464 = arith.constant dense<0xFF800000> : vector<256xf32>
      %reduce_max3A_465 = vector.multi_reduction <maximumf>, %select_n3A_460, %reduce_max3A_464 [1] : vector<256x16xf32> to vector<256xf32>
      %broadcast_in_dim3A_466 = vector.shape_cast %reduce_max3A_465 : vector<256xf32> to vector<256x1xf32>
      %max3A_467 = arith.maximumf %broadcast_in_dim3A_463, %broadcast_in_dim3A_466 : vector<256x1xf32>
      %eq3A_468 = vector.broadcast %max3A_467 : vector<256x1xf32> to vector<256x1024xf32>
      %eq3A_469 = arith.cmpf oeq, %select_n3A_455, %eq3A_468 : vector<256x1024xf32>
      %jit3A_470 = arith.constant 8192 : i32
      %broadcast_in_dim3A_471 = vector.broadcast %jit3A_470 : i32 to vector<256x1024xi32>
      %select_n3A_472 = arith.select %eq3A_469, %add3A_41, %broadcast_in_dim3A_471 : vector<256x1024xi1>, vector<256x1024xi32>
      %reduce_min3A_473 = arith.constant dense<2147483647> : vector<256xi32>
      %reduce_min3A_474 = vector.multi_reduction <minsi>, %select_n3A_472, %reduce_min3A_473 [1] : vector<256x1024xi32> to vector<256xi32>
      %broadcast_in_dim3A_475 = vector.shape_cast %reduce_min3A_474 : vector<256xi32> to vector<256x1xi32>
      %eq3A_476 = vector.broadcast %max3A_467 : vector<256x1xf32> to vector<256x16xf32>
      %eq3A_477 = arith.cmpf oeq, %select_n3A_460, %eq3A_476 : vector<256x16xf32>
      %jit3A_478 = arith.constant 8192 : i32
      %broadcast_in_dim3A_479 = vector.broadcast %jit3A_478 : i32 to vector<256x16xi32>
      %select_n3A_480 = arith.select %eq3A_477, %get3A_65, %broadcast_in_dim3A_479 : vector<256x16xi1>, vector<256x16xi32>
      %reduce_min3A_481 = arith.constant dense<2147483647> : vector<256xi32>
      %reduce_min3A_482 = vector.multi_reduction <minsi>, %select_n3A_480, %reduce_min3A_481 [1] : vector<256x16xi32> to vector<256xi32>
      %broadcast_in_dim3A_483 = vector.shape_cast %reduce_min3A_482 : vector<256xi32> to vector<256x1xi32>
      %min3A_484 = arith.minsi %broadcast_in_dim3A_475, %broadcast_in_dim3A_483 : vector<256x1xi32>
      %swap3A_485 = arith.constant 0 : index
      %swap3A_486 = arith.constant 10 : index
      %swap3A_487 = vector.load %arg8[%swap3A_485, %swap3A_486] : memref<256x16xf32, #tpu.memory_space<vmem>>, vector<256x1xf32>
      tpu.vector_store %arg8[%swap3A_485, %swap3A_486], %max3A_467 {strides = array<i32>} : memref<256x16xf32, #tpu.memory_space<vmem>>, vector<256x1xf32>,
      %swap3A_488 = arith.constant 0 : index
      %swap3A_489 = arith.constant 10 : index
      %swap3A_490 = vector.load %arg9[%swap3A_488, %swap3A_489] : memref<256x16xi32, #tpu.memory_space<vmem>>, vector<256x1xi32>
      tpu.vector_store %arg9[%swap3A_488, %swap3A_489], %min3A_484 {strides = array<i32>} : memref<256x16xi32, #tpu.memory_space<vmem>>, vector<256x1xi32>,
      %eq3A_491 = vector.broadcast %min3A_484 : vector<256x1xi32> to vector<256x1024xi32>
      %eq3A_492 = arith.cmpi eq, %add3A_41, %eq3A_491 : vector<256x1024xi32>
      %jit3A_493 = arith.constant 0xFF800000 : f32
      %broadcast_in_dim3A_494 = vector.broadcast %jit3A_493 : f32 to vector<256x1024xf32>
      %select_n3A_495 = arith.select %eq3A_492, %broadcast_in_dim3A_494, %select_n3A_455 : vector<256x1024xi1>, vector<256x1024xf32>
      %eq3A_496 = vector.broadcast %min3A_484 : vector<256x1xi32> to vector<256x16xi32>
      %eq3A_497 = arith.cmpi eq, %get3A_65, %eq3A_496 : vector<256x16xi32>
      %jit3A_498 = arith.constant 0xFF800000 : f32
      %broadcast_in_dim3A_499 = vector.broadcast %jit3A_498 : f32 to vector<256x16xf32>
      %select_n3A_500 = arith.select %eq3A_497, %broadcast_in_dim3A_499, %select_n3A_460 : vector<256x16xi1>, vector<256x16xf32>
      %reduce_max3A_501 = arith.constant dense<0xFF800000> : vector<256xf32>
      %reduce_max3A_502 = vector.multi_reduction <maximumf>, %select_n3A_495, %reduce_max3A_501 [1] : vector<256x1024xf32> to vector<256xf32>
      %broadcast_in_dim3A_503 = vector.shape_cast %reduce_max3A_502 : vector<256xf32> to vector<256x1xf32>
      %reduce_max3A_504 = arith.constant dense<0xFF800000> : vector<256xf32>
      %reduce_max3A_505 = vector.multi_reduction <maximumf>, %select_n3A_500, %reduce_max3A_504 [1] : vector<256x16xf32> to vector<256xf32>
      %broadcast_in_dim3A_506 = vector.shape_cast %reduce_max3A_505 : vector<256xf32> to vector<256x1xf32>
      %max3A_507 = arith.maximumf %broadcast_in_dim3A_503, %broadcast_in_dim3A_506 : vector<256x1xf32>
      %eq3A_508 = vector.broadcast %max3A_507 : vector<256x1xf32> to vector<256x1024xf32>
      %eq3A_509 = arith.cmpf oeq, %select_n3A_495, %eq3A_508 : vector<256x1024xf32>
      %jit3A_510 = arith.constant 8192 : i32
      %broadcast_in_dim3A_511 = vector.broadcast %jit3A_510 : i32 to vector<256x1024xi32>
      %select_n3A_512 = arith.select %eq3A_509, %add3A_41, %broadcast_in_dim3A_511 : vector<256x1024xi1>, vector<256x1024xi32>
      %reduce_min3A_513 = arith.constant dense<2147483647> : vector<256xi32>
      %reduce_min3A_514 = vector.multi_reduction <minsi>, %select_n3A_512, %reduce_min3A_513 [1] : vector<256x1024xi32> to vector<256xi32>
      %broadcast_in_dim3A_515 = vector.shape_cast %reduce_min3A_514 : vector<256xi32> to vector<256x1xi32>
      %eq3A_516 = vector.broadcast %max3A_507 : vector<256x1xf32> to vector<256x16xf32>
      %eq3A_517 = arith.cmpf oeq, %select_n3A_500, %eq3A_516 : vector<256x16xf32>
      %jit3A_518 = arith.constant 8192 : i32
      %broadcast_in_dim3A_519 = vector.broadcast %jit3A_518 : i32 to vector<256x16xi32>
      %select_n3A_520 = arith.select %eq3A_517, %get3A_65, %broadcast_in_dim3A_519 : vector<256x16xi1>, vector<256x16xi32>
      %reduce_min3A_521 = arith.constant dense<2147483647> : vector<256xi32>
      %reduce_min3A_522 = vector.multi_reduction <minsi>, %select_n3A_520, %reduce_min3A_521 [1] : vector<256x16xi32> to vector<256xi32>
      %broadcast_in_dim3A_523 = vector.shape_cast %reduce_min3A_522 : vector<256xi32> to vector<256x1xi32>
      %min3A_524 = arith.minsi %broadcast_in_dim3A_515, %broadcast_in_dim3A_523 : vector<256x1xi32>
      %swap3A_525 = arith.constant 0 : index
      %swap3A_526 = arith.constant 11 : index
      %swap3A_527 = vector.load %arg8[%swap3A_525, %swap3A_526] : memref<256x16xf32, #tpu.memory_space<vmem>>, vector<256x1xf32>
      tpu.vector_store %arg8[%swap3A_525, %swap3A_526], %max3A_507 {strides = array<i32>} : memref<256x16xf32, #tpu.memory_space<vmem>>, vector<256x1xf32>,
      %swap3A_528 = arith.constant 0 : index
      %swap3A_529 = arith.constant 11 : index
      %swap3A_530 = vector.load %arg9[%swap3A_528, %swap3A_529] : memref<256x16xi32, #tpu.memory_space<vmem>>, vector<256x1xi32>
      tpu.vector_store %arg9[%swap3A_528, %swap3A_529], %min3A_524 {strides = array<i32>} : memref<256x16xi32, #tpu.memory_space<vmem>>, vector<256x1xi32>,
      %eq3A_531 = vector.broadcast %min3A_524 : vector<256x1xi32> to vector<256x1024xi32>
      %eq3A_532 = arith.cmpi eq, %add3A_41, %eq3A_531 : vector<256x1024xi32>
      %jit3A_533 = arith.constant 0xFF800000 : f32
      %broadcast_in_dim3A_534 = vector.broadcast %jit3A_533 : f32 to vector<256x1024xf32>
      %select_n3A_535 = arith.select %eq3A_532, %broadcast_in_dim3A_534, %select_n3A_495 : vector<256x1024xi1>, vector<256x1024xf32>
      %eq3A_536 = vector.broadcast %min3A_524 : vector<256x1xi32> to vector<256x16xi32>
      %eq3A_537 = arith.cmpi eq, %get3A_65, %eq3A_536 : vector<256x16xi32>
      %jit3A_538 = arith.constant 0xFF800000 : f32
      %broadcast_in_dim3A_539 = vector.broadcast %jit3A_538 : f32 to vector<256x16xf32>
      %select_n3A_540 = arith.select %eq3A_537, %broadcast_in_dim3A_539, %select_n3A_500 : vector<256x16xi1>, vector<256x16xf32>
      %reduce_max3A_541 = arith.constant dense<0xFF800000> : vector<256xf32>
      %reduce_max3A_542 = vector.multi_reduction <maximumf>, %select_n3A_535, %reduce_max3A_541 [1] : vector<256x1024xf32> to vector<256xf32>
      %broadcast_in_dim3A_543 = vector.shape_cast %reduce_max3A_542 : vector<256xf32> to vector<256x1xf32>
      %reduce_max3A_544 = arith.constant dense<0xFF800000> : vector<256xf32>
      %reduce_max3A_545 = vector.multi_reduction <maximumf>, %select_n3A_540, %reduce_max3A_544 [1] : vector<256x16xf32> to vector<256xf32>
      %broadcast_in_dim3A_546 = vector.shape_cast %reduce_max3A_545 : vector<256xf32> to vector<256x1xf32>
      %max3A_547 = arith.maximumf %broadcast_in_dim3A_543, %broadcast_in_dim3A_546 : vector<256x1xf32>
      %eq3A_548 = vector.broadcast %max3A_547 : vector<256x1xf32> to vector<256x1024xf32>
      %eq3A_549 = arith.cmpf oeq, %select_n3A_535, %eq3A_548 : vector<256x1024xf32>
      %jit3A_550 = arith.constant 8192 : i32
      %broadcast_in_dim3A_551 = vector.broadcast %jit3A_550 : i32 to vector<256x1024xi32>
      %select_n3A_552 = arith.select %eq3A_549, %add3A_41, %broadcast_in_dim3A_551 : vector<256x1024xi1>, vector<256x1024xi32>
      %reduce_min3A_553 = arith.constant dense<2147483647> : vector<256xi32>
      %reduce_min3A_554 = vector.multi_reduction <minsi>, %select_n3A_552, %reduce_min3A_553 [1] : vector<256x1024xi32> to vector<256xi32>
      %broadcast_in_dim3A_555 = vector.shape_cast %reduce_min3A_554 : vector<256xi32> to vector<256x1xi32>
      %eq3A_556 = vector.broadcast %max3A_547 : vector<256x1xf32> to vector<256x16xf32>
      %eq3A_557 = arith.cmpf oeq, %select_n3A_540, %eq3A_556 : vector<256x16xf32>
      %jit3A_558 = arith.constant 8192 : i32
      %broadcast_in_dim3A_559 = vector.broadcast %jit3A_558 : i32 to vector<256x16xi32>
      %select_n3A_560 = arith.select %eq3A_557, %get3A_65, %broadcast_in_dim3A_559 : vector<256x16xi1>, vector<256x16xi32>
      %reduce_min3A_561 = arith.constant dense<2147483647> : vector<256xi32>
      %reduce_min3A_562 = vector.multi_reduction <minsi>, %select_n3A_560, %reduce_min3A_561 [1] : vector<256x16xi32> to vector<256xi32>
      %broadcast_in_dim3A_563 = vector.shape_cast %reduce_min3A_562 : vector<256xi32> to vector<256x1xi32>
      %min3A_564 = arith.minsi %broadcast_in_dim3A_555, %broadcast_in_dim3A_563 : vector<256x1xi32>
      %swap3A_565 = arith.constant 0 : index
      %swap3A_566 = arith.constant 12 : index
      %swap3A_567 = vector.load %arg8[%swap3A_565, %swap3A_566] : memref<256x16xf32, #tpu.memory_space<vmem>>, vector<256x1xf32>
      tpu.vector_store %arg8[%swap3A_565, %swap3A_566], %max3A_547 {strides = array<i32>} : memref<256x16xf32, #tpu.memory_space<vmem>>, vector<256x1xf32>,
      %swap3A_568 = arith.constant 0 : index
      %swap3A_569 = arith.constant 12 : index
      %swap3A_570 = vector.load %arg9[%swap3A_568, %swap3A_569] : memref<256x16xi32, #tpu.memory_space<vmem>>, vector<256x1xi32>
      tpu.vector_store %arg9[%swap3A_568, %swap3A_569], %min3A_564 {strides = array<i32>} : memref<256x16xi32, #tpu.memory_space<vmem>>, vector<256x1xi32>,
      %eq3A_571 = vector.broadcast %min3A_564 : vector<256x1xi32> to vector<256x1024xi32>
      %eq3A_572 = arith.cmpi eq, %add3A_41, %eq3A_571 : vector<256x1024xi32>
      %jit3A_573 = arith.constant 0xFF800000 : f32
      %broadcast_in_dim3A_574 = vector.broadcast %jit3A_573 : f32 to vector<256x1024xf32>
      %select_n3A_575 = arith.select %eq3A_572, %broadcast_in_dim3A_574, %select_n3A_535 : vector<256x1024xi1>, vector<256x1024xf32>
      %eq3A_576 = vector.broadcast %min3A_564 : vector<256x1xi32> to vector<256x16xi32>
      %eq3A_577 = arith.cmpi eq, %get3A_65, %eq3A_576 : vector<256x16xi32>
      %jit3A_578 = arith.constant 0xFF800000 : f32
      %broadcast_in_dim3A_579 = vector.broadcast %jit3A_578 : f32 to vector<256x16xf32>
      %select_n3A_580 = arith.select %eq3A_577, %broadcast_in_dim3A_579, %select_n3A_540 : vector<256x16xi1>, vector<256x16xf32>
      %reduce_max3A_581 = arith.constant dense<0xFF800000> : vector<256xf32>
      %reduce_max3A_582 = vector.multi_reduction <maximumf>, %select_n3A_575, %reduce_max3A_581 [1] : vector<256x1024xf32> to vector<256xf32>
      %broadcast_in_dim3A_583 = vector.shape_cast %reduce_max3A_582 : vector<256xf32> to vector<256x1xf32>
      %reduce_max3A_584 = arith.constant dense<0xFF800000> : vector<256xf32>
      %reduce_max3A_585 = vector.multi_reduction <maximumf>, %select_n3A_580, %reduce_max3A_584 [1] : vector<256x16xf32> to vector<256xf32>
      %broadcast_in_dim3A_586 = vector.shape_cast %reduce_max3A_585 : vector<256xf32> to vector<256x1xf32>
      %max3A_587 = arith.maximumf %broadcast_in_dim3A_583, %broadcast_in_dim3A_586 : vector<256x1xf32>
      %eq3A_588 = vector.broadcast %max3A_587 : vector<256x1xf32> to vector<256x1024xf32>
      %eq3A_589 = arith.cmpf oeq, %select_n3A_575, %eq3A_588 : vector<256x1024xf32>
      %jit3A_590 = arith.constant 8192 : i32
      %broadcast_in_dim3A_591 = vector.broadcast %jit3A_590 : i32 to vector<256x1024xi32>
      %select_n3A_592 = arith.select %eq3A_589, %add3A_41, %broadcast_in_dim3A_591 : vector<256x1024xi1>, vector<256x1024xi32>
      %reduce_min3A_593 = arith.constant dense<2147483647> : vector<256xi32>
      %reduce_min3A_594 = vector.multi_reduction <minsi>, %select_n3A_592, %reduce_min3A_593 [1] : vector<256x1024xi32> to vector<256xi32>
      %broadcast_in_dim3A_595 = vector.shape_cast %reduce_min3A_594 : vector<256xi32> to vector<256x1xi32>
      %eq3A_596 = vector.broadcast %max3A_587 : vector<256x1xf32> to vector<256x16xf32>
      %eq3A_597 = arith.cmpf oeq, %select_n3A_580, %eq3A_596 : vector<256x16xf32>
      %jit3A_598 = arith.constant 8192 : i32
      %broadcast_in_dim3A_599 = vector.broadcast %jit3A_598 : i32 to vector<256x16xi32>
      %select_n3A_600 = arith.select %eq3A_597, %get3A_65, %broadcast_in_dim3A_599 : vector<256x16xi1>, vector<256x16xi32>
      %reduce_min3A_601 = arith.constant dense<2147483647> : vector<256xi32>
      %reduce_min3A_602 = vector.multi_reduction <minsi>, %select_n3A_600, %reduce_min3A_601 [1] : vector<256x16xi32> to vector<256xi32>
      %broadcast_in_dim3A_603 = vector.shape_cast %reduce_min3A_602 : vector<256xi32> to vector<256x1xi32>
      %min3A_604 = arith.minsi %broadcast_in_dim3A_595, %broadcast_in_dim3A_603 : vector<256x1xi32>
      %swap3A_605 = arith.constant 0 : index
      %swap3A_606 = arith.constant 13 : index
      %swap3A_607 = vector.load %arg8[%swap3A_605, %swap3A_606] : memref<256x16xf32, #tpu.memory_space<vmem>>, vector<256x1xf32>
      tpu.vector_store %arg8[%swap3A_605, %swap3A_606], %max3A_587 {strides = array<i32>} : memref<256x16xf32, #tpu.memory_space<vmem>>, vector<256x1xf32>,
      %swap3A_608 = arith.constant 0 : index
      %swap3A_609 = arith.constant 13 : index
      %swap3A_610 = vector.load %arg9[%swap3A_608, %swap3A_609] : memref<256x16xi32, #tpu.memory_space<vmem>>, vector<256x1xi32>
      tpu.vector_store %arg9[%swap3A_608, %swap3A_609], %min3A_604 {strides = array<i32>} : memref<256x16xi32, #tpu.memory_space<vmem>>, vector<256x1xi32>,
      %eq3A_611 = vector.broadcast %min3A_604 : vector<256x1xi32> to vector<256x1024xi32>
      %eq3A_612 = arith.cmpi eq, %add3A_41, %eq3A_611 : vector<256x1024xi32>
      %jit3A_613 = arith.constant 0xFF800000 : f32
      %broadcast_in_dim3A_614 = vector.broadcast %jit3A_613 : f32 to vector<256x1024xf32>
      %select_n3A_615 = arith.select %eq3A_612, %broadcast_in_dim3A_614, %select_n3A_575 : vector<256x1024xi1>, vector<256x1024xf32>
      %eq3A_616 = vector.broadcast %min3A_604 : vector<256x1xi32> to vector<256x16xi32>
      %eq3A_617 = arith.cmpi eq, %get3A_65, %eq3A_616 : vector<256x16xi32>
      %jit3A_618 = arith.constant 0xFF800000 : f32
      %broadcast_in_dim3A_619 = vector.broadcast %jit3A_618 : f32 to vector<256x16xf32>
      %select_n3A_620 = arith.select %eq3A_617, %broadcast_in_dim3A_619, %select_n3A_580 : vector<256x16xi1>, vector<256x16xf32>
      %reduce_max3A_621 = arith.constant dense<0xFF800000> : vector<256xf32>
      %reduce_max3A_622 = vector.multi_reduction <maximumf>, %select_n3A_615, %reduce_max3A_621 [1] : vector<256x1024xf32> to vector<256xf32>
      %broadcast_in_dim3A_623 = vector.shape_cast %reduce_max3A_622 : vector<256xf32> to vector<256x1xf32>
      %reduce_max3A_624 = arith.constant dense<0xFF800000> : vector<256xf32>
      %reduce_max3A_625 = vector.multi_reduction <maximumf>, %select_n3A_620, %reduce_max3A_624 [1] : vector<256x16xf32> to vector<256xf32>
      %broadcast_in_dim3A_626 = vector.shape_cast %reduce_max3A_625 : vector<256xf32> to vector<256x1xf32>
      %max3A_627 = arith.maximumf %broadcast_in_dim3A_623, %broadcast_in_dim3A_626 : vector<256x1xf32>
      %eq3A_628 = vector.broadcast %max3A_627 : vector<256x1xf32> to vector<256x1024xf32>
      %eq3A_629 = arith.cmpf oeq, %select_n3A_615, %eq3A_628 : vector<256x1024xf32>
      %jit3A_630 = arith.constant 8192 : i32
      %broadcast_in_dim3A_631 = vector.broadcast %jit3A_630 : i32 to vector<256x1024xi32>
      %select_n3A_632 = arith.select %eq3A_629, %add3A_41, %broadcast_in_dim3A_631 : vector<256x1024xi1>, vector<256x1024xi32>
      %reduce_min3A_633 = arith.constant dense<2147483647> : vector<256xi32>
      %reduce_min3A_634 = vector.multi_reduction <minsi>, %select_n3A_632, %reduce_min3A_633 [1] : vector<256x1024xi32> to vector<256xi32>
      %broadcast_in_dim3A_635 = vector.shape_cast %reduce_min3A_634 : vector<256xi32> to vector<256x1xi32>
      %eq3A_636 = vector.broadcast %max3A_627 : vector<256x1xf32> to vector<256x16xf32>
      %eq3A_637 = arith.cmpf oeq, %select_n3A_620, %eq3A_636 : vector<256x16xf32>
      %jit3A_638 = arith.constant 8192 : i32
      %broadcast_in_dim3A_639 = vector.broadcast %jit3A_638 : i32 to vector<256x16xi32>
      %select_n3A_640 = arith.select %eq3A_637, %get3A_65, %broadcast_in_dim3A_639 : vector<256x16xi1>, vector<256x16xi32>
      %reduce_min3A_641 = arith.constant dense<2147483647> : vector<256xi32>
      %reduce_min3A_642 = vector.multi_reduction <minsi>, %select_n3A_640, %reduce_min3A_641 [1] : vector<256x16xi32> to vector<256xi32>
      %broadcast_in_dim3A_643 = vector.shape_cast %reduce_min3A_642 : vector<256xi32> to vector<256x1xi32>
      %min3A_644 = arith.minsi %broadcast_in_dim3A_635, %broadcast_in_dim3A_643 : vector<256x1xi32>
      %swap3A_645 = arith.constant 0 : index
      %swap3A_646 = arith.constant 14 : index
      %swap3A_647 = vector.load %arg8[%swap3A_645, %swap3A_646] : memref<256x16xf32, #tpu.memory_space<vmem>>, vector<256x1xf32>
      tpu.vector_store %arg8[%swap3A_645, %swap3A_646], %max3A_627 {strides = array<i32>} : memref<256x16xf32, #tpu.memory_space<vmem>>, vector<256x1xf32>,
      %swap3A_648 = arith.constant 0 : index
      %swap3A_649 = arith.constant 14 : index
      %swap3A_650 = vector.load %arg9[%swap3A_648, %swap3A_649] : memref<256x16xi32, #tpu.memory_space<vmem>>, vector<256x1xi32>
      tpu.vector_store %arg9[%swap3A_648, %swap3A_649], %min3A_644 {strides = array<i32>} : memref<256x16xi32, #tpu.memory_space<vmem>>, vector<256x1xi32>,
      %eq3A_651 = vector.broadcast %min3A_644 : vector<256x1xi32> to vector<256x1024xi32>
      %eq3A_652 = arith.cmpi eq, %add3A_41, %eq3A_651 : vector<256x1024xi32>
      %jit3A_653 = arith.constant 0xFF800000 : f32
      %broadcast_in_dim3A_654 = vector.broadcast %jit3A_653 : f32 to vector<256x1024xf32>
      %select_n3A_655 = arith.select %eq3A_652, %broadcast_in_dim3A_654, %select_n3A_615 : vector<256x1024xi1>, vector<256x1024xf32>
      %eq3A_656 = vector.broadcast %min3A_644 : vector<256x1xi32> to vector<256x16xi32>
      %eq3A_657 = arith.cmpi eq, %get3A_65, %eq3A_656 : vector<256x16xi32>
      %jit3A_658 = arith.constant 0xFF800000 : f32
      %broadcast_in_dim3A_659 = vector.broadcast %jit3A_658 : f32 to vector<256x16xf32>
      %select_n3A_660 = arith.select %eq3A_657, %broadcast_in_dim3A_659, %select_n3A_620 : vector<256x16xi1>, vector<256x16xf32>
      %reduce_max3A_661 = arith.constant dense<0xFF800000> : vector<256xf32>
      %reduce_max3A_662 = vector.multi_reduction <maximumf>, %select_n3A_655, %reduce_max3A_661 [1] : vector<256x1024xf32> to vector<256xf32>
      %broadcast_in_dim3A_663 = vector.shape_cast %reduce_max3A_662 : vector<256xf32> to vector<256x1xf32>
      %reduce_max3A_664 = arith.constant dense<0xFF800000> : vector<256xf32>
      %reduce_max3A_665 = vector.multi_reduction <maximumf>, %select_n3A_660, %reduce_max3A_664 [1] : vector<256x16xf32> to vector<256xf32>
      %broadcast_in_dim3A_666 = vector.shape_cast %reduce_max3A_665 : vector<256xf32> to vector<256x1xf32>
      %max3A_667 = arith.maximumf %broadcast_in_dim3A_663, %broadcast_in_dim3A_666 : vector<256x1xf32>
      %eq3A_668 = vector.broadcast %max3A_667 : vector<256x1xf32> to vector<256x1024xf32>
      %eq3A_669 = arith.cmpf oeq, %select_n3A_655, %eq3A_668 : vector<256x1024xf32>
      %jit3A_670 = arith.constant 8192 : i32
      %broadcast_in_dim3A_671 = vector.broadcast %jit3A_670 : i32 to vector<256x1024xi32>
      %select_n3A_672 = arith.select %eq3A_669, %add3A_41, %broadcast_in_dim3A_671 : vector<256x1024xi1>, vector<256x1024xi32>
      %reduce_min3A_673 = arith.constant dense<2147483647> : vector<256xi32>
      %reduce_min3A_674 = vector.multi_reduction <minsi>, %select_n3A_672, %reduce_min3A_673 [1] : vector<256x1024xi32> to vector<256xi32>
      %broadcast_in_dim3A_675 = vector.shape_cast %reduce_min3A_674 : vector<256xi32> to vector<256x1xi32>
      %eq3A_676 = vector.broadcast %max3A_667 : vector<256x1xf32> to vector<256x16xf32>
      %eq3A_677 = arith.cmpf oeq, %select_n3A_660, %eq3A_676 : vector<256x16xf32>
      %jit3A_678 = arith.constant 8192 : i32
      %broadcast_in_dim3A_679 = vector.broadcast %jit3A_678 : i32 to vector<256x16xi32>
      %select_n3A_680 = arith.select %eq3A_677, %get3A_65, %broadcast_in_dim3A_679 : vector<256x16xi1>, vector<256x16xi32>
      %reduce_min3A_681 = arith.constant dense<2147483647> : vector<256xi32>
      %reduce_min3A_682 = vector.multi_reduction <minsi>, %select_n3A_680, %reduce_min3A_681 [1] : vector<256x16xi32> to vector<256xi32>
      %broadcast_in_dim3A_683 = vector.shape_cast %reduce_min3A_682 : vector<256xi32> to vector<256x1xi32>
      %min3A_684 = arith.minsi %broadcast_in_dim3A_675, %broadcast_in_dim3A_683 : vector<256x1xi32>
      %swap3A_685 = arith.constant 0 : index
      %swap3A_686 = arith.constant 15 : index
      %swap3A_687 = vector.load %arg8[%swap3A_685, %swap3A_686] : memref<256x16xf32, #tpu.memory_space<vmem>>, vector<256x1xf32>
      tpu.vector_store %arg8[%swap3A_685, %swap3A_686], %max3A_667 {strides = array<i32>} : memref<256x16xf32, #tpu.memory_space<vmem>>, vector<256x1xf32>,
      %swap3A_688 = arith.constant 0 : index
      %swap3A_689 = arith.constant 15 : index
      %swap3A_690 = vector.load %arg9[%swap3A_688, %swap3A_689] : memref<256x16xi32, #tpu.memory_space<vmem>>, vector<256x1xi32>
      tpu.vector_store %arg9[%swap3A_688, %swap3A_689], %min3A_684 {strides = array<i32>} : memref<256x16xi32, #tpu.memory_space<vmem>>, vector<256x1xi32>,
    } else {
    }
    %eq3A_14 = arith.constant 3 : i32
    %eq3A_15 = arith.cmpi eq, %arg1, %eq3A_14 : i32
    %convert_element_type3A_16 = arith.extui %eq3A_15 : i1 to i32
    %cond3A_17 = arith.constant 0 : i32
    %cond3A_18 = arith.cmpi ne, %convert_element_type3A_16, %cond3A_17 : i32
    scf.if %cond3A_18 {
      %get3A_19 = arith.constant 0 : index
      %get3A_20 = arith.constant 0 : index
      %get3A_21 = vector.load %arg9[%get3A_19, %get3A_20] : memref<256x16xi32, #tpu.memory_space<vmem>>, vector<256x16xi32>
      %swap3A = arith.constant 0 : index
      %swap3A_22 = arith.constant 0 : index
      %swap3A_23 = vector.load %arg7[%swap3A, %swap3A_22] : memref<256x16xi32, #tpu.memory_space<vmem>>, vector<256x16xi32>
      tpu.vector_store %arg7[%swap3A, %swap3A_22], %get3A_21 {strides = array<i32>} : memref<256x16xi32, #tpu.memory_space<vmem>>, vector<256x16xi32>,
    } else {
    }
    return
  }
  func.func @transform_0(%arg0: i32, %arg1: i32, %arg2: memref<32xi32, #tpu.memory_space<smem>>) -> (i32, i32) {
    %c0_i32 = arith.constant 0 : i32
    %c0_i32_0 = arith.constant 0 : i32
    return %arg0, %c0_i32 : i32, i32
  }
  func.func @transform_1(%arg0: i32, %arg1: i32, %arg2: memref<32xi32, #tpu.memory_space<smem>>) -> (i32, i32) {
    %c0_i32 = arith.constant 0 : i32
    %c0_i32_0 = arith.constant 0 : i32
    return %c0_i32, %arg1 : i32, i32
  }
  func.func @transform_2(%arg0: i32, %arg1: i32, %arg2: memref<32xi32, #tpu.memory_space<smem>>) -> (i32, i32) {
    %c0_i32 = arith.constant 0 : i32
    %c0_i32_0 = arith.constant 0 : i32
    return %arg0, %c0_i32 : i32, i32
  }
  func.func @transform_3(%arg0: i32, %arg1: i32, %arg2: memref<32xi32, #tpu.memory_space<smem>>) -> (i32, i32) {
    %c0_i32 = arith.constant 0 : i32
    %c0_i32_0 = arith.constant 0 : i32
    return %c0_i32, %arg1 : i32, i32
  }
  func.func @transform_4(%arg0: i32, %arg1: i32, %arg2: memref<32xi32, #tpu.memory_space<smem>>) -> (i32, i32) {
    %c0_i32 = arith.constant 0 : i32
    %c0_i32_0 = arith.constant 0 : i32
    return %arg0, %c0_i32 : i32, i32
  }
}

module attributes {stable_mosaic.version = 14 : i64} {
  func.func @_conv_body(%arg0: i32, %arg1: memref<256x256xf32, #tpu.memory_space<vmem>>, %arg2: memref<16x256x256xf32, #tpu.memory_space<vmem>>, %arg3: memref<512x256xf32, #tpu.memory_space<vmem>>, %arg4: memref<1x256xf32, #tpu.memory_space<vmem>>, %arg5: memref<256x256xf32, #tpu.memory_space<vmem>>, %arg6: memref<1x256xf32, #tpu.memory_space<vmem>>, %arg7: memref<256x256xf32, #tpu.memory_space<vmem>>) attributes {dimension_semantics = [#tpu.dimension_semantics<arbitrary>], iteration_bounds = array<i64: 16>, scalar_prefetch = 0 : i64, scratch_operands = 0 : i64, tpu.core_type = #tpu.core_type<tc>, window_params = [{transform_indices = @transform_0, window_bounds = array<i64: 256, 256>}, {transform_indices = @transform_1, window_bounds = array<i64: 16, 256, 256>}, {pipeline_mode = #tpu.pipeline_mode<synchronous>, transform_indices = @transform_2, window_bounds = array<i64: 512, 256>}, {pipeline_mode = #tpu.pipeline_mode<synchronous>, transform_indices = @transform_3, window_bounds = array<i64: 1, 256>}, {pipeline_mode = #tpu.pipeline_mode<synchronous>, transform_indices = @transform_4, window_bounds = array<i64: 256, 256>}, {pipeline_mode = #tpu.pipeline_mode<synchronous>, transform_indices = @transform_5, window_bounds = array<i64: 1, 256>}, {transform_indices = @transform_6, window_bounds = array<i64: 256, 256>}]} {
    %get3A = arith.constant 0 : index
    %get3A_0 = arith.constant 0 : index
    %get3A_1 = vector.load %arg1[%get3A, %get3A_0] : memref<256x256xf32, #tpu.memory_space<vmem>>, vector<256x256xf32>
    %get3A_2 = arith.constant 0 : index
    %get3A_3 = arith.constant 0 : index
    %get3A_4 = vector.load %arg3[%get3A_2, %get3A_3] : memref<512x256xf32, #tpu.memory_space<vmem>>, vector<512x256xf32>
    %get3A_5 = arith.constant 0 : index
    %get3A_6 = arith.constant 0 : index
    %get3A_7 = vector.load %arg5[%get3A_5, %get3A_6] : memref<256x256xf32, #tpu.memory_space<vmem>>, vector<256x256xf32>
    %get3A_8 = arith.constant 0 : index
    %get3A_9 = arith.constant 0 : index
    %get3A_10 = vector.load %arg4[%get3A_8, %get3A_9] : memref<1x256xf32, #tpu.memory_space<vmem>>, vector<1x256xf32>
    %broadcast_in_dim3A = arith.constant 0xFF800000 : f32
    %broadcast_in_dim3A_11 = vector.broadcast %broadcast_in_dim3A : f32 to vector<256x256xf32>
    %get3A_12 = arith.constant 0 : index
    %get3A_13 = arith.constant 0 : index
    %get3A_14 = arith.constant 0 : index
    %get3A_15 = vector.load %arg2[%get3A_12, %get3A_13, %get3A_14] : memref<16x256x256xf32, #tpu.memory_space<vmem>>, vector<1x256x256xf32>
    %get3A_16 = vector.shape_cast %get3A_15 : vector<1x256x256xf32> to vector<256x256xf32>
    %sub3A = arith.subf %get3A_16, %get3A_1 : vector<256x256xf32>
    %concatenate3A = tpu.concatenate %get3A_1, %sub3A in 1 : vector<256x256xf32>, vector<256x256xf32> -> vector<256x512xf32>
    %dot_general3A = arith.constant dense<0.000000e+00> : vector<256x256xf32>
    %dot_general3A_17 = tpu.matmul %concatenate3A, %get3A_4, %dot_general3A {dimension_numbers = #tpu.dot_dimension_numbers<[1], [0], [0], [1], [0, 0, 1, 1], [], []>, transpose_lhs_hint = false} : vector<256x512xf32>, vector<512x256xf32>, vector<256x256xf32> -> vector<256x256xf32>
    %add3A = vector.broadcast %get3A_10 : vector<1x256xf32> to vector<256x256xf32>
    %add3A_18 = arith.addf %dot_general3A_17, %add3A : vector<256x256xf32>
    %max3A = arith.constant 0.000000e+00 : f32
    %max3A_19 = vector.broadcast %max3A : f32 to vector<256x256xf32>
    %max3A_20 = arith.maximumf %add3A_18, %max3A_19 : vector<256x256xf32>
    %dot_general3A_21 = arith.constant dense<0.000000e+00> : vector<256x256xf32>
    %dot_general3A_22 = tpu.matmul %max3A_20, %get3A_7, %dot_general3A_21 {dimension_numbers = #tpu.dot_dimension_numbers<[1], [0], [0], [1], [0, 0, 1, 1], [], []>, transpose_lhs_hint = false} : vector<256x256xf32>, vector<256x256xf32>, vector<256x256xf32> -> vector<256x256xf32>
    %max3A_23 = arith.maximumf %broadcast_in_dim3A_11, %dot_general3A_22 : vector<256x256xf32>
    %get3A_24 = arith.constant 1 : index
    %get3A_25 = arith.constant 0 : index
    %get3A_26 = arith.constant 0 : index
    %get3A_27 = vector.load %arg2[%get3A_24, %get3A_25, %get3A_26] : memref<16x256x256xf32, #tpu.memory_space<vmem>>, vector<1x256x256xf32>
    %get3A_28 = vector.shape_cast %get3A_27 : vector<1x256x256xf32> to vector<256x256xf32>
    %sub3A_29 = arith.subf %get3A_28, %get3A_1 : vector<256x256xf32>
    %concatenate3A_30 = tpu.concatenate %get3A_1, %sub3A_29 in 1 : vector<256x256xf32>, vector<256x256xf32> -> vector<256x512xf32>
    %dot_general3A_31 = arith.constant dense<0.000000e+00> : vector<256x256xf32>
    %dot_general3A_32 = tpu.matmul %concatenate3A_30, %get3A_4, %dot_general3A_31 {dimension_numbers = #tpu.dot_dimension_numbers<[1], [0], [0], [1], [0, 0, 1, 1], [], []>, transpose_lhs_hint = false} : vector<256x512xf32>, vector<512x256xf32>, vector<256x256xf32> -> vector<256x256xf32>
    %add3A_33 = vector.broadcast %get3A_10 : vector<1x256xf32> to vector<256x256xf32>
    %add3A_34 = arith.addf %dot_general3A_32, %add3A_33 : vector<256x256xf32>
    %max3A_35 = arith.constant 0.000000e+00 : f32
    %max3A_36 = vector.broadcast %max3A_35 : f32 to vector<256x256xf32>
    %max3A_37 = arith.maximumf %add3A_34, %max3A_36 : vector<256x256xf32>
    %dot_general3A_38 = arith.constant dense<0.000000e+00> : vector<256x256xf32>
    %dot_general3A_39 = tpu.matmul %max3A_37, %get3A_7, %dot_general3A_38 {dimension_numbers = #tpu.dot_dimension_numbers<[1], [0], [0], [1], [0, 0, 1, 1], [], []>, transpose_lhs_hint = false} : vector<256x256xf32>, vector<256x256xf32>, vector<256x256xf32> -> vector<256x256xf32>
    %max3A_40 = arith.maximumf %max3A_23, %dot_general3A_39 : vector<256x256xf32>
    %get3A_41 = arith.constant 2 : index
    %get3A_42 = arith.constant 0 : index
    %get3A_43 = arith.constant 0 : index
    %get3A_44 = vector.load %arg2[%get3A_41, %get3A_42, %get3A_43] : memref<16x256x256xf32, #tpu.memory_space<vmem>>, vector<1x256x256xf32>
    %get3A_45 = vector.shape_cast %get3A_44 : vector<1x256x256xf32> to vector<256x256xf32>
    %sub3A_46 = arith.subf %get3A_45, %get3A_1 : vector<256x256xf32>
    %concatenate3A_47 = tpu.concatenate %get3A_1, %sub3A_46 in 1 : vector<256x256xf32>, vector<256x256xf32> -> vector<256x512xf32>
    %dot_general3A_48 = arith.constant dense<0.000000e+00> : vector<256x256xf32>
    %dot_general3A_49 = tpu.matmul %concatenate3A_47, %get3A_4, %dot_general3A_48 {dimension_numbers = #tpu.dot_dimension_numbers<[1], [0], [0], [1], [0, 0, 1, 1], [], []>, transpose_lhs_hint = false} : vector<256x512xf32>, vector<512x256xf32>, vector<256x256xf32> -> vector<256x256xf32>
    %add3A_50 = vector.broadcast %get3A_10 : vector<1x256xf32> to vector<256x256xf32>
    %add3A_51 = arith.addf %dot_general3A_49, %add3A_50 : vector<256x256xf32>
    %max3A_52 = arith.constant 0.000000e+00 : f32
    %max3A_53 = vector.broadcast %max3A_52 : f32 to vector<256x256xf32>
    %max3A_54 = arith.maximumf %add3A_51, %max3A_53 : vector<256x256xf32>
    %dot_general3A_55 = arith.constant dense<0.000000e+00> : vector<256x256xf32>
    %dot_general3A_56 = tpu.matmul %max3A_54, %get3A_7, %dot_general3A_55 {dimension_numbers = #tpu.dot_dimension_numbers<[1], [0], [0], [1], [0, 0, 1, 1], [], []>, transpose_lhs_hint = false} : vector<256x256xf32>, vector<256x256xf32>, vector<256x256xf32> -> vector<256x256xf32>
    %max3A_57 = arith.maximumf %max3A_40, %dot_general3A_56 : vector<256x256xf32>
    %get3A_58 = arith.constant 3 : index
    %get3A_59 = arith.constant 0 : index
    %get3A_60 = arith.constant 0 : index
    %get3A_61 = vector.load %arg2[%get3A_58, %get3A_59, %get3A_60] : memref<16x256x256xf32, #tpu.memory_space<vmem>>, vector<1x256x256xf32>
    %get3A_62 = vector.shape_cast %get3A_61 : vector<1x256x256xf32> to vector<256x256xf32>
    %sub3A_63 = arith.subf %get3A_62, %get3A_1 : vector<256x256xf32>
    %concatenate3A_64 = tpu.concatenate %get3A_1, %sub3A_63 in 1 : vector<256x256xf32>, vector<256x256xf32> -> vector<256x512xf32>
    %dot_general3A_65 = arith.constant dense<0.000000e+00> : vector<256x256xf32>
    %dot_general3A_66 = tpu.matmul %concatenate3A_64, %get3A_4, %dot_general3A_65 {dimension_numbers = #tpu.dot_dimension_numbers<[1], [0], [0], [1], [0, 0, 1, 1], [], []>, transpose_lhs_hint = false} : vector<256x512xf32>, vector<512x256xf32>, vector<256x256xf32> -> vector<256x256xf32>
    %add3A_67 = vector.broadcast %get3A_10 : vector<1x256xf32> to vector<256x256xf32>
    %add3A_68 = arith.addf %dot_general3A_66, %add3A_67 : vector<256x256xf32>
    %max3A_69 = arith.constant 0.000000e+00 : f32
    %max3A_70 = vector.broadcast %max3A_69 : f32 to vector<256x256xf32>
    %max3A_71 = arith.maximumf %add3A_68, %max3A_70 : vector<256x256xf32>
    %dot_general3A_72 = arith.constant dense<0.000000e+00> : vector<256x256xf32>
    %dot_general3A_73 = tpu.matmul %max3A_71, %get3A_7, %dot_general3A_72 {dimension_numbers = #tpu.dot_dimension_numbers<[1], [0], [0], [1], [0, 0, 1, 1], [], []>, transpose_lhs_hint = false} : vector<256x256xf32>, vector<256x256xf32>, vector<256x256xf32> -> vector<256x256xf32>
    %max3A_74 = arith.maximumf %max3A_57, %dot_general3A_73 : vector<256x256xf32>
    %get3A_75 = arith.constant 4 : index
    %get3A_76 = arith.constant 0 : index
    %get3A_77 = arith.constant 0 : index
    %get3A_78 = vector.load %arg2[%get3A_75, %get3A_76, %get3A_77] : memref<16x256x256xf32, #tpu.memory_space<vmem>>, vector<1x256x256xf32>
    %get3A_79 = vector.shape_cast %get3A_78 : vector<1x256x256xf32> to vector<256x256xf32>
    %sub3A_80 = arith.subf %get3A_79, %get3A_1 : vector<256x256xf32>
    %concatenate3A_81 = tpu.concatenate %get3A_1, %sub3A_80 in 1 : vector<256x256xf32>, vector<256x256xf32> -> vector<256x512xf32>
    %dot_general3A_82 = arith.constant dense<0.000000e+00> : vector<256x256xf32>
    %dot_general3A_83 = tpu.matmul %concatenate3A_81, %get3A_4, %dot_general3A_82 {dimension_numbers = #tpu.dot_dimension_numbers<[1], [0], [0], [1], [0, 0, 1, 1], [], []>, transpose_lhs_hint = false} : vector<256x512xf32>, vector<512x256xf32>, vector<256x256xf32> -> vector<256x256xf32>
    %add3A_84 = vector.broadcast %get3A_10 : vector<1x256xf32> to vector<256x256xf32>
    %add3A_85 = arith.addf %dot_general3A_83, %add3A_84 : vector<256x256xf32>
    %max3A_86 = arith.constant 0.000000e+00 : f32
    %max3A_87 = vector.broadcast %max3A_86 : f32 to vector<256x256xf32>
    %max3A_88 = arith.maximumf %add3A_85, %max3A_87 : vector<256x256xf32>
    %dot_general3A_89 = arith.constant dense<0.000000e+00> : vector<256x256xf32>
    %dot_general3A_90 = tpu.matmul %max3A_88, %get3A_7, %dot_general3A_89 {dimension_numbers = #tpu.dot_dimension_numbers<[1], [0], [0], [1], [0, 0, 1, 1], [], []>, transpose_lhs_hint = false} : vector<256x256xf32>, vector<256x256xf32>, vector<256x256xf32> -> vector<256x256xf32>
    %max3A_91 = arith.maximumf %max3A_74, %dot_general3A_90 : vector<256x256xf32>
    %get3A_92 = arith.constant 5 : index
    %get3A_93 = arith.constant 0 : index
    %get3A_94 = arith.constant 0 : index
    %get3A_95 = vector.load %arg2[%get3A_92, %get3A_93, %get3A_94] : memref<16x256x256xf32, #tpu.memory_space<vmem>>, vector<1x256x256xf32>
    %get3A_96 = vector.shape_cast %get3A_95 : vector<1x256x256xf32> to vector<256x256xf32>
    %sub3A_97 = arith.subf %get3A_96, %get3A_1 : vector<256x256xf32>
    %concatenate3A_98 = tpu.concatenate %get3A_1, %sub3A_97 in 1 : vector<256x256xf32>, vector<256x256xf32> -> vector<256x512xf32>
    %dot_general3A_99 = arith.constant dense<0.000000e+00> : vector<256x256xf32>
    %dot_general3A_100 = tpu.matmul %concatenate3A_98, %get3A_4, %dot_general3A_99 {dimension_numbers = #tpu.dot_dimension_numbers<[1], [0], [0], [1], [0, 0, 1, 1], [], []>, transpose_lhs_hint = false} : vector<256x512xf32>, vector<512x256xf32>, vector<256x256xf32> -> vector<256x256xf32>
    %add3A_101 = vector.broadcast %get3A_10 : vector<1x256xf32> to vector<256x256xf32>
    %add3A_102 = arith.addf %dot_general3A_100, %add3A_101 : vector<256x256xf32>
    %max3A_103 = arith.constant 0.000000e+00 : f32
    %max3A_104 = vector.broadcast %max3A_103 : f32 to vector<256x256xf32>
    %max3A_105 = arith.maximumf %add3A_102, %max3A_104 : vector<256x256xf32>
    %dot_general3A_106 = arith.constant dense<0.000000e+00> : vector<256x256xf32>
    %dot_general3A_107 = tpu.matmul %max3A_105, %get3A_7, %dot_general3A_106 {dimension_numbers = #tpu.dot_dimension_numbers<[1], [0], [0], [1], [0, 0, 1, 1], [], []>, transpose_lhs_hint = false} : vector<256x256xf32>, vector<256x256xf32>, vector<256x256xf32> -> vector<256x256xf32>
    %max3A_108 = arith.maximumf %max3A_91, %dot_general3A_107 : vector<256x256xf32>
    %get3A_109 = arith.constant 6 : index
    %get3A_110 = arith.constant 0 : index
    %get3A_111 = arith.constant 0 : index
    %get3A_112 = vector.load %arg2[%get3A_109, %get3A_110, %get3A_111] : memref<16x256x256xf32, #tpu.memory_space<vmem>>, vector<1x256x256xf32>
    %get3A_113 = vector.shape_cast %get3A_112 : vector<1x256x256xf32> to vector<256x256xf32>
    %sub3A_114 = arith.subf %get3A_113, %get3A_1 : vector<256x256xf32>
    %concatenate3A_115 = tpu.concatenate %get3A_1, %sub3A_114 in 1 : vector<256x256xf32>, vector<256x256xf32> -> vector<256x512xf32>
    %dot_general3A_116 = arith.constant dense<0.000000e+00> : vector<256x256xf32>
    %dot_general3A_117 = tpu.matmul %concatenate3A_115, %get3A_4, %dot_general3A_116 {dimension_numbers = #tpu.dot_dimension_numbers<[1], [0], [0], [1], [0, 0, 1, 1], [], []>, transpose_lhs_hint = false} : vector<256x512xf32>, vector<512x256xf32>, vector<256x256xf32> -> vector<256x256xf32>
    %add3A_118 = vector.broadcast %get3A_10 : vector<1x256xf32> to vector<256x256xf32>
    %add3A_119 = arith.addf %dot_general3A_117, %add3A_118 : vector<256x256xf32>
    %max3A_120 = arith.constant 0.000000e+00 : f32
    %max3A_121 = vector.broadcast %max3A_120 : f32 to vector<256x256xf32>
    %max3A_122 = arith.maximumf %add3A_119, %max3A_121 : vector<256x256xf32>
    %dot_general3A_123 = arith.constant dense<0.000000e+00> : vector<256x256xf32>
    %dot_general3A_124 = tpu.matmul %max3A_122, %get3A_7, %dot_general3A_123 {dimension_numbers = #tpu.dot_dimension_numbers<[1], [0], [0], [1], [0, 0, 1, 1], [], []>, transpose_lhs_hint = false} : vector<256x256xf32>, vector<256x256xf32>, vector<256x256xf32> -> vector<256x256xf32>
    %max3A_125 = arith.maximumf %max3A_108, %dot_general3A_124 : vector<256x256xf32>
    %get3A_126 = arith.constant 7 : index
    %get3A_127 = arith.constant 0 : index
    %get3A_128 = arith.constant 0 : index
    %get3A_129 = vector.load %arg2[%get3A_126, %get3A_127, %get3A_128] : memref<16x256x256xf32, #tpu.memory_space<vmem>>, vector<1x256x256xf32>
    %get3A_130 = vector.shape_cast %get3A_129 : vector<1x256x256xf32> to vector<256x256xf32>
    %sub3A_131 = arith.subf %get3A_130, %get3A_1 : vector<256x256xf32>
    %concatenate3A_132 = tpu.concatenate %get3A_1, %sub3A_131 in 1 : vector<256x256xf32>, vector<256x256xf32> -> vector<256x512xf32>
    %dot_general3A_133 = arith.constant dense<0.000000e+00> : vector<256x256xf32>
    %dot_general3A_134 = tpu.matmul %concatenate3A_132, %get3A_4, %dot_general3A_133 {dimension_numbers = #tpu.dot_dimension_numbers<[1], [0], [0], [1], [0, 0, 1, 1], [], []>, transpose_lhs_hint = false} : vector<256x512xf32>, vector<512x256xf32>, vector<256x256xf32> -> vector<256x256xf32>
    %add3A_135 = vector.broadcast %get3A_10 : vector<1x256xf32> to vector<256x256xf32>
    %add3A_136 = arith.addf %dot_general3A_134, %add3A_135 : vector<256x256xf32>
    %max3A_137 = arith.constant 0.000000e+00 : f32
    %max3A_138 = vector.broadcast %max3A_137 : f32 to vector<256x256xf32>
    %max3A_139 = arith.maximumf %add3A_136, %max3A_138 : vector<256x256xf32>
    %dot_general3A_140 = arith.constant dense<0.000000e+00> : vector<256x256xf32>
    %dot_general3A_141 = tpu.matmul %max3A_139, %get3A_7, %dot_general3A_140 {dimension_numbers = #tpu.dot_dimension_numbers<[1], [0], [0], [1], [0, 0, 1, 1], [], []>, transpose_lhs_hint = false} : vector<256x256xf32>, vector<256x256xf32>, vector<256x256xf32> -> vector<256x256xf32>
    %max3A_142 = arith.maximumf %max3A_125, %dot_general3A_141 : vector<256x256xf32>
    %get3A_143 = arith.constant 8 : index
    %get3A_144 = arith.constant 0 : index
    %get3A_145 = arith.constant 0 : index
    %get3A_146 = vector.load %arg2[%get3A_143, %get3A_144, %get3A_145] : memref<16x256x256xf32, #tpu.memory_space<vmem>>, vector<1x256x256xf32>
    %get3A_147 = vector.shape_cast %get3A_146 : vector<1x256x256xf32> to vector<256x256xf32>
    %sub3A_148 = arith.subf %get3A_147, %get3A_1 : vector<256x256xf32>
    %concatenate3A_149 = tpu.concatenate %get3A_1, %sub3A_148 in 1 : vector<256x256xf32>, vector<256x256xf32> -> vector<256x512xf32>
    %dot_general3A_150 = arith.constant dense<0.000000e+00> : vector<256x256xf32>
    %dot_general3A_151 = tpu.matmul %concatenate3A_149, %get3A_4, %dot_general3A_150 {dimension_numbers = #tpu.dot_dimension_numbers<[1], [0], [0], [1], [0, 0, 1, 1], [], []>, transpose_lhs_hint = false} : vector<256x512xf32>, vector<512x256xf32>, vector<256x256xf32> -> vector<256x256xf32>
    %add3A_152 = vector.broadcast %get3A_10 : vector<1x256xf32> to vector<256x256xf32>
    %add3A_153 = arith.addf %dot_general3A_151, %add3A_152 : vector<256x256xf32>
    %max3A_154 = arith.constant 0.000000e+00 : f32
    %max3A_155 = vector.broadcast %max3A_154 : f32 to vector<256x256xf32>
    %max3A_156 = arith.maximumf %add3A_153, %max3A_155 : vector<256x256xf32>
    %dot_general3A_157 = arith.constant dense<0.000000e+00> : vector<256x256xf32>
    %dot_general3A_158 = tpu.matmul %max3A_156, %get3A_7, %dot_general3A_157 {dimension_numbers = #tpu.dot_dimension_numbers<[1], [0], [0], [1], [0, 0, 1, 1], [], []>, transpose_lhs_hint = false} : vector<256x256xf32>, vector<256x256xf32>, vector<256x256xf32> -> vector<256x256xf32>
    %max3A_159 = arith.maximumf %max3A_142, %dot_general3A_158 : vector<256x256xf32>
    %get3A_160 = arith.constant 9 : index
    %get3A_161 = arith.constant 0 : index
    %get3A_162 = arith.constant 0 : index
    %get3A_163 = vector.load %arg2[%get3A_160, %get3A_161, %get3A_162] : memref<16x256x256xf32, #tpu.memory_space<vmem>>, vector<1x256x256xf32>
    %get3A_164 = vector.shape_cast %get3A_163 : vector<1x256x256xf32> to vector<256x256xf32>
    %sub3A_165 = arith.subf %get3A_164, %get3A_1 : vector<256x256xf32>
    %concatenate3A_166 = tpu.concatenate %get3A_1, %sub3A_165 in 1 : vector<256x256xf32>, vector<256x256xf32> -> vector<256x512xf32>
    %dot_general3A_167 = arith.constant dense<0.000000e+00> : vector<256x256xf32>
    %dot_general3A_168 = tpu.matmul %concatenate3A_166, %get3A_4, %dot_general3A_167 {dimension_numbers = #tpu.dot_dimension_numbers<[1], [0], [0], [1], [0, 0, 1, 1], [], []>, transpose_lhs_hint = false} : vector<256x512xf32>, vector<512x256xf32>, vector<256x256xf32> -> vector<256x256xf32>
    %add3A_169 = vector.broadcast %get3A_10 : vector<1x256xf32> to vector<256x256xf32>
    %add3A_170 = arith.addf %dot_general3A_168, %add3A_169 : vector<256x256xf32>
    %max3A_171 = arith.constant 0.000000e+00 : f32
    %max3A_172 = vector.broadcast %max3A_171 : f32 to vector<256x256xf32>
    %max3A_173 = arith.maximumf %add3A_170, %max3A_172 : vector<256x256xf32>
    %dot_general3A_174 = arith.constant dense<0.000000e+00> : vector<256x256xf32>
    %dot_general3A_175 = tpu.matmul %max3A_173, %get3A_7, %dot_general3A_174 {dimension_numbers = #tpu.dot_dimension_numbers<[1], [0], [0], [1], [0, 0, 1, 1], [], []>, transpose_lhs_hint = false} : vector<256x256xf32>, vector<256x256xf32>, vector<256x256xf32> -> vector<256x256xf32>
    %max3A_176 = arith.maximumf %max3A_159, %dot_general3A_175 : vector<256x256xf32>
    %get3A_177 = arith.constant 10 : index
    %get3A_178 = arith.constant 0 : index
    %get3A_179 = arith.constant 0 : index
    %get3A_180 = vector.load %arg2[%get3A_177, %get3A_178, %get3A_179] : memref<16x256x256xf32, #tpu.memory_space<vmem>>, vector<1x256x256xf32>
    %get3A_181 = vector.shape_cast %get3A_180 : vector<1x256x256xf32> to vector<256x256xf32>
    %sub3A_182 = arith.subf %get3A_181, %get3A_1 : vector<256x256xf32>
    %concatenate3A_183 = tpu.concatenate %get3A_1, %sub3A_182 in 1 : vector<256x256xf32>, vector<256x256xf32> -> vector<256x512xf32>
    %dot_general3A_184 = arith.constant dense<0.000000e+00> : vector<256x256xf32>
    %dot_general3A_185 = tpu.matmul %concatenate3A_183, %get3A_4, %dot_general3A_184 {dimension_numbers = #tpu.dot_dimension_numbers<[1], [0], [0], [1], [0, 0, 1, 1], [], []>, transpose_lhs_hint = false} : vector<256x512xf32>, vector<512x256xf32>, vector<256x256xf32> -> vector<256x256xf32>
    %add3A_186 = vector.broadcast %get3A_10 : vector<1x256xf32> to vector<256x256xf32>
    %add3A_187 = arith.addf %dot_general3A_185, %add3A_186 : vector<256x256xf32>
    %max3A_188 = arith.constant 0.000000e+00 : f32
    %max3A_189 = vector.broadcast %max3A_188 : f32 to vector<256x256xf32>
    %max3A_190 = arith.maximumf %add3A_187, %max3A_189 : vector<256x256xf32>
    %dot_general3A_191 = arith.constant dense<0.000000e+00> : vector<256x256xf32>
    %dot_general3A_192 = tpu.matmul %max3A_190, %get3A_7, %dot_general3A_191 {dimension_numbers = #tpu.dot_dimension_numbers<[1], [0], [0], [1], [0, 0, 1, 1], [], []>, transpose_lhs_hint = false} : vector<256x256xf32>, vector<256x256xf32>, vector<256x256xf32> -> vector<256x256xf32>
    %max3A_193 = arith.maximumf %max3A_176, %dot_general3A_192 : vector<256x256xf32>
    %get3A_194 = arith.constant 11 : index
    %get3A_195 = arith.constant 0 : index
    %get3A_196 = arith.constant 0 : index
    %get3A_197 = vector.load %arg2[%get3A_194, %get3A_195, %get3A_196] : memref<16x256x256xf32, #tpu.memory_space<vmem>>, vector<1x256x256xf32>
    %get3A_198 = vector.shape_cast %get3A_197 : vector<1x256x256xf32> to vector<256x256xf32>
    %sub3A_199 = arith.subf %get3A_198, %get3A_1 : vector<256x256xf32>
    %concatenate3A_200 = tpu.concatenate %get3A_1, %sub3A_199 in 1 : vector<256x256xf32>, vector<256x256xf32> -> vector<256x512xf32>
    %dot_general3A_201 = arith.constant dense<0.000000e+00> : vector<256x256xf32>
    %dot_general3A_202 = tpu.matmul %concatenate3A_200, %get3A_4, %dot_general3A_201 {dimension_numbers = #tpu.dot_dimension_numbers<[1], [0], [0], [1], [0, 0, 1, 1], [], []>, transpose_lhs_hint = false} : vector<256x512xf32>, vector<512x256xf32>, vector<256x256xf32> -> vector<256x256xf32>
    %add3A_203 = vector.broadcast %get3A_10 : vector<1x256xf32> to vector<256x256xf32>
    %add3A_204 = arith.addf %dot_general3A_202, %add3A_203 : vector<256x256xf32>
    %max3A_205 = arith.constant 0.000000e+00 : f32
    %max3A_206 = vector.broadcast %max3A_205 : f32 to vector<256x256xf32>
    %max3A_207 = arith.maximumf %add3A_204, %max3A_206 : vector<256x256xf32>
    %dot_general3A_208 = arith.constant dense<0.000000e+00> : vector<256x256xf32>
    %dot_general3A_209 = tpu.matmul %max3A_207, %get3A_7, %dot_general3A_208 {dimension_numbers = #tpu.dot_dimension_numbers<[1], [0], [0], [1], [0, 0, 1, 1], [], []>, transpose_lhs_hint = false} : vector<256x256xf32>, vector<256x256xf32>, vector<256x256xf32> -> vector<256x256xf32>
    %max3A_210 = arith.maximumf %max3A_193, %dot_general3A_209 : vector<256x256xf32>
    %get3A_211 = arith.constant 12 : index
    %get3A_212 = arith.constant 0 : index
    %get3A_213 = arith.constant 0 : index
    %get3A_214 = vector.load %arg2[%get3A_211, %get3A_212, %get3A_213] : memref<16x256x256xf32, #tpu.memory_space<vmem>>, vector<1x256x256xf32>
    %get3A_215 = vector.shape_cast %get3A_214 : vector<1x256x256xf32> to vector<256x256xf32>
    %sub3A_216 = arith.subf %get3A_215, %get3A_1 : vector<256x256xf32>
    %concatenate3A_217 = tpu.concatenate %get3A_1, %sub3A_216 in 1 : vector<256x256xf32>, vector<256x256xf32> -> vector<256x512xf32>
    %dot_general3A_218 = arith.constant dense<0.000000e+00> : vector<256x256xf32>
    %dot_general3A_219 = tpu.matmul %concatenate3A_217, %get3A_4, %dot_general3A_218 {dimension_numbers = #tpu.dot_dimension_numbers<[1], [0], [0], [1], [0, 0, 1, 1], [], []>, transpose_lhs_hint = false} : vector<256x512xf32>, vector<512x256xf32>, vector<256x256xf32> -> vector<256x256xf32>
    %add3A_220 = vector.broadcast %get3A_10 : vector<1x256xf32> to vector<256x256xf32>
    %add3A_221 = arith.addf %dot_general3A_219, %add3A_220 : vector<256x256xf32>
    %max3A_222 = arith.constant 0.000000e+00 : f32
    %max3A_223 = vector.broadcast %max3A_222 : f32 to vector<256x256xf32>
    %max3A_224 = arith.maximumf %add3A_221, %max3A_223 : vector<256x256xf32>
    %dot_general3A_225 = arith.constant dense<0.000000e+00> : vector<256x256xf32>
    %dot_general3A_226 = tpu.matmul %max3A_224, %get3A_7, %dot_general3A_225 {dimension_numbers = #tpu.dot_dimension_numbers<[1], [0], [0], [1], [0, 0, 1, 1], [], []>, transpose_lhs_hint = false} : vector<256x256xf32>, vector<256x256xf32>, vector<256x256xf32> -> vector<256x256xf32>
    %max3A_227 = arith.maximumf %max3A_210, %dot_general3A_226 : vector<256x256xf32>
    %get3A_228 = arith.constant 13 : index
    %get3A_229 = arith.constant 0 : index
    %get3A_230 = arith.constant 0 : index
    %get3A_231 = vector.load %arg2[%get3A_228, %get3A_229, %get3A_230] : memref<16x256x256xf32, #tpu.memory_space<vmem>>, vector<1x256x256xf32>
    %get3A_232 = vector.shape_cast %get3A_231 : vector<1x256x256xf32> to vector<256x256xf32>
    %sub3A_233 = arith.subf %get3A_232, %get3A_1 : vector<256x256xf32>
    %concatenate3A_234 = tpu.concatenate %get3A_1, %sub3A_233 in 1 : vector<256x256xf32>, vector<256x256xf32> -> vector<256x512xf32>
    %dot_general3A_235 = arith.constant dense<0.000000e+00> : vector<256x256xf32>
    %dot_general3A_236 = tpu.matmul %concatenate3A_234, %get3A_4, %dot_general3A_235 {dimension_numbers = #tpu.dot_dimension_numbers<[1], [0], [0], [1], [0, 0, 1, 1], [], []>, transpose_lhs_hint = false} : vector<256x512xf32>, vector<512x256xf32>, vector<256x256xf32> -> vector<256x256xf32>
    %add3A_237 = vector.broadcast %get3A_10 : vector<1x256xf32> to vector<256x256xf32>
    %add3A_238 = arith.addf %dot_general3A_236, %add3A_237 : vector<256x256xf32>
    %max3A_239 = arith.constant 0.000000e+00 : f32
    %max3A_240 = vector.broadcast %max3A_239 : f32 to vector<256x256xf32>
    %max3A_241 = arith.maximumf %add3A_238, %max3A_240 : vector<256x256xf32>
    %dot_general3A_242 = arith.constant dense<0.000000e+00> : vector<256x256xf32>
    %dot_general3A_243 = tpu.matmul %max3A_241, %get3A_7, %dot_general3A_242 {dimension_numbers = #tpu.dot_dimension_numbers<[1], [0], [0], [1], [0, 0, 1, 1], [], []>, transpose_lhs_hint = false} : vector<256x256xf32>, vector<256x256xf32>, vector<256x256xf32> -> vector<256x256xf32>
    %max3A_244 = arith.maximumf %max3A_227, %dot_general3A_243 : vector<256x256xf32>
    %get3A_245 = arith.constant 14 : index
    %get3A_246 = arith.constant 0 : index
    %get3A_247 = arith.constant 0 : index
    %get3A_248 = vector.load %arg2[%get3A_245, %get3A_246, %get3A_247] : memref<16x256x256xf32, #tpu.memory_space<vmem>>, vector<1x256x256xf32>
    %get3A_249 = vector.shape_cast %get3A_248 : vector<1x256x256xf32> to vector<256x256xf32>
    %sub3A_250 = arith.subf %get3A_249, %get3A_1 : vector<256x256xf32>
    %concatenate3A_251 = tpu.concatenate %get3A_1, %sub3A_250 in 1 : vector<256x256xf32>, vector<256x256xf32> -> vector<256x512xf32>
    %dot_general3A_252 = arith.constant dense<0.000000e+00> : vector<256x256xf32>
    %dot_general3A_253 = tpu.matmul %concatenate3A_251, %get3A_4, %dot_general3A_252 {dimension_numbers = #tpu.dot_dimension_numbers<[1], [0], [0], [1], [0, 0, 1, 1], [], []>, transpose_lhs_hint = false} : vector<256x512xf32>, vector<512x256xf32>, vector<256x256xf32> -> vector<256x256xf32>
    %add3A_254 = vector.broadcast %get3A_10 : vector<1x256xf32> to vector<256x256xf32>
    %add3A_255 = arith.addf %dot_general3A_253, %add3A_254 : vector<256x256xf32>
    %max3A_256 = arith.constant 0.000000e+00 : f32
    %max3A_257 = vector.broadcast %max3A_256 : f32 to vector<256x256xf32>
    %max3A_258 = arith.maximumf %add3A_255, %max3A_257 : vector<256x256xf32>
    %dot_general3A_259 = arith.constant dense<0.000000e+00> : vector<256x256xf32>
    %dot_general3A_260 = tpu.matmul %max3A_258, %get3A_7, %dot_general3A_259 {dimension_numbers = #tpu.dot_dimension_numbers<[1], [0], [0], [1], [0, 0, 1, 1], [], []>, transpose_lhs_hint = false} : vector<256x256xf32>, vector<256x256xf32>, vector<256x256xf32> -> vector<256x256xf32>
    %max3A_261 = arith.maximumf %max3A_244, %dot_general3A_260 : vector<256x256xf32>
    %get3A_262 = arith.constant 15 : index
    %get3A_263 = arith.constant 0 : index
    %get3A_264 = arith.constant 0 : index
    %get3A_265 = vector.load %arg2[%get3A_262, %get3A_263, %get3A_264] : memref<16x256x256xf32, #tpu.memory_space<vmem>>, vector<1x256x256xf32>
    %get3A_266 = vector.shape_cast %get3A_265 : vector<1x256x256xf32> to vector<256x256xf32>
    %sub3A_267 = arith.subf %get3A_266, %get3A_1 : vector<256x256xf32>
    %concatenate3A_268 = tpu.concatenate %get3A_1, %sub3A_267 in 1 : vector<256x256xf32>, vector<256x256xf32> -> vector<256x512xf32>
    %dot_general3A_269 = arith.constant dense<0.000000e+00> : vector<256x256xf32>
    %dot_general3A_270 = tpu.matmul %concatenate3A_268, %get3A_4, %dot_general3A_269 {dimension_numbers = #tpu.dot_dimension_numbers<[1], [0], [0], [1], [0, 0, 1, 1], [], []>, transpose_lhs_hint = false} : vector<256x512xf32>, vector<512x256xf32>, vector<256x256xf32> -> vector<256x256xf32>
    %add3A_271 = vector.broadcast %get3A_10 : vector<1x256xf32> to vector<256x256xf32>
    %add3A_272 = arith.addf %dot_general3A_270, %add3A_271 : vector<256x256xf32>
    %max3A_273 = arith.constant 0.000000e+00 : f32
    %max3A_274 = vector.broadcast %max3A_273 : f32 to vector<256x256xf32>
    %max3A_275 = arith.maximumf %add3A_272, %max3A_274 : vector<256x256xf32>
    %dot_general3A_276 = arith.constant dense<0.000000e+00> : vector<256x256xf32>
    %dot_general3A_277 = tpu.matmul %max3A_275, %get3A_7, %dot_general3A_276 {dimension_numbers = #tpu.dot_dimension_numbers<[1], [0], [0], [1], [0, 0, 1, 1], [], []>, transpose_lhs_hint = false} : vector<256x256xf32>, vector<256x256xf32>, vector<256x256xf32> -> vector<256x256xf32>
    %max3A_278 = arith.maximumf %max3A_261, %dot_general3A_277 : vector<256x256xf32>
    %get3A_279 = arith.constant 0 : index
    %get3A_280 = arith.constant 0 : index
    %get3A_281 = vector.load %arg6[%get3A_279, %get3A_280] : memref<1x256xf32, #tpu.memory_space<vmem>>, vector<1x256xf32>
    %add3A_282 = vector.broadcast %get3A_281 : vector<1x256xf32> to vector<256x256xf32>
    %add3A_283 = arith.addf %max3A_278, %add3A_282 : vector<256x256xf32>
    %swap3A = arith.constant 0 : index
    %swap3A_284 = arith.constant 0 : index
    %swap3A_285 = vector.load %arg7[%swap3A, %swap3A_284] : memref<256x256xf32, #tpu.memory_space<vmem>>, vector<256x256xf32>
    tpu.vector_store %arg7[%swap3A, %swap3A_284], %add3A_283 {strides = array<i32>} : memref<256x256xf32, #tpu.memory_space<vmem>>, vector<256x256xf32>,
    return
  }
  func.func @transform_0(%arg0: i32) -> (i32, i32) {
    %add3A = arith.constant 0 : i32
    %add3A_0 = arith.addi %add3A, %arg0 : i32
    %c0_i32 = arith.constant 0 : i32
    %c0_i32_1 = arith.constant 0 : i32
    return %add3A_0, %c0_i32 : i32, i32
  }
  func.func @transform_1(%arg0: i32) -> (i32, i32, i32) {
    %c0_i32 = arith.constant 0 : i32
    %c0_i32_0 = arith.constant 0 : i32
    %c0_i32_1 = arith.constant 0 : i32
    return %c0_i32, %arg0, %c0_i32_0 : i32, i32, i32
  }
  func.func @transform_2(%arg0: i32) -> (i32, i32) {
    %c0_i32 = arith.constant 0 : i32
    %c0_i32_0 = arith.constant 0 : i32
    %c0_i32_1 = arith.constant 0 : i32
    return %c0_i32, %c0_i32_0 : i32, i32
  }
  func.func @transform_3(%arg0: i32) -> (i32, i32) {
    %c0_i32 = arith.constant 0 : i32
    %c0_i32_0 = arith.constant 0 : i32
    %c0_i32_1 = arith.constant 0 : i32
    return %c0_i32, %c0_i32_0 : i32, i32
  }
  func.func @transform_4(%arg0: i32) -> (i32, i32) {
    %c0_i32 = arith.constant 0 : i32
    %c0_i32_0 = arith.constant 0 : i32
    %c0_i32_1 = arith.constant 0 : i32
    return %c0_i32, %c0_i32_0 : i32, i32
  }
  func.func @transform_5(%arg0: i32) -> (i32, i32) {
    %c0_i32 = arith.constant 0 : i32
    %c0_i32_0 = arith.constant 0 : i32
    %c0_i32_1 = arith.constant 0 : i32
    return %c0_i32, %c0_i32_0 : i32, i32
  }
  func.func @transform_6(%arg0: i32) -> (i32, i32) {
    %c0_i32 = arith.constant 0 : i32
    %c0_i32_0 = arith.constant 0 : i32
    return %arg0, %c0_i32 : i32, i32
  }
}

module attributes {stable_mosaic.version = 14 : i64} {
  func.func @_final_body(%arg0: i32, %arg1: memref<256x256xf32, #tpu.memory_space<vmem>>, %arg2: memref<16x256x256xf32, #tpu.memory_space<vmem>>, %arg3: memref<512x256xf32, #tpu.memory_space<vmem>>, %arg4: memref<1x256xf32, #tpu.memory_space<vmem>>, %arg5: memref<256x1xf32, #tpu.memory_space<vmem>>, %arg6: memref<1x1xf32, #tpu.memory_space<vmem>>, %arg7: memref<256x16xf32, #tpu.memory_space<vmem>>) attributes {dimension_semantics = [#tpu.dimension_semantics<arbitrary>], iteration_bounds = array<i64: 16>, scalar_prefetch = 0 : i64, scratch_operands = 0 : i64, tpu.core_type = #tpu.core_type<tc>, window_params = [{transform_indices = @transform_0, window_bounds = array<i64: 256, 256>}, {transform_indices = @transform_1, window_bounds = array<i64: 16, 256, 256>}, {pipeline_mode = #tpu.pipeline_mode<synchronous>, transform_indices = @transform_2, window_bounds = array<i64: 512, 256>}, {pipeline_mode = #tpu.pipeline_mode<synchronous>, transform_indices = @transform_3, window_bounds = array<i64: 1, 256>}, {pipeline_mode = #tpu.pipeline_mode<synchronous>, transform_indices = @transform_4, window_bounds = array<i64: 256, 1>}, {pipeline_mode = #tpu.pipeline_mode<synchronous>, transform_indices = @transform_5, window_bounds = array<i64: 1, 1>}, {transform_indices = @transform_6, window_bounds = array<i64: 256, 16>}]} {
    %get3A = arith.constant 0 : index
    %get3A_0 = arith.constant 0 : index
    %get3A_1 = vector.load %arg1[%get3A, %get3A_0] : memref<256x256xf32, #tpu.memory_space<vmem>>, vector<256x256xf32>
    %get3A_2 = arith.constant 0 : index
    %get3A_3 = arith.constant 0 : index
    %get3A_4 = vector.load %arg3[%get3A_2, %get3A_3] : memref<512x256xf32, #tpu.memory_space<vmem>>, vector<512x256xf32>
    %get3A_5 = arith.constant 0 : index
    %get3A_6 = arith.constant 0 : index
    %get3A_7 = vector.load %arg4[%get3A_5, %get3A_6] : memref<1x256xf32, #tpu.memory_space<vmem>>, vector<1x256xf32>
    %get3A_8 = arith.constant 0 : index
    %get3A_9 = arith.constant 0 : index
    %get3A_10 = vector.load %arg5[%get3A_8, %get3A_9] : memref<256x1xf32, #tpu.memory_space<vmem>>, vector<256x1xf32>
    %get3A_11 = arith.constant 0 : index
    %get3A_12 = arith.constant 0 : index
    %get3A_13 = vector.load %arg6[%get3A_11, %get3A_12] : memref<1x1xf32, #tpu.memory_space<vmem>>, vector<1x1xf32>
    %get3A_14 = arith.constant 0 : index
    %get3A_15 = arith.constant 0 : index
    %get3A_16 = arith.constant 0 : index
    %get3A_17 = vector.load %arg2[%get3A_14, %get3A_15, %get3A_16] : memref<16x256x256xf32, #tpu.memory_space<vmem>>, vector<1x256x256xf32>
    %get3A_18 = vector.shape_cast %get3A_17 : vector<1x256x256xf32> to vector<256x256xf32>
    %concatenate3A = tpu.concatenate %get3A_18, %get3A_1 in 1 : vector<256x256xf32>, vector<256x256xf32> -> vector<256x512xf32>
    %dot_general3A = arith.constant dense<0.000000e+00> : vector<256x256xf32>
    %dot_general3A_19 = tpu.matmul %concatenate3A, %get3A_4, %dot_general3A {dimension_numbers = #tpu.dot_dimension_numbers<[1], [0], [0], [1], [0, 0, 1, 1], [], []>, transpose_lhs_hint = false} : vector<256x512xf32>, vector<512x256xf32>, vector<256x256xf32> -> vector<256x256xf32>
    %add3A = vector.broadcast %get3A_7 : vector<1x256xf32> to vector<256x256xf32>
    %add3A_20 = arith.addf %dot_general3A_19, %add3A : vector<256x256xf32>
    %max3A = arith.constant 0.000000e+00 : f32
    %max3A_21 = vector.broadcast %max3A : f32 to vector<256x256xf32>
    %max3A_22 = arith.maximumf %add3A_20, %max3A_21 : vector<256x256xf32>
    %dot_general3A_23 = arith.constant dense<0.000000e+00> : vector<256x1xf32>
    %dot_general3A_24 = tpu.matmul %max3A_22, %get3A_10, %dot_general3A_23 {dimension_numbers = #tpu.dot_dimension_numbers<[1], [0], [0], [1], [0, 0, 1, 1], [], []>, transpose_lhs_hint = false} : vector<256x256xf32>, vector<256x1xf32>, vector<256x1xf32> -> vector<256x1xf32>
    %add3A_25 = vector.broadcast %get3A_13 : vector<1x1xf32> to vector<256x1xf32>
    %add3A_26 = arith.addf %dot_general3A_24, %add3A_25 : vector<256x1xf32>
    %logistic3A = arith.negf %add3A_26 : vector<256x1xf32>
    %logistic3A_27 = math.exp %logistic3A : vector<256x1xf32>
    %logistic3A_28 = arith.constant 1.000000e+00 : f32
    %logistic3A_29 = vector.broadcast %logistic3A_28 : f32 to vector<256x1xf32>
    %logistic3A_30 = arith.addf %logistic3A_29, %logistic3A_27 : vector<256x1xf32>
    %logistic3A_31 = arith.divf %logistic3A_29, %logistic3A_30 : vector<256x1xf32>
    %swap3A = arith.constant 0 : index
    %swap3A_32 = arith.constant 0 : index
    %swap3A_33 = vector.load %arg7[%swap3A, %swap3A_32] : memref<256x16xf32, #tpu.memory_space<vmem>>, vector<256x1xf32>
    tpu.vector_store %arg7[%swap3A, %swap3A_32], %logistic3A_31 {strides = array<i32>} : memref<256x16xf32, #tpu.memory_space<vmem>>, vector<256x1xf32>,
    %get3A_34 = arith.constant 1 : index
    %get3A_35 = arith.constant 0 : index
    %get3A_36 = arith.constant 0 : index
    %get3A_37 = vector.load %arg2[%get3A_34, %get3A_35, %get3A_36] : memref<16x256x256xf32, #tpu.memory_space<vmem>>, vector<1x256x256xf32>
    %get3A_38 = vector.shape_cast %get3A_37 : vector<1x256x256xf32> to vector<256x256xf32>
    %concatenate3A_39 = tpu.concatenate %get3A_38, %get3A_1 in 1 : vector<256x256xf32>, vector<256x256xf32> -> vector<256x512xf32>
    %dot_general3A_40 = arith.constant dense<0.000000e+00> : vector<256x256xf32>
    %dot_general3A_41 = tpu.matmul %concatenate3A_39, %get3A_4, %dot_general3A_40 {dimension_numbers = #tpu.dot_dimension_numbers<[1], [0], [0], [1], [0, 0, 1, 1], [], []>, transpose_lhs_hint = false} : vector<256x512xf32>, vector<512x256xf32>, vector<256x256xf32> -> vector<256x256xf32>
    %add3A_42 = vector.broadcast %get3A_7 : vector<1x256xf32> to vector<256x256xf32>
    %add3A_43 = arith.addf %dot_general3A_41, %add3A_42 : vector<256x256xf32>
    %max3A_44 = arith.constant 0.000000e+00 : f32
    %max3A_45 = vector.broadcast %max3A_44 : f32 to vector<256x256xf32>
    %max3A_46 = arith.maximumf %add3A_43, %max3A_45 : vector<256x256xf32>
    %dot_general3A_47 = arith.constant dense<0.000000e+00> : vector<256x1xf32>
    %dot_general3A_48 = tpu.matmul %max3A_46, %get3A_10, %dot_general3A_47 {dimension_numbers = #tpu.dot_dimension_numbers<[1], [0], [0], [1], [0, 0, 1, 1], [], []>, transpose_lhs_hint = false} : vector<256x256xf32>, vector<256x1xf32>, vector<256x1xf32> -> vector<256x1xf32>
    %add3A_49 = vector.broadcast %get3A_13 : vector<1x1xf32> to vector<256x1xf32>
    %add3A_50 = arith.addf %dot_general3A_48, %add3A_49 : vector<256x1xf32>
    %logistic3A_51 = arith.negf %add3A_50 : vector<256x1xf32>
    %logistic3A_52 = math.exp %logistic3A_51 : vector<256x1xf32>
    %logistic3A_53 = arith.constant 1.000000e+00 : f32
    %logistic3A_54 = vector.broadcast %logistic3A_53 : f32 to vector<256x1xf32>
    %logistic3A_55 = arith.addf %logistic3A_54, %logistic3A_52 : vector<256x1xf32>
    %logistic3A_56 = arith.divf %logistic3A_54, %logistic3A_55 : vector<256x1xf32>
    %swap3A_57 = arith.constant 0 : index
    %swap3A_58 = arith.constant 1 : index
    %swap3A_59 = vector.load %arg7[%swap3A_57, %swap3A_58] : memref<256x16xf32, #tpu.memory_space<vmem>>, vector<256x1xf32>
    tpu.vector_store %arg7[%swap3A_57, %swap3A_58], %logistic3A_56 {strides = array<i32>} : memref<256x16xf32, #tpu.memory_space<vmem>>, vector<256x1xf32>,
    %get3A_60 = arith.constant 2 : index
    %get3A_61 = arith.constant 0 : index
    %get3A_62 = arith.constant 0 : index
    %get3A_63 = vector.load %arg2[%get3A_60, %get3A_61, %get3A_62] : memref<16x256x256xf32, #tpu.memory_space<vmem>>, vector<1x256x256xf32>
    %get3A_64 = vector.shape_cast %get3A_63 : vector<1x256x256xf32> to vector<256x256xf32>
    %concatenate3A_65 = tpu.concatenate %get3A_64, %get3A_1 in 1 : vector<256x256xf32>, vector<256x256xf32> -> vector<256x512xf32>
    %dot_general3A_66 = arith.constant dense<0.000000e+00> : vector<256x256xf32>
    %dot_general3A_67 = tpu.matmul %concatenate3A_65, %get3A_4, %dot_general3A_66 {dimension_numbers = #tpu.dot_dimension_numbers<[1], [0], [0], [1], [0, 0, 1, 1], [], []>, transpose_lhs_hint = false} : vector<256x512xf32>, vector<512x256xf32>, vector<256x256xf32> -> vector<256x256xf32>
    %add3A_68 = vector.broadcast %get3A_7 : vector<1x256xf32> to vector<256x256xf32>
    %add3A_69 = arith.addf %dot_general3A_67, %add3A_68 : vector<256x256xf32>
    %max3A_70 = arith.constant 0.000000e+00 : f32
    %max3A_71 = vector.broadcast %max3A_70 : f32 to vector<256x256xf32>
    %max3A_72 = arith.maximumf %add3A_69, %max3A_71 : vector<256x256xf32>
    %dot_general3A_73 = arith.constant dense<0.000000e+00> : vector<256x1xf32>
    %dot_general3A_74 = tpu.matmul %max3A_72, %get3A_10, %dot_general3A_73 {dimension_numbers = #tpu.dot_dimension_numbers<[1], [0], [0], [1], [0, 0, 1, 1], [], []>, transpose_lhs_hint = false} : vector<256x256xf32>, vector<256x1xf32>, vector<256x1xf32> -> vector<256x1xf32>
    %add3A_75 = vector.broadcast %get3A_13 : vector<1x1xf32> to vector<256x1xf32>
    %add3A_76 = arith.addf %dot_general3A_74, %add3A_75 : vector<256x1xf32>
    %logistic3A_77 = arith.negf %add3A_76 : vector<256x1xf32>
    %logistic3A_78 = math.exp %logistic3A_77 : vector<256x1xf32>
    %logistic3A_79 = arith.constant 1.000000e+00 : f32
    %logistic3A_80 = vector.broadcast %logistic3A_79 : f32 to vector<256x1xf32>
    %logistic3A_81 = arith.addf %logistic3A_80, %logistic3A_78 : vector<256x1xf32>
    %logistic3A_82 = arith.divf %logistic3A_80, %logistic3A_81 : vector<256x1xf32>
    %swap3A_83 = arith.constant 0 : index
    %swap3A_84 = arith.constant 2 : index
    %swap3A_85 = vector.load %arg7[%swap3A_83, %swap3A_84] : memref<256x16xf32, #tpu.memory_space<vmem>>, vector<256x1xf32>
    tpu.vector_store %arg7[%swap3A_83, %swap3A_84], %logistic3A_82 {strides = array<i32>} : memref<256x16xf32, #tpu.memory_space<vmem>>, vector<256x1xf32>,
    %get3A_86 = arith.constant 3 : index
    %get3A_87 = arith.constant 0 : index
    %get3A_88 = arith.constant 0 : index
    %get3A_89 = vector.load %arg2[%get3A_86, %get3A_87, %get3A_88] : memref<16x256x256xf32, #tpu.memory_space<vmem>>, vector<1x256x256xf32>
    %get3A_90 = vector.shape_cast %get3A_89 : vector<1x256x256xf32> to vector<256x256xf32>
    %concatenate3A_91 = tpu.concatenate %get3A_90, %get3A_1 in 1 : vector<256x256xf32>, vector<256x256xf32> -> vector<256x512xf32>
    %dot_general3A_92 = arith.constant dense<0.000000e+00> : vector<256x256xf32>
    %dot_general3A_93 = tpu.matmul %concatenate3A_91, %get3A_4, %dot_general3A_92 {dimension_numbers = #tpu.dot_dimension_numbers<[1], [0], [0], [1], [0, 0, 1, 1], [], []>, transpose_lhs_hint = false} : vector<256x512xf32>, vector<512x256xf32>, vector<256x256xf32> -> vector<256x256xf32>
    %add3A_94 = vector.broadcast %get3A_7 : vector<1x256xf32> to vector<256x256xf32>
    %add3A_95 = arith.addf %dot_general3A_93, %add3A_94 : vector<256x256xf32>
    %max3A_96 = arith.constant 0.000000e+00 : f32
    %max3A_97 = vector.broadcast %max3A_96 : f32 to vector<256x256xf32>
    %max3A_98 = arith.maximumf %add3A_95, %max3A_97 : vector<256x256xf32>
    %dot_general3A_99 = arith.constant dense<0.000000e+00> : vector<256x1xf32>
    %dot_general3A_100 = tpu.matmul %max3A_98, %get3A_10, %dot_general3A_99 {dimension_numbers = #tpu.dot_dimension_numbers<[1], [0], [0], [1], [0, 0, 1, 1], [], []>, transpose_lhs_hint = false} : vector<256x256xf32>, vector<256x1xf32>, vector<256x1xf32> -> vector<256x1xf32>
    %add3A_101 = vector.broadcast %get3A_13 : vector<1x1xf32> to vector<256x1xf32>
    %add3A_102 = arith.addf %dot_general3A_100, %add3A_101 : vector<256x1xf32>
    %logistic3A_103 = arith.negf %add3A_102 : vector<256x1xf32>
    %logistic3A_104 = math.exp %logistic3A_103 : vector<256x1xf32>
    %logistic3A_105 = arith.constant 1.000000e+00 : f32
    %logistic3A_106 = vector.broadcast %logistic3A_105 : f32 to vector<256x1xf32>
    %logistic3A_107 = arith.addf %logistic3A_106, %logistic3A_104 : vector<256x1xf32>
    %logistic3A_108 = arith.divf %logistic3A_106, %logistic3A_107 : vector<256x1xf32>
    %swap3A_109 = arith.constant 0 : index
    %swap3A_110 = arith.constant 3 : index
    %swap3A_111 = vector.load %arg7[%swap3A_109, %swap3A_110] : memref<256x16xf32, #tpu.memory_space<vmem>>, vector<256x1xf32>
    tpu.vector_store %arg7[%swap3A_109, %swap3A_110], %logistic3A_108 {strides = array<i32>} : memref<256x16xf32, #tpu.memory_space<vmem>>, vector<256x1xf32>,
    %get3A_112 = arith.constant 4 : index
    %get3A_113 = arith.constant 0 : index
    %get3A_114 = arith.constant 0 : index
    %get3A_115 = vector.load %arg2[%get3A_112, %get3A_113, %get3A_114] : memref<16x256x256xf32, #tpu.memory_space<vmem>>, vector<1x256x256xf32>
    %get3A_116 = vector.shape_cast %get3A_115 : vector<1x256x256xf32> to vector<256x256xf32>
    %concatenate3A_117 = tpu.concatenate %get3A_116, %get3A_1 in 1 : vector<256x256xf32>, vector<256x256xf32> -> vector<256x512xf32>
    %dot_general3A_118 = arith.constant dense<0.000000e+00> : vector<256x256xf32>
    %dot_general3A_119 = tpu.matmul %concatenate3A_117, %get3A_4, %dot_general3A_118 {dimension_numbers = #tpu.dot_dimension_numbers<[1], [0], [0], [1], [0, 0, 1, 1], [], []>, transpose_lhs_hint = false} : vector<256x512xf32>, vector<512x256xf32>, vector<256x256xf32> -> vector<256x256xf32>
    %add3A_120 = vector.broadcast %get3A_7 : vector<1x256xf32> to vector<256x256xf32>
    %add3A_121 = arith.addf %dot_general3A_119, %add3A_120 : vector<256x256xf32>
    %max3A_122 = arith.constant 0.000000e+00 : f32
    %max3A_123 = vector.broadcast %max3A_122 : f32 to vector<256x256xf32>
    %max3A_124 = arith.maximumf %add3A_121, %max3A_123 : vector<256x256xf32>
    %dot_general3A_125 = arith.constant dense<0.000000e+00> : vector<256x1xf32>
    %dot_general3A_126 = tpu.matmul %max3A_124, %get3A_10, %dot_general3A_125 {dimension_numbers = #tpu.dot_dimension_numbers<[1], [0], [0], [1], [0, 0, 1, 1], [], []>, transpose_lhs_hint = false} : vector<256x256xf32>, vector<256x1xf32>, vector<256x1xf32> -> vector<256x1xf32>
    %add3A_127 = vector.broadcast %get3A_13 : vector<1x1xf32> to vector<256x1xf32>
    %add3A_128 = arith.addf %dot_general3A_126, %add3A_127 : vector<256x1xf32>
    %logistic3A_129 = arith.negf %add3A_128 : vector<256x1xf32>
    %logistic3A_130 = math.exp %logistic3A_129 : vector<256x1xf32>
    %logistic3A_131 = arith.constant 1.000000e+00 : f32
    %logistic3A_132 = vector.broadcast %logistic3A_131 : f32 to vector<256x1xf32>
    %logistic3A_133 = arith.addf %logistic3A_132, %logistic3A_130 : vector<256x1xf32>
    %logistic3A_134 = arith.divf %logistic3A_132, %logistic3A_133 : vector<256x1xf32>
    %swap3A_135 = arith.constant 0 : index
    %swap3A_136 = arith.constant 4 : index
    %swap3A_137 = vector.load %arg7[%swap3A_135, %swap3A_136] : memref<256x16xf32, #tpu.memory_space<vmem>>, vector<256x1xf32>
    tpu.vector_store %arg7[%swap3A_135, %swap3A_136], %logistic3A_134 {strides = array<i32>} : memref<256x16xf32, #tpu.memory_space<vmem>>, vector<256x1xf32>,
    %get3A_138 = arith.constant 5 : index
    %get3A_139 = arith.constant 0 : index
    %get3A_140 = arith.constant 0 : index
    %get3A_141 = vector.load %arg2[%get3A_138, %get3A_139, %get3A_140] : memref<16x256x256xf32, #tpu.memory_space<vmem>>, vector<1x256x256xf32>
    %get3A_142 = vector.shape_cast %get3A_141 : vector<1x256x256xf32> to vector<256x256xf32>
    %concatenate3A_143 = tpu.concatenate %get3A_142, %get3A_1 in 1 : vector<256x256xf32>, vector<256x256xf32> -> vector<256x512xf32>
    %dot_general3A_144 = arith.constant dense<0.000000e+00> : vector<256x256xf32>
    %dot_general3A_145 = tpu.matmul %concatenate3A_143, %get3A_4, %dot_general3A_144 {dimension_numbers = #tpu.dot_dimension_numbers<[1], [0], [0], [1], [0, 0, 1, 1], [], []>, transpose_lhs_hint = false} : vector<256x512xf32>, vector<512x256xf32>, vector<256x256xf32> -> vector<256x256xf32>
    %add3A_146 = vector.broadcast %get3A_7 : vector<1x256xf32> to vector<256x256xf32>
    %add3A_147 = arith.addf %dot_general3A_145, %add3A_146 : vector<256x256xf32>
    %max3A_148 = arith.constant 0.000000e+00 : f32
    %max3A_149 = vector.broadcast %max3A_148 : f32 to vector<256x256xf32>
    %max3A_150 = arith.maximumf %add3A_147, %max3A_149 : vector<256x256xf32>
    %dot_general3A_151 = arith.constant dense<0.000000e+00> : vector<256x1xf32>
    %dot_general3A_152 = tpu.matmul %max3A_150, %get3A_10, %dot_general3A_151 {dimension_numbers = #tpu.dot_dimension_numbers<[1], [0], [0], [1], [0, 0, 1, 1], [], []>, transpose_lhs_hint = false} : vector<256x256xf32>, vector<256x1xf32>, vector<256x1xf32> -> vector<256x1xf32>
    %add3A_153 = vector.broadcast %get3A_13 : vector<1x1xf32> to vector<256x1xf32>
    %add3A_154 = arith.addf %dot_general3A_152, %add3A_153 : vector<256x1xf32>
    %logistic3A_155 = arith.negf %add3A_154 : vector<256x1xf32>
    %logistic3A_156 = math.exp %logistic3A_155 : vector<256x1xf32>
    %logistic3A_157 = arith.constant 1.000000e+00 : f32
    %logistic3A_158 = vector.broadcast %logistic3A_157 : f32 to vector<256x1xf32>
    %logistic3A_159 = arith.addf %logistic3A_158, %logistic3A_156 : vector<256x1xf32>
    %logistic3A_160 = arith.divf %logistic3A_158, %logistic3A_159 : vector<256x1xf32>
    %swap3A_161 = arith.constant 0 : index
    %swap3A_162 = arith.constant 5 : index
    %swap3A_163 = vector.load %arg7[%swap3A_161, %swap3A_162] : memref<256x16xf32, #tpu.memory_space<vmem>>, vector<256x1xf32>
    tpu.vector_store %arg7[%swap3A_161, %swap3A_162], %logistic3A_160 {strides = array<i32>} : memref<256x16xf32, #tpu.memory_space<vmem>>, vector<256x1xf32>,
    %get3A_164 = arith.constant 6 : index
    %get3A_165 = arith.constant 0 : index
    %get3A_166 = arith.constant 0 : index
    %get3A_167 = vector.load %arg2[%get3A_164, %get3A_165, %get3A_166] : memref<16x256x256xf32, #tpu.memory_space<vmem>>, vector<1x256x256xf32>
    %get3A_168 = vector.shape_cast %get3A_167 : vector<1x256x256xf32> to vector<256x256xf32>
    %concatenate3A_169 = tpu.concatenate %get3A_168, %get3A_1 in 1 : vector<256x256xf32>, vector<256x256xf32> -> vector<256x512xf32>
    %dot_general3A_170 = arith.constant dense<0.000000e+00> : vector<256x256xf32>
    %dot_general3A_171 = tpu.matmul %concatenate3A_169, %get3A_4, %dot_general3A_170 {dimension_numbers = #tpu.dot_dimension_numbers<[1], [0], [0], [1], [0, 0, 1, 1], [], []>, transpose_lhs_hint = false} : vector<256x512xf32>, vector<512x256xf32>, vector<256x256xf32> -> vector<256x256xf32>
    %add3A_172 = vector.broadcast %get3A_7 : vector<1x256xf32> to vector<256x256xf32>
    %add3A_173 = arith.addf %dot_general3A_171, %add3A_172 : vector<256x256xf32>
    %max3A_174 = arith.constant 0.000000e+00 : f32
    %max3A_175 = vector.broadcast %max3A_174 : f32 to vector<256x256xf32>
    %max3A_176 = arith.maximumf %add3A_173, %max3A_175 : vector<256x256xf32>
    %dot_general3A_177 = arith.constant dense<0.000000e+00> : vector<256x1xf32>
    %dot_general3A_178 = tpu.matmul %max3A_176, %get3A_10, %dot_general3A_177 {dimension_numbers = #tpu.dot_dimension_numbers<[1], [0], [0], [1], [0, 0, 1, 1], [], []>, transpose_lhs_hint = false} : vector<256x256xf32>, vector<256x1xf32>, vector<256x1xf32> -> vector<256x1xf32>
    %add3A_179 = vector.broadcast %get3A_13 : vector<1x1xf32> to vector<256x1xf32>
    %add3A_180 = arith.addf %dot_general3A_178, %add3A_179 : vector<256x1xf32>
    %logistic3A_181 = arith.negf %add3A_180 : vector<256x1xf32>
    %logistic3A_182 = math.exp %logistic3A_181 : vector<256x1xf32>
    %logistic3A_183 = arith.constant 1.000000e+00 : f32
    %logistic3A_184 = vector.broadcast %logistic3A_183 : f32 to vector<256x1xf32>
    %logistic3A_185 = arith.addf %logistic3A_184, %logistic3A_182 : vector<256x1xf32>
    %logistic3A_186 = arith.divf %logistic3A_184, %logistic3A_185 : vector<256x1xf32>
    %swap3A_187 = arith.constant 0 : index
    %swap3A_188 = arith.constant 6 : index
    %swap3A_189 = vector.load %arg7[%swap3A_187, %swap3A_188] : memref<256x16xf32, #tpu.memory_space<vmem>>, vector<256x1xf32>
    tpu.vector_store %arg7[%swap3A_187, %swap3A_188], %logistic3A_186 {strides = array<i32>} : memref<256x16xf32, #tpu.memory_space<vmem>>, vector<256x1xf32>,
    %get3A_190 = arith.constant 7 : index
    %get3A_191 = arith.constant 0 : index
    %get3A_192 = arith.constant 0 : index
    %get3A_193 = vector.load %arg2[%get3A_190, %get3A_191, %get3A_192] : memref<16x256x256xf32, #tpu.memory_space<vmem>>, vector<1x256x256xf32>
    %get3A_194 = vector.shape_cast %get3A_193 : vector<1x256x256xf32> to vector<256x256xf32>
    %concatenate3A_195 = tpu.concatenate %get3A_194, %get3A_1 in 1 : vector<256x256xf32>, vector<256x256xf32> -> vector<256x512xf32>
    %dot_general3A_196 = arith.constant dense<0.000000e+00> : vector<256x256xf32>
    %dot_general3A_197 = tpu.matmul %concatenate3A_195, %get3A_4, %dot_general3A_196 {dimension_numbers = #tpu.dot_dimension_numbers<[1], [0], [0], [1], [0, 0, 1, 1], [], []>, transpose_lhs_hint = false} : vector<256x512xf32>, vector<512x256xf32>, vector<256x256xf32> -> vector<256x256xf32>
    %add3A_198 = vector.broadcast %get3A_7 : vector<1x256xf32> to vector<256x256xf32>
    %add3A_199 = arith.addf %dot_general3A_197, %add3A_198 : vector<256x256xf32>
    %max3A_200 = arith.constant 0.000000e+00 : f32
    %max3A_201 = vector.broadcast %max3A_200 : f32 to vector<256x256xf32>
    %max3A_202 = arith.maximumf %add3A_199, %max3A_201 : vector<256x256xf32>
    %dot_general3A_203 = arith.constant dense<0.000000e+00> : vector<256x1xf32>
    %dot_general3A_204 = tpu.matmul %max3A_202, %get3A_10, %dot_general3A_203 {dimension_numbers = #tpu.dot_dimension_numbers<[1], [0], [0], [1], [0, 0, 1, 1], [], []>, transpose_lhs_hint = false} : vector<256x256xf32>, vector<256x1xf32>, vector<256x1xf32> -> vector<256x1xf32>
    %add3A_205 = vector.broadcast %get3A_13 : vector<1x1xf32> to vector<256x1xf32>
    %add3A_206 = arith.addf %dot_general3A_204, %add3A_205 : vector<256x1xf32>
    %logistic3A_207 = arith.negf %add3A_206 : vector<256x1xf32>
    %logistic3A_208 = math.exp %logistic3A_207 : vector<256x1xf32>
    %logistic3A_209 = arith.constant 1.000000e+00 : f32
    %logistic3A_210 = vector.broadcast %logistic3A_209 : f32 to vector<256x1xf32>
    %logistic3A_211 = arith.addf %logistic3A_210, %logistic3A_208 : vector<256x1xf32>
    %logistic3A_212 = arith.divf %logistic3A_210, %logistic3A_211 : vector<256x1xf32>
    %swap3A_213 = arith.constant 0 : index
    %swap3A_214 = arith.constant 7 : index
    %swap3A_215 = vector.load %arg7[%swap3A_213, %swap3A_214] : memref<256x16xf32, #tpu.memory_space<vmem>>, vector<256x1xf32>
    tpu.vector_store %arg7[%swap3A_213, %swap3A_214], %logistic3A_212 {strides = array<i32>} : memref<256x16xf32, #tpu.memory_space<vmem>>, vector<256x1xf32>,
    %get3A_216 = arith.constant 8 : index
    %get3A_217 = arith.constant 0 : index
    %get3A_218 = arith.constant 0 : index
    %get3A_219 = vector.load %arg2[%get3A_216, %get3A_217, %get3A_218] : memref<16x256x256xf32, #tpu.memory_space<vmem>>, vector<1x256x256xf32>
    %get3A_220 = vector.shape_cast %get3A_219 : vector<1x256x256xf32> to vector<256x256xf32>
    %concatenate3A_221 = tpu.concatenate %get3A_220, %get3A_1 in 1 : vector<256x256xf32>, vector<256x256xf32> -> vector<256x512xf32>
    %dot_general3A_222 = arith.constant dense<0.000000e+00> : vector<256x256xf32>
    %dot_general3A_223 = tpu.matmul %concatenate3A_221, %get3A_4, %dot_general3A_222 {dimension_numbers = #tpu.dot_dimension_numbers<[1], [0], [0], [1], [0, 0, 1, 1], [], []>, transpose_lhs_hint = false} : vector<256x512xf32>, vector<512x256xf32>, vector<256x256xf32> -> vector<256x256xf32>
    %add3A_224 = vector.broadcast %get3A_7 : vector<1x256xf32> to vector<256x256xf32>
    %add3A_225 = arith.addf %dot_general3A_223, %add3A_224 : vector<256x256xf32>
    %max3A_226 = arith.constant 0.000000e+00 : f32
    %max3A_227 = vector.broadcast %max3A_226 : f32 to vector<256x256xf32>
    %max3A_228 = arith.maximumf %add3A_225, %max3A_227 : vector<256x256xf32>
    %dot_general3A_229 = arith.constant dense<0.000000e+00> : vector<256x1xf32>
    %dot_general3A_230 = tpu.matmul %max3A_228, %get3A_10, %dot_general3A_229 {dimension_numbers = #tpu.dot_dimension_numbers<[1], [0], [0], [1], [0, 0, 1, 1], [], []>, transpose_lhs_hint = false} : vector<256x256xf32>, vector<256x1xf32>, vector<256x1xf32> -> vector<256x1xf32>
    %add3A_231 = vector.broadcast %get3A_13 : vector<1x1xf32> to vector<256x1xf32>
    %add3A_232 = arith.addf %dot_general3A_230, %add3A_231 : vector<256x1xf32>
    %logistic3A_233 = arith.negf %add3A_232 : vector<256x1xf32>
    %logistic3A_234 = math.exp %logistic3A_233 : vector<256x1xf32>
    %logistic3A_235 = arith.constant 1.000000e+00 : f32
    %logistic3A_236 = vector.broadcast %logistic3A_235 : f32 to vector<256x1xf32>
    %logistic3A_237 = arith.addf %logistic3A_236, %logistic3A_234 : vector<256x1xf32>
    %logistic3A_238 = arith.divf %logistic3A_236, %logistic3A_237 : vector<256x1xf32>
    %swap3A_239 = arith.constant 0 : index
    %swap3A_240 = arith.constant 8 : index
    %swap3A_241 = vector.load %arg7[%swap3A_239, %swap3A_240] : memref<256x16xf32, #tpu.memory_space<vmem>>, vector<256x1xf32>
    tpu.vector_store %arg7[%swap3A_239, %swap3A_240], %logistic3A_238 {strides = array<i32>} : memref<256x16xf32, #tpu.memory_space<vmem>>, vector<256x1xf32>,
    %get3A_242 = arith.constant 9 : index
    %get3A_243 = arith.constant 0 : index
    %get3A_244 = arith.constant 0 : index
    %get3A_245 = vector.load %arg2[%get3A_242, %get3A_243, %get3A_244] : memref<16x256x256xf32, #tpu.memory_space<vmem>>, vector<1x256x256xf32>
    %get3A_246 = vector.shape_cast %get3A_245 : vector<1x256x256xf32> to vector<256x256xf32>
    %concatenate3A_247 = tpu.concatenate %get3A_246, %get3A_1 in 1 : vector<256x256xf32>, vector<256x256xf32> -> vector<256x512xf32>
    %dot_general3A_248 = arith.constant dense<0.000000e+00> : vector<256x256xf32>
    %dot_general3A_249 = tpu.matmul %concatenate3A_247, %get3A_4, %dot_general3A_248 {dimension_numbers = #tpu.dot_dimension_numbers<[1], [0], [0], [1], [0, 0, 1, 1], [], []>, transpose_lhs_hint = false} : vector<256x512xf32>, vector<512x256xf32>, vector<256x256xf32> -> vector<256x256xf32>
    %add3A_250 = vector.broadcast %get3A_7 : vector<1x256xf32> to vector<256x256xf32>
    %add3A_251 = arith.addf %dot_general3A_249, %add3A_250 : vector<256x256xf32>
    %max3A_252 = arith.constant 0.000000e+00 : f32
    %max3A_253 = vector.broadcast %max3A_252 : f32 to vector<256x256xf32>
    %max3A_254 = arith.maximumf %add3A_251, %max3A_253 : vector<256x256xf32>
    %dot_general3A_255 = arith.constant dense<0.000000e+00> : vector<256x1xf32>
    %dot_general3A_256 = tpu.matmul %max3A_254, %get3A_10, %dot_general3A_255 {dimension_numbers = #tpu.dot_dimension_numbers<[1], [0], [0], [1], [0, 0, 1, 1], [], []>, transpose_lhs_hint = false} : vector<256x256xf32>, vector<256x1xf32>, vector<256x1xf32> -> vector<256x1xf32>
    %add3A_257 = vector.broadcast %get3A_13 : vector<1x1xf32> to vector<256x1xf32>
    %add3A_258 = arith.addf %dot_general3A_256, %add3A_257 : vector<256x1xf32>
    %logistic3A_259 = arith.negf %add3A_258 : vector<256x1xf32>
    %logistic3A_260 = math.exp %logistic3A_259 : vector<256x1xf32>
    %logistic3A_261 = arith.constant 1.000000e+00 : f32
    %logistic3A_262 = vector.broadcast %logistic3A_261 : f32 to vector<256x1xf32>
    %logistic3A_263 = arith.addf %logistic3A_262, %logistic3A_260 : vector<256x1xf32>
    %logistic3A_264 = arith.divf %logistic3A_262, %logistic3A_263 : vector<256x1xf32>
    %swap3A_265 = arith.constant 0 : index
    %swap3A_266 = arith.constant 9 : index
    %swap3A_267 = vector.load %arg7[%swap3A_265, %swap3A_266] : memref<256x16xf32, #tpu.memory_space<vmem>>, vector<256x1xf32>
    tpu.vector_store %arg7[%swap3A_265, %swap3A_266], %logistic3A_264 {strides = array<i32>} : memref<256x16xf32, #tpu.memory_space<vmem>>, vector<256x1xf32>,
    %get3A_268 = arith.constant 10 : index
    %get3A_269 = arith.constant 0 : index
    %get3A_270 = arith.constant 0 : index
    %get3A_271 = vector.load %arg2[%get3A_268, %get3A_269, %get3A_270] : memref<16x256x256xf32, #tpu.memory_space<vmem>>, vector<1x256x256xf32>
    %get3A_272 = vector.shape_cast %get3A_271 : vector<1x256x256xf32> to vector<256x256xf32>
    %concatenate3A_273 = tpu.concatenate %get3A_272, %get3A_1 in 1 : vector<256x256xf32>, vector<256x256xf32> -> vector<256x512xf32>
    %dot_general3A_274 = arith.constant dense<0.000000e+00> : vector<256x256xf32>
    %dot_general3A_275 = tpu.matmul %concatenate3A_273, %get3A_4, %dot_general3A_274 {dimension_numbers = #tpu.dot_dimension_numbers<[1], [0], [0], [1], [0, 0, 1, 1], [], []>, transpose_lhs_hint = false} : vector<256x512xf32>, vector<512x256xf32>, vector<256x256xf32> -> vector<256x256xf32>
    %add3A_276 = vector.broadcast %get3A_7 : vector<1x256xf32> to vector<256x256xf32>
    %add3A_277 = arith.addf %dot_general3A_275, %add3A_276 : vector<256x256xf32>
    %max3A_278 = arith.constant 0.000000e+00 : f32
    %max3A_279 = vector.broadcast %max3A_278 : f32 to vector<256x256xf32>
    %max3A_280 = arith.maximumf %add3A_277, %max3A_279 : vector<256x256xf32>
    %dot_general3A_281 = arith.constant dense<0.000000e+00> : vector<256x1xf32>
    %dot_general3A_282 = tpu.matmul %max3A_280, %get3A_10, %dot_general3A_281 {dimension_numbers = #tpu.dot_dimension_numbers<[1], [0], [0], [1], [0, 0, 1, 1], [], []>, transpose_lhs_hint = false} : vector<256x256xf32>, vector<256x1xf32>, vector<256x1xf32> -> vector<256x1xf32>
    %add3A_283 = vector.broadcast %get3A_13 : vector<1x1xf32> to vector<256x1xf32>
    %add3A_284 = arith.addf %dot_general3A_282, %add3A_283 : vector<256x1xf32>
    %logistic3A_285 = arith.negf %add3A_284 : vector<256x1xf32>
    %logistic3A_286 = math.exp %logistic3A_285 : vector<256x1xf32>
    %logistic3A_287 = arith.constant 1.000000e+00 : f32
    %logistic3A_288 = vector.broadcast %logistic3A_287 : f32 to vector<256x1xf32>
    %logistic3A_289 = arith.addf %logistic3A_288, %logistic3A_286 : vector<256x1xf32>
    %logistic3A_290 = arith.divf %logistic3A_288, %logistic3A_289 : vector<256x1xf32>
    %swap3A_291 = arith.constant 0 : index
    %swap3A_292 = arith.constant 10 : index
    %swap3A_293 = vector.load %arg7[%swap3A_291, %swap3A_292] : memref<256x16xf32, #tpu.memory_space<vmem>>, vector<256x1xf32>
    tpu.vector_store %arg7[%swap3A_291, %swap3A_292], %logistic3A_290 {strides = array<i32>} : memref<256x16xf32, #tpu.memory_space<vmem>>, vector<256x1xf32>,
    %get3A_294 = arith.constant 11 : index
    %get3A_295 = arith.constant 0 : index
    %get3A_296 = arith.constant 0 : index
    %get3A_297 = vector.load %arg2[%get3A_294, %get3A_295, %get3A_296] : memref<16x256x256xf32, #tpu.memory_space<vmem>>, vector<1x256x256xf32>
    %get3A_298 = vector.shape_cast %get3A_297 : vector<1x256x256xf32> to vector<256x256xf32>
    %concatenate3A_299 = tpu.concatenate %get3A_298, %get3A_1 in 1 : vector<256x256xf32>, vector<256x256xf32> -> vector<256x512xf32>
    %dot_general3A_300 = arith.constant dense<0.000000e+00> : vector<256x256xf32>
    %dot_general3A_301 = tpu.matmul %concatenate3A_299, %get3A_4, %dot_general3A_300 {dimension_numbers = #tpu.dot_dimension_numbers<[1], [0], [0], [1], [0, 0, 1, 1], [], []>, transpose_lhs_hint = false} : vector<256x512xf32>, vector<512x256xf32>, vector<256x256xf32> -> vector<256x256xf32>
    %add3A_302 = vector.broadcast %get3A_7 : vector<1x256xf32> to vector<256x256xf32>
    %add3A_303 = arith.addf %dot_general3A_301, %add3A_302 : vector<256x256xf32>
    %max3A_304 = arith.constant 0.000000e+00 : f32
    %max3A_305 = vector.broadcast %max3A_304 : f32 to vector<256x256xf32>
    %max3A_306 = arith.maximumf %add3A_303, %max3A_305 : vector<256x256xf32>
    %dot_general3A_307 = arith.constant dense<0.000000e+00> : vector<256x1xf32>
    %dot_general3A_308 = tpu.matmul %max3A_306, %get3A_10, %dot_general3A_307 {dimension_numbers = #tpu.dot_dimension_numbers<[1], [0], [0], [1], [0, 0, 1, 1], [], []>, transpose_lhs_hint = false} : vector<256x256xf32>, vector<256x1xf32>, vector<256x1xf32> -> vector<256x1xf32>
    %add3A_309 = vector.broadcast %get3A_13 : vector<1x1xf32> to vector<256x1xf32>
    %add3A_310 = arith.addf %dot_general3A_308, %add3A_309 : vector<256x1xf32>
    %logistic3A_311 = arith.negf %add3A_310 : vector<256x1xf32>
    %logistic3A_312 = math.exp %logistic3A_311 : vector<256x1xf32>
    %logistic3A_313 = arith.constant 1.000000e+00 : f32
    %logistic3A_314 = vector.broadcast %logistic3A_313 : f32 to vector<256x1xf32>
    %logistic3A_315 = arith.addf %logistic3A_314, %logistic3A_312 : vector<256x1xf32>
    %logistic3A_316 = arith.divf %logistic3A_314, %logistic3A_315 : vector<256x1xf32>
    %swap3A_317 = arith.constant 0 : index
    %swap3A_318 = arith.constant 11 : index
    %swap3A_319 = vector.load %arg7[%swap3A_317, %swap3A_318] : memref<256x16xf32, #tpu.memory_space<vmem>>, vector<256x1xf32>
    tpu.vector_store %arg7[%swap3A_317, %swap3A_318], %logistic3A_316 {strides = array<i32>} : memref<256x16xf32, #tpu.memory_space<vmem>>, vector<256x1xf32>,
    %get3A_320 = arith.constant 12 : index
    %get3A_321 = arith.constant 0 : index
    %get3A_322 = arith.constant 0 : index
    %get3A_323 = vector.load %arg2[%get3A_320, %get3A_321, %get3A_322] : memref<16x256x256xf32, #tpu.memory_space<vmem>>, vector<1x256x256xf32>
    %get3A_324 = vector.shape_cast %get3A_323 : vector<1x256x256xf32> to vector<256x256xf32>
    %concatenate3A_325 = tpu.concatenate %get3A_324, %get3A_1 in 1 : vector<256x256xf32>, vector<256x256xf32> -> vector<256x512xf32>
    %dot_general3A_326 = arith.constant dense<0.000000e+00> : vector<256x256xf32>
    %dot_general3A_327 = tpu.matmul %concatenate3A_325, %get3A_4, %dot_general3A_326 {dimension_numbers = #tpu.dot_dimension_numbers<[1], [0], [0], [1], [0, 0, 1, 1], [], []>, transpose_lhs_hint = false} : vector<256x512xf32>, vector<512x256xf32>, vector<256x256xf32> -> vector<256x256xf32>
    %add3A_328 = vector.broadcast %get3A_7 : vector<1x256xf32> to vector<256x256xf32>
    %add3A_329 = arith.addf %dot_general3A_327, %add3A_328 : vector<256x256xf32>
    %max3A_330 = arith.constant 0.000000e+00 : f32
    %max3A_331 = vector.broadcast %max3A_330 : f32 to vector<256x256xf32>
    %max3A_332 = arith.maximumf %add3A_329, %max3A_331 : vector<256x256xf32>
    %dot_general3A_333 = arith.constant dense<0.000000e+00> : vector<256x1xf32>
    %dot_general3A_334 = tpu.matmul %max3A_332, %get3A_10, %dot_general3A_333 {dimension_numbers = #tpu.dot_dimension_numbers<[1], [0], [0], [1], [0, 0, 1, 1], [], []>, transpose_lhs_hint = false} : vector<256x256xf32>, vector<256x1xf32>, vector<256x1xf32> -> vector<256x1xf32>
    %add3A_335 = vector.broadcast %get3A_13 : vector<1x1xf32> to vector<256x1xf32>
    %add3A_336 = arith.addf %dot_general3A_334, %add3A_335 : vector<256x1xf32>
    %logistic3A_337 = arith.negf %add3A_336 : vector<256x1xf32>
    %logistic3A_338 = math.exp %logistic3A_337 : vector<256x1xf32>
    %logistic3A_339 = arith.constant 1.000000e+00 : f32
    %logistic3A_340 = vector.broadcast %logistic3A_339 : f32 to vector<256x1xf32>
    %logistic3A_341 = arith.addf %logistic3A_340, %logistic3A_338 : vector<256x1xf32>
    %logistic3A_342 = arith.divf %logistic3A_340, %logistic3A_341 : vector<256x1xf32>
    %swap3A_343 = arith.constant 0 : index
    %swap3A_344 = arith.constant 12 : index
    %swap3A_345 = vector.load %arg7[%swap3A_343, %swap3A_344] : memref<256x16xf32, #tpu.memory_space<vmem>>, vector<256x1xf32>
    tpu.vector_store %arg7[%swap3A_343, %swap3A_344], %logistic3A_342 {strides = array<i32>} : memref<256x16xf32, #tpu.memory_space<vmem>>, vector<256x1xf32>,
    %get3A_346 = arith.constant 13 : index
    %get3A_347 = arith.constant 0 : index
    %get3A_348 = arith.constant 0 : index
    %get3A_349 = vector.load %arg2[%get3A_346, %get3A_347, %get3A_348] : memref<16x256x256xf32, #tpu.memory_space<vmem>>, vector<1x256x256xf32>
    %get3A_350 = vector.shape_cast %get3A_349 : vector<1x256x256xf32> to vector<256x256xf32>
    %concatenate3A_351 = tpu.concatenate %get3A_350, %get3A_1 in 1 : vector<256x256xf32>, vector<256x256xf32> -> vector<256x512xf32>
    %dot_general3A_352 = arith.constant dense<0.000000e+00> : vector<256x256xf32>
    %dot_general3A_353 = tpu.matmul %concatenate3A_351, %get3A_4, %dot_general3A_352 {dimension_numbers = #tpu.dot_dimension_numbers<[1], [0], [0], [1], [0, 0, 1, 1], [], []>, transpose_lhs_hint = false} : vector<256x512xf32>, vector<512x256xf32>, vector<256x256xf32> -> vector<256x256xf32>
    %add3A_354 = vector.broadcast %get3A_7 : vector<1x256xf32> to vector<256x256xf32>
    %add3A_355 = arith.addf %dot_general3A_353, %add3A_354 : vector<256x256xf32>
    %max3A_356 = arith.constant 0.000000e+00 : f32
    %max3A_357 = vector.broadcast %max3A_356 : f32 to vector<256x256xf32>
    %max3A_358 = arith.maximumf %add3A_355, %max3A_357 : vector<256x256xf32>
    %dot_general3A_359 = arith.constant dense<0.000000e+00> : vector<256x1xf32>
    %dot_general3A_360 = tpu.matmul %max3A_358, %get3A_10, %dot_general3A_359 {dimension_numbers = #tpu.dot_dimension_numbers<[1], [0], [0], [1], [0, 0, 1, 1], [], []>, transpose_lhs_hint = false} : vector<256x256xf32>, vector<256x1xf32>, vector<256x1xf32> -> vector<256x1xf32>
    %add3A_361 = vector.broadcast %get3A_13 : vector<1x1xf32> to vector<256x1xf32>
    %add3A_362 = arith.addf %dot_general3A_360, %add3A_361 : vector<256x1xf32>
    %logistic3A_363 = arith.negf %add3A_362 : vector<256x1xf32>
    %logistic3A_364 = math.exp %logistic3A_363 : vector<256x1xf32>
    %logistic3A_365 = arith.constant 1.000000e+00 : f32
    %logistic3A_366 = vector.broadcast %logistic3A_365 : f32 to vector<256x1xf32>
    %logistic3A_367 = arith.addf %logistic3A_366, %logistic3A_364 : vector<256x1xf32>
    %logistic3A_368 = arith.divf %logistic3A_366, %logistic3A_367 : vector<256x1xf32>
    %swap3A_369 = arith.constant 0 : index
    %swap3A_370 = arith.constant 13 : index
    %swap3A_371 = vector.load %arg7[%swap3A_369, %swap3A_370] : memref<256x16xf32, #tpu.memory_space<vmem>>, vector<256x1xf32>
    tpu.vector_store %arg7[%swap3A_369, %swap3A_370], %logistic3A_368 {strides = array<i32>} : memref<256x16xf32, #tpu.memory_space<vmem>>, vector<256x1xf32>,
    %get3A_372 = arith.constant 14 : index
    %get3A_373 = arith.constant 0 : index
    %get3A_374 = arith.constant 0 : index
    %get3A_375 = vector.load %arg2[%get3A_372, %get3A_373, %get3A_374] : memref<16x256x256xf32, #tpu.memory_space<vmem>>, vector<1x256x256xf32>
    %get3A_376 = vector.shape_cast %get3A_375 : vector<1x256x256xf32> to vector<256x256xf32>
    %concatenate3A_377 = tpu.concatenate %get3A_376, %get3A_1 in 1 : vector<256x256xf32>, vector<256x256xf32> -> vector<256x512xf32>
    %dot_general3A_378 = arith.constant dense<0.000000e+00> : vector<256x256xf32>
    %dot_general3A_379 = tpu.matmul %concatenate3A_377, %get3A_4, %dot_general3A_378 {dimension_numbers = #tpu.dot_dimension_numbers<[1], [0], [0], [1], [0, 0, 1, 1], [], []>, transpose_lhs_hint = false} : vector<256x512xf32>, vector<512x256xf32>, vector<256x256xf32> -> vector<256x256xf32>
    %add3A_380 = vector.broadcast %get3A_7 : vector<1x256xf32> to vector<256x256xf32>
    %add3A_381 = arith.addf %dot_general3A_379, %add3A_380 : vector<256x256xf32>
    %max3A_382 = arith.constant 0.000000e+00 : f32
    %max3A_383 = vector.broadcast %max3A_382 : f32 to vector<256x256xf32>
    %max3A_384 = arith.maximumf %add3A_381, %max3A_383 : vector<256x256xf32>
    %dot_general3A_385 = arith.constant dense<0.000000e+00> : vector<256x1xf32>
    %dot_general3A_386 = tpu.matmul %max3A_384, %get3A_10, %dot_general3A_385 {dimension_numbers = #tpu.dot_dimension_numbers<[1], [0], [0], [1], [0, 0, 1, 1], [], []>, transpose_lhs_hint = false} : vector<256x256xf32>, vector<256x1xf32>, vector<256x1xf32> -> vector<256x1xf32>
    %add3A_387 = vector.broadcast %get3A_13 : vector<1x1xf32> to vector<256x1xf32>
    %add3A_388 = arith.addf %dot_general3A_386, %add3A_387 : vector<256x1xf32>
    %logistic3A_389 = arith.negf %add3A_388 : vector<256x1xf32>
    %logistic3A_390 = math.exp %logistic3A_389 : vector<256x1xf32>
    %logistic3A_391 = arith.constant 1.000000e+00 : f32
    %logistic3A_392 = vector.broadcast %logistic3A_391 : f32 to vector<256x1xf32>
    %logistic3A_393 = arith.addf %logistic3A_392, %logistic3A_390 : vector<256x1xf32>
    %logistic3A_394 = arith.divf %logistic3A_392, %logistic3A_393 : vector<256x1xf32>
    %swap3A_395 = arith.constant 0 : index
    %swap3A_396 = arith.constant 14 : index
    %swap3A_397 = vector.load %arg7[%swap3A_395, %swap3A_396] : memref<256x16xf32, #tpu.memory_space<vmem>>, vector<256x1xf32>
    tpu.vector_store %arg7[%swap3A_395, %swap3A_396], %logistic3A_394 {strides = array<i32>} : memref<256x16xf32, #tpu.memory_space<vmem>>, vector<256x1xf32>,
    %get3A_398 = arith.constant 15 : index
    %get3A_399 = arith.constant 0 : index
    %get3A_400 = arith.constant 0 : index
    %get3A_401 = vector.load %arg2[%get3A_398, %get3A_399, %get3A_400] : memref<16x256x256xf32, #tpu.memory_space<vmem>>, vector<1x256x256xf32>
    %get3A_402 = vector.shape_cast %get3A_401 : vector<1x256x256xf32> to vector<256x256xf32>
    %concatenate3A_403 = tpu.concatenate %get3A_402, %get3A_1 in 1 : vector<256x256xf32>, vector<256x256xf32> -> vector<256x512xf32>
    %dot_general3A_404 = arith.constant dense<0.000000e+00> : vector<256x256xf32>
    %dot_general3A_405 = tpu.matmul %concatenate3A_403, %get3A_4, %dot_general3A_404 {dimension_numbers = #tpu.dot_dimension_numbers<[1], [0], [0], [1], [0, 0, 1, 1], [], []>, transpose_lhs_hint = false} : vector<256x512xf32>, vector<512x256xf32>, vector<256x256xf32> -> vector<256x256xf32>
    %add3A_406 = vector.broadcast %get3A_7 : vector<1x256xf32> to vector<256x256xf32>
    %add3A_407 = arith.addf %dot_general3A_405, %add3A_406 : vector<256x256xf32>
    %max3A_408 = arith.constant 0.000000e+00 : f32
    %max3A_409 = vector.broadcast %max3A_408 : f32 to vector<256x256xf32>
    %max3A_410 = arith.maximumf %add3A_407, %max3A_409 : vector<256x256xf32>
    %dot_general3A_411 = arith.constant dense<0.000000e+00> : vector<256x1xf32>
    %dot_general3A_412 = tpu.matmul %max3A_410, %get3A_10, %dot_general3A_411 {dimension_numbers = #tpu.dot_dimension_numbers<[1], [0], [0], [1], [0, 0, 1, 1], [], []>, transpose_lhs_hint = false} : vector<256x256xf32>, vector<256x1xf32>, vector<256x1xf32> -> vector<256x1xf32>
    %add3A_413 = vector.broadcast %get3A_13 : vector<1x1xf32> to vector<256x1xf32>
    %add3A_414 = arith.addf %dot_general3A_412, %add3A_413 : vector<256x1xf32>
    %logistic3A_415 = arith.negf %add3A_414 : vector<256x1xf32>
    %logistic3A_416 = math.exp %logistic3A_415 : vector<256x1xf32>
    %logistic3A_417 = arith.constant 1.000000e+00 : f32
    %logistic3A_418 = vector.broadcast %logistic3A_417 : f32 to vector<256x1xf32>
    %logistic3A_419 = arith.addf %logistic3A_418, %logistic3A_416 : vector<256x1xf32>
    %logistic3A_420 = arith.divf %logistic3A_418, %logistic3A_419 : vector<256x1xf32>
    %swap3A_421 = arith.constant 0 : index
    %swap3A_422 = arith.constant 15 : index
    %swap3A_423 = vector.load %arg7[%swap3A_421, %swap3A_422] : memref<256x16xf32, #tpu.memory_space<vmem>>, vector<256x1xf32>
    tpu.vector_store %arg7[%swap3A_421, %swap3A_422], %logistic3A_420 {strides = array<i32>} : memref<256x16xf32, #tpu.memory_space<vmem>>, vector<256x1xf32>,
    return
  }
  func.func @transform_0(%arg0: i32) -> (i32, i32) {
    %add3A = arith.constant 0 : i32
    %add3A_0 = arith.addi %add3A, %arg0 : i32
    %c0_i32 = arith.constant 0 : i32
    %c0_i32_1 = arith.constant 0 : i32
    return %add3A_0, %c0_i32 : i32, i32
  }
  func.func @transform_1(%arg0: i32) -> (i32, i32, i32) {
    %c0_i32 = arith.constant 0 : i32
    %c0_i32_0 = arith.constant 0 : i32
    %c0_i32_1 = arith.constant 0 : i32
    return %c0_i32, %arg0, %c0_i32_0 : i32, i32, i32
  }
  func.func @transform_2(%arg0: i32) -> (i32, i32) {
    %c0_i32 = arith.constant 0 : i32
    %c0_i32_0 = arith.constant 0 : i32
    %c0_i32_1 = arith.constant 0 : i32
    return %c0_i32, %c0_i32_0 : i32, i32
  }
  func.func @transform_3(%arg0: i32) -> (i32, i32) {
    %c0_i32 = arith.constant 0 : i32
    %c0_i32_0 = arith.constant 0 : i32
    %c0_i32_1 = arith.constant 0 : i32
    return %c0_i32, %c0_i32_0 : i32, i32
  }
  func.func @transform_4(%arg0: i32) -> (i32, i32) {
    %c0_i32 = arith.constant 0 : i32
    %c0_i32_0 = arith.constant 0 : i32
    %c0_i32_1 = arith.constant 0 : i32
    return %c0_i32, %c0_i32_0 : i32, i32
  }
  func.func @transform_5(%arg0: i32) -> (i32, i32) {
    %c0_i32 = arith.constant 0 : i32
    %c0_i32_0 = arith.constant 0 : i32
    %c0_i32_1 = arith.constant 0 : i32
    return %c0_i32, %c0_i32_0 : i32, i32
  }
  func.func @transform_6(%arg0: i32) -> (i32, i32) {
    %c0_i32 = arith.constant 0 : i32
    %c0_i32_0 = arith.constant 0 : i32
    return %arg0, %c0_i32 : i32, i32
  }
}

</mosaic_0001>

<sc_bundles>
// kernel: kernel.11.cloned.1.call-start
scs
__scs_entry_jumppad:
0x0: {  	(pc) =	sbr.rel $0x88, $3  }
0x1: {  	(tag) =	ssettag $0x0;
	lr =	simm.s32 $0x1  }
0x2: {  	[smem:$0x3F93] =	sst lr;
	_ =	strace $0xD0000000  }
0x3: {  	_ = 	snop  }
0x4: {  	_ = 	snop  }
0x5: {  	_ = 	snop  }
0x6: {  	_ = 	snop  }
0x7: {  	_ = 	snop  }
__scs_overlays_trampoline_lowered:
0x8: {  	[smem:$0x3FA2] =	sst s0  }
0x9: {  	[smem:$0x3FA3] =	sst s1  }
0xa: {  	[smem:$0x3FA4] =	sst s2  }
0xb: {  	[smem:$0x3FA5] =	sst s3  }
0xc: {  	[smem:$0x3FA6] =	sst s4  }
0xd: {  	[smem:$0x3FA7] =	sst s5  }
0xe: {  	[smem:$0x3FA8] =	sst s6  }
0xf: {  	[smem:$0x3FA9] =	sst s7  }
0x10: {  	[smem:$0x3FAA] =	sst s8  }
0x11: {  	[smem:$0x3FAB] =	sst s9;
	s0 =	simm.s32 @!p0 $0x0  }
0x12: {  	s1 =	sld [smem:$0x3F91];
	s0 =	simm.s32 @p0 $0x1  }
0x13: {  	[smem:$0x3FAC] =	sst s0;
	s0 =	simm.s32 @!p1 $0x0  }
0x14: {  	s2 =	sld [smem:$0x3F90];
	s0 =	simm.s32 @p1 $0x1  }
0x15: {  	[smem:$0x3FAD] =	sst s0;
	s0 =	simm.s32 @!p2 $0x0  }
0x16: {  	s3 =	sld [smem:$0x3FDB];
	s0 =	simm.s32 @p2 $0x1  }
0x17: {  	s4 =	simm.s32 $0x1BF5;
	[smem:$0x3FAF] =	sst s0  }
0x18: {  	s0 =	sld [smem:$0x3F92];
	_ =	swait.ge [sflag:s4], $0x0  }
0x19: {  	s7 =	sld [smem:$0x3F93]  }
0x1a: {  	s8 =	sadd.s32 $0xFFFFE003, lr  }
0x1b: {  	s9 =	sadd.s32 $0xFFFFFEF7, lr;
	s5 =	simm.s32 $0xFFFFFFFF;
	p2 =	slt.u32 s8, $0xFFFFF086  }
0x1c: {  	p1 =	slt.u32 s9, $0xF7A;
	s5 =	simm.s32 @!p2 $0x0  }
0x1d: {  	s5 =	simm.s32 @p1 $0x1;
	p0 =	seq.s32 s7, s2  }
0x1e: {  	s7 =	smul.u32 @!p0 $0xF7A, s2;
	p2 =	seq.s32 @!p0 s5, $0x0  }
0x1f: {  	s9 =	smul.u32 $0xF7A, s1;
	s8 =	simm.s32 @!p0 $0x1BF5;
	p2 =	por !p2, p0  }
0x20: {  	[sflag:s8] =	ssyncset.s32 @!p0 $0xFFFFF086;
	s6 =	sadd.s32 @!p0 s3, s7;
	s7 =	simm.s32 @!p0 $0x108  }
0x21: {  	s3 =	sadd.s32 s3, s9;
	s6 =	sadd.s32 @!p0 $0x88, s6;
	s7 =	simm.s32 @p2 $0x1082  }
0x22: {  	[simem:s7], [sflag:s8] =	dma.local @!p0 [hbm:s6], $0xF7A  }
0x23: {  	s9 =	sor.u32 $0xD0000000, s2;
	s6 =	simm.s32 $0x108;
	_ =	swait.ge @!p0 [sflag:s8], $0x0  }
0x24: {  	s3 =	sadd.s32 $0x88, s3;
	s6 =	simm.s32 @!p1 $0x1082;
	[sflag:s4] =	ssyncset.s32 $0xFFFFF086  }
0x25: {  	[simem:s6], [sflag:s4] =	dma.local [hbm:s3], $0xF7A  }
0x26: {  	[smem:$0x3F93] =	sst s1;
	(tag) =	ssettag s2;
	_ =	strace s9  }
0x27: {  	s1 =	sld [smem:$0x3FA3]  }
0x28: {  	s2 =	sld [smem:$0x3FA4]  }
0x29: {  	s4 =	sld [smem:$0x3FA6]  }
0x2a: {  	p0 =	seq.s32 s5, $0x0;
	s5 =	sld [smem:$0x3FA7]  }
0x2b: {  	s6 =	sld [smem:$0x3FA8]  }
0x2c: {  	s7 =	sld [smem:$0x3FA9]  }
0x2d: {  	s3 =	simm.s32 $0x108;
	s8 =	sld [smem:$0x3FAA]  }
0x2e: {  	s3 =	simm.s32 @!p0 $0x1082;
	s9 =	sld [smem:$0x3FAB]  }
0x2f: {  	lr =	sadd.s32 s0, s3;
	s0 =	sld [smem:$0x3FA2]  }
0x30: {  	s3 =	sld [smem:$0x3FA5]  }
0x31: {  	[smem:$0x3FAE] =	sst s10  }
0x32: {  	s10 =	sld [smem:$0x3FAC];
	_ =	sdelay $0x3  }
0x33: {  	p0 =	seq.s32 s10, $0x1;
	s10 =	sld [smem:$0x3FAE];
	_ =	sdelay $0x3  }
0x34: {  	[smem:$0x3FAE] =	sst s10  }
0x35: {  	s10 =	sld [smem:$0x3FAD];
	_ =	sdelay $0x3  }
0x36: {  	p1 =	seq.s32 s10, $0x1;
	s10 =	sld [smem:$0x3FAE];
	_ =	sdelay $0x3  }
0x37: {  	[smem:$0x3FAE] =	sst s10  }
0x38: {  	s10 =	sld [smem:$0x3FAF]  }
0x39: {  	_ = 	snop;
	(pc) =	sbr.ind lr, $3  }
0x3a: {  	_ = 	snop  }
0x3b: {  	_ = 	snop  }
0x3c: {  	p2 =	seq.s32 s10, $0x1;
	s10 =	sld [smem:$0x3FAE]  }
0x3d: {  	_ =	shalt  }
0x3e: {  	_ =	shalt  }
0x3f: {  	_ =	shalt  }
0x40: {  	_ =	shalt  }
0x41: {  	_ =	shalt  }
0x42: {  	_ =	shalt  }
0x43: {  	_ =	shalt  }
0x44: {  	_ =	shalt  }
0x45: {  	_ =	shalt  }
0x46: {  	_ =	shalt  }
0x47: {  	_ =	shalt  }
0x48: {  	_ =	shalt  }
0x49: {  	_ =	shalt  }
0x4a: {  	_ =	shalt  }
0x4b: {  	_ =	shalt  }
0x4c: {  	_ =	shalt  }
0x4d: {  	_ =	shalt  }
0x4e: {  	_ =	shalt  }
0x4f: {  	_ =	shalt  }
0x50: {  	_ =	shalt  }
0x51: {  	_ =	shalt  }
0x52: {  	_ =	shalt  }
0x53: {  	_ =	shalt  }
0x54: {  	_ =	shalt  }
0x55: {  	_ =	shalt  }
0x56: {  	_ =	shalt  }
0x57: {  	_ =	shalt  }
0x58: {  	_ =	shalt  }
0x59: {  	_ =	shalt  }
0x5a: {  	_ =	shalt  }
0x5b: {  	_ =	shalt  }
0x5c: {  	_ =	shalt  }
0x5d: {  	_ =	shalt  }
0x5e: {  	_ =	shalt  }
0x5f: {  	_ =	shalt  }
0x60: {  	_ =	shalt  }
0x61: {  	_ =	shalt  }
0x62: {  	_ =	shalt  }
0x63: {  	_ =	shalt  }
0x64: {  	_ =	shalt  }
0x65: {  	_ =	shalt  }
0x66: {  	_ =	shalt  }
0x67: {  	_ =	shalt  }
0x68: {  	_ =	shalt  }
0x69: {  	_ =	shalt  }
0x6a: {  	_ =	shalt  }
0x6b: {  	_ =	shalt  }
0x6c: {  	_ =	shalt  }
0x6d: {  	_ =	shalt  }
0x6e: {  	_ =	shalt  }
0x6f: {  	_ =	shalt  }
0x70: {  	_ =	shalt  }
0x71: {  	_ =	shalt  }
0x72: {  	_ =	shalt  }
0x73: {  	_ =	shalt  }
0x74: {  	_ =	shalt  }
0x75: {  	_ =	shalt  }
0x76: {  	_ =	shalt  }
0x77: {  	_ =	shalt  }
0x78: {  	_ =	shalt  }
0x79: {  	_ =	shalt  }
0x7a: {  	_ =	shalt  }
0x7b: {  	_ =	shalt  }
0x7c: {  	_ =	shalt  }
0x7d: {  	_ =	shalt  }
0x7e: {  	_ =	shalt  }
0x7f: {  	_ =	shalt  }
0x80: {  	_ =	shalt  }
0x81: {  	_ =	shalt  }
0x82: {  	_ =	shalt  }
0x83: {  	_ =	shalt  }
0x84: {  	_ =	shalt  }
0x85: {  	_ =	shalt  }
0x86: {  	_ =	shalt  }
0x87: {  	_ =	shalt  }
.Lfunc_end0:
.L_simem_size_0:
called_computation_lowered:
.L_overlay_start_0:
0x88: {  	s2 =	sld [smem:$0x3FD9]  }
0x89: {  	s3 =	sld [smem:$0x3FFE];
	_ =	sdelay $0x1  }
0x8a: {  	s1 =	srdreg.scid  }
0x8b: {  	s0 =	sand.u32 $0x1, s1  }
0x8c: {  	s14 =	sshll.u32 s0, $0xA;
	s2 =	sadd.s32 s3, s2  }
0x8d: {  	s2 =	sadd.s32 s2, s14  }
0x8e: {  	[smem:$0x3FBA] =	sst s2  }
0x8f: {  	_ = 	snop  }
0x90: {  	s2 =	sld [smem:$0x3FD0];
	_ =	sdelay $0x2  }
0x91: {  	s15 =	simm.s32 $0xA;
	s4 =	simm.s32 $0x10  }
0x92: {  	[smem:s4], [sflag:s15] =	dma.local [hbm:s2], $0x1  }
0x93: {  	_ =	swait.eq [sflag:s15], $0x1  }
0x94: {  	[sflag:s15] =	ssyncset.done $0x0  }
0x95: {  	[sflag:s15] =	ssyncadd.s32 $0xFFFFFFFF  }
0x96: {  	s16 =	sld [smem:$0x10];
	(tm) =	ssettm $0x1  }
0x97: {  	s17 =	sld [smem:$0x3FFB];
	_ =	sdelay $0x3  }
0x98: {  	_ =	strace s17  }
0x99: {  	s3 =	sld [smem:$0x3FFC];
	_ =	sdelay $0x3  }
0x9a: {  	_ =	strace s3  }
0x9b: {  	s3 =	sld [smem:$0x3FFD];
	_ =	sdelay $0x3  }
0x9c: {  	_ =	strace s3  }
0x9d: {  	_ =	strace $0x8FFFFFFF  }
0x9e: {  	s18 =	sld [smem:$0x3FDB];
	_ =	sdelay $0x1  }
0x9f: {  	s19 =	simm.s32 $_scs_section_size  }
0xa0: {  	s5 =	simm.s32 $_size__tile_overlayer_lowered;
	s6 =	simm.s32 $_tile_overlayer_lowered  }
0xa1: {  	s22 =	simm.s32 $0x1BFF;
	s21 =	sshll.u32 s6, $0x1;
	s3 =	sadd.s32 s19, s18  }
0xa2: {  	s7 =	simm.s32 $0x0;
	s20 =	sshll.u32 s5, $0x1;
	s5 =	sadd.s32 s21, s3  }
0xa3: {  	[timem:s7], [sflag:s22] =	dma.local [hbm:s5], s20  }
0xa4: {  	_ =	swait.ge [sflag:s22], s20  }
0xa5: {  	s4 =	ssub.s32 $0x0, s20;
	[sflag:s22] =	ssyncset.done $0x0  }
0xa6: {  	[sflag:s22] =	ssyncadd.s32 s4;
	_ =	sdelay $0x1  }
0xa7: {  	s23 =	simm.s32 $0x1B8B  }
0xa8: {  	_ =	swait.ge [sflag:s23], $0x1  }
0xa9: {  	[sflag:s23] =	ssyncset.done $0x0  }
0xaa: {  	s25 =	simm.s32 $0x1B8E;
	s24 =	sld [smem:$0x3FFE];
	[sflag:s23] =	ssyncadd.s32 $0xFFFFFFFF  }
0xab: {  	s26 =	simm.s32 $execute0_lowered;
	[smem:$0x3FD2] =	sst s25  }
0xac: {  	s5 =	sshll.u32 s26, $0x1;
	_ =	strace $0x80000046;
	[dreg:$0x1] =	wrdreg $0xFFFFFFFF  }
0xad: {  	s28 =	simm.s32 $_size_execute0_lowered;
	s3 =	sadd.s32 s3, s5;
	[dreg:$0x0] =	wrdreg $0x0  }
0xae: {  	s5 =	sshll.u32 s28, $0x1;
	[dreg:$0x2] =	wrdreg s3  }
0xaf: {  	[dreg:$0x3] =	wrdreg s5  }
0xb0: {  	[dreg:$0x4] =	wrdreg $0xC0  }
0xb1: {  	_ =	task [dreg:s7], $0x5FFFF  }
0xb2: {  	[dreg:$0x1] =	wrdreg $0xFFFFFFFF  }
0xb3: {  	[dreg:$0x0] =	wrdreg $0x60  }
0xb4: {  	[dreg:$0x2] =	wrdreg s24  }
0xb5: {  	[dreg:$0x3] =	wrdreg s16  }
0xb6: {  	[dreg:$0x4] =	wrdreg $0x9  }
0xb7: {  	_ =	task.clear_ibuf [dreg:s7], $0x5FFFF;
	_ =	strace $0x90000046  }
0xb8: {  	s29 =	simm.s32 $0x9;
	_ =	strace $0x80000048  }
0xb9: {  	_ =	swait.ge [sflag:s29], $0x1  }
0xba: {  	[sflag:s29] =	ssyncadd.s32 $0xFFFFFFFF  }
0xbb: {  	_ =	strace $0x90000048  }
0xbc: {  	_ =	sfence  }
0xbd: {  	s30 =	sld [smem:$0x0];
	_ =	sdelay $0x2  }
0xbe: {  	s31 =	sshll.u32 s1, $0xD;
	s1 =	sshrl.u32 s1, $0x2  }
0xbf: {  	s3 =	sand.u32 $0x4000, s31;
	s1 =	sadd.s32 s1, s30  }
0xc0: {  	s0 =	sor.u32 s3, s0;
	s1 =	sshll.u32 s1, $0x11  }
0xc1: {  	s0 =	sor.u32 s1, s0  }
0xc2: {  	s0 =	sadd.s32 $0x8F2B, s0  }
0xc3: {  	[sflag:s0] =	ssyncadd.remote.s32 $0x1  }
0xc4: {  	_ =	sfence.sel $0xFFFF  }
0xc5: {  	[dreg:$0x0] =	wrdreg $0xFFFFFFFF;
	(pc) =	sbr.abs _section_cstart, $3  }
0xc6: {  	[dreg:$0x1] =	wrdreg $0xFFFFFFFF  }
0xc7: {  	_ =	task.clear_ibuf [dreg:s7], $0x2FFFF;
	_ =	strace $0x9FFFFFFF  }
0xc8: {  	(tm) =	ssettm $0x7FFFFFFF  }
0xc9: {  	_ =	shalt  }
tec
execute0_lowered:
.L_overlay_start_1:
0x0: {  	(tag) =	ssettag $0x1  }
0x1: {  	s1 =	srdreg.scid  }
0x2: {  	s0 =	stileid.u32;
	s1 =	sand.u32 $0x1, s1  }
0x3: {  	s4 =	rddreg [dreg:$0x0];
	s5 =	sshll.u32 s0, $0xC;
	s6 =	sshll.u32 s1, $0xB  }
0x4: {  	s3 =	rddreg [dreg:$0x1];
	s5 =	sor.u32 s6, s5  }
0x5: {  	s2 =	simm.s32 $0x0;
	s6 =	sshll.u32 s5, $0x4;
	s5 =	sshrl.u32 s5, $0x3  }
0x6: {  	[smem:$0x7FF] =	sst s2;
	s31 =	sadd.s32 s6, s4;
	s3 =	sadd.s32 s3, s5  }
0x7: {  	_ =	strace $0x80000047;
	[dreg:$0x3] =	wrdreg s3;
	s11 =	sadd.s32 $0x13600, s31  }
0x8: {  	s12 =	sadd.s32 $0x13E00, s31;
	[dreg:$0x4] =	wrdreg s11  }
0x9: {  	s13 =	sadd.s32 $0x14600, s31;
	[dreg:$0x5] =	wrdreg s12  }
0xa: {  	s14 =	sadd.s32 $0x14E00, s31;
	[dreg:$0x6] =	wrdreg s13  }
0xb: {  	s15 =	sadd.s32 $0x15600, s31;
	[dreg:$0x7] =	wrdreg s14  }
0xc: {  	s16 =	sadd.s32 $0x15E00, s31;
	[dreg:$0x8] =	wrdreg s15  }
0xd: {  	s17 =	sadd.s32 $0x16600, s31;
	[dreg:$0x9] =	wrdreg s16  }
0xe: {  	s18 =	sadd.s32 $0x16E00, s31;
	[dreg:$0xa] =	wrdreg s17  }
0xf: {  	s19 =	sadd.s32 $0x17600, s31;
	[dreg:$0xb] =	wrdreg s18  }
0x10: {  	[dreg:$0xc] =	wrdreg s19  }
0x11: {  	s20 =	sadd.s32 $0x17E00, s31;
	s21 =	rddreg [dreg:$0x3]  }
0x12: {  	s22 =	sadd.s32 $0x18600, s31;
	[dreg:$0xd] =	wrdreg s20  }
0x13: {  	s3 =	simm.s32 $0x5;
	[dreg:$0xe] =	wrdreg s22  }
0x14: {  	[tilespmem:s2], [sflag:$0x5] =	stream.linear.gather [hbm4b:s21+s2], $0x800, $0x38;
	[tilespmem:$0x8800] =	vst v63  }
0x15: {  	_ =	swait.ge [sflag:s3], $0x800  }
0x16: {  	s4 =	sadd.s32 $0x3600, s4;
	[sflag:s3] =	ssyncset.done $0x0  }
0x17: {  	s5 =	simm.s32 $0x80;
	s6 =	simm.s32 $0x800;
	[sflag:s3] =	ssyncadd.s32 $0xFFFFF800  }
0x18: {  	[tilespmem:s6], [sflag:$0x1] =	stream.indirect.gather [hbm4b:s4+s5], $0x80, s2, s5, $0xb8;
	[tilespmem:$0x8800] =	vst v63  }
0x19: {  	s7 =	simm.s32 $0x4800;
	s8 =	simm.s32 $0x1  }
0x1a: {  	[tilespmem:s7], [sflag:$0x2] =	stream.indirect.gather [hbm4b:s4+s5], $0x80, s5, s5, $0xb8;
	[tilespmem:$0x8800] =	vst v63  }
0x1b: {  	_ =	swait.ge [sflag:s8], $0x4000  }
0x1c: {  	[sflag:s8] =	ssyncset.done $0x0  }
0x1d: {  	s9 =	simm.s32 $0x2;
	s10 =	rddreg [dreg:$0x4];
	[sflag:s8] =	ssyncadd.s32 $0xFFFFC000  }
0x1e: {  	[hbm4b:s10+s2] =	stream.linear.scatter [tilespmem:s6], [sflag:$0x3], $0x4000, $0x38;
	[tilespmem:$0x8800] =	vst v63  }
0x1f: {  	_ =	swait.ge [sflag:s9], $0x4000  }
0x20: {  	[sflag:s9] =	ssyncset.done $0x0  }
0x21: {  	s10 =	simm.s32 $0x3;
	s11 =	rddreg [dreg:$0x5];
	[sflag:s9] =	ssyncadd.s32 $0xFFFFC000  }
0x22: {  	[hbm4b:s11+s2] =	stream.linear.scatter [tilespmem:s7], [sflag:$0x4], $0x4000, $0x38;
	[tilespmem:$0x8800] =	vst v63  }
0x23: {  	_ =	swait.ge [sflag:s10], $0x4000  }
0x24: {  	[sflag:s10] =	ssyncset.done $0x0  }
0x25: {  	s12 =	simm.s32 $0x100;
	s11 =	simm.s32 $0x4;
	[sflag:s10] =	ssyncadd.s32 $0xFFFFC000  }
0x26: {  	[tilespmem:s6], [sflag:$0x1] =	stream.indirect.gather [hbm4b:s4+s5], $0x80, s12, s5, $0xb8;
	[tilespmem:$0x8800] =	vst v63  }
0x27: {  	_ =	swait.ge [sflag:s11], $0x4000  }
0x28: {  	[sflag:s11] =	ssyncset.done $0x0  }
0x29: {  	s13 =	simm.s32 $0x180;
	[sflag:s11] =	ssyncadd.s32 $0xFFFFC000  }
0x2a: {  	[tilespmem:s7], [sflag:$0x2] =	stream.indirect.gather [hbm4b:s4+s5], $0x80, s13, s5, $0xb8;
	[tilespmem:$0x8800] =	vst v63  }
0x2b: {  	_ =	swait.ge [sflag:s8], $0x4000  }
0x2c: {  	[sflag:s8] =	ssyncset.done $0x0  }
0x2d: {  	s14 =	rddreg [dreg:$0x6];
	[sflag:s8] =	ssyncadd.s32 $0xFFFFC000  }
0x2e: {  	[hbm4b:s14+s2] =	stream.linear.scatter [tilespmem:s6], [sflag:$0x3], $0x4000, $0x38;
	[tilespmem:$0x8800] =	vst v63  }
0x2f: {  	_ =	swait.ge [sflag:s9], $0x4000  }
0x30: {  	[sflag:s9] =	ssyncset.done $0x0  }
0x31: {  	s23 =	rddreg [dreg:$0x7];
	[sflag:s9] =	ssyncadd.s32 $0xFFFFC000  }
0x32: {  	[hbm4b:s23+s2] =	stream.linear.scatter [tilespmem:s7], [sflag:$0x4], $0x4000, $0x38;
	[tilespmem:$0x8800] =	vst v63  }
0x33: {  	_ =	swait.ge [sflag:s10], $0x4000  }
0x34: {  	[sflag:s10] =	ssyncset.done $0x0  }
0x35: {  	s14 =	simm.s32 $0x200;
	[sflag:s10] =	ssyncadd.s32 $0xFFFFC000  }
0x36: {  	[tilespmem:s6], [sflag:$0x1] =	stream.indirect.gather [hbm4b:s4+s5], $0x80, s14, s5, $0xb8;
	[tilespmem:$0x8800] =	vst v63  }
0x37: {  	_ =	swait.ge [sflag:s11], $0x4000  }
0x38: {  	[sflag:s11] =	ssyncset.done $0x0  }
0x39: {  	s15 =	simm.s32 $0x280;
	[sflag:s11] =	ssyncadd.s32 $0xFFFFC000  }
0x3a: {  	[tilespmem:s7], [sflag:$0x2] =	stream.indirect.gather [hbm4b:s4+s5], $0x80, s15, s5, $0xb8;
	[tilespmem:$0x8800] =	vst v63  }
0x3b: {  	_ =	swait.ge [sflag:s8], $0x4000  }
0x3c: {  	[sflag:s8] =	ssyncset.done $0x0  }
0x3d: {  	s16 =	rddreg [dreg:$0x8];
	[sflag:s8] =	ssyncadd.s32 $0xFFFFC000  }
0x3e: {  	[hbm4b:s16+s2] =	stream.linear.scatter [tilespmem:s6], [sflag:$0x3], $0x4000, $0x38;
	[tilespmem:$0x8800] =	vst v63  }
0x3f: {  	_ =	swait.ge [sflag:s9], $0x4000  }
0x40: {  	[sflag:s9] =	ssyncset.done $0x0  }
0x41: {  	s24 =	rddreg [dreg:$0x9];
	[sflag:s9] =	ssyncadd.s32 $0xFFFFC000  }
0x42: {  	[hbm4b:s24+s2] =	stream.linear.scatter [tilespmem:s7], [sflag:$0x4], $0x4000, $0x38;
	[tilespmem:$0x8800] =	vst v63  }
0x43: {  	_ =	swait.ge [sflag:s10], $0x4000  }
0x44: {  	[sflag:s10] =	ssyncset.done $0x0  }
0x45: {  	s16 =	simm.s32 $0x300;
	[sflag:s10] =	ssyncadd.s32 $0xFFFFC000  }
0x46: {  	[tilespmem:s6], [sflag:$0x1] =	stream.indirect.gather [hbm4b:s4+s5], $0x80, s16, s5, $0xb8;
	[tilespmem:$0x8800] =	vst v63  }
0x47: {  	_ =	swait.ge [sflag:s11], $0x4000  }
0x48: {  	[sflag:s11] =	ssyncset.done $0x0  }
0x49: {  	s17 =	simm.s32 $0x380;
	[sflag:s11] =	ssyncadd.s32 $0xFFFFC000  }
0x4a: {  	[tilespmem:s7], [sflag:$0x2] =	stream.indirect.gather [hbm4b:s4+s5], $0x80, s17, s5, $0xb8;
	[tilespmem:$0x8800] =	vst v63  }
0x4b: {  	_ =	swait.ge [sflag:s8], $0x4000  }
0x4c: {  	[sflag:s8] =	ssyncset.done $0x0  }
0x4d: {  	s18 =	rddreg [dreg:$0xa];
	[sflag:s8] =	ssyncadd.s32 $0xFFFFC000  }
0x4e: {  	[hbm4b:s18+s2] =	stream.linear.scatter [tilespmem:s6], [sflag:$0x3], $0x4000, $0x38;
	[tilespmem:$0x8800] =	vst v63  }
0x4f: {  	_ =	swait.ge [sflag:s9], $0x4000  }
0x50: {  	[sflag:s9] =	ssyncset.done $0x0  }
0x51: {  	s25 =	rddreg [dreg:$0xb];
	[sflag:s9] =	ssyncadd.s32 $0xFFFFC000  }
0x52: {  	[hbm4b:s25+s2] =	stream.linear.scatter [tilespmem:s7], [sflag:$0x4], $0x4000, $0x38;
	[tilespmem:$0x8800] =	vst v63  }
0x53: {  	_ =	swait.ge [sflag:s10], $0x4000  }
0x54: {  	[sflag:s10] =	ssyncset.done $0x0  }
0x55: {  	s18 =	simm.s32 $0x400;
	[sflag:s10] =	ssyncadd.s32 $0xFFFFC000  }
0x56: {  	[tilespmem:s6], [sflag:$0x1] =	stream.indirect.gather [hbm4b:s4+s5], $0x80, s18, s5, $0xb8;
	[tilespmem:$0x8800] =	vst v63  }
0x57: {  	_ =	swait.ge [sflag:s11], $0x4000  }
0x58: {  	[sflag:s11] =	ssyncset.done $0x0  }
0x59: {  	s19 =	simm.s32 $0x480;
	[sflag:s11] =	ssyncadd.s32 $0xFFFFC000  }
0x5a: {  	[tilespmem:s7], [sflag:$0x2] =	stream.indirect.gather [hbm4b:s4+s5], $0x80, s19, s5, $0xb8;
	[tilespmem:$0x8800] =	vst v63  }
0x5b: {  	_ =	swait.ge [sflag:s8], $0x4000  }
0x5c: {  	[sflag:s8] =	ssyncset.done $0x0  }
0x5d: {  	s20 =	rddreg [dreg:$0xc];
	[sflag:s8] =	ssyncadd.s32 $0xFFFFC000  }
0x5e: {  	[hbm4b:s20+s2] =	stream.linear.scatter [tilespmem:s6], [sflag:$0x3], $0x4000, $0x38;
	[tilespmem:$0x8800] =	vst v63  }
0x5f: {  	_ =	swait.ge [sflag:s9], $0x4000  }
0x60: {  	[sflag:s9] =	ssyncset.done $0x0  }
0x61: {  	s26 =	rddreg [dreg:$0xd];
	[sflag:s9] =	ssyncadd.s32 $0xFFFFC000  }
0x62: {  	[hbm4b:s26+s2] =	stream.linear.scatter [tilespmem:s7], [sflag:$0x4], $0x4000, $0x38;
	[tilespmem:$0x8800] =	vst v63  }
0x63: {  	_ =	swait.ge [sflag:s10], $0x4000  }
0x64: {  	[sflag:s10] =	ssyncset.done $0x0  }
0x65: {  	s20 =	simm.s32 $0x500;
	[sflag:s10] =	ssyncadd.s32 $0xFFFFC000  }
0x66: {  	[tilespmem:s6], [sflag:$0x1] =	stream.indirect.gather [hbm4b:s4+s5], $0x80, s20, s5, $0xb8;
	[tilespmem:$0x8800] =	vst v63  }
0x67: {  	_ =	swait.ge [sflag:s11], $0x4000  }
0x68: {  	[sflag:s11] =	ssyncset.done $0x0  }
0x69: {  	s21 =	simm.s32 $0x580;
	[sflag:s11] =	ssyncadd.s32 $0xFFFFC000  }
0x6a: {  	[tilespmem:s7], [sflag:$0x2] =	stream.indirect.gather [hbm4b:s4+s5], $0x80, s21, s5, $0xb8;
	[tilespmem:$0x8800] =	vst v63  }
0x6b: {  	_ =	swait.ge [sflag:s8], $0x4000  }
0x6c: {  	[sflag:s8] =	ssyncset.done $0x0  }
0x6d: {  	s22 =	rddreg [dreg:$0xe];
	[sflag:s8] =	ssyncadd.s32 $0xFFFFC000  }
0x6e: {  	[hbm4b:s22+s2] =	stream.linear.scatter [tilespmem:s6], [sflag:$0x3], $0x4000, $0x38;
	[tilespmem:$0x8800] =	vst v63  }
0x6f: {  	_ =	swait.ge [sflag:s9], $0x4000  }
0x70: {  	[sflag:s9] =	ssyncset.done $0x0  }
0x71: {  	s22 =	sadd.s32 $0x18E00, s31;
	[sflag:s9] =	ssyncadd.s32 $0xFFFFC000  }
0x72: {  	[hbm4b:s22+s2] =	stream.linear.scatter [tilespmem:s7], [sflag:$0x4], $0x4000, $0x38;
	[tilespmem:$0x8800] =	vst v63  }
0x73: {  	_ =	swait.ge [sflag:s10], $0x4000  }
0x74: {  	[sflag:s10] =	ssyncset.done $0x0  }
0x75: {  	s23 =	simm.s32 $0x600;
	[sflag:s10] =	ssyncadd.s32 $0xFFFFC000  }
0x76: {  	[tilespmem:s6], [sflag:$0x1] =	stream.indirect.gather [hbm4b:s4+s5], $0x80, s23, s5, $0xb8;
	[tilespmem:$0x8800] =	vst v63  }
0x77: {  	_ =	swait.ge [sflag:s11], $0x4000  }
0x78: {  	[sflag:s11] =	ssyncset.done $0x0  }
0x79: {  	s24 =	simm.s32 $0x680;
	[sflag:s11] =	ssyncadd.s32 $0xFFFFC000  }
0x7a: {  	[tilespmem:s7], [sflag:$0x2] =	stream.indirect.gather [hbm4b:s4+s5], $0x80, s24, s5, $0xb8;
	[tilespmem:$0x8800] =	vst v63  }
0x7b: {  	_ =	swait.ge [sflag:s8], $0x4000  }
0x7c: {  	[sflag:s8] =	ssyncset.done $0x0  }
0x7d: {  	s25 =	sadd.s32 $0x19600, s31;
	[sflag:s8] =	ssyncadd.s32 $0xFFFFC000  }
0x7e: {  	[hbm4b:s25+s2] =	stream.linear.scatter [tilespmem:s6], [sflag:$0x3], $0x4000, $0x38;
	[tilespmem:$0x8800] =	vst v63  }
0x7f: {  	_ =	swait.ge [sflag:s9], $0x4000  }
0x80: {  	[sflag:s9] =	ssyncset.done $0x0  }
0x81: {  	s26 =	sadd.s32 $0x19E00, s31;
	[sflag:s9] =	ssyncadd.s32 $0xFFFFC000  }
0x82: {  	[hbm4b:s26+s2] =	stream.linear.scatter [tilespmem:s7], [sflag:$0x4], $0x4000, $0x38;
	[tilespmem:$0x8800] =	vst v63  }
0x83: {  	_ =	swait.ge [sflag:s10], $0x4000  }
0x84: {  	[sflag:s10] =	ssyncset.done $0x0  }
0x85: {  	s28 =	simm.s32 $0x700;
	[sflag:s10] =	ssyncadd.s32 $0xFFFFC000  }
0x86: {  	[tilespmem:s6], [sflag:$0x1] =	stream.indirect.gather [hbm4b:s4+s5], $0x80, s28, s5, $0xb8;
	[tilespmem:$0x8800] =	vst v63  }
0x87: {  	_ =	swait.ge [sflag:s11], $0x4000  }
0x88: {  	[sflag:s11] =	ssyncset.done $0x0  }
0x89: {  	s29 =	simm.s32 $0x780;
	[sflag:s11] =	ssyncadd.s32 $0xFFFFC000  }
0x8a: {  	[tilespmem:s7], [sflag:$0x2] =	stream.indirect.gather [hbm4b:s4+s5], $0x80, s29, s5, $0xb8;
	[tilespmem:$0x8800] =	vst v63  }
0x8b: {  	_ =	swait.ge [sflag:s8], $0x4000  }
0x8c: {  	s1 =	ssub.s32 $0x2, s1;
	[sflag:s8] =	ssyncset.done $0x0  }
0x8d: {  	s0 =	sshrl.u32 s1, $0x1;
	s30 =	sadd.s32 $0x1A600, s31;
	[sflag:s8] =	ssyncadd.s32 $0xFFFFC000  }
0x8e: {  	[hbm4b:s30+s2] =	stream.linear.scatter [tilespmem:s6], [sflag:$0x3], $0x4000, $0x38;
	[tilespmem:$0x8800] =	vst v63  }
0x8f: {  	s0 =	ssub.s32 s1, s0;
	_ =	swait.ge [sflag:s9], $0x4000  }
0x90: {  	s0 =	smax.u32 s0, $0x1;
	[sflag:s9] =	ssyncset.done $0x0  }
0x91: {  	p0 =	sne.s32 s0, $0x1;
	s31 =	sadd.s32 $0x1AE00, s31;
	[sflag:s9] =	ssyncadd.s32 $0xFFFFC000  }
0x92: {  	[hbm4b:s31+s2] =	stream.linear.scatter [tilespmem:s7], [sflag:$0x4], $0x4000, $0x38;
	[tilespmem:$0x8800] =	vst v63  }
.Ltmp0:
0x93: {  	_ =	swait.ge [sflag:s10], $0x4000;
	(pc) =	sbr.rel @!p0 .LBB2_2-.Ltmp0, $4  }
0x94: {  	[sflag:s10] =	ssyncset.done $0x0  }
0x95: {  	[sflag:s10] =	ssyncadd.s32 $0xFFFFC000  }
0x96: {  	_ =	swait.ge [sflag:s11], $0x4000  }
0x97: {  	s1 =	sadd.s32 $0xFFFFFFFF, s0;
	[sflag:s11] =	ssyncset.done $0x0  }
.LBB2_1:
0x98: {  	s0 =	rddreg [dreg:$0x3];
	[sflag:s11] =	ssyncadd.s32 $0xFFFFC000  }
0x99: {  	[tilespmem:s2], [sflag:$0x5] =	stream.linear.gather [hbm4b:s0+s2], $0x800, $0x38;
	[tilespmem:$0x8800] =	vst v63  }
0x9a: {  	_ =	swait.ge [sflag:s3], $0x800  }
0x9b: {  	[sflag:s3] =	ssyncset.done $0x0  }
0x9c: {  	[sflag:s3] =	ssyncadd.s32 $0xFFFFF800  }
0x9d: {  	[tilespmem:s6], [sflag:$0x1] =	stream.indirect.gather [hbm4b:s4+s5], $0x80, s2, s5, $0xb8;
	[tilespmem:$0x8800] =	vst v63  }
0x9e: {  	_ = 	snop  }
0x9f: {  	[tilespmem:s7], [sflag:$0x2] =	stream.indirect.gather [hbm4b:s4+s5], $0x80, s5, s5, $0xb8;
	[tilespmem:$0x8800] =	vst v63  }
0xa0: {  	_ =	swait.ge [sflag:s8], $0x4000  }
0xa1: {  	[sflag:s8] =	ssyncset.done $0x0  }
0xa2: {  	s0 =	rddreg [dreg:$0x4];
	[sflag:s8] =	ssyncadd.s32 $0xFFFFC000  }
0xa3: {  	[hbm4b:s0+s2] =	stream.linear.scatter [tilespmem:s6], [sflag:$0x3], $0x4000, $0x38;
	[tilespmem:$0x8800] =	vst v63  }
0xa4: {  	_ =	swait.ge [sflag:s9], $0x4000  }
0xa5: {  	[sflag:s9] =	ssyncset.done $0x0  }
0xa6: {  	s0 =	rddreg [dreg:$0x5];
	[sflag:s9] =	ssyncadd.s32 $0xFFFFC000  }
0xa7: {  	[hbm4b:s0+s2] =	stream.linear.scatter [tilespmem:s7], [sflag:$0x4], $0x4000, $0x38;
	[tilespmem:$0x8800] =	vst v63  }
0xa8: {  	_ =	swait.ge [sflag:s10], $0x4000  }
0xa9: {  	[sflag:s10] =	ssyncset.done $0x0  }
0xaa: {  	[sflag:s10] =	ssyncadd.s32 $0xFFFFC000  }
0xab: {  	[tilespmem:s6], [sflag:$0x1] =	stream.indirect.gather [hbm4b:s4+s5], $0x80, s12, s5, $0xb8;
	[tilespmem:$0x8800] =	vst v63  }
0xac: {  	_ =	swait.ge [sflag:s11], $0x4000  }
0xad: {  	[sflag:s11] =	ssyncset.done $0x0  }
0xae: {  	[sflag:s11] =	ssyncadd.s32 $0xFFFFC000  }
0xaf: {  	[tilespmem:s7], [sflag:$0x2] =	stream.indirect.gather [hbm4b:s4+s5], $0x80, s13, s5, $0xb8;
	[tilespmem:$0x8800] =	vst v63  }
0xb0: {  	_ =	swait.ge [sflag:s8], $0x4000  }
0xb1: {  	[sflag:s8] =	ssyncset.done $0x0  }
0xb2: {  	s0 =	rddreg [dreg:$0x6];
	[sflag:s8] =	ssyncadd.s32 $0xFFFFC000  }
0xb3: {  	[hbm4b:s0+s2] =	stream.linear.scatter [tilespmem:s6], [sflag:$0x3], $0x4000, $0x38;
	[tilespmem:$0x8800] =	vst v63  }
0xb4: {  	_ =	swait.ge [sflag:s9], $0x4000  }
0xb5: {  	[sflag:s9] =	ssyncset.done $0x0  }
0xb6: {  	s0 =	rddreg [dreg:$0x7];
	[sflag:s9] =	ssyncadd.s32 $0xFFFFC000  }
0xb7: {  	[hbm4b:s0+s2] =	stream.linear.scatter [tilespmem:s7], [sflag:$0x4], $0x4000, $0x38;
	[tilespmem:$0x8800] =	vst v63  }
0xb8: {  	_ =	swait.ge [sflag:s10], $0x4000  }
0xb9: {  	[sflag:s10] =	ssyncset.done $0x0  }
0xba: {  	[sflag:s10] =	ssyncadd.s32 $0xFFFFC000  }
0xbb: {  	[tilespmem:s6], [sflag:$0x1] =	stream.indirect.gather [hbm4b:s4+s5], $0x80, s14, s5, $0xb8;
	[tilespmem:$0x8800] =	vst v63  }
0xbc: {  	_ =	swait.ge [sflag:s11], $0x4000  }
0xbd: {  	[sflag:s11] =	ssyncset.done $0x0  }
0xbe: {  	[sflag:s11] =	ssyncadd.s32 $0xFFFFC000  }
0xbf: {  	[tilespmem:s7], [sflag:$0x2] =	stream.indirect.gather [hbm4b:s4+s5], $0x80, s15, s5, $0xb8;
	[tilespmem:$0x8800] =	vst v63  }
0xc0: {  	_ =	swait.ge [sflag:s8], $0x4000  }
0xc1: {  	[sflag:s8] =	ssyncset.done $0x0  }
0xc2: {  	s0 =	rddreg [dreg:$0x8];
	[sflag:s8] =	ssyncadd.s32 $0xFFFFC000  }
0xc3: {  	[hbm4b:s0+s2] =	stream.linear.scatter [tilespmem:s6], [sflag:$0x3], $0x4000, $0x38;
	[tilespmem:$0x8800] =	vst v63  }
0xc4: {  	_ =	swait.ge [sflag:s9], $0x4000  }
0xc5: {  	[sflag:s9] =	ssyncset.done $0x0  }
0xc6: {  	s0 =	rddreg [dreg:$0x9];
	[sflag:s9] =	ssyncadd.s32 $0xFFFFC000  }
0xc7: {  	[hbm4b:s0+s2] =	stream.linear.scatter [tilespmem:s7], [sflag:$0x4], $0x4000, $0x38;
	[tilespmem:$0x8800] =	vst v63  }
0xc8: {  	_ =	swait.ge [sflag:s10], $0x4000  }
0xc9: {  	[sflag:s10] =	ssyncset.done $0x0  }
0xca: {  	[sflag:s10] =	ssyncadd.s32 $0xFFFFC000  }
0xcb: {  	[tilespmem:s6], [sflag:$0x1] =	stream.indirect.gather [hbm4b:s4+s5], $0x80, s16, s5, $0xb8;
	[tilespmem:$0x8800] =	vst v63  }
0xcc: {  	_ =	swait.ge [sflag:s11], $0x4000  }
0xcd: {  	[sflag:s11] =	ssyncset.done $0x0  }
0xce: {  	[sflag:s11] =	ssyncadd.s32 $0xFFFFC000  }
0xcf: {  	[tilespmem:s7], [sflag:$0x2] =	stream.indirect.gather [hbm4b:s4+s5], $0x80, s17, s5, $0xb8;
	[tilespmem:$0x8800] =	vst v63  }
0xd0: {  	_ =	swait.ge [sflag:s8], $0x4000  }
0xd1: {  	[sflag:s8] =	ssyncset.done $0x0  }
0xd2: {  	s0 =	rddreg [dreg:$0xa];
	[sflag:s8] =	ssyncadd.s32 $0xFFFFC000  }
0xd3: {  	[hbm4b:s0+s2] =	stream.linear.scatter [tilespmem:s6], [sflag:$0x3], $0x4000, $0x38;
	[tilespmem:$0x8800] =	vst v63  }
0xd4: {  	_ =	swait.ge [sflag:s9], $0x4000  }
0xd5: {  	[sflag:s9] =	ssyncset.done $0x0  }
0xd6: {  	s0 =	rddreg [dreg:$0xb];
	[sflag:s9] =	ssyncadd.s32 $0xFFFFC000  }
0xd7: {  	[hbm4b:s0+s2] =	stream.linear.scatter [tilespmem:s7], [sflag:$0x4], $0x4000, $0x38;
	[tilespmem:$0x8800] =	vst v63  }
0xd8: {  	_ =	swait.ge [sflag:s10], $0x4000  }
0xd9: {  	[sflag:s10] =	ssyncset.done $0x0  }
0xda: {  	[sflag:s10] =	ssyncadd.s32 $0xFFFFC000  }
0xdb: {  	[tilespmem:s6], [sflag:$0x1] =	stream.indirect.gather [hbm4b:s4+s5], $0x80, s18, s5, $0xb8;
	[tilespmem:$0x8800] =	vst v63  }
0xdc: {  	_ =	swait.ge [sflag:s11], $0x4000  }
0xdd: {  	[sflag:s11] =	ssyncset.done $0x0  }
0xde: {  	[sflag:s11] =	ssyncadd.s32 $0xFFFFC000  }
0xdf: {  	[tilespmem:s7], [sflag:$0x2] =	stream.indirect.gather [hbm4b:s4+s5], $0x80, s19, s5, $0xb8;
	[tilespmem:$0x8800] =	vst v63  }
0xe0: {  	_ =	swait.ge [sflag:s8], $0x4000  }
0xe1: {  	[sflag:s8] =	ssyncset.done $0x0  }
0xe2: {  	s0 =	rddreg [dreg:$0xc];
	[sflag:s8] =	ssyncadd.s32 $0xFFFFC000  }
0xe3: {  	[hbm4b:s0+s2] =	stream.linear.scatter [tilespmem:s6], [sflag:$0x3], $0x4000, $0x38;
	[tilespmem:$0x8800] =	vst v63  }
0xe4: {  	_ =	swait.ge [sflag:s9], $0x4000  }
0xe5: {  	[sflag:s9] =	ssyncset.done $0x0  }
0xe6: {  	s0 =	rddreg [dreg:$0xd];
	[sflag:s9] =	ssyncadd.s32 $0xFFFFC000  }
0xe7: {  	[hbm4b:s0+s2] =	stream.linear.scatter [tilespmem:s7], [sflag:$0x4], $0x4000, $0x38;
	[tilespmem:$0x8800] =	vst v63  }
0xe8: {  	_ =	swait.ge [sflag:s10], $0x4000  }
0xe9: {  	[sflag:s10] =	ssyncset.done $0x0  }
0xea: {  	[sflag:s10] =	ssyncadd.s32 $0xFFFFC000  }
0xeb: {  	[tilespmem:s6], [sflag:$0x1] =	stream.indirect.gather [hbm4b:s4+s5], $0x80, s20, s5, $0xb8;
	[tilespmem:$0x8800] =	vst v63  }
0xec: {  	_ =	swait.ge [sflag:s11], $0x4000  }
0xed: {  	[sflag:s11] =	ssyncset.done $0x0  }
0xee: {  	[sflag:s11] =	ssyncadd.s32 $0xFFFFC000  }
0xef: {  	[tilespmem:s7], [sflag:$0x2] =	stream.indirect.gather [hbm4b:s4+s5], $0x80, s21, s5, $0xb8;
	[tilespmem:$0x8800] =	vst v63  }
0xf0: {  	_ =	swait.ge [sflag:s8], $0x4000  }
0xf1: {  	[sflag:s8] =	ssyncset.done $0x0  }
0xf2: {  	s0 =	rddreg [dreg:$0xe];
	[sflag:s8] =	ssyncadd.s32 $0xFFFFC000  }
0xf3: {  	[hbm4b:s0+s2] =	stream.linear.scatter [tilespmem:s6], [sflag:$0x3], $0x4000, $0x38;
	[tilespmem:$0x8800] =	vst v63  }
0xf4: {  	_ =	swait.ge [sflag:s9], $0x4000  }
0xf5: {  	[sflag:s9] =	ssyncset.done $0x0  }
0xf6: {  	[sflag:s9] =	ssyncadd.s32 $0xFFFFC000  }
0xf7: {  	[hbm4b:s22+s2] =	stream.linear.scatter [tilespmem:s7], [sflag:$0x4], $0x4000, $0x38;
	[tilespmem:$0x8800] =	vst v63  }
0xf8: {  	_ =	swait.ge [sflag:s10], $0x4000  }
0xf9: {  	[sflag:s10] =	ssyncset.done $0x0  }
0xfa: {  	[sflag:s10] =	ssyncadd.s32 $0xFFFFC000  }
0xfb: {  	[tilespmem:s6], [sflag:$0x1] =	stream.indirect.gather [hbm4b:s4+s5], $0x80, s23, s5, $0xb8;
	[tilespmem:$0x8800] =	vst v63  }
0xfc: {  	_ =	swait.ge [sflag:s11], $0x4000  }
0xfd: {  	[sflag:s11] =	ssyncset.done $0x0  }
0xfe: {  	[sflag:s11] =	ssyncadd.s32 $0xFFFFC000  }
0xff: {  	[tilespmem:s7], [sflag:$0x2] =	stream.indirect.gather [hbm4b:s4+s5], $0x80, s24, s5, $0xb8;
	[tilespmem:$0x8800] =	vst v63  }
0x100: {  	_ =	swait.ge [sflag:s8], $0x4000  }
0x101: {  	[sflag:s8] =	ssyncset.done $0x0  }
0x102: {  	[sflag:s8] =	ssyncadd.s32 $0xFFFFC000  }
0x103: {  	[hbm4b:s25+s2] =	stream.linear.scatter [tilespmem:s6], [sflag:$0x3], $0x4000, $0x38;
	[tilespmem:$0x8800] =	vst v63  }
0x104: {  	_ =	swait.ge [sflag:s9], $0x4000  }
0x105: {  	[sflag:s9] =	ssyncset.done $0x0  }
0x106: {  	[sflag:s9] =	ssyncadd.s32 $0xFFFFC000  }
0x107: {  	[hbm4b:s26+s2] =	stream.linear.scatter [tilespmem:s7], [sflag:$0x4], $0x4000, $0x38;
	[tilespmem:$0x8800] =	vst v63  }
0x108: {  	_ =	swait.ge [sflag:s10], $0x4000  }
0x109: {  	[sflag:s10] =	ssyncset.done $0x0  }
0x10a: {  	[sflag:s10] =	ssyncadd.s32 $0xFFFFC000  }
0x10b: {  	[tilespmem:s6], [sflag:$0x1] =	stream.indirect.gather [hbm4b:s4+s5], $0x80, s28, s5, $0xb8;
	[tilespmem:$0x8800] =	vst v63  }
0x10c: {  	_ =	swait.ge [sflag:s11], $0x4000  }
0x10d: {  	[sflag:s11] =	ssyncset.done $0x0  }
0x10e: {  	[sflag:s11] =	ssyncadd.s32 $0xFFFFC000  }
0x10f: {  	[tilespmem:s7], [sflag:$0x2] =	stream.indirect.gather [hbm4b:s4+s5], $0x80, s29, s5, $0xb8;
	[tilespmem:$0x8800] =	vst v63  }
0x110: {  	_ =	swait.ge [sflag:s8], $0x4000  }
0x111: {  	[sflag:s8] =	ssyncset.done $0x0  }
0x112: {  	[sflag:s8] =	ssyncadd.s32 $0xFFFFC000  }
0x113: {  	[hbm4b:s30+s2] =	stream.linear.scatter [tilespmem:s6], [sflag:$0x3], $0x4000, $0x38;
	[tilespmem:$0x8800] =	vst v63  }
0x114: {  	_ =	swait.ge [sflag:s9], $0x4000  }
0x115: {  	[sflag:s9] =	ssyncset.done $0x0  }
0x116: {  	p0 =	sne.s32 s1, $0x1;
	[sflag:s9] =	ssyncadd.s32 $0xFFFFC000  }
0x117: {  	[hbm4b:s31+s2] =	stream.linear.scatter [tilespmem:s7], [sflag:$0x4], $0x4000, $0x38;
	[tilespmem:$0x8800] =	vst v63  }
.Ltmp1:
0x118: {  	_ =	swait.ge [sflag:s10], $0x4000;
	(pc) =	sbr.rel @p0 .LBB2_1-.Ltmp1, $4  }
0x119: {  	[sflag:s10] =	ssyncset.done $0x0  }
0x11a: {  	[sflag:s10] =	ssyncadd.s32 $0xFFFFC000  }
0x11b: {  	_ =	swait.ge [sflag:s11], $0x4000  }
0x11c: {  	s1 =	sadd.s32 $0xFFFFFFFF, s1;
	[sflag:s11] =	ssyncset.done $0x0  }
.LBB2_2:
0x11d: {  	[sflag:s11] =	ssyncadd.s32 $0xFFFFC000  }
0x11e: {  	_ =	sfence.sel $0x180000  }
0x11f: {  	[bflag:$0x0] =	sbarrier.arrive $0xFFFF  }
0x120: {  	_ =	strace $0x90000047  }
0x121: {  	s0 =	stileid.u32;
	[bflag:$0x2] =	sbarrier.arrive $0xFFFF  }
0x122: {  	p0 =	sne.s32 s0, $0x0;
	s0 =	rddreg [dreg:$0x2]  }
0x123: {  	s0 =	sadd.s32 @!p0 $0x100000, s0  }
0x124: {  	[sflag:s0] =	ssyncadd.tile.s32 @!p0 $0x1;
	_ =	shalt  }
.Lfunc_end2:
_tile_overlayer_lowered:
.L_overlay_start_2:
0x125: {  	(tag) =	ssettag $0x2  }
0x126: {  	s0 =	rddreg [dreg:$0x0];
	s2 =	stileid.u32  }
0x127: {  	s1 =	rddreg [dreg:$0x1];
	p0 =	sne.s32 s2, $0x0  }
0x128: {  	s3 =	rddreg [dreg:$0x2];
	[bflag:$0x3] =	sbarrier.arrive $0xFFFF;
	s2 =	simm.s32 @!p0 $0x1C05  }
0x129: {  	[timem:s3], [sflag:s2] =	dma.local @!p0 [hbm:s0], s1  }
0x12a: {  	s0 =	simm.s32 @!p0 $0x5  }
0x12b: {  	_ =	swait.ge @!p0 [sflag:s0], s1  }
0x12c: {  	s1 =	ssub.s32 @!p0 $0x0, s1;
	[sflag:s0] =	ssyncset.done @!p0 $0x0  }
0x12d: {  	[sflag:s0] =	ssyncadd.s32 @!p0 s1  }
0x12e: {  	[bflag:$0x3] =	sbarrier.arrive $0xFFFF  }
0x12f: {  	_ =	shalt  }

// kernel: kernel.14.cloned.1.call-start
scs
__scs_entry_jumppad:
0x0: {  	(pc) =	sbr.rel $0x88, $3  }
0x1: {  	(tag) =	ssettag $0x0;
	lr =	simm.s32 $0x1  }
0x2: {  	[smem:$0x3F93] =	sst lr;
	_ =	strace $0xD0000000  }
0x3: {  	_ = 	snop  }
0x4: {  	_ = 	snop  }
0x5: {  	_ = 	snop  }
0x6: {  	_ = 	snop  }
0x7: {  	_ = 	snop  }
__scs_overlays_trampoline_lowered:
0x8: {  	[smem:$0x3FA2] =	sst s0  }
0x9: {  	[smem:$0x3FA3] =	sst s1  }
0xa: {  	[smem:$0x3FA4] =	sst s2  }
0xb: {  	[smem:$0x3FA5] =	sst s3  }
0xc: {  	[smem:$0x3FA6] =	sst s4  }
0xd: {  	[smem:$0x3FA7] =	sst s5  }
0xe: {  	[smem:$0x3FA8] =	sst s6  }
0xf: {  	[smem:$0x3FA9] =	sst s7  }
0x10: {  	[smem:$0x3FAA] =	sst s8  }
0x11: {  	[smem:$0x3FAB] =	sst s9;
	s0 =	simm.s32 @!p0 $0x0  }
0x12: {  	s1 =	sld [smem:$0x3F91];
	s0 =	simm.s32 @p0 $0x1  }
0x13: {  	[smem:$0x3FAC] =	sst s0;
	s0 =	simm.s32 @!p1 $0x0  }
0x14: {  	s2 =	sld [smem:$0x3F90];
	s0 =	simm.s32 @p1 $0x1  }
0x15: {  	[smem:$0x3FAD] =	sst s0;
	s0 =	simm.s32 @!p2 $0x0  }
0x16: {  	s3 =	sld [smem:$0x3FDB];
	s0 =	simm.s32 @p2 $0x1  }
0x17: {  	s4 =	simm.s32 $0x1BF5;
	[smem:$0x3FAF] =	sst s0  }
0x18: {  	s0 =	sld [smem:$0x3F92];
	_ =	swait.ge [sflag:s4], $0x0  }
0x19: {  	s7 =	sld [smem:$0x3F93]  }
0x1a: {  	s8 =	sadd.s32 $0xFFFFE003, lr  }
0x1b: {  	s9 =	sadd.s32 $0xFFFFFEF7, lr;
	s5 =	simm.s32 $0xFFFFFFFF;
	p2 =	slt.u32 s8, $0xFFFFF086  }
0x1c: {  	p1 =	slt.u32 s9, $0xF7A;
	s5 =	simm.s32 @!p2 $0x0  }
0x1d: {  	s5 =	simm.s32 @p1 $0x1;
	p0 =	seq.s32 s7, s2  }
0x1e: {  	s7 =	smul.u32 @!p0 $0xF7A, s2;
	p2 =	seq.s32 @!p0 s5, $0x0  }
0x1f: {  	s9 =	smul.u32 $0xF7A, s1;
	s8 =	simm.s32 @!p0 $0x1BF5;
	p2 =	por !p2, p0  }
0x20: {  	[sflag:s8] =	ssyncset.s32 @!p0 $0xFFFFF086;
	s6 =	sadd.s32 @!p0 s3, s7;
	s7 =	simm.s32 @!p0 $0x108  }
0x21: {  	s3 =	sadd.s32 s3, s9;
	s6 =	sadd.s32 @!p0 $0x88, s6;
	s7 =	simm.s32 @p2 $0x1082  }
0x22: {  	[simem:s7], [sflag:s8] =	dma.local @!p0 [hbm:s6], $0xF7A  }
0x23: {  	s9 =	sor.u32 $0xD0000000, s2;
	s6 =	simm.s32 $0x108;
	_ =	swait.ge @!p0 [sflag:s8], $0x0  }
0x24: {  	s3 =	sadd.s32 $0x88, s3;
	s6 =	simm.s32 @!p1 $0x1082;
	[sflag:s4] =	ssyncset.s32 $0xFFFFF086  }
0x25: {  	[simem:s6], [sflag:s4] =	dma.local [hbm:s3], $0xF7A  }
0x26: {  	[smem:$0x3F93] =	sst s1;
	(tag) =	ssettag s2;
	_ =	strace s9  }
0x27: {  	s1 =	sld [smem:$0x3FA3]  }
0x28: {  	s2 =	sld [smem:$0x3FA4]  }
0x29: {  	s4 =	sld [smem:$0x3FA6]  }
0x2a: {  	p0 =	seq.s32 s5, $0x0;
	s5 =	sld [smem:$0x3FA7]  }
0x2b: {  	s6 =	sld [smem:$0x3FA8]  }
0x2c: {  	s7 =	sld [smem:$0x3FA9]  }
0x2d: {  	s3 =	simm.s32 $0x108;
	s8 =	sld [smem:$0x3FAA]  }
0x2e: {  	s3 =	simm.s32 @!p0 $0x1082;
	s9 =	sld [smem:$0x3FAB]  }
0x2f: {  	lr =	sadd.s32 s0, s3;
	s0 =	sld [smem:$0x3FA2]  }
0x30: {  	s3 =	sld [smem:$0x3FA5]  }
0x31: {  	[smem:$0x3FAE] =	sst s10  }
0x32: {  	s10 =	sld [smem:$0x3FAC];
	_ =	sdelay $0x3  }
0x33: {  	p0 =	seq.s32 s10, $0x1;
	s10 =	sld [smem:$0x3FAE];
	_ =	sdelay $0x3  }
0x34: {  	[smem:$0x3FAE] =	sst s10  }
0x35: {  	s10 =	sld [smem:$0x3FAD];
	_ =	sdelay $0x3  }
0x36: {  	p1 =	seq.s32 s10, $0x1;
	s10 =	sld [smem:$0x3FAE];
	_ =	sdelay $0x3  }
0x37: {  	[smem:$0x3FAE] =	sst s10  }
0x38: {  	s10 =	sld [smem:$0x3FAF]  }
0x39: {  	_ = 	snop;
	(pc) =	sbr.ind lr, $3  }
0x3a: {  	_ = 	snop  }
0x3b: {  	_ = 	snop  }
0x3c: {  	p2 =	seq.s32 s10, $0x1;
	s10 =	sld [smem:$0x3FAE]  }
0x3d: {  	_ =	shalt  }
0x3e: {  	_ =	shalt  }
0x3f: {  	_ =	shalt  }
0x40: {  	_ =	shalt  }
0x41: {  	_ =	shalt  }
0x42: {  	_ =	shalt  }
0x43: {  	_ =	shalt  }
0x44: {  	_ =	shalt  }
0x45: {  	_ =	shalt  }
0x46: {  	_ =	shalt  }
0x47: {  	_ =	shalt  }
0x48: {  	_ =	shalt  }
0x49: {  	_ =	shalt  }
0x4a: {  	_ =	shalt  }
0x4b: {  	_ =	shalt  }
0x4c: {  	_ =	shalt  }
0x4d: {  	_ =	shalt  }
0x4e: {  	_ =	shalt  }
0x4f: {  	_ =	shalt  }
0x50: {  	_ =	shalt  }
0x51: {  	_ =	shalt  }
0x52: {  	_ =	shalt  }
0x53: {  	_ =	shalt  }
0x54: {  	_ =	shalt  }
0x55: {  	_ =	shalt  }
0x56: {  	_ =	shalt  }
0x57: {  	_ =	shalt  }
0x58: {  	_ =	shalt  }
0x59: {  	_ =	shalt  }
0x5a: {  	_ =	shalt  }
0x5b: {  	_ =	shalt  }
0x5c: {  	_ =	shalt  }
0x5d: {  	_ =	shalt  }
0x5e: {  	_ =	shalt  }
0x5f: {  	_ =	shalt  }
0x60: {  	_ =	shalt  }
0x61: {  	_ =	shalt  }
0x62: {  	_ =	shalt  }
0x63: {  	_ =	shalt  }
0x64: {  	_ =	shalt  }
0x65: {  	_ =	shalt  }
0x66: {  	_ =	shalt  }
0x67: {  	_ =	shalt  }
0x68: {  	_ =	shalt  }
0x69: {  	_ =	shalt  }
0x6a: {  	_ =	shalt  }
0x6b: {  	_ =	shalt  }
0x6c: {  	_ =	shalt  }
0x6d: {  	_ =	shalt  }
0x6e: {  	_ =	shalt  }
0x6f: {  	_ =	shalt  }
0x70: {  	_ =	shalt  }
0x71: {  	_ =	shalt  }
0x72: {  	_ =	shalt  }
0x73: {  	_ =	shalt  }
0x74: {  	_ =	shalt  }
0x75: {  	_ =	shalt  }
0x76: {  	_ =	shalt  }
0x77: {  	_ =	shalt  }
0x78: {  	_ =	shalt  }
0x79: {  	_ =	shalt  }
0x7a: {  	_ =	shalt  }
0x7b: {  	_ =	shalt  }
0x7c: {  	_ =	shalt  }
0x7d: {  	_ =	shalt  }
0x7e: {  	_ =	shalt  }
0x7f: {  	_ =	shalt  }
0x80: {  	_ =	shalt  }
0x81: {  	_ =	shalt  }
0x82: {  	_ =	shalt  }
0x83: {  	_ =	shalt  }
0x84: {  	_ =	shalt  }
0x85: {  	_ =	shalt  }
0x86: {  	_ =	shalt  }
0x87: {  	_ =	shalt  }
.Lfunc_end0:
.L_simem_size_0:
called_computation.1_lowered:
.L_overlay_start_0:
0x88: {  	s2 =	sld [smem:$0x3FD9]  }
0x89: {  	s3 =	sld [smem:$0x3FFE];
	_ =	sdelay $0x1  }
0x8a: {  	s1 =	srdreg.scid  }
0x8b: {  	s0 =	sand.u32 $0x1, s1  }
0x8c: {  	s14 =	sshll.u32 s0, $0xA;
	s2 =	sadd.s32 s3, s2  }
0x8d: {  	s2 =	sadd.s32 s2, s14  }
0x8e: {  	[smem:$0x3FBA] =	sst s2  }
0x8f: {  	_ = 	snop  }
0x90: {  	s2 =	sld [smem:$0x3FD0];
	_ =	sdelay $0x2  }
0x91: {  	s15 =	simm.s32 $0xA;
	s4 =	simm.s32 $0x10  }
0x92: {  	[smem:s4], [sflag:s15] =	dma.local [hbm:s2], $0x1  }
0x93: {  	_ =	swait.eq [sflag:s15], $0x1  }
0x94: {  	[sflag:s15] =	ssyncset.done $0x0  }
0x95: {  	[sflag:s15] =	ssyncadd.s32 $0xFFFFFFFF  }
0x96: {  	s16 =	sld [smem:$0x10];
	(tm) =	ssettm $0x1  }
0x97: {  	s17 =	sld [smem:$0x3FFB];
	_ =	sdelay $0x3  }
0x98: {  	_ =	strace s17  }
0x99: {  	s3 =	sld [smem:$0x3FFC];
	_ =	sdelay $0x3  }
0x9a: {  	_ =	strace s3  }
0x9b: {  	s3 =	sld [smem:$0x3FFD];
	_ =	sdelay $0x3  }
0x9c: {  	_ =	strace s3  }
0x9d: {  	_ =	strace $0x8FFFFFFF  }
0x9e: {  	s18 =	sld [smem:$0x3FDB];
	_ =	sdelay $0x1  }
0x9f: {  	s19 =	simm.s32 $_scs_section_size  }
0xa0: {  	s5 =	simm.s32 $_size__tile_overlayer_lowered;
	s6 =	simm.s32 $_tile_overlayer_lowered  }
0xa1: {  	s22 =	simm.s32 $0x1BFF;
	s21 =	sshll.u32 s6, $0x1;
	s3 =	sadd.s32 s19, s18  }
0xa2: {  	s7 =	simm.s32 $0x0;
	s20 =	sshll.u32 s5, $0x1;
	s5 =	sadd.s32 s21, s3  }
0xa3: {  	[timem:s7], [sflag:s22] =	dma.local [hbm:s5], s20  }
0xa4: {  	_ =	swait.ge [sflag:s22], s20  }
0xa5: {  	s4 =	ssub.s32 $0x0, s20;
	[sflag:s22] =	ssyncset.done $0x0  }
0xa6: {  	[sflag:s22] =	ssyncadd.s32 s4;
	_ =	sdelay $0x1  }
0xa7: {  	s23 =	simm.s32 $0x1B8B  }
0xa8: {  	_ =	swait.ge [sflag:s23], $0x1  }
0xa9: {  	[sflag:s23] =	ssyncset.done $0x0  }
0xaa: {  	s25 =	simm.s32 $0x1B8E;
	s24 =	sld [smem:$0x3FFE];
	[sflag:s23] =	ssyncadd.s32 $0xFFFFFFFF  }
0xab: {  	s26 =	simm.s32 $execute0_lowered;
	[smem:$0x3FD2] =	sst s25  }
0xac: {  	s5 =	sshll.u32 s26, $0x1;
	_ =	strace $0x80000049;
	[dreg:$0x1] =	wrdreg $0xFFFFFFFF  }
0xad: {  	s28 =	simm.s32 $_size_execute0_lowered;
	s3 =	sadd.s32 s3, s5;
	[dreg:$0x0] =	wrdreg $0x0  }
0xae: {  	s5 =	sshll.u32 s28, $0x1;
	[dreg:$0x2] =	wrdreg s3  }
0xaf: {  	[dreg:$0x3] =	wrdreg s5  }
0xb0: {  	[dreg:$0x4] =	wrdreg $0xC0  }
0xb1: {  	_ =	task [dreg:s7], $0x5FFFF  }
0xb2: {  	[dreg:$0x1] =	wrdreg $0xFFFFFFFF  }
0xb3: {  	[dreg:$0x0] =	wrdreg $0x60  }
0xb4: {  	[dreg:$0x2] =	wrdreg s24  }
0xb5: {  	[dreg:$0x3] =	wrdreg s16  }
0xb6: {  	[dreg:$0x4] =	wrdreg $0x9  }
0xb7: {  	_ =	task.clear_ibuf [dreg:s7], $0x5FFFF;
	_ =	strace $0x90000049  }
0xb8: {  	s29 =	simm.s32 $0x9;
	_ =	strace $0x8000004B  }
0xb9: {  	_ =	swait.ge [sflag:s29], $0x1  }
0xba: {  	[sflag:s29] =	ssyncadd.s32 $0xFFFFFFFF  }
0xbb: {  	_ =	strace $0x9000004B  }
0xbc: {  	_ =	sfence  }
0xbd: {  	s30 =	sld [smem:$0x0];
	_ =	sdelay $0x2  }
0xbe: {  	s31 =	sshll.u32 s1, $0xD;
	s1 =	sshrl.u32 s1, $0x2  }
0xbf: {  	s3 =	sand.u32 $0x4000, s31;
	s1 =	sadd.s32 s1, s30  }
0xc0: {  	s0 =	sor.u32 s3, s0;
	s1 =	sshll.u32 s1, $0x11  }
0xc1: {  	s0 =	sor.u32 s1, s0  }
0xc2: {  	s0 =	sadd.s32 $0x8F2B, s0  }
0xc3: {  	[sflag:s0] =	ssyncadd.remote.s32 $0x1  }
0xc4: {  	_ =	sfence.sel $0xFFFF  }
0xc5: {  	[dreg:$0x0] =	wrdreg $0xFFFFFFFF;
	(pc) =	sbr.abs _section_cstart, $3  }
0xc6: {  	[dreg:$0x1] =	wrdreg $0xFFFFFFFF  }
0xc7: {  	_ =	task.clear_ibuf [dreg:s7], $0x2FFFF;
	_ =	strace $0x9FFFFFFF  }
0xc8: {  	(tm) =	ssettm $0x7FFFFFFF  }
0xc9: {  	_ =	shalt  }
tec
execute0_lowered:
.L_overlay_start_1:
0x0: {  	(tag) =	ssettag $0x1  }
0x1: {  	s0 =	rddreg [dreg:$0x0]  }
0x2: {  	s1 =	rddreg [dreg:$0x1];
	s2 =	simm.s32 $0x0;
	s7 =	stileid.u32  }
0x3: {  	s4 =	srdreg.scid;
	s20 =	simm.s32 $0x6800;
	s21 =	simm.s32 $0x7000  }
0x4: {  	s22 =	simm.s32 $0x7800;
	s23 =	simm.s32 $0x8000;
	s28 =	simm.s32 $0xA000  }
0x5: {  	s29 =	simm.s32 $0xA800;
	s30 =	simm.s32 $0xB000;
	s31 =	simm.s32 $0xB800  }
0x6: {  	s9 =	simm.s32 $0xE800;
	s10 =	simm.s32 $0xF000;
	s11 =	simm.s32 $0xF800  }
0x7: {  	s12 =	simm.s32 $0x10000;
	s13 =	simm.s32 $0x1;
	s14 =	simm.s32 $0x2  }
0x8: {  	s15 =	simm.s32 $0x3;
	s16 =	simm.s32 $0x4;
	s18 =	simm.s32 $0x0  }
0x9: {  	[smem:$0x7FF] =	sst s2;
	s3 =	sadd.s32 $0x3600, s0;
	s5 =	sshll.u32 s7, $0x11  }
0xa: {  	s4 =	sand.u32 $0x1, s4;
	s7 =	sshll.u32 s7, $0xC;
	_ =	strace $0x8000004A  }
0xb: {  	s6 =	ssub.s32 $0x2, s4;
	s8 =	sshll.u32 s4, $0xB;
	s0 =	sadd.s32 s5, s0  }
0xc: {  	s4 =	sshll.u32 s4, $0x10;
	s24 =	sshrl.u32 s6, $0x1;
	s7 =	sor.u32 s8, s7  }
0xd: {  	s0 =	sadd.s32 s4, s0;
	s8 =	simm.s32 $0x800;
	s4 =	simm.s32 $0xD000  }
.Ltmp0:
0xe: {  	s5 =	ssub.s32 s6, s24;
	s25 =	sshrl.u32 s7, $0x3;
	(pc) =	sbr.rel .LBB2_1-.Ltmp0, $4  }
0xf: {  	s6 =	sadd.s32 $0x23600, s0;
	s24 =	simm.s32 $0x8800;
	s0 =	simm.s32 $0xC000  }
0x10: {  	v2 =	vlaneseq.u32;
	s7 =	simm.s32 $0xE000;
	s1 =	sadd.s32 s1, s25;
	s26 =	smax.u32 s5, $0x1  }
0x11: {  	vm0 =	vmmov $0xffff;
	v1 =	vshrl.u32 v2, $0x3;
	s25 =	simm.s32 $0x9000;
	s5 =	simm.s32 $0xD800;
	[dreg:$0x3] =	wrdreg s1  }
0x12: {  	v0 =	vand.u32 $0x7, v2;
	v2 =	vor.u32 $0x8, v2;
	v1 =	vmul.u32 $0x8, v1;
	[dreg:$0x4] =	wrdreg s26;
	s26 =	simm.s32 $0x9800;
	s1 =	simm.s32 $0xC800  }
.LBB2_4:
0x13: {  	_ =	swait.ge [sflag:s16], $0x8000  }
0x14: {  	s18 =	rddreg [dreg:$0x5]  }
0x15: {  	s17 =	rddreg [dreg:$0x4];
	s18 =	sadd.s32 $0x1, s18  }
0x16: {  	p0 =	sne.s32 s18, s17  }
.Ltmp1:
0x17: {  	_ = 	snop;
	(pc) =	sbr.rel @!p0 .LBB2_5-.Ltmp1, $3  }
0x18: {  	_ =	sdelay $0x1  }
0x19: {  	[sflag:s16] =	ssyncset.done $0x0  }
0x1a: {  	[sflag:s16] =	ssyncadd.s32 $0xFFFF8000  }
.LBB2_1:
0x1b: {  	[dreg:$0x5] =	wrdreg s18  }
0x1c: {  	s17 =	rddreg [dreg:$0x3];
	s18 =	simm.s32 $0x5  }
0x1d: {  	[tilespmem:s2], [sflag:$0x5] =	stream.linear.gather [hbm4b:s17+s2], $0x800, $0x38;
	[tilespmem:$0x10800] =	vst v63  }
0x1e: {  	_ =	swait.ge [sflag:s18], $0x800  }
0x1f: {  	[sflag:s18] =	ssyncset.done $0x0  }
0x20: {  	[sflag:s18] =	ssyncadd.s32 $0xFFFFF800  }
0x21: {  	v3 =	vld [tilespmem:$0x0];
	_ =	sdelay $0x4  }
0x22: {  	v4 =	vshll.u32 v3, $0x1  }
0x23: {  	v3 =	vand.u32 $0x7, v3;
	v4 =	vand.u32 $0xFFFFFFF0, v4  }
0x24: {  	v3 =	vor.u32 v3, v4  }
0x25: {  	v4 =	vperm.xlane v3, v0;
	_ =	sdelay $0x1  }
0x26: {  	v3 =	vperm.xlane v3, v2;
	v4 =	vadd.s32 v1, v4;
	_ =	sdelay $0x1  }
0x27: {  	v3 =	vadd.s32 v1, v3;
	_ =	sdelay $0x2  }
0x28: {  	[tilespmem:s8], [sflag:$0x1] =	stream.indirect_vreg.gather [hbm4b:s3+s2], $0x80, v4, vm0, $0xb8;
	[tilespmem:$0x10800] =	vst v63  }
0x29: {  	s19 =	simm.s32 $0x1000  }
0x2a: {  	[tilespmem:s19], [sflag:$0x1] =	stream.indirect_vreg.gather [hbm4b:s3+s2], $0x80, v3, vm0, $0xb8;
	[tilespmem:$0x10800] =	vst v63  }
0x2b: {  	v3 =	vld [tilespmem:$0x10];
	_ =	sdelay $0x4  }
0x2c: {  	v49 =	vshll.u32 v3, $0x1  }
0x2d: {  	v3 =	vand.u32 $0x7, v3;
	v4 =	vand.u32 $0xFFFFFFF0, v49  }
0x2e: {  	v3 =	vor.u32 v3, v4  }
0x2f: {  	v4 =	vperm.xlane v3, v0;
	_ =	sdelay $0x1  }
0x30: {  	v3 =	vperm.xlane v3, v2;
	v4 =	vadd.s32 v1, v4;
	_ =	sdelay $0x1  }
0x31: {  	v3 =	vadd.s32 v1, v3;
	_ =	sdelay $0x1  }
0x32: {  	s18 =	simm.s32 $0x1800  }
0x33: {  	[tilespmem:s18], [sflag:$0x1] =	stream.indirect_vreg.gather [hbm4b:s3+s2], $0x80, v4, vm0, $0xb8;
	[tilespmem:$0x10800] =	vst v63  }
0x34: {  	s19 =	simm.s32 $0x2000  }
0x35: {  	[tilespmem:s19], [sflag:$0x1] =	stream.indirect_vreg.gather [hbm4b:s3+s2], $0x80, v3, vm0, $0xb8;
	[tilespmem:$0x10800] =	vst v63  }
0x36: {  	v3 =	vld [tilespmem:$0x20];
	_ =	sdelay $0x4  }
0x37: {  	v50 =	vshll.u32 v3, $0x1  }
0x38: {  	v3 =	vand.u32 $0x7, v3;
	v4 =	vand.u32 $0xFFFFFFF0, v50  }
0x39: {  	v3 =	vor.u32 v3, v4  }
0x3a: {  	v4 =	vperm.xlane v3, v0;
	_ =	sdelay $0x1  }
0x3b: {  	v3 =	vperm.xlane v3, v2;
	v4 =	vadd.s32 v1, v4;
	_ =	sdelay $0x1  }
0x3c: {  	v3 =	vadd.s32 v1, v3;
	_ =	sdelay $0x1  }
0x3d: {  	s18 =	simm.s32 $0x2800  }
0x3e: {  	[tilespmem:s18], [sflag:$0x1] =	stream.indirect_vreg.gather [hbm4b:s3+s2], $0x80, v4, vm0, $0xb8;
	[tilespmem:$0x10800] =	vst v63  }
0x3f: {  	s19 =	simm.s32 $0x3000  }
0x40: {  	[tilespmem:s19], [sflag:$0x1] =	stream.indirect_vreg.gather [hbm4b:s3+s2], $0x80, v3, vm0, $0xb8;
	[tilespmem:$0x10800] =	vst v63  }
0x41: {  	v3 =	vld [tilespmem:$0x30];
	_ =	sdelay $0x4  }
0x42: {  	v51 =	vshll.u32 v3, $0x1  }
0x43: {  	v3 =	vand.u32 $0x7, v3;
	v4 =	vand.u32 $0xFFFFFFF0, v51  }
0x44: {  	v3 =	vor.u32 v3, v4  }
0x45: {  	v4 =	vperm.xlane v3, v0;
	_ =	sdelay $0x1  }
0x46: {  	v3 =	vperm.xlane v3, v2;
	v4 =	vadd.s32 v1, v4;
	_ =	sdelay $0x1  }
0x47: {  	v3 =	vadd.s32 v1, v3;
	_ =	sdelay $0x1  }
0x48: {  	s18 =	simm.s32 $0x3800  }
0x49: {  	[tilespmem:s18], [sflag:$0x1] =	stream.indirect_vreg.gather [hbm4b:s3+s2], $0x80, v4, vm0, $0xb8;
	[tilespmem:$0x10800] =	vst v63  }
0x4a: {  	s19 =	simm.s32 $0x4000  }
0x4b: {  	[tilespmem:s19], [sflag:$0x1] =	stream.indirect_vreg.gather [hbm4b:s3+s2], $0x80, v3, vm0, $0xb8;
	[tilespmem:$0x10800] =	vst v63  }
0x4c: {  	v3 =	vld [tilespmem:$0x40];
	_ =	sdelay $0x4  }
0x4d: {  	v52 =	vshll.u32 v3, $0x1  }
0x4e: {  	v3 =	vand.u32 $0x7, v3;
	v4 =	vand.u32 $0xFFFFFFF0, v52  }
0x4f: {  	v3 =	vor.u32 v3, v4  }
0x50: {  	v4 =	vperm.xlane v3, v0;
	_ =	sdelay $0x1  }
0x51: {  	v3 =	vperm.xlane v3, v2;
	v4 =	vadd.s32 v1, v4;
	_ =	sdelay $0x1  }
0x52: {  	v3 =	vadd.s32 v1, v3;
	_ =	sdelay $0x1  }
0x53: {  	s18 =	simm.s32 $0x4800  }
0x54: {  	[tilespmem:s18], [sflag:$0x1] =	stream.indirect_vreg.gather [hbm4b:s3+s2], $0x80, v4, vm0, $0xb8;
	[tilespmem:$0x10800] =	vst v63  }
0x55: {  	s19 =	simm.s32 $0x5000  }
0x56: {  	[tilespmem:s19], [sflag:$0x1] =	stream.indirect_vreg.gather [hbm4b:s3+s2], $0x80, v3, vm0, $0xb8;
	[tilespmem:$0x10800] =	vst v63  }
0x57: {  	v3 =	vld [tilespmem:$0x50];
	_ =	sdelay $0x4  }
0x58: {  	v53 =	vshll.u32 v3, $0x1  }
0x59: {  	v3 =	vand.u32 $0x7, v3;
	v4 =	vand.u32 $0xFFFFFFF0, v53  }
0x5a: {  	v3 =	vor.u32 v3, v4  }
0x5b: {  	v4 =	vperm.xlane v3, v0;
	_ =	sdelay $0x1  }
0x5c: {  	v3 =	vperm.xlane v3, v2;
	v4 =	vadd.s32 v1, v4;
	_ =	sdelay $0x1  }
0x5d: {  	v3 =	vadd.s32 v1, v3;
	_ =	sdelay $0x1  }
0x5e: {  	s18 =	simm.s32 $0x5800  }
0x5f: {  	[tilespmem:s18], [sflag:$0x1] =	stream.indirect_vreg.gather [hbm4b:s3+s2], $0x80, v4, vm0, $0xb8;
	[tilespmem:$0x10800] =	vst v63  }
0x60: {  	s19 =	simm.s32 $0x6000  }
0x61: {  	[tilespmem:s19], [sflag:$0x1] =	stream.indirect_vreg.gather [hbm4b:s3+s2], $0x80, v3, vm0, $0xb8;
	[tilespmem:$0x10800] =	vst v63  }
0x62: {  	v3 =	vld [tilespmem:$0x60];
	_ =	sdelay $0x4  }
0x63: {  	v54 =	vshll.u32 v3, $0x1  }
0x64: {  	v3 =	vand.u32 $0x7, v3;
	v4 =	vand.u32 $0xFFFFFFF0, v54  }
0x65: {  	v3 =	vor.u32 v3, v4  }
0x66: {  	v4 =	vperm.xlane v3, v0;
	_ =	sdelay $0x1  }
0x67: {  	v3 =	vperm.xlane v3, v2;
	v4 =	vadd.s32 v1, v4;
	_ =	sdelay $0x1  }
0x68: {  	v3 =	vadd.s32 v1, v3;
	_ =	sdelay $0x2  }
0x69: {  	[tilespmem:s20], [sflag:$0x1] =	stream.indirect_vreg.gather [hbm4b:s3+s2], $0x80, v4, vm0, $0xb8;
	[tilespmem:$0x10800] =	vst v63  }
0x6a: {  	_ = 	snop  }
0x6b: {  	[tilespmem:s21], [sflag:$0x1] =	stream.indirect_vreg.gather [hbm4b:s3+s2], $0x80, v3, vm0, $0xb8;
	[tilespmem:$0x10800] =	vst v63  }
0x6c: {  	v3 =	vld [tilespmem:$0x70];
	_ =	sdelay $0x4  }
0x6d: {  	v55 =	vshll.u32 v3, $0x1  }
0x6e: {  	v3 =	vand.u32 $0x7, v3;
	v4 =	vand.u32 $0xFFFFFFF0, v55  }
0x6f: {  	v3 =	vor.u32 v3, v4  }
0x70: {  	v4 =	vperm.xlane v3, v0;
	_ =	sdelay $0x1  }
0x71: {  	v3 =	vperm.xlane v3, v2;
	v4 =	vadd.s32 v1, v4;
	_ =	sdelay $0x1  }
0x72: {  	v3 =	vadd.s32 v1, v3;
	_ =	sdelay $0x2  }
0x73: {  	[tilespmem:s22], [sflag:$0x1] =	stream.indirect_vreg.gather [hbm4b:s3+s2], $0x80, v4, vm0, $0xb8;
	[tilespmem:$0x10800] =	vst v63  }
0x74: {  	_ = 	snop  }
0x75: {  	[tilespmem:s23], [sflag:$0x1] =	stream.indirect_vreg.gather [hbm4b:s3+s2], $0x80, v3, vm0, $0xb8;
	[tilespmem:$0x10800] =	vst v63  }
0x76: {  	v3 =	vld [tilespmem:$0x80];
	_ =	sdelay $0x4  }
0x77: {  	v56 =	vshll.u32 v3, $0x1  }
0x78: {  	v3 =	vand.u32 $0x7, v3;
	v4 =	vand.u32 $0xFFFFFFF0, v56  }
0x79: {  	v3 =	vor.u32 v3, v4  }
0x7a: {  	v4 =	vperm.xlane v3, v0;
	_ =	sdelay $0x1  }
0x7b: {  	v3 =	vperm.xlane v3, v2;
	v4 =	vadd.s32 v1, v4;
	_ =	sdelay $0x1  }
0x7c: {  	v3 =	vadd.s32 v1, v3;
	_ =	sdelay $0x2  }
0x7d: {  	[tilespmem:s24], [sflag:$0x2] =	stream.indirect_vreg.gather [hbm4b:s3+s2], $0x80, v4, vm0, $0xb8;
	[tilespmem:$0x10800] =	vst v63  }
0x7e: {  	_ = 	snop  }
0x7f: {  	[tilespmem:s25], [sflag:$0x2] =	stream.indirect_vreg.gather [hbm4b:s3+s2], $0x80, v3, vm0, $0xb8;
	[tilespmem:$0x10800] =	vst v63  }
0x80: {  	v3 =	vld [tilespmem:$0x90];
	_ =	sdelay $0x4  }
0x81: {  	v57 =	vshll.u32 v3, $0x1  }
0x82: {  	v3 =	vand.u32 $0x7, v3;
	v4 =	vand.u32 $0xFFFFFFF0, v57  }
0x83: {  	v3 =	vor.u32 v3, v4  }
0x84: {  	v4 =	vperm.xlane v3, v0;
	_ =	sdelay $0x1  }
0x85: {  	v3 =	vperm.xlane v3, v2;
	v4 =	vadd.s32 v1, v4;
	_ =	sdelay $0x1  }
0x86: {  	v3 =	vadd.s32 v1, v3;
	_ =	sdelay $0x2  }
0x87: {  	[tilespmem:s26], [sflag:$0x2] =	stream.indirect_vreg.gather [hbm4b:s3+s2], $0x80, v4, vm0, $0xb8;
	[tilespmem:$0x10800] =	vst v63  }
0x88: {  	_ = 	snop  }
0x89: {  	[tilespmem:s28], [sflag:$0x2] =	stream.indirect_vreg.gather [hbm4b:s3+s2], $0x80, v3, vm0, $0xb8;
	[tilespmem:$0x10800] =	vst v63  }
0x8a: {  	v3 =	vld [tilespmem:$0xA0];
	_ =	sdelay $0x4  }
0x8b: {  	v58 =	vshll.u32 v3, $0x1  }
0x8c: {  	v3 =	vand.u32 $0x7, v3;
	v4 =	vand.u32 $0xFFFFFFF0, v58  }
0x8d: {  	v3 =	vor.u32 v3, v4  }
0x8e: {  	v4 =	vperm.xlane v3, v0;
	_ =	sdelay $0x1  }
0x8f: {  	v3 =	vperm.xlane v3, v2;
	v4 =	vadd.s32 v1, v4;
	_ =	sdelay $0x1  }
0x90: {  	v3 =	vadd.s32 v1, v3;
	_ =	sdelay $0x2  }
0x91: {  	[tilespmem:s29], [sflag:$0x2] =	stream.indirect_vreg.gather [hbm4b:s3+s2], $0x80, v4, vm0, $0xb8;
	[tilespmem:$0x10800] =	vst v63  }
0x92: {  	_ = 	snop  }
0x93: {  	[tilespmem:s30], [sflag:$0x2] =	stream.indirect_vreg.gather [hbm4b:s3+s2], $0x80, v3, vm0, $0xb8;
	[tilespmem:$0x10800] =	vst v63  }
0x94: {  	v3 =	vld [tilespmem:$0xB0];
	_ =	sdelay $0x4  }
0x95: {  	v59 =	vshll.u32 v3, $0x1  }
0x96: {  	v3 =	vand.u32 $0x7, v3;
	v4 =	vand.u32 $0xFFFFFFF0, v59  }
0x97: {  	v3 =	vor.u32 v3, v4  }
0x98: {  	v4 =	vperm.xlane v3, v0;
	_ =	sdelay $0x1  }
0x99: {  	v3 =	vperm.xlane v3, v2;
	v4 =	vadd.s32 v1, v4;
	_ =	sdelay $0x1  }
0x9a: {  	v3 =	vadd.s32 v1, v3;
	_ =	sdelay $0x2  }
0x9b: {  	[tilespmem:s31], [sflag:$0x2] =	stream.indirect_vreg.gather [hbm4b:s3+s2], $0x80, v4, vm0, $0xb8;
	[tilespmem:$0x10800] =	vst v63  }
0x9c: {  	_ = 	snop  }
0x9d: {  	[tilespmem:s0], [sflag:$0x2] =	stream.indirect_vreg.gather [hbm4b:s3+s2], $0x80, v3, vm0, $0xb8;
	[tilespmem:$0x10800] =	vst v63  }
0x9e: {  	v3 =	vld [tilespmem:$0xC0];
	_ =	sdelay $0x4  }
0x9f: {  	v60 =	vshll.u32 v3, $0x1  }
0xa0: {  	v3 =	vand.u32 $0x7, v3;
	v4 =	vand.u32 $0xFFFFFFF0, v60  }
0xa1: {  	v3 =	vor.u32 v3, v4  }
0xa2: {  	v4 =	vperm.xlane v3, v0;
	_ =	sdelay $0x1  }
0xa3: {  	v3 =	vperm.xlane v3, v2;
	v4 =	vadd.s32 v1, v4;
	_ =	sdelay $0x1  }
0xa4: {  	v3 =	vadd.s32 v1, v3;
	_ =	sdelay $0x2  }
0xa5: {  	[tilespmem:s1], [sflag:$0x2] =	stream.indirect_vreg.gather [hbm4b:s3+s2], $0x80, v4, vm0, $0xb8;
	[tilespmem:$0x10800] =	vst v63  }
0xa6: {  	_ = 	snop  }
0xa7: {  	[tilespmem:s4], [sflag:$0x2] =	stream.indirect_vreg.gather [hbm4b:s3+s2], $0x80, v3, vm0, $0xb8;
	[tilespmem:$0x10800] =	vst v63  }
0xa8: {  	v3 =	vld [tilespmem:$0xD0];
	_ =	sdelay $0x4  }
0xa9: {  	v61 =	vshll.u32 v3, $0x1  }
0xaa: {  	v3 =	vand.u32 $0x7, v3;
	v4 =	vand.u32 $0xFFFFFFF0, v61  }
0xab: {  	v3 =	vor.u32 v3, v4  }
0xac: {  	v4 =	vperm.xlane v3, v0;
	_ =	sdelay $0x1  }
0xad: {  	v3 =	vperm.xlane v3, v2;
	v4 =	vadd.s32 v1, v4;
	_ =	sdelay $0x1  }
0xae: {  	v3 =	vadd.s32 v1, v3;
	_ =	sdelay $0x2  }
0xaf: {  	[tilespmem:s5], [sflag:$0x2] =	stream.indirect_vreg.gather [hbm4b:s3+s2], $0x80, v4, vm0, $0xb8;
	[tilespmem:$0x10800] =	vst v63  }
0xb0: {  	_ = 	snop  }
0xb1: {  	[tilespmem:s7], [sflag:$0x2] =	stream.indirect_vreg.gather [hbm4b:s3+s2], $0x80, v3, vm0, $0xb8;
	[tilespmem:$0x10800] =	vst v63  }
0xb2: {  	v3 =	vld [tilespmem:$0xE0];
	_ =	sdelay $0x4  }
0xb3: {  	v62 =	vshll.u32 v3, $0x1  }
0xb4: {  	v3 =	vand.u32 $0x7, v3;
	v4 =	vand.u32 $0xFFFFFFF0, v62  }
0xb5: {  	v3 =	vor.u32 v3, v4  }
0xb6: {  	v4 =	vperm.xlane v3, v0;
	_ =	sdelay $0x1  }
0xb7: {  	v3 =	vperm.xlane v3, v2;
	v4 =	vadd.s32 v1, v4;
	_ =	sdelay $0x1  }
0xb8: {  	v3 =	vadd.s32 v1, v3;
	_ =	sdelay $0x2  }
0xb9: {  	[tilespmem:s9], [sflag:$0x2] =	stream.indirect_vreg.gather [hbm4b:s3+s2], $0x80, v4, vm0, $0xb8;
	[tilespmem:$0x10800] =	vst v63  }
0xba: {  	_ = 	snop  }
0xbb: {  	[tilespmem:s10], [sflag:$0x2] =	stream.indirect_vreg.gather [hbm4b:s3+s2], $0x80, v3, vm0, $0xb8;
	[tilespmem:$0x10800] =	vst v63  }
0xbc: {  	v3 =	vld [tilespmem:$0xF0];
	_ =	sdelay $0x4  }
0xbd: {  	v63 =	vshll.u32 v3, $0x1  }
0xbe: {  	v3 =	vand.u32 $0x7, v3;
	v4 =	vand.u32 $0xFFFFFFF0, v63  }
0xbf: {  	v3 =	vor.u32 v3, v4  }
0xc0: {  	v4 =	vperm.xlane v3, v0;
	_ =	sdelay $0x1  }
0xc1: {  	v3 =	vperm.xlane v3, v2;
	v4 =	vadd.s32 v1, v4;
	_ =	sdelay $0x1  }
0xc2: {  	v3 =	vadd.s32 v1, v3;
	_ =	sdelay $0x2  }
0xc3: {  	[tilespmem:s11], [sflag:$0x2] =	stream.indirect_vreg.gather [hbm4b:s3+s2], $0x80, v4, vm0, $0xb8;
	[tilespmem:$0x10800] =	vst v63  }
0xc4: {  	s17 =	simm.s32 $0x1F0;
	s18 =	simm.s32 $0x0  }
0xc5: {  	[tilespmem:s12], [sflag:$0x2] =	stream.indirect_vreg.gather [hbm4b:s3+s2], $0x80, v3, vm0, $0xb8;
	[tilespmem:$0x10800] =	vst v63  }
.LBB2_2:
0xc6: {  	_ =	swait.ge [sflag:s13], $0x8000  }
0xc7: {  	[sflag:s13] =	ssyncset.done $0x0  }
0xc8: {  	s19 =	sadd.s32 s18, s6;
	[sflag:s13] =	ssyncadd.s32 $0xFFFF8000  }
0xc9: {  	[hbm4b:s19+s2] =	stream.linear.scatter [tilespmem:s8], [sflag:$0x3], $0x8000, $0x38;
	[tilespmem:$0x10800] =	vst v63  }
0xca: {  	_ =	swait.ge [sflag:s14], $0x8000  }
0xcb: {  	p0 =	seq.s32 s18, $0xE000;
	[sflag:s14] =	ssyncset.done $0x0  }
.Ltmp2:
0xcc: {  	s19 =	sadd.s32 $0x1000, s19;
	[sflag:s14] =	ssyncadd.s32 $0xFFFF8000;
	(pc) =	sbr.rel @p0 .LBB2_4-.Ltmp2, $4  }
0xcd: {  	[hbm4b:s19+s2] =	stream.linear.scatter [tilespmem:s24], [sflag:$0x4], $0x8000, $0x38;
	[tilespmem:$0x10800] =	vst v63  }
0xce: {  	_ =	swait.ge [sflag:s15], $0x8000  }
0xcf: {  	[sflag:s15] =	ssyncset.done $0x0  }
0xd0: {  	[sflag:s15] =	ssyncadd.s32 $0xFFFF8000  }
0xd1: {  	v3 =	vld [tilespmem:s17+$0xFFFFFF10];
	_ =	sdelay $0x4  }
0xd2: {  	v4 =	vshll.u32 v3, $0x1  }
0xd3: {  	v3 =	vand.u32 $0x7, v3;
	v4 =	vand.u32 $0xFFFFFFF0, v4  }
0xd4: {  	v3 =	vor.u32 v3, v4  }
0xd5: {  	v4 =	vperm.xlane v3, v0;
	_ =	sdelay $0x1  }
0xd6: {  	v3 =	vperm.xlane v3, v2;
	v4 =	vadd.s32 v1, v4;
	_ =	sdelay $0x1  }
0xd7: {  	v3 =	vadd.s32 v1, v3;
	_ =	sdelay $0x2  }
0xd8: {  	[tilespmem:s8], [sflag:$0x1] =	stream.indirect_vreg.gather [hbm4b:s3+s2], $0x80, v4, vm0, $0xb8;
	[tilespmem:$0x10800] =	vst v63  }
0xd9: {  	s19 =	simm.s32 $0x1000  }
0xda: {  	[tilespmem:s19], [sflag:$0x1] =	stream.indirect_vreg.gather [hbm4b:s3+s2], $0x80, v3, vm0, $0xb8;
	[tilespmem:$0x10800] =	vst v63  }
0xdb: {  	v3 =	vld [tilespmem:s17+$0xFFFFFF20];
	_ =	sdelay $0x4  }
0xdc: {  	v49 =	vshll.u32 v3, $0x1  }
0xdd: {  	v3 =	vand.u32 $0x7, v3;
	v4 =	vand.u32 $0xFFFFFFF0, v49  }
0xde: {  	v3 =	vor.u32 v3, v4  }
0xdf: {  	v4 =	vperm.xlane v3, v0;
	_ =	sdelay $0x1  }
0xe0: {  	v3 =	vperm.xlane v3, v2;
	v4 =	vadd.s32 v1, v4;
	_ =	sdelay $0x1  }
0xe1: {  	v3 =	vadd.s32 v1, v3;
	_ =	sdelay $0x1  }
0xe2: {  	s19 =	simm.s32 $0x1800  }
0xe3: {  	[tilespmem:s19], [sflag:$0x1] =	stream.indirect_vreg.gather [hbm4b:s3+s2], $0x80, v4, vm0, $0xb8;
	[tilespmem:$0x10800] =	vst v63  }
0xe4: {  	s19 =	simm.s32 $0x2000  }
0xe5: {  	[tilespmem:s19], [sflag:$0x1] =	stream.indirect_vreg.gather [hbm4b:s3+s2], $0x80, v3, vm0, $0xb8;
	[tilespmem:$0x10800] =	vst v63  }
0xe6: {  	v3 =	vld [tilespmem:s17+$0xFFFFFF30];
	_ =	sdelay $0x4  }
0xe7: {  	v50 =	vshll.u32 v3, $0x1  }
0xe8: {  	v3 =	vand.u32 $0x7, v3;
	v4 =	vand.u32 $0xFFFFFFF0, v50  }
0xe9: {  	v3 =	vor.u32 v3, v4  }
0xea: {  	v4 =	vperm.xlane v3, v0;
	_ =	sdelay $0x1  }
0xeb: {  	v3 =	vperm.xlane v3, v2;
	v4 =	vadd.s32 v1, v4;
	_ =	sdelay $0x1  }
0xec: {  	v3 =	vadd.s32 v1, v3;
	_ =	sdelay $0x1  }
0xed: {  	s19 =	simm.s32 $0x2800  }
0xee: {  	[tilespmem:s19], [sflag:$0x1] =	stream.indirect_vreg.gather [hbm4b:s3+s2], $0x80, v4, vm0, $0xb8;
	[tilespmem:$0x10800] =	vst v63  }
0xef: {  	s19 =	simm.s32 $0x3000  }
0xf0: {  	[tilespmem:s19], [sflag:$0x1] =	stream.indirect_vreg.gather [hbm4b:s3+s2], $0x80, v3, vm0, $0xb8;
	[tilespmem:$0x10800] =	vst v63  }
0xf1: {  	v3 =	vld [tilespmem:s17+$0xFFFFFF40];
	_ =	sdelay $0x4  }
0xf2: {  	v51 =	vshll.u32 v3, $0x1  }
0xf3: {  	v3 =	vand.u32 $0x7, v3;
	v4 =	vand.u32 $0xFFFFFFF0, v51  }
0xf4: {  	v3 =	vor.u32 v3, v4  }
0xf5: {  	v4 =	vperm.xlane v3, v0;
	_ =	sdelay $0x1  }
0xf6: {  	v3 =	vperm.xlane v3, v2;
	v4 =	vadd.s32 v1, v4;
	_ =	sdelay $0x1  }
0xf7: {  	v3 =	vadd.s32 v1, v3;
	_ =	sdelay $0x1  }
0xf8: {  	s19 =	simm.s32 $0x3800  }
0xf9: {  	[tilespmem:s19], [sflag:$0x1] =	stream.indirect_vreg.gather [hbm4b:s3+s2], $0x80, v4, vm0, $0xb8;
	[tilespmem:$0x10800] =	vst v63  }
0xfa: {  	s19 =	simm.s32 $0x4000  }
0xfb: {  	[tilespmem:s19], [sflag:$0x1] =	stream.indirect_vreg.gather [hbm4b:s3+s2], $0x80, v3, vm0, $0xb8;
	[tilespmem:$0x10800] =	vst v63  }
0xfc: {  	v3 =	vld [tilespmem:s17+$0xFFFFFF50];
	_ =	sdelay $0x4  }
0xfd: {  	v52 =	vshll.u32 v3, $0x1  }
0xfe: {  	v3 =	vand.u32 $0x7, v3;
	v4 =	vand.u32 $0xFFFFFFF0, v52  }
0xff: {  	v3 =	vor.u32 v3, v4  }
0x100: {  	v4 =	vperm.xlane v3, v0;
	_ =	sdelay $0x1  }
0x101: {  	v3 =	vperm.xlane v3, v2;
	v4 =	vadd.s32 v1, v4;
	_ =	sdelay $0x1  }
0x102: {  	v3 =	vadd.s32 v1, v3;
	_ =	sdelay $0x1  }
0x103: {  	s19 =	simm.s32 $0x4800  }
0x104: {  	[tilespmem:s19], [sflag:$0x1] =	stream.indirect_vreg.gather [hbm4b:s3+s2], $0x80, v4, vm0, $0xb8;
	[tilespmem:$0x10800] =	vst v63  }
0x105: {  	s19 =	simm.s32 $0x5000  }
0x106: {  	[tilespmem:s19], [sflag:$0x1] =	stream.indirect_vreg.gather [hbm4b:s3+s2], $0x80, v3, vm0, $0xb8;
	[tilespmem:$0x10800] =	vst v63  }
0x107: {  	v3 =	vld [tilespmem:s17+$0xFFFFFF60];
	_ =	sdelay $0x4  }
0x108: {  	v53 =	vshll.u32 v3, $0x1  }
0x109: {  	v3 =	vand.u32 $0x7, v3;
	v4 =	vand.u32 $0xFFFFFFF0, v53  }
0x10a: {  	v3 =	vor.u32 v3, v4  }
0x10b: {  	v4 =	vperm.xlane v3, v0;
	_ =	sdelay $0x1  }
0x10c: {  	v3 =	vperm.xlane v3, v2;
	v4 =	vadd.s32 v1, v4;
	_ =	sdelay $0x1  }
0x10d: {  	v3 =	vadd.s32 v1, v3;
	_ =	sdelay $0x1  }
0x10e: {  	s19 =	simm.s32 $0x5800  }
0x10f: {  	[tilespmem:s19], [sflag:$0x1] =	stream.indirect_vreg.gather [hbm4b:s3+s2], $0x80, v4, vm0, $0xb8;
	[tilespmem:$0x10800] =	vst v63  }
0x110: {  	s19 =	simm.s32 $0x6000  }
0x111: {  	[tilespmem:s19], [sflag:$0x1] =	stream.indirect_vreg.gather [hbm4b:s3+s2], $0x80, v3, vm0, $0xb8;
	[tilespmem:$0x10800] =	vst v63  }
0x112: {  	v3 =	vld [tilespmem:s17+$0xFFFFFF70];
	_ =	sdelay $0x4  }
0x113: {  	v54 =	vshll.u32 v3, $0x1  }
0x114: {  	v3 =	vand.u32 $0x7, v3;
	v4 =	vand.u32 $0xFFFFFFF0, v54  }
0x115: {  	v3 =	vor.u32 v3, v4  }
0x116: {  	v4 =	vperm.xlane v3, v0;
	_ =	sdelay $0x1  }
0x117: {  	v3 =	vperm.xlane v3, v2;
	v4 =	vadd.s32 v1, v4;
	_ =	sdelay $0x1  }
0x118: {  	v3 =	vadd.s32 v1, v3;
	_ =	sdelay $0x2  }
0x119: {  	[tilespmem:s20], [sflag:$0x1] =	stream.indirect_vreg.gather [hbm4b:s3+s2], $0x80, v4, vm0, $0xb8;
	[tilespmem:$0x10800] =	vst v63  }
0x11a: {  	_ = 	snop  }
0x11b: {  	[tilespmem:s21], [sflag:$0x1] =	stream.indirect_vreg.gather [hbm4b:s3+s2], $0x80, v3, vm0, $0xb8;
	[tilespmem:$0x10800] =	vst v63  }
0x11c: {  	v3 =	vld [tilespmem:s17+$0xFFFFFF80];
	_ =	sdelay $0x4  }
0x11d: {  	v55 =	vshll.u32 v3, $0x1  }
0x11e: {  	v3 =	vand.u32 $0x7, v3;
	v4 =	vand.u32 $0xFFFFFFF0, v55  }
0x11f: {  	v3 =	vor.u32 v3, v4  }
0x120: {  	v4 =	vperm.xlane v3, v0;
	_ =	sdelay $0x1  }
0x121: {  	v3 =	vperm.xlane v3, v2;
	v4 =	vadd.s32 v1, v4;
	_ =	sdelay $0x1  }
0x122: {  	v3 =	vadd.s32 v1, v3;
	_ =	sdelay $0x2  }
0x123: {  	[tilespmem:s22], [sflag:$0x1] =	stream.indirect_vreg.gather [hbm4b:s3+s2], $0x80, v4, vm0, $0xb8;
	[tilespmem:$0x10800] =	vst v63  }
0x124: {  	_ = 	snop  }
0x125: {  	[tilespmem:s23], [sflag:$0x1] =	stream.indirect_vreg.gather [hbm4b:s3+s2], $0x80, v3, vm0, $0xb8;
	[tilespmem:$0x10800] =	vst v63  }
0x126: {  	_ =	swait.ge [sflag:s16], $0x8000  }
0x127: {  	[sflag:s16] =	ssyncset.done $0x0  }
0x128: {  	[sflag:s16] =	ssyncadd.s32 $0xFFFF8000  }
0x129: {  	v3 =	vld [tilespmem:s17+$0xFFFFFF90];
	_ =	sdelay $0x4  }
0x12a: {  	v56 =	vshll.u32 v3, $0x1  }
0x12b: {  	v3 =	vand.u32 $0x7, v3;
	v4 =	vand.u32 $0xFFFFFFF0, v56  }
0x12c: {  	v3 =	vor.u32 v3, v4  }
0x12d: {  	v4 =	vperm.xlane v3, v0;
	_ =	sdelay $0x1  }
0x12e: {  	v3 =	vperm.xlane v3, v2;
	v4 =	vadd.s32 v1, v4;
	_ =	sdelay $0x1  }
0x12f: {  	v3 =	vadd.s32 v1, v3;
	_ =	sdelay $0x2  }
0x130: {  	[tilespmem:s24], [sflag:$0x2] =	stream.indirect_vreg.gather [hbm4b:s3+s2], $0x80, v4, vm0, $0xb8;
	[tilespmem:$0x10800] =	vst v63  }
0x131: {  	_ = 	snop  }
0x132: {  	[tilespmem:s25], [sflag:$0x2] =	stream.indirect_vreg.gather [hbm4b:s3+s2], $0x80, v3, vm0, $0xb8;
	[tilespmem:$0x10800] =	vst v63  }
0x133: {  	v3 =	vld [tilespmem:s17+$0xFFFFFFA0];
	_ =	sdelay $0x4  }
0x134: {  	v57 =	vshll.u32 v3, $0x1  }
0x135: {  	v3 =	vand.u32 $0x7, v3;
	v4 =	vand.u32 $0xFFFFFFF0, v57  }
0x136: {  	v3 =	vor.u32 v3, v4  }
0x137: {  	v4 =	vperm.xlane v3, v0;
	_ =	sdelay $0x1  }
0x138: {  	v3 =	vperm.xlane v3, v2;
	v4 =	vadd.s32 v1, v4;
	_ =	sdelay $0x1  }
0x139: {  	v3 =	vadd.s32 v1, v3;
	_ =	sdelay $0x2  }
0x13a: {  	[tilespmem:s26], [sflag:$0x2] =	stream.indirect_vreg.gather [hbm4b:s3+s2], $0x80, v4, vm0, $0xb8;
	[tilespmem:$0x10800] =	vst v63  }
0x13b: {  	_ = 	snop  }
0x13c: {  	[tilespmem:s28], [sflag:$0x2] =	stream.indirect_vreg.gather [hbm4b:s3+s2], $0x80, v3, vm0, $0xb8;
	[tilespmem:$0x10800] =	vst v63  }
0x13d: {  	v3 =	vld [tilespmem:s17+$0xFFFFFFB0];
	_ =	sdelay $0x4  }
0x13e: {  	v58 =	vshll.u32 v3, $0x1  }
0x13f: {  	v3 =	vand.u32 $0x7, v3;
	v4 =	vand.u32 $0xFFFFFFF0, v58  }
0x140: {  	v3 =	vor.u32 v3, v4  }
0x141: {  	v4 =	vperm.xlane v3, v0;
	_ =	sdelay $0x1  }
0x142: {  	v3 =	vperm.xlane v3, v2;
	v4 =	vadd.s32 v1, v4;
	_ =	sdelay $0x1  }
0x143: {  	v3 =	vadd.s32 v1, v3;
	_ =	sdelay $0x2  }
0x144: {  	[tilespmem:s29], [sflag:$0x2] =	stream.indirect_vreg.gather [hbm4b:s3+s2], $0x80, v4, vm0, $0xb8;
	[tilespmem:$0x10800] =	vst v63  }
0x145: {  	_ = 	snop  }
0x146: {  	[tilespmem:s30], [sflag:$0x2] =	stream.indirect_vreg.gather [hbm4b:s3+s2], $0x80, v3, vm0, $0xb8;
	[tilespmem:$0x10800] =	vst v63  }
0x147: {  	v3 =	vld [tilespmem:s17+$0xFFFFFFC0];
	_ =	sdelay $0x4  }
0x148: {  	v59 =	vshll.u32 v3, $0x1  }
0x149: {  	v3 =	vand.u32 $0x7, v3;
	v4 =	vand.u32 $0xFFFFFFF0, v59  }
0x14a: {  	v3 =	vor.u32 v3, v4  }
0x14b: {  	v4 =	vperm.xlane v3, v0;
	_ =	sdelay $0x1  }
0x14c: {  	v3 =	vperm.xlane v3, v2;
	v4 =	vadd.s32 v1, v4;
	_ =	sdelay $0x1  }
0x14d: {  	v3 =	vadd.s32 v1, v3;
	_ =	sdelay $0x2  }
0x14e: {  	[tilespmem:s31], [sflag:$0x2] =	stream.indirect_vreg.gather [hbm4b:s3+s2], $0x80, v4, vm0, $0xb8;
	[tilespmem:$0x10800] =	vst v63  }
0x14f: {  	_ = 	snop  }
0x150: {  	[tilespmem:s0], [sflag:$0x2] =	stream.indirect_vreg.gather [hbm4b:s3+s2], $0x80, v3, vm0, $0xb8;
	[tilespmem:$0x10800] =	vst v63  }
0x151: {  	v3 =	vld [tilespmem:s17+$0xFFFFFFD0];
	_ =	sdelay $0x4  }
0x152: {  	v60 =	vshll.u32 v3, $0x1  }
0x153: {  	v3 =	vand.u32 $0x7, v3;
	v4 =	vand.u32 $0xFFFFFFF0, v60  }
0x154: {  	v3 =	vor.u32 v3, v4  }
0x155: {  	v4 =	vperm.xlane v3, v0;
	_ =	sdelay $0x1  }
0x156: {  	v3 =	vperm.xlane v3, v2;
	v4 =	vadd.s32 v1, v4;
	_ =	sdelay $0x1  }
0x157: {  	v3 =	vadd.s32 v1, v3;
	_ =	sdelay $0x2  }
0x158: {  	[tilespmem:s1], [sflag:$0x2] =	stream.indirect_vreg.gather [hbm4b:s3+s2], $0x80, v4, vm0, $0xb8;
	[tilespmem:$0x10800] =	vst v63  }
0x159: {  	_ = 	snop  }
0x15a: {  	[tilespmem:s4], [sflag:$0x2] =	stream.indirect_vreg.gather [hbm4b:s3+s2], $0x80, v3, vm0, $0xb8;
	[tilespmem:$0x10800] =	vst v63  }
0x15b: {  	v3 =	vld [tilespmem:s17+$0xFFFFFFE0];
	_ =	sdelay $0x4  }
0x15c: {  	v61 =	vshll.u32 v3, $0x1  }
0x15d: {  	v3 =	vand.u32 $0x7, v3;
	v4 =	vand.u32 $0xFFFFFFF0, v61  }
0x15e: {  	v3 =	vor.u32 v3, v4  }
0x15f: {  	v4 =	vperm.xlane v3, v0;
	_ =	sdelay $0x1  }
0x160: {  	v3 =	vperm.xlane v3, v2;
	v4 =	vadd.s32 v1, v4;
	_ =	sdelay $0x1  }
0x161: {  	v3 =	vadd.s32 v1, v3;
	_ =	sdelay $0x2  }
0x162: {  	[tilespmem:s5], [sflag:$0x2] =	stream.indirect_vreg.gather [hbm4b:s3+s2], $0x80, v4, vm0, $0xb8;
	[tilespmem:$0x10800] =	vst v63  }
0x163: {  	_ = 	snop  }
0x164: {  	[tilespmem:s7], [sflag:$0x2] =	stream.indirect_vreg.gather [hbm4b:s3+s2], $0x80, v3, vm0, $0xb8;
	[tilespmem:$0x10800] =	vst v63  }
0x165: {  	v3 =	vld [tilespmem:s17+$0xFFFFFFF0];
	_ =	sdelay $0x4  }
0x166: {  	v62 =	vshll.u32 v3, $0x1  }
0x167: {  	v3 =	vand.u32 $0x7, v3;
	v4 =	vand.u32 $0xFFFFFFF0, v62  }
0x168: {  	v3 =	vor.u32 v3, v4  }
0x169: {  	v4 =	vperm.xlane v3, v0;
	_ =	sdelay $0x1  }
0x16a: {  	v3 =	vperm.xlane v3, v2;
	v4 =	vadd.s32 v1, v4;
	_ =	sdelay $0x1  }
0x16b: {  	v3 =	vadd.s32 v1, v3;
	_ =	sdelay $0x2  }
0x16c: {  	[tilespmem:s9], [sflag:$0x2] =	stream.indirect_vreg.gather [hbm4b:s3+s2], $0x80, v4, vm0, $0xb8;
	[tilespmem:$0x10800] =	vst v63  }
0x16d: {  	_ = 	snop  }
0x16e: {  	[tilespmem:s10], [sflag:$0x2] =	stream.indirect_vreg.gather [hbm4b:s3+s2], $0x80, v3, vm0, $0xb8;
	[tilespmem:$0x10800] =	vst v63  }
0x16f: {  	v3 =	vld [tilespmem:s17+$0x0];
	_ =	sdelay $0x4  }
0x170: {  	v63 =	vshll.u32 v3, $0x1  }
0x171: {  	v3 =	vand.u32 $0x7, v3;
	v4 =	vand.u32 $0xFFFFFFF0, v63  }
0x172: {  	v3 =	vor.u32 v3, v4  }
0x173: {  	v4 =	vperm.xlane v3, v0;
	_ =	sdelay $0x1  }
0x174: {  	v3 =	vperm.xlane v3, v2;
	v4 =	vadd.s32 v1, v4;
	_ =	sdelay $0x1  }
0x175: {  	v3 =	vadd.s32 v1, v3  }
.Ltmp3:
0x176: {  	_ = 	snop;
	(pc) =	sbr.rel .LBB2_2-.Ltmp3, $4  }
0x177: {  	_ = 	snop  }
0x178: {  	[tilespmem:s11], [sflag:$0x2] =	stream.indirect_vreg.gather [hbm4b:s3+s2], $0x80, v4, vm0, $0xb8;
	[tilespmem:$0x10800] =	vst v63  }
0x179: {  	s18 =	sadd.s32 $0x2000, s18;
	s17 =	sadd.s32 $0x100, s17  }
0x17a: {  	[tilespmem:s12], [sflag:$0x2] =	stream.indirect_vreg.gather [hbm4b:s3+s2], $0x80, v3, vm0, $0xb8;
	[tilespmem:$0x10800] =	vst v63  }
.LBB2_5:
0x17b: {  	_ =	sfence.sel $0x180000  }
0x17c: {  	[bflag:$0x0] =	sbarrier.arrive $0xFFFF  }
0x17d: {  	_ =	strace $0x9000004A  }
0x17e: {  	s0 =	stileid.u32;
	[bflag:$0x2] =	sbarrier.arrive $0xFFFF  }
0x17f: {  	p0 =	sne.s32 s0, $0x0;
	s0 =	rddreg [dreg:$0x2]  }
0x180: {  	s0 =	sadd.s32 @!p0 $0x100000, s0  }
0x181: {  	[sflag:s0] =	ssyncadd.tile.s32 @!p0 $0x1;
	_ =	shalt  }
.Lfunc_end2:
_tile_overlayer_lowered:
.L_overlay_start_2:
0x182: {  	(tag) =	ssettag $0x2  }
0x183: {  	s0 =	rddreg [dreg:$0x0];
	s2 =	stileid.u32  }
0x184: {  	s1 =	rddreg [dreg:$0x1];
	p0 =	sne.s32 s2, $0x0  }
0x185: {  	s3 =	rddreg [dreg:$0x2];
	[bflag:$0x3] =	sbarrier.arrive $0xFFFF;
	s2 =	simm.s32 @!p0 $0x1C05  }
0x186: {  	[timem:s3], [sflag:s2] =	dma.local @!p0 [hbm:s0], s1  }
0x187: {  	s0 =	simm.s32 @!p0 $0x5  }
0x188: {  	_ =	swait.ge @!p0 [sflag:s0], s1  }
0x189: {  	s1 =	ssub.s32 @!p0 $0x0, s1;
	[sflag:s0] =	ssyncset.done @!p0 $0x0  }
0x18a: {  	[sflag:s0] =	ssyncadd.s32 @!p0 s1  }
0x18b: {  	[bflag:$0x3] =	sbarrier.arrive $0xFFFF  }
0x18c: {  	_ =	shalt  }

// kernel: kernel.17.cloned.1.call-start
scs
__scs_entry_jumppad:
0x0: {  	(pc) =	sbr.rel $0x88, $3  }
0x1: {  	(tag) =	ssettag $0x0;
	lr =	simm.s32 $0x1  }
0x2: {  	[smem:$0x3F93] =	sst lr;
	_ =	strace $0xD0000000  }
0x3: {  	_ = 	snop  }
0x4: {  	_ = 	snop  }
0x5: {  	_ = 	snop  }
0x6: {  	_ = 	snop  }
0x7: {  	_ = 	snop  }
__scs_overlays_trampoline_lowered:
0x8: {  	[smem:$0x3FA2] =	sst s0  }
0x9: {  	[smem:$0x3FA3] =	sst s1  }
0xa: {  	[smem:$0x3FA4] =	sst s2  }
0xb: {  	[smem:$0x3FA5] =	sst s3  }
0xc: {  	[smem:$0x3FA6] =	sst s4  }
0xd: {  	[smem:$0x3FA7] =	sst s5  }
0xe: {  	[smem:$0x3FA8] =	sst s6  }
0xf: {  	[smem:$0x3FA9] =	sst s7  }
0x10: {  	[smem:$0x3FAA] =	sst s8  }
0x11: {  	[smem:$0x3FAB] =	sst s9;
	s0 =	simm.s32 @!p0 $0x0  }
0x12: {  	s1 =	sld [smem:$0x3F91];
	s0 =	simm.s32 @p0 $0x1  }
0x13: {  	[smem:$0x3FAC] =	sst s0;
	s0 =	simm.s32 @!p1 $0x0  }
0x14: {  	s2 =	sld [smem:$0x3F90];
	s0 =	simm.s32 @p1 $0x1  }
0x15: {  	[smem:$0x3FAD] =	sst s0;
	s0 =	simm.s32 @!p2 $0x0  }
0x16: {  	s3 =	sld [smem:$0x3FDB];
	s0 =	simm.s32 @p2 $0x1  }
0x17: {  	s4 =	simm.s32 $0x1BF5;
	[smem:$0x3FAF] =	sst s0  }
0x18: {  	s0 =	sld [smem:$0x3F92];
	_ =	swait.ge [sflag:s4], $0x0  }
0x19: {  	s7 =	sld [smem:$0x3F93]  }
0x1a: {  	s8 =	sadd.s32 $0xFFFFE003, lr  }
0x1b: {  	s9 =	sadd.s32 $0xFFFFFEF7, lr;
	s5 =	simm.s32 $0xFFFFFFFF;
	p2 =	slt.u32 s8, $0xFFFFF086  }
0x1c: {  	p1 =	slt.u32 s9, $0xF7A;
	s5 =	simm.s32 @!p2 $0x0  }
0x1d: {  	s5 =	simm.s32 @p1 $0x1;
	p0 =	seq.s32 s7, s2  }
0x1e: {  	s7 =	smul.u32 @!p0 $0xF7A, s2;
	p2 =	seq.s32 @!p0 s5, $0x0  }
0x1f: {  	s9 =	smul.u32 $0xF7A, s1;
	s8 =	simm.s32 @!p0 $0x1BF5;
	p2 =	por !p2, p0  }
0x20: {  	[sflag:s8] =	ssyncset.s32 @!p0 $0xFFFFF086;
	s6 =	sadd.s32 @!p0 s3, s7;
	s7 =	simm.s32 @!p0 $0x108  }
0x21: {  	s3 =	sadd.s32 s3, s9;
	s6 =	sadd.s32 @!p0 $0x88, s6;
	s7 =	simm.s32 @p2 $0x1082  }
0x22: {  	[simem:s7], [sflag:s8] =	dma.local @!p0 [hbm:s6], $0xF7A  }
0x23: {  	s9 =	sor.u32 $0xD0000000, s2;
	s6 =	simm.s32 $0x108;
	_ =	swait.ge @!p0 [sflag:s8], $0x0  }
0x24: {  	s3 =	sadd.s32 $0x88, s3;
	s6 =	simm.s32 @!p1 $0x1082;
	[sflag:s4] =	ssyncset.s32 $0xFFFFF086  }
0x25: {  	[simem:s6], [sflag:s4] =	dma.local [hbm:s3], $0xF7A  }
0x26: {  	[smem:$0x3F93] =	sst s1;
	(tag) =	ssettag s2;
	_ =	strace s9  }
0x27: {  	s1 =	sld [smem:$0x3FA3]  }
0x28: {  	s2 =	sld [smem:$0x3FA4]  }
0x29: {  	s4 =	sld [smem:$0x3FA6]  }
0x2a: {  	p0 =	seq.s32 s5, $0x0;
	s5 =	sld [smem:$0x3FA7]  }
0x2b: {  	s6 =	sld [smem:$0x3FA8]  }
0x2c: {  	s7 =	sld [smem:$0x3FA9]  }
0x2d: {  	s3 =	simm.s32 $0x108;
	s8 =	sld [smem:$0x3FAA]  }
0x2e: {  	s3 =	simm.s32 @!p0 $0x1082;
	s9 =	sld [smem:$0x3FAB]  }
0x2f: {  	lr =	sadd.s32 s0, s3;
	s0 =	sld [smem:$0x3FA2]  }
0x30: {  	s3 =	sld [smem:$0x3FA5]  }
0x31: {  	[smem:$0x3FAE] =	sst s10  }
0x32: {  	s10 =	sld [smem:$0x3FAC];
	_ =	sdelay $0x3  }
0x33: {  	p0 =	seq.s32 s10, $0x1;
	s10 =	sld [smem:$0x3FAE];
	_ =	sdelay $0x3  }
0x34: {  	[smem:$0x3FAE] =	sst s10  }
0x35: {  	s10 =	sld [smem:$0x3FAD];
	_ =	sdelay $0x3  }
0x36: {  	p1 =	seq.s32 s10, $0x1;
	s10 =	sld [smem:$0x3FAE];
	_ =	sdelay $0x3  }
0x37: {  	[smem:$0x3FAE] =	sst s10  }
0x38: {  	s10 =	sld [smem:$0x3FAF]  }
0x39: {  	_ = 	snop;
	(pc) =	sbr.ind lr, $3  }
0x3a: {  	_ = 	snop  }
0x3b: {  	_ = 	snop  }
0x3c: {  	p2 =	seq.s32 s10, $0x1;
	s10 =	sld [smem:$0x3FAE]  }
0x3d: {  	_ =	shalt  }
0x3e: {  	_ =	shalt  }
0x3f: {  	_ =	shalt  }
0x40: {  	_ =	shalt  }
0x41: {  	_ =	shalt  }
0x42: {  	_ =	shalt  }
0x43: {  	_ =	shalt  }
0x44: {  	_ =	shalt  }
0x45: {  	_ =	shalt  }
0x46: {  	_ =	shalt  }
0x47: {  	_ =	shalt  }
0x48: {  	_ =	shalt  }
0x49: {  	_ =	shalt  }
0x4a: {  	_ =	shalt  }
0x4b: {  	_ =	shalt  }
0x4c: {  	_ =	shalt  }
0x4d: {  	_ =	shalt  }
0x4e: {  	_ =	shalt  }
0x4f: {  	_ =	shalt  }
0x50: {  	_ =	shalt  }
0x51: {  	_ =	shalt  }
0x52: {  	_ =	shalt  }
0x53: {  	_ =	shalt  }
0x54: {  	_ =	shalt  }
0x55: {  	_ =	shalt  }
0x56: {  	_ =	shalt  }
0x57: {  	_ =	shalt  }
0x58: {  	_ =	shalt  }
0x59: {  	_ =	shalt  }
0x5a: {  	_ =	shalt  }
0x5b: {  	_ =	shalt  }
0x5c: {  	_ =	shalt  }
0x5d: {  	_ =	shalt  }
0x5e: {  	_ =	shalt  }
0x5f: {  	_ =	shalt  }
0x60: {  	_ =	shalt  }
0x61: {  	_ =	shalt  }
0x62: {  	_ =	shalt  }
0x63: {  	_ =	shalt  }
0x64: {  	_ =	shalt  }
0x65: {  	_ =	shalt  }
0x66: {  	_ =	shalt  }
0x67: {  	_ =	shalt  }
0x68: {  	_ =	shalt  }
0x69: {  	_ =	shalt  }
0x6a: {  	_ =	shalt  }
0x6b: {  	_ =	shalt  }
0x6c: {  	_ =	shalt  }
0x6d: {  	_ =	shalt  }
0x6e: {  	_ =	shalt  }
0x6f: {  	_ =	shalt  }
0x70: {  	_ =	shalt  }
0x71: {  	_ =	shalt  }
0x72: {  	_ =	shalt  }
0x73: {  	_ =	shalt  }
0x74: {  	_ =	shalt  }
0x75: {  	_ =	shalt  }
0x76: {  	_ =	shalt  }
0x77: {  	_ =	shalt  }
0x78: {  	_ =	shalt  }
0x79: {  	_ =	shalt  }
0x7a: {  	_ =	shalt  }
0x7b: {  	_ =	shalt  }
0x7c: {  	_ =	shalt  }
0x7d: {  	_ =	shalt  }
0x7e: {  	_ =	shalt  }
0x7f: {  	_ =	shalt  }
0x80: {  	_ =	shalt  }
0x81: {  	_ =	shalt  }
0x82: {  	_ =	shalt  }
0x83: {  	_ =	shalt  }
0x84: {  	_ =	shalt  }
0x85: {  	_ =	shalt  }
0x86: {  	_ =	shalt  }
0x87: {  	_ =	shalt  }
.Lfunc_end0:
.L_simem_size_0:
called_computation.2_lowered:
.L_overlay_start_0:
0x88: {  	s2 =	sld [smem:$0x3FD9]  }
0x89: {  	s3 =	sld [smem:$0x3FFE];
	_ =	sdelay $0x1  }
0x8a: {  	s1 =	srdreg.scid  }
0x8b: {  	s0 =	sand.u32 $0x1, s1  }
0x8c: {  	s14 =	sshll.u32 s0, $0xA;
	s2 =	sadd.s32 s3, s2  }
0x8d: {  	s2 =	sadd.s32 s2, s14  }
0x8e: {  	[smem:$0x3FBA] =	sst s2  }
0x8f: {  	_ = 	snop  }
0x90: {  	s2 =	sld [smem:$0x3FD0];
	_ =	sdelay $0x2  }
0x91: {  	s15 =	simm.s32 $0xA;
	s4 =	simm.s32 $0x10  }
0x92: {  	[smem:s4], [sflag:s15] =	dma.local [hbm:s2], $0x1  }
0x93: {  	_ =	swait.eq [sflag:s15], $0x1  }
0x94: {  	[sflag:s15] =	ssyncset.done $0x0  }
0x95: {  	[sflag:s15] =	ssyncadd.s32 $0xFFFFFFFF  }
0x96: {  	s16 =	sld [smem:$0x10];
	(tm) =	ssettm $0x1  }
0x97: {  	s17 =	sld [smem:$0x3FFB];
	_ =	sdelay $0x3  }
0x98: {  	_ =	strace s17  }
0x99: {  	s3 =	sld [smem:$0x3FFC];
	_ =	sdelay $0x3  }
0x9a: {  	_ =	strace s3  }
0x9b: {  	s3 =	sld [smem:$0x3FFD];
	_ =	sdelay $0x3  }
0x9c: {  	_ =	strace s3  }
0x9d: {  	_ =	strace $0x8FFFFFFF  }
0x9e: {  	s18 =	sld [smem:$0x3FDB];
	_ =	sdelay $0x1  }
0x9f: {  	s19 =	simm.s32 $_scs_section_size  }
0xa0: {  	s5 =	simm.s32 $_size__tile_overlayer_lowered;
	s6 =	simm.s32 $_tile_overlayer_lowered  }
0xa1: {  	s22 =	simm.s32 $0x1BFF;
	s21 =	sshll.u32 s6, $0x1;
	s3 =	sadd.s32 s19, s18  }
0xa2: {  	s7 =	simm.s32 $0x0;
	s20 =	sshll.u32 s5, $0x1;
	s5 =	sadd.s32 s21, s3  }
0xa3: {  	[timem:s7], [sflag:s22] =	dma.local [hbm:s5], s20  }
0xa4: {  	_ =	swait.ge [sflag:s22], s20  }
0xa5: {  	s4 =	ssub.s32 $0x0, s20;
	[sflag:s22] =	ssyncset.done $0x0  }
0xa6: {  	[sflag:s22] =	ssyncadd.s32 s4;
	_ =	sdelay $0x1  }
0xa7: {  	s23 =	simm.s32 $0x1B8B  }
0xa8: {  	_ =	swait.ge [sflag:s23], $0x1  }
0xa9: {  	[sflag:s23] =	ssyncset.done $0x0  }
0xaa: {  	s25 =	simm.s32 $0x1B8E;
	s24 =	sld [smem:$0x3FFE];
	[sflag:s23] =	ssyncadd.s32 $0xFFFFFFFF  }
0xab: {  	s26 =	simm.s32 $execute0_lowered;
	[smem:$0x3FD2] =	sst s25  }
0xac: {  	s5 =	sshll.u32 s26, $0x1;
	_ =	strace $0x8000004C;
	[dreg:$0x1] =	wrdreg $0xFFFFFFFF  }
0xad: {  	s28 =	simm.s32 $_size_execute0_lowered;
	s3 =	sadd.s32 s3, s5;
	[dreg:$0x0] =	wrdreg $0x0  }
0xae: {  	s5 =	sshll.u32 s28, $0x1;
	[dreg:$0x2] =	wrdreg s3  }
0xaf: {  	[dreg:$0x3] =	wrdreg s5  }
0xb0: {  	[dreg:$0x4] =	wrdreg $0xC0  }
0xb1: {  	_ =	task [dreg:s7], $0x5FFFF  }
0xb2: {  	[dreg:$0x1] =	wrdreg $0xFFFFFFFF  }
0xb3: {  	[dreg:$0x0] =	wrdreg $0x60  }
0xb4: {  	[dreg:$0x2] =	wrdreg s24  }
0xb5: {  	[dreg:$0x3] =	wrdreg s16  }
0xb6: {  	[dreg:$0x4] =	wrdreg $0x9  }
0xb7: {  	_ =	task.clear_ibuf [dreg:s7], $0x5FFFF;
	_ =	strace $0x9000004C  }
0xb8: {  	s29 =	simm.s32 $0x9;
	_ =	strace $0x8000004E  }
0xb9: {  	_ =	swait.ge [sflag:s29], $0x1  }
0xba: {  	[sflag:s29] =	ssyncadd.s32 $0xFFFFFFFF  }
0xbb: {  	_ =	strace $0x9000004E  }
0xbc: {  	_ =	sfence  }
0xbd: {  	s30 =	sld [smem:$0x0];
	_ =	sdelay $0x2  }
0xbe: {  	s31 =	sshll.u32 s1, $0xD;
	s1 =	sshrl.u32 s1, $0x2  }
0xbf: {  	s3 =	sand.u32 $0x4000, s31;
	s1 =	sadd.s32 s1, s30  }
0xc0: {  	s0 =	sor.u32 s3, s0;
	s1 =	sshll.u32 s1, $0x11  }
0xc1: {  	s0 =	sor.u32 s1, s0  }
0xc2: {  	s0 =	sadd.s32 $0x8F2B, s0  }
0xc3: {  	[sflag:s0] =	ssyncadd.remote.s32 $0x1  }
0xc4: {  	_ =	sfence.sel $0xFFFF  }
0xc5: {  	[dreg:$0x0] =	wrdreg $0xFFFFFFFF;
	(pc) =	sbr.abs _section_cstart, $3  }
0xc6: {  	[dreg:$0x1] =	wrdreg $0xFFFFFFFF  }
0xc7: {  	_ =	task.clear_ibuf [dreg:s7], $0x2FFFF;
	_ =	strace $0x9FFFFFFF  }
0xc8: {  	(tm) =	ssettm $0x7FFFFFFF  }
0xc9: {  	_ =	shalt  }
tec
execute0_lowered:
.L_overlay_start_1:
0x0: {  	(tag) =	ssettag $0x1  }
0x1: {  	s0 =	rddreg [dreg:$0x0]  }
0x2: {  	s1 =	rddreg [dreg:$0x1];
	s2 =	simm.s32 $0x0;
	s7 =	stileid.u32  }
0x3: {  	s4 =	srdreg.scid;
	s20 =	simm.s32 $0x6800;
	s21 =	simm.s32 $0x7000  }
0x4: {  	s22 =	simm.s32 $0x7800;
	s23 =	simm.s32 $0x8000;
	s28 =	simm.s32 $0xA000  }
0x5: {  	s29 =	simm.s32 $0xA800;
	s30 =	simm.s32 $0xB000;
	s31 =	simm.s32 $0xB800  }
0x6: {  	s9 =	simm.s32 $0xE800;
	s10 =	simm.s32 $0xF000;
	s11 =	simm.s32 $0xF800  }
0x7: {  	s12 =	simm.s32 $0x10000;
	s13 =	simm.s32 $0x1;
	s14 =	simm.s32 $0x2  }
0x8: {  	s15 =	simm.s32 $0x3;
	s16 =	simm.s32 $0x4;
	s18 =	simm.s32 $0x0  }
0x9: {  	[smem:$0x7FF] =	sst s2;
	s3 =	sadd.s32 $0x3600, s0;
	s5 =	sshll.u32 s7, $0x11  }
0xa: {  	s4 =	sand.u32 $0x1, s4;
	s7 =	sshll.u32 s7, $0xC;
	_ =	strace $0x8000004D  }
0xb: {  	s6 =	ssub.s32 $0x2, s4;
	s8 =	sshll.u32 s4, $0xB;
	s0 =	sadd.s32 s5, s0  }
0xc: {  	s4 =	sshll.u32 s4, $0x10;
	s24 =	sshrl.u32 s6, $0x1;
	s7 =	sor.u32 s8, s7  }
0xd: {  	s0 =	sadd.s32 s4, s0;
	s8 =	simm.s32 $0x800;
	s4 =	simm.s32 $0xD000  }
.Ltmp0:
0xe: {  	s5 =	ssub.s32 s6, s24;
	s25 =	sshrl.u32 s7, $0x3;
	(pc) =	sbr.rel .LBB2_1-.Ltmp0, $4  }
0xf: {  	s6 =	sadd.s32 $0x23600, s0;
	s24 =	simm.s32 $0x8800;
	s0 =	simm.s32 $0xC000  }
0x10: {  	v2 =	vlaneseq.u32;
	s7 =	simm.s32 $0xE000;
	s1 =	sadd.s32 s1, s25;
	s26 =	smax.u32 s5, $0x1  }
0x11: {  	vm0 =	vmmov $0xffff;
	v1 =	vshrl.u32 v2, $0x3;
	s25 =	simm.s32 $0x9000;
	s5 =	simm.s32 $0xD800;
	[dreg:$0x3] =	wrdreg s1  }
0x12: {  	v0 =	vand.u32 $0x7, v2;
	v2 =	vor.u32 $0x8, v2;
	v1 =	vmul.u32 $0x8, v1;
	[dreg:$0x4] =	wrdreg s26;
	s26 =	simm.s32 $0x9800;
	s1 =	simm.s32 $0xC800  }
.LBB2_4:
0x13: {  	_ =	swait.ge [sflag:s16], $0x8000  }
0x14: {  	s18 =	rddreg [dreg:$0x5]  }
0x15: {  	s17 =	rddreg [dreg:$0x4];
	s18 =	sadd.s32 $0x1, s18  }
0x16: {  	p0 =	sne.s32 s18, s17  }
.Ltmp1:
0x17: {  	_ = 	snop;
	(pc) =	sbr.rel @!p0 .LBB2_5-.Ltmp1, $3  }
0x18: {  	_ =	sdelay $0x1  }
0x19: {  	[sflag:s16] =	ssyncset.done $0x0  }
0x1a: {  	[sflag:s16] =	ssyncadd.s32 $0xFFFF8000  }
.LBB2_1:
0x1b: {  	[dreg:$0x5] =	wrdreg s18  }
0x1c: {  	s17 =	rddreg [dreg:$0x3];
	s18 =	simm.s32 $0x5  }
0x1d: {  	[tilespmem:s2], [sflag:$0x5] =	stream.linear.gather [hbm4b:s17+s2], $0x800, $0x38;
	[tilespmem:$0x10800] =	vst v63  }
0x1e: {  	_ =	swait.ge [sflag:s18], $0x800  }
0x1f: {  	[sflag:s18] =	ssyncset.done $0x0  }
0x20: {  	[sflag:s18] =	ssyncadd.s32 $0xFFFFF800  }
0x21: {  	v3 =	vld [tilespmem:$0x0];
	_ =	sdelay $0x4  }
0x22: {  	v4 =	vshll.u32 v3, $0x1  }
0x23: {  	v3 =	vand.u32 $0x7, v3;
	v4 =	vand.u32 $0xFFFFFFF0, v4  }
0x24: {  	v3 =	vor.u32 v3, v4  }
0x25: {  	v4 =	vperm.xlane v3, v0;
	_ =	sdelay $0x1  }
0x26: {  	v3 =	vperm.xlane v3, v2;
	v4 =	vadd.s32 v1, v4;
	_ =	sdelay $0x1  }
0x27: {  	v3 =	vadd.s32 v1, v3;
	_ =	sdelay $0x2  }
0x28: {  	[tilespmem:s8], [sflag:$0x1] =	stream.indirect_vreg.gather [hbm4b:s3+s2], $0x80, v4, vm0, $0xb8;
	[tilespmem:$0x10800] =	vst v63  }
0x29: {  	s19 =	simm.s32 $0x1000  }
0x2a: {  	[tilespmem:s19], [sflag:$0x1] =	stream.indirect_vreg.gather [hbm4b:s3+s2], $0x80, v3, vm0, $0xb8;
	[tilespmem:$0x10800] =	vst v63  }
0x2b: {  	v3 =	vld [tilespmem:$0x10];
	_ =	sdelay $0x4  }
0x2c: {  	v49 =	vshll.u32 v3, $0x1  }
0x2d: {  	v3 =	vand.u32 $0x7, v3;
	v4 =	vand.u32 $0xFFFFFFF0, v49  }
0x2e: {  	v3 =	vor.u32 v3, v4  }
0x2f: {  	v4 =	vperm.xlane v3, v0;
	_ =	sdelay $0x1  }
0x30: {  	v3 =	vperm.xlane v3, v2;
	v4 =	vadd.s32 v1, v4;
	_ =	sdelay $0x1  }
0x31: {  	v3 =	vadd.s32 v1, v3;
	_ =	sdelay $0x1  }
0x32: {  	s18 =	simm.s32 $0x1800  }
0x33: {  	[tilespmem:s18], [sflag:$0x1] =	stream.indirect_vreg.gather [hbm4b:s3+s2], $0x80, v4, vm0, $0xb8;
	[tilespmem:$0x10800] =	vst v63  }
0x34: {  	s19 =	simm.s32 $0x2000  }
0x35: {  	[tilespmem:s19], [sflag:$0x1] =	stream.indirect_vreg.gather [hbm4b:s3+s2], $0x80, v3, vm0, $0xb8;
	[tilespmem:$0x10800] =	vst v63  }
0x36: {  	v3 =	vld [tilespmem:$0x20];
	_ =	sdelay $0x4  }
0x37: {  	v50 =	vshll.u32 v3, $0x1  }
0x38: {  	v3 =	vand.u32 $0x7, v3;
	v4 =	vand.u32 $0xFFFFFFF0, v50  }
0x39: {  	v3 =	vor.u32 v3, v4  }
0x3a: {  	v4 =	vperm.xlane v3, v0;
	_ =	sdelay $0x1  }
0x3b: {  	v3 =	vperm.xlane v3, v2;
	v4 =	vadd.s32 v1, v4;
	_ =	sdelay $0x1  }
0x3c: {  	v3 =	vadd.s32 v1, v3;
	_ =	sdelay $0x1  }
0x3d: {  	s18 =	simm.s32 $0x2800  }
0x3e: {  	[tilespmem:s18], [sflag:$0x1] =	stream.indirect_vreg.gather [hbm4b:s3+s2], $0x80, v4, vm0, $0xb8;
	[tilespmem:$0x10800] =	vst v63  }
0x3f: {  	s19 =	simm.s32 $0x3000  }
0x40: {  	[tilespmem:s19], [sflag:$0x1] =	stream.indirect_vreg.gather [hbm4b:s3+s2], $0x80, v3, vm0, $0xb8;
	[tilespmem:$0x10800] =	vst v63  }
0x41: {  	v3 =	vld [tilespmem:$0x30];
	_ =	sdelay $0x4  }
0x42: {  	v51 =	vshll.u32 v3, $0x1  }
0x43: {  	v3 =	vand.u32 $0x7, v3;
	v4 =	vand.u32 $0xFFFFFFF0, v51  }
0x44: {  	v3 =	vor.u32 v3, v4  }
0x45: {  	v4 =	vperm.xlane v3, v0;
	_ =	sdelay $0x1  }
0x46: {  	v3 =	vperm.xlane v3, v2;
	v4 =	vadd.s32 v1, v4;
	_ =	sdelay $0x1  }
0x47: {  	v3 =	vadd.s32 v1, v3;
	_ =	sdelay $0x1  }
0x48: {  	s18 =	simm.s32 $0x3800  }
0x49: {  	[tilespmem:s18], [sflag:$0x1] =	stream.indirect_vreg.gather [hbm4b:s3+s2], $0x80, v4, vm0, $0xb8;
	[tilespmem:$0x10800] =	vst v63  }
0x4a: {  	s19 =	simm.s32 $0x4000  }
0x4b: {  	[tilespmem:s19], [sflag:$0x1] =	stream.indirect_vreg.gather [hbm4b:s3+s2], $0x80, v3, vm0, $0xb8;
	[tilespmem:$0x10800] =	vst v63  }
0x4c: {  	v3 =	vld [tilespmem:$0x40];
	_ =	sdelay $0x4  }
0x4d: {  	v52 =	vshll.u32 v3, $0x1  }
0x4e: {  	v3 =	vand.u32 $0x7, v3;
	v4 =	vand.u32 $0xFFFFFFF0, v52  }
0x4f: {  	v3 =	vor.u32 v3, v4  }
0x50: {  	v4 =	vperm.xlane v3, v0;
	_ =	sdelay $0x1  }
0x51: {  	v3 =	vperm.xlane v3, v2;
	v4 =	vadd.s32 v1, v4;
	_ =	sdelay $0x1  }
0x52: {  	v3 =	vadd.s32 v1, v3;
	_ =	sdelay $0x1  }
0x53: {  	s18 =	simm.s32 $0x4800  }
0x54: {  	[tilespmem:s18], [sflag:$0x1] =	stream.indirect_vreg.gather [hbm4b:s3+s2], $0x80, v4, vm0, $0xb8;
	[tilespmem:$0x10800] =	vst v63  }
0x55: {  	s19 =	simm.s32 $0x5000  }
0x56: {  	[tilespmem:s19], [sflag:$0x1] =	stream.indirect_vreg.gather [hbm4b:s3+s2], $0x80, v3, vm0, $0xb8;
	[tilespmem:$0x10800] =	vst v63  }
0x57: {  	v3 =	vld [tilespmem:$0x50];
	_ =	sdelay $0x4  }
0x58: {  	v53 =	vshll.u32 v3, $0x1  }
0x59: {  	v3 =	vand.u32 $0x7, v3;
	v4 =	vand.u32 $0xFFFFFFF0, v53  }
0x5a: {  	v3 =	vor.u32 v3, v4  }
0x5b: {  	v4 =	vperm.xlane v3, v0;
	_ =	sdelay $0x1  }
0x5c: {  	v3 =	vperm.xlane v3, v2;
	v4 =	vadd.s32 v1, v4;
	_ =	sdelay $0x1  }
0x5d: {  	v3 =	vadd.s32 v1, v3;
	_ =	sdelay $0x1  }
0x5e: {  	s18 =	simm.s32 $0x5800  }
0x5f: {  	[tilespmem:s18], [sflag:$0x1] =	stream.indirect_vreg.gather [hbm4b:s3+s2], $0x80, v4, vm0, $0xb8;
	[tilespmem:$0x10800] =	vst v63  }
0x60: {  	s19 =	simm.s32 $0x6000  }
0x61: {  	[tilespmem:s19], [sflag:$0x1] =	stream.indirect_vreg.gather [hbm4b:s3+s2], $0x80, v3, vm0, $0xb8;
	[tilespmem:$0x10800] =	vst v63  }
0x62: {  	v3 =	vld [tilespmem:$0x60];
	_ =	sdelay $0x4  }
0x63: {  	v54 =	vshll.u32 v3, $0x1  }
0x64: {  	v3 =	vand.u32 $0x7, v3;
	v4 =	vand.u32 $0xFFFFFFF0, v54  }
0x65: {  	v3 =	vor.u32 v3, v4  }
0x66: {  	v4 =	vperm.xlane v3, v0;
	_ =	sdelay $0x1  }
0x67: {  	v3 =	vperm.xlane v3, v2;
	v4 =	vadd.s32 v1, v4;
	_ =	sdelay $0x1  }
0x68: {  	v3 =	vadd.s32 v1, v3;
	_ =	sdelay $0x2  }
0x69: {  	[tilespmem:s20], [sflag:$0x1] =	stream.indirect_vreg.gather [hbm4b:s3+s2], $0x80, v4, vm0, $0xb8;
	[tilespmem:$0x10800] =	vst v63  }
0x6a: {  	_ = 	snop  }
0x6b: {  	[tilespmem:s21], [sflag:$0x1] =	stream.indirect_vreg.gather [hbm4b:s3+s2], $0x80, v3, vm0, $0xb8;
	[tilespmem:$0x10800] =	vst v63  }
0x6c: {  	v3 =	vld [tilespmem:$0x70];
	_ =	sdelay $0x4  }
0x6d: {  	v55 =	vshll.u32 v3, $0x1  }
0x6e: {  	v3 =	vand.u32 $0x7, v3;
	v4 =	vand.u32 $0xFFFFFFF0, v55  }
0x6f: {  	v3 =	vor.u32 v3, v4  }
0x70: {  	v4 =	vperm.xlane v3, v0;
	_ =	sdelay $0x1  }
0x71: {  	v3 =	vperm.xlane v3, v2;
	v4 =	vadd.s32 v1, v4;
	_ =	sdelay $0x1  }
0x72: {  	v3 =	vadd.s32 v1, v3;
	_ =	sdelay $0x2  }
0x73: {  	[tilespmem:s22], [sflag:$0x1] =	stream.indirect_vreg.gather [hbm4b:s3+s2], $0x80, v4, vm0, $0xb8;
	[tilespmem:$0x10800] =	vst v63  }
0x74: {  	_ = 	snop  }
0x75: {  	[tilespmem:s23], [sflag:$0x1] =	stream.indirect_vreg.gather [hbm4b:s3+s2], $0x80, v3, vm0, $0xb8;
	[tilespmem:$0x10800] =	vst v63  }
0x76: {  	v3 =	vld [tilespmem:$0x80];
	_ =	sdelay $0x4  }
0x77: {  	v56 =	vshll.u32 v3, $0x1  }
0x78: {  	v3 =	vand.u32 $0x7, v3;
	v4 =	vand.u32 $0xFFFFFFF0, v56  }
0x79: {  	v3 =	vor.u32 v3, v4  }
0x7a: {  	v4 =	vperm.xlane v3, v0;
	_ =	sdelay $0x1  }
0x7b: {  	v3 =	vperm.xlane v3, v2;
	v4 =	vadd.s32 v1, v4;
	_ =	sdelay $0x1  }
0x7c: {  	v3 =	vadd.s32 v1, v3;
	_ =	sdelay $0x2  }
0x7d: {  	[tilespmem:s24], [sflag:$0x2] =	stream.indirect_vreg.gather [hbm4b:s3+s2], $0x80, v4, vm0, $0xb8;
	[tilespmem:$0x10800] =	vst v63  }
0x7e: {  	_ = 	snop  }
0x7f: {  	[tilespmem:s25], [sflag:$0x2] =	stream.indirect_vreg.gather [hbm4b:s3+s2], $0x80, v3, vm0, $0xb8;
	[tilespmem:$0x10800] =	vst v63  }
0x80: {  	v3 =	vld [tilespmem:$0x90];
	_ =	sdelay $0x4  }
0x81: {  	v57 =	vshll.u32 v3, $0x1  }
0x82: {  	v3 =	vand.u32 $0x7, v3;
	v4 =	vand.u32 $0xFFFFFFF0, v57  }
0x83: {  	v3 =	vor.u32 v3, v4  }
0x84: {  	v4 =	vperm.xlane v3, v0;
	_ =	sdelay $0x1  }
0x85: {  	v3 =	vperm.xlane v3, v2;
	v4 =	vadd.s32 v1, v4;
	_ =	sdelay $0x1  }
0x86: {  	v3 =	vadd.s32 v1, v3;
	_ =	sdelay $0x2  }
0x87: {  	[tilespmem:s26], [sflag:$0x2] =	stream.indirect_vreg.gather [hbm4b:s3+s2], $0x80, v4, vm0, $0xb8;
	[tilespmem:$0x10800] =	vst v63  }
0x88: {  	_ = 	snop  }
0x89: {  	[tilespmem:s28], [sflag:$0x2] =	stream.indirect_vreg.gather [hbm4b:s3+s2], $0x80, v3, vm0, $0xb8;
	[tilespmem:$0x10800] =	vst v63  }
0x8a: {  	v3 =	vld [tilespmem:$0xA0];
	_ =	sdelay $0x4  }
0x8b: {  	v58 =	vshll.u32 v3, $0x1  }
0x8c: {  	v3 =	vand.u32 $0x7, v3;
	v4 =	vand.u32 $0xFFFFFFF0, v58  }
0x8d: {  	v3 =	vor.u32 v3, v4  }
0x8e: {  	v4 =	vperm.xlane v3, v0;
	_ =	sdelay $0x1  }
0x8f: {  	v3 =	vperm.xlane v3, v2;
	v4 =	vadd.s32 v1, v4;
	_ =	sdelay $0x1  }
0x90: {  	v3 =	vadd.s32 v1, v3;
	_ =	sdelay $0x2  }
0x91: {  	[tilespmem:s29], [sflag:$0x2] =	stream.indirect_vreg.gather [hbm4b:s3+s2], $0x80, v4, vm0, $0xb8;
	[tilespmem:$0x10800] =	vst v63  }
0x92: {  	_ = 	snop  }
0x93: {  	[tilespmem:s30], [sflag:$0x2] =	stream.indirect_vreg.gather [hbm4b:s3+s2], $0x80, v3, vm0, $0xb8;
	[tilespmem:$0x10800] =	vst v63  }
0x94: {  	v3 =	vld [tilespmem:$0xB0];
	_ =	sdelay $0x4  }
0x95: {  	v59 =	vshll.u32 v3, $0x1  }
0x96: {  	v3 =	vand.u32 $0x7, v3;
	v4 =	vand.u32 $0xFFFFFFF0, v59  }
0x97: {  	v3 =	vor.u32 v3, v4  }
0x98: {  	v4 =	vperm.xlane v3, v0;
	_ =	sdelay $0x1  }
0x99: {  	v3 =	vperm.xlane v3, v2;
	v4 =	vadd.s32 v1, v4;
	_ =	sdelay $0x1  }
0x9a: {  	v3 =	vadd.s32 v1, v3;
	_ =	sdelay $0x2  }
0x9b: {  	[tilespmem:s31], [sflag:$0x2] =	stream.indirect_vreg.gather [hbm4b:s3+s2], $0x80, v4, vm0, $0xb8;
	[tilespmem:$0x10800] =	vst v63  }
0x9c: {  	_ = 	snop  }
0x9d: {  	[tilespmem:s0], [sflag:$0x2] =	stream.indirect_vreg.gather [hbm4b:s3+s2], $0x80, v3, vm0, $0xb8;
	[tilespmem:$0x10800] =	vst v63  }
0x9e: {  	v3 =	vld [tilespmem:$0xC0];
	_ =	sdelay $0x4  }
0x9f: {  	v60 =	vshll.u32 v3, $0x1  }
0xa0: {  	v3 =	vand.u32 $0x7, v3;
	v4 =	vand.u32 $0xFFFFFFF0, v60  }
0xa1: {  	v3 =	vor.u32 v3, v4  }
0xa2: {  	v4 =	vperm.xlane v3, v0;
	_ =	sdelay $0x1  }
0xa3: {  	v3 =	vperm.xlane v3, v2;
	v4 =	vadd.s32 v1, v4;
	_ =	sdelay $0x1  }
0xa4: {  	v3 =	vadd.s32 v1, v3;
	_ =	sdelay $0x2  }
0xa5: {  	[tilespmem:s1], [sflag:$0x2] =	stream.indirect_vreg.gather [hbm4b:s3+s2], $0x80, v4, vm0, $0xb8;
	[tilespmem:$0x10800] =	vst v63  }
0xa6: {  	_ = 	snop  }
0xa7: {  	[tilespmem:s4], [sflag:$0x2] =	stream.indirect_vreg.gather [hbm4b:s3+s2], $0x80, v3, vm0, $0xb8;
	[tilespmem:$0x10800] =	vst v63  }
0xa8: {  	v3 =	vld [tilespmem:$0xD0];
	_ =	sdelay $0x4  }
0xa9: {  	v61 =	vshll.u32 v3, $0x1  }
0xaa: {  	v3 =	vand.u32 $0x7, v3;
	v4 =	vand.u32 $0xFFFFFFF0, v61  }
0xab: {  	v3 =	vor.u32 v3, v4  }
0xac: {  	v4 =	vperm.xlane v3, v0;
	_ =	sdelay $0x1  }
0xad: {  	v3 =	vperm.xlane v3, v2;
	v4 =	vadd.s32 v1, v4;
	_ =	sdelay $0x1  }
0xae: {  	v3 =	vadd.s32 v1, v3;
	_ =	sdelay $0x2  }
0xaf: {  	[tilespmem:s5], [sflag:$0x2] =	stream.indirect_vreg.gather [hbm4b:s3+s2], $0x80, v4, vm0, $0xb8;
	[tilespmem:$0x10800] =	vst v63  }
0xb0: {  	_ = 	snop  }
0xb1: {  	[tilespmem:s7], [sflag:$0x2] =	stream.indirect_vreg.gather [hbm4b:s3+s2], $0x80, v3, vm0, $0xb8;
	[tilespmem:$0x10800] =	vst v63  }
0xb2: {  	v3 =	vld [tilespmem:$0xE0];
	_ =	sdelay $0x4  }
0xb3: {  	v62 =	vshll.u32 v3, $0x1  }
0xb4: {  	v3 =	vand.u32 $0x7, v3;
	v4 =	vand.u32 $0xFFFFFFF0, v62  }
0xb5: {  	v3 =	vor.u32 v3, v4  }
0xb6: {  	v4 =	vperm.xlane v3, v0;
	_ =	sdelay $0x1  }
0xb7: {  	v3 =	vperm.xlane v3, v2;
	v4 =	vadd.s32 v1, v4;
	_ =	sdelay $0x1  }
0xb8: {  	v3 =	vadd.s32 v1, v3;
	_ =	sdelay $0x2  }
0xb9: {  	[tilespmem:s9], [sflag:$0x2] =	stream.indirect_vreg.gather [hbm4b:s3+s2], $0x80, v4, vm0, $0xb8;
	[tilespmem:$0x10800] =	vst v63  }
0xba: {  	_ = 	snop  }
0xbb: {  	[tilespmem:s10], [sflag:$0x2] =	stream.indirect_vreg.gather [hbm4b:s3+s2], $0x80, v3, vm0, $0xb8;
	[tilespmem:$0x10800] =	vst v63  }
0xbc: {  	v3 =	vld [tilespmem:$0xF0];
	_ =	sdelay $0x4  }
0xbd: {  	v63 =	vshll.u32 v3, $0x1  }
0xbe: {  	v3 =	vand.u32 $0x7, v3;
	v4 =	vand.u32 $0xFFFFFFF0, v63  }
0xbf: {  	v3 =	vor.u32 v3, v4  }
0xc0: {  	v4 =	vperm.xlane v3, v0;
	_ =	sdelay $0x1  }
0xc1: {  	v3 =	vperm.xlane v3, v2;
	v4 =	vadd.s32 v1, v4;
	_ =	sdelay $0x1  }
0xc2: {  	v3 =	vadd.s32 v1, v3;
	_ =	sdelay $0x2  }
0xc3: {  	[tilespmem:s11], [sflag:$0x2] =	stream.indirect_vreg.gather [hbm4b:s3+s2], $0x80, v4, vm0, $0xb8;
	[tilespmem:$0x10800] =	vst v63  }
0xc4: {  	s17 =	simm.s32 $0x1F0;
	s18 =	simm.s32 $0x0  }
0xc5: {  	[tilespmem:s12], [sflag:$0x2] =	stream.indirect_vreg.gather [hbm4b:s3+s2], $0x80, v3, vm0, $0xb8;
	[tilespmem:$0x10800] =	vst v63  }
.LBB2_2:
0xc6: {  	_ =	swait.ge [sflag:s13], $0x8000  }
0xc7: {  	[sflag:s13] =	ssyncset.done $0x0  }
0xc8: {  	s19 =	sadd.s32 s18, s6;
	[sflag:s13] =	ssyncadd.s32 $0xFFFF8000  }
0xc9: {  	[hbm4b:s19+s2] =	stream.linear.scatter [tilespmem:s8], [sflag:$0x3], $0x8000, $0x38;
	[tilespmem:$0x10800] =	vst v63  }
0xca: {  	_ =	swait.ge [sflag:s14], $0x8000  }
0xcb: {  	p0 =	seq.s32 s18, $0xE000;
	[sflag:s14] =	ssyncset.done $0x0  }
.Ltmp2:
0xcc: {  	s19 =	sadd.s32 $0x1000, s19;
	[sflag:s14] =	ssyncadd.s32 $0xFFFF8000;
	(pc) =	sbr.rel @p0 .LBB2_4-.Ltmp2, $4  }
0xcd: {  	[hbm4b:s19+s2] =	stream.linear.scatter [tilespmem:s24], [sflag:$0x4], $0x8000, $0x38;
	[tilespmem:$0x10800] =	vst v63  }
0xce: {  	_ =	swait.ge [sflag:s15], $0x8000  }
0xcf: {  	[sflag:s15] =	ssyncset.done $0x0  }
0xd0: {  	[sflag:s15] =	ssyncadd.s32 $0xFFFF8000  }
0xd1: {  	v3 =	vld [tilespmem:s17+$0xFFFFFF10];
	_ =	sdelay $0x4  }
0xd2: {  	v4 =	vshll.u32 v3, $0x1  }
0xd3: {  	v3 =	vand.u32 $0x7, v3;
	v4 =	vand.u32 $0xFFFFFFF0, v4  }
0xd4: {  	v3 =	vor.u32 v3, v4  }
0xd5: {  	v4 =	vperm.xlane v3, v0;
	_ =	sdelay $0x1  }
0xd6: {  	v3 =	vperm.xlane v3, v2;
	v4 =	vadd.s32 v1, v4;
	_ =	sdelay $0x1  }
0xd7: {  	v3 =	vadd.s32 v1, v3;
	_ =	sdelay $0x2  }
0xd8: {  	[tilespmem:s8], [sflag:$0x1] =	stream.indirect_vreg.gather [hbm4b:s3+s2], $0x80, v4, vm0, $0xb8;
	[tilespmem:$0x10800] =	vst v63  }
0xd9: {  	s19 =	simm.s32 $0x1000  }
0xda: {  	[tilespmem:s19], [sflag:$0x1] =	stream.indirect_vreg.gather [hbm4b:s3+s2], $0x80, v3, vm0, $0xb8;
	[tilespmem:$0x10800] =	vst v63  }
0xdb: {  	v3 =	vld [tilespmem:s17+$0xFFFFFF20];
	_ =	sdelay $0x4  }
0xdc: {  	v49 =	vshll.u32 v3, $0x1  }
0xdd: {  	v3 =	vand.u32 $0x7, v3;
	v4 =	vand.u32 $0xFFFFFFF0, v49  }
0xde: {  	v3 =	vor.u32 v3, v4  }
0xdf: {  	v4 =	vperm.xlane v3, v0;
	_ =	sdelay $0x1  }
0xe0: {  	v3 =	vperm.xlane v3, v2;
	v4 =	vadd.s32 v1, v4;
	_ =	sdelay $0x1  }
0xe1: {  	v3 =	vadd.s32 v1, v3;
	_ =	sdelay $0x1  }
0xe2: {  	s19 =	simm.s32 $0x1800  }
0xe3: {  	[tilespmem:s19], [sflag:$0x1] =	stream.indirect_vreg.gather [hbm4b:s3+s2], $0x80, v4, vm0, $0xb8;
	[tilespmem:$0x10800] =	vst v63  }
0xe4: {  	s19 =	simm.s32 $0x2000  }
0xe5: {  	[tilespmem:s19], [sflag:$0x1] =	stream.indirect_vreg.gather [hbm4b:s3+s2], $0x80, v3, vm0, $0xb8;
	[tilespmem:$0x10800] =	vst v63  }
0xe6: {  	v3 =	vld [tilespmem:s17+$0xFFFFFF30];
	_ =	sdelay $0x4  }
0xe7: {  	v50 =	vshll.u32 v3, $0x1  }
0xe8: {  	v3 =	vand.u32 $0x7, v3;
	v4 =	vand.u32 $0xFFFFFFF0, v50  }
0xe9: {  	v3 =	vor.u32 v3, v4  }
0xea: {  	v4 =	vperm.xlane v3, v0;
	_ =	sdelay $0x1  }
0xeb: {  	v3 =	vperm.xlane v3, v2;
	v4 =	vadd.s32 v1, v4;
	_ =	sdelay $0x1  }
0xec: {  	v3 =	vadd.s32 v1, v3;
	_ =	sdelay $0x1  }
0xed: {  	s19 =	simm.s32 $0x2800  }
0xee: {  	[tilespmem:s19], [sflag:$0x1] =	stream.indirect_vreg.gather [hbm4b:s3+s2], $0x80, v4, vm0, $0xb8;
	[tilespmem:$0x10800] =	vst v63  }
0xef: {  	s19 =	simm.s32 $0x3000  }
0xf0: {  	[tilespmem:s19], [sflag:$0x1] =	stream.indirect_vreg.gather [hbm4b:s3+s2], $0x80, v3, vm0, $0xb8;
	[tilespmem:$0x10800] =	vst v63  }
0xf1: {  	v3 =	vld [tilespmem:s17+$0xFFFFFF40];
	_ =	sdelay $0x4  }
0xf2: {  	v51 =	vshll.u32 v3, $0x1  }
0xf3: {  	v3 =	vand.u32 $0x7, v3;
	v4 =	vand.u32 $0xFFFFFFF0, v51  }
0xf4: {  	v3 =	vor.u32 v3, v4  }
0xf5: {  	v4 =	vperm.xlane v3, v0;
	_ =	sdelay $0x1  }
0xf6: {  	v3 =	vperm.xlane v3, v2;
	v4 =	vadd.s32 v1, v4;
	_ =	sdelay $0x1  }
0xf7: {  	v3 =	vadd.s32 v1, v3;
	_ =	sdelay $0x1  }
0xf8: {  	s19 =	simm.s32 $0x3800  }
0xf9: {  	[tilespmem:s19], [sflag:$0x1] =	stream.indirect_vreg.gather [hbm4b:s3+s2], $0x80, v4, vm0, $0xb8;
	[tilespmem:$0x10800] =	vst v63  }
0xfa: {  	s19 =	simm.s32 $0x4000  }
0xfb: {  	[tilespmem:s19], [sflag:$0x1] =	stream.indirect_vreg.gather [hbm4b:s3+s2], $0x80, v3, vm0, $0xb8;
	[tilespmem:$0x10800] =	vst v63  }
0xfc: {  	v3 =	vld [tilespmem:s17+$0xFFFFFF50];
	_ =	sdelay $0x4  }
0xfd: {  	v52 =	vshll.u32 v3, $0x1  }
0xfe: {  	v3 =	vand.u32 $0x7, v3;
	v4 =	vand.u32 $0xFFFFFFF0, v52  }
0xff: {  	v3 =	vor.u32 v3, v4  }
0x100: {  	v4 =	vperm.xlane v3, v0;
	_ =	sdelay $0x1  }
0x101: {  	v3 =	vperm.xlane v3, v2;
	v4 =	vadd.s32 v1, v4;
	_ =	sdelay $0x1  }
0x102: {  	v3 =	vadd.s32 v1, v3;
	_ =	sdelay $0x1  }
0x103: {  	s19 =	simm.s32 $0x4800  }
0x104: {  	[tilespmem:s19], [sflag:$0x1] =	stream.indirect_vreg.gather [hbm4b:s3+s2], $0x80, v4, vm0, $0xb8;
	[tilespmem:$0x10800] =	vst v63  }
0x105: {  	s19 =	simm.s32 $0x5000  }
0x106: {  	[tilespmem:s19], [sflag:$0x1] =	stream.indirect_vreg.gather [hbm4b:s3+s2], $0x80, v3, vm0, $0xb8;
	[tilespmem:$0x10800] =	vst v63  }
0x107: {  	v3 =	vld [tilespmem:s17+$0xFFFFFF60];
	_ =	sdelay $0x4  }
0x108: {  	v53 =	vshll.u32 v3, $0x1  }
0x109: {  	v3 =	vand.u32 $0x7, v3;
	v4 =	vand.u32 $0xFFFFFFF0, v53  }
0x10a: {  	v3 =	vor.u32 v3, v4  }
0x10b: {  	v4 =	vperm.xlane v3, v0;
	_ =	sdelay $0x1  }
0x10c: {  	v3 =	vperm.xlane v3, v2;
	v4 =	vadd.s32 v1, v4;
	_ =	sdelay $0x1  }
0x10d: {  	v3 =	vadd.s32 v1, v3;
	_ =	sdelay $0x1  }
0x10e: {  	s19 =	simm.s32 $0x5800  }
0x10f: {  	[tilespmem:s19], [sflag:$0x1] =	stream.indirect_vreg.gather [hbm4b:s3+s2], $0x80, v4, vm0, $0xb8;
	[tilespmem:$0x10800] =	vst v63  }
0x110: {  	s19 =	simm.s32 $0x6000  }
0x111: {  	[tilespmem:s19], [sflag:$0x1] =	stream.indirect_vreg.gather [hbm4b:s3+s2], $0x80, v3, vm0, $0xb8;
	[tilespmem:$0x10800] =	vst v63  }
0x112: {  	v3 =	vld [tilespmem:s17+$0xFFFFFF70];
	_ =	sdelay $0x4  }
0x113: {  	v54 =	vshll.u32 v3, $0x1  }
0x114: {  	v3 =	vand.u32 $0x7, v3;
	v4 =	vand.u32 $0xFFFFFFF0, v54  }
0x115: {  	v3 =	vor.u32 v3, v4  }
0x116: {  	v4 =	vperm.xlane v3, v0;
	_ =	sdelay $0x1  }
0x117: {  	v3 =	vperm.xlane v3, v2;
	v4 =	vadd.s32 v1, v4;
	_ =	sdelay $0x1  }
0x118: {  	v3 =	vadd.s32 v1, v3;
	_ =	sdelay $0x2  }
0x119: {  	[tilespmem:s20], [sflag:$0x1] =	stream.indirect_vreg.gather [hbm4b:s3+s2], $0x80, v4, vm0, $0xb8;
	[tilespmem:$0x10800] =	vst v63  }
0x11a: {  	_ = 	snop  }
0x11b: {  	[tilespmem:s21], [sflag:$0x1] =	stream.indirect_vreg.gather [hbm4b:s3+s2], $0x80, v3, vm0, $0xb8;
	[tilespmem:$0x10800] =	vst v63  }
0x11c: {  	v3 =	vld [tilespmem:s17+$0xFFFFFF80];
	_ =	sdelay $0x4  }
0x11d: {  	v55 =	vshll.u32 v3, $0x1  }
0x11e: {  	v3 =	vand.u32 $0x7, v3;
	v4 =	vand.u32 $0xFFFFFFF0, v55  }
0x11f: {  	v3 =	vor.u32 v3, v4  }
0x120: {  	v4 =	vperm.xlane v3, v0;
	_ =	sdelay $0x1  }
0x121: {  	v3 =	vperm.xlane v3, v2;
	v4 =	vadd.s32 v1, v4;
	_ =	sdelay $0x1  }
0x122: {  	v3 =	vadd.s32 v1, v3;
	_ =	sdelay $0x2  }
0x123: {  	[tilespmem:s22], [sflag:$0x1] =	stream.indirect_vreg.gather [hbm4b:s3+s2], $0x80, v4, vm0, $0xb8;
	[tilespmem:$0x10800] =	vst v63  }
0x124: {  	_ = 	snop  }
0x125: {  	[tilespmem:s23], [sflag:$0x1] =	stream.indirect_vreg.gather [hbm4b:s3+s2], $0x80, v3, vm0, $0xb8;
	[tilespmem:$0x10800] =	vst v63  }
0x126: {  	_ =	swait.ge [sflag:s16], $0x8000  }
0x127: {  	[sflag:s16] =	ssyncset.done $0x0  }
0x128: {  	[sflag:s16] =	ssyncadd.s32 $0xFFFF8000  }
0x129: {  	v3 =	vld [tilespmem:s17+$0xFFFFFF90];
	_ =	sdelay $0x4  }
0x12a: {  	v56 =	vshll.u32 v3, $0x1  }
0x12b: {  	v3 =	vand.u32 $0x7, v3;
	v4 =	vand.u32 $0xFFFFFFF0, v56  }
0x12c: {  	v3 =	vor.u32 v3, v4  }
0x12d: {  	v4 =	vperm.xlane v3, v0;
	_ =	sdelay $0x1  }
0x12e: {  	v3 =	vperm.xlane v3, v2;
	v4 =	vadd.s32 v1, v4;
	_ =	sdelay $0x1  }
0x12f: {  	v3 =	vadd.s32 v1, v3;
	_ =	sdelay $0x2  }
0x130: {  	[tilespmem:s24], [sflag:$0x2] =	stream.indirect_vreg.gather [hbm4b:s3+s2], $0x80, v4, vm0, $0xb8;
	[tilespmem:$0x10800] =	vst v63  }
0x131: {  	_ = 	snop  }
0x132: {  	[tilespmem:s25], [sflag:$0x2] =	stream.indirect_vreg.gather [hbm4b:s3+s2], $0x80, v3, vm0, $0xb8;
	[tilespmem:$0x10800] =	vst v63  }
0x133: {  	v3 =	vld [tilespmem:s17+$0xFFFFFFA0];
	_ =	sdelay $0x4  }
0x134: {  	v57 =	vshll.u32 v3, $0x1  }
0x135: {  	v3 =	vand.u32 $0x7, v3;
	v4 =	vand.u32 $0xFFFFFFF0, v57  }
0x136: {  	v3 =	vor.u32 v3, v4  }
0x137: {  	v4 =	vperm.xlane v3, v0;
	_ =	sdelay $0x1  }
0x138: {  	v3 =	vperm.xlane v3, v2;
	v4 =	vadd.s32 v1, v4;
	_ =	sdelay $0x1  }
0x139: {  	v3 =	vadd.s32 v1, v3;
	_ =	sdelay $0x2  }
0x13a: {  	[tilespmem:s26], [sflag:$0x2] =	stream.indirect_vreg.gather [hbm4b:s3+s2], $0x80, v4, vm0, $0xb8;
	[tilespmem:$0x10800] =	vst v63  }
0x13b: {  	_ = 	snop  }
0x13c: {  	[tilespmem:s28], [sflag:$0x2] =	stream.indirect_vreg.gather [hbm4b:s3+s2], $0x80, v3, vm0, $0xb8;
	[tilespmem:$0x10800] =	vst v63  }
0x13d: {  	v3 =	vld [tilespmem:s17+$0xFFFFFFB0];
	_ =	sdelay $0x4  }
0x13e: {  	v58 =	vshll.u32 v3, $0x1  }
0x13f: {  	v3 =	vand.u32 $0x7, v3;
	v4 =	vand.u32 $0xFFFFFFF0, v58  }
0x140: {  	v3 =	vor.u32 v3, v4  }
0x141: {  	v4 =	vperm.xlane v3, v0;
	_ =	sdelay $0x1  }
0x142: {  	v3 =	vperm.xlane v3, v2;
	v4 =	vadd.s32 v1, v4;
	_ =	sdelay $0x1  }
0x143: {  	v3 =	vadd.s32 v1, v3;
	_ =	sdelay $0x2  }
0x144: {  	[tilespmem:s29], [sflag:$0x2] =	stream.indirect_vreg.gather [hbm4b:s3+s2], $0x80, v4, vm0, $0xb8;
	[tilespmem:$0x10800] =	vst v63  }
0x145: {  	_ = 	snop  }
0x146: {  	[tilespmem:s30], [sflag:$0x2] =	stream.indirect_vreg.gather [hbm4b:s3+s2], $0x80, v3, vm0, $0xb8;
	[tilespmem:$0x10800] =	vst v63  }
0x147: {  	v3 =	vld [tilespmem:s17+$0xFFFFFFC0];
	_ =	sdelay $0x4  }
0x148: {  	v59 =	vshll.u32 v3, $0x1  }
0x149: {  	v3 =	vand.u32 $0x7, v3;
	v4 =	vand.u32 $0xFFFFFFF0, v59  }
0x14a: {  	v3 =	vor.u32 v3, v4  }
0x14b: {  	v4 =	vperm.xlane v3, v0;
	_ =	sdelay $0x1  }
0x14c: {  	v3 =	vperm.xlane v3, v2;
	v4 =	vadd.s32 v1, v4;
	_ =	sdelay $0x1  }
0x14d: {  	v3 =	vadd.s32 v1, v3;
	_ =	sdelay $0x2  }
0x14e: {  	[tilespmem:s31], [sflag:$0x2] =	stream.indirect_vreg.gather [hbm4b:s3+s2], $0x80, v4, vm0, $0xb8;
	[tilespmem:$0x10800] =	vst v63  }
0x14f: {  	_ = 	snop  }
0x150: {  	[tilespmem:s0], [sflag:$0x2] =	stream.indirect_vreg.gather [hbm4b:s3+s2], $0x80, v3, vm0, $0xb8;
	[tilespmem:$0x10800] =	vst v63  }
0x151: {  	v3 =	vld [tilespmem:s17+$0xFFFFFFD0];
	_ =	sdelay $0x4  }
0x152: {  	v60 =	vshll.u32 v3, $0x1  }
0x153: {  	v3 =	vand.u32 $0x7, v3;
	v4 =	vand.u32 $0xFFFFFFF0, v60  }
0x154: {  	v3 =	vor.u32 v3, v4  }
0x155: {  	v4 =	vperm.xlane v3, v0;
	_ =	sdelay $0x1  }
0x156: {  	v3 =	vperm.xlane v3, v2;
	v4 =	vadd.s32 v1, v4;
	_ =	sdelay $0x1  }
0x157: {  	v3 =	vadd.s32 v1, v3;
	_ =	sdelay $0x2  }
0x158: {  	[tilespmem:s1], [sflag:$0x2] =	stream.indirect_vreg.gather [hbm4b:s3+s2], $0x80, v4, vm0, $0xb8;
	[tilespmem:$0x10800] =	vst v63  }
0x159: {  	_ = 	snop  }
0x15a: {  	[tilespmem:s4], [sflag:$0x2] =	stream.indirect_vreg.gather [hbm4b:s3+s2], $0x80, v3, vm0, $0xb8;
	[tilespmem:$0x10800] =	vst v63  }
0x15b: {  	v3 =	vld [tilespmem:s17+$0xFFFFFFE0];
	_ =	sdelay $0x4  }
0x15c: {  	v61 =	vshll.u32 v3, $0x1  }
0x15d: {  	v3 =	vand.u32 $0x7, v3;
	v4 =	vand.u32 $0xFFFFFFF0, v61  }
0x15e: {  	v3 =	vor.u32 v3, v4  }
0x15f: {  	v4 =	vperm.xlane v3, v0;
	_ =	sdelay $0x1  }
0x160: {  	v3 =	vperm.xlane v3, v2;
	v4 =	vadd.s32 v1, v4;
	_ =	sdelay $0x1  }
0x161: {  	v3 =	vadd.s32 v1, v3;
	_ =	sdelay $0x2  }
0x162: {  	[tilespmem:s5], [sflag:$0x2] =	stream.indirect_vreg.gather [hbm4b:s3+s2], $0x80, v4, vm0, $0xb8;
	[tilespmem:$0x10800] =	vst v63  }
0x163: {  	_ = 	snop  }
0x164: {  	[tilespmem:s7], [sflag:$0x2] =	stream.indirect_vreg.gather [hbm4b:s3+s2], $0x80, v3, vm0, $0xb8;
	[tilespmem:$0x10800] =	vst v63  }
0x165: {  	v3 =	vld [tilespmem:s17+$0xFFFFFFF0];
	_ =	sdelay $0x4  }
0x166: {  	v62 =	vshll.u32 v3, $0x1  }
0x167: {  	v3 =	vand.u32 $0x7, v3;
	v4 =	vand.u32 $0xFFFFFFF0, v62  }
0x168: {  	v3 =	vor.u32 v3, v4  }
0x169: {  	v4 =	vperm.xlane v3, v0;
	_ =	sdelay $0x1  }
0x16a: {  	v3 =	vperm.xlane v3, v2;
	v4 =	vadd.s32 v1, v4;
	_ =	sdelay $0x1  }
0x16b: {  	v3 =	vadd.s32 v1, v3;
	_ =	sdelay $0x2  }
0x16c: {  	[tilespmem:s9], [sflag:$0x2] =	stream.indirect_vreg.gather [hbm4b:s3+s2], $0x80, v4, vm0, $0xb8;
	[tilespmem:$0x10800] =	vst v63  }
0x16d: {  	_ = 	snop  }
0x16e: {  	[tilespmem:s10], [sflag:$0x2] =	stream.indirect_vreg.gather [hbm4b:s3+s2], $0x80, v3, vm0, $0xb8;
	[tilespmem:$0x10800] =	vst v63  }
0x16f: {  	v3 =	vld [tilespmem:s17+$0x0];
	_ =	sdelay $0x4  }
0x170: {  	v63 =	vshll.u32 v3, $0x1  }
0x171: {  	v3 =	vand.u32 $0x7, v3;
	v4 =	vand.u32 $0xFFFFFFF0, v63  }
0x172: {  	v3 =	vor.u32 v3, v4  }
0x173: {  	v4 =	vperm.xlane v3, v0;
	_ =	sdelay $0x1  }
0x174: {  	v3 =	vperm.xlane v3, v2;
	v4 =	vadd.s32 v1, v4;
	_ =	sdelay $0x1  }
0x175: {  	v3 =	vadd.s32 v1, v3  }
.Ltmp3:
0x176: {  	_ = 	snop;
	(pc) =	sbr.rel .LBB2_2-.Ltmp3, $4  }
0x177: {  	_ = 	snop  }
0x178: {  	[tilespmem:s11], [sflag:$0x2] =	stream.indirect_vreg.gather [hbm4b:s3+s2], $0x80, v4, vm0, $0xb8;
	[tilespmem:$0x10800] =	vst v63  }
0x179: {  	s18 =	sadd.s32 $0x2000, s18;
	s17 =	sadd.s32 $0x100, s17  }
0x17a: {  	[tilespmem:s12], [sflag:$0x2] =	stream.indirect_vreg.gather [hbm4b:s3+s2], $0x80, v3, vm0, $0xb8;
	[tilespmem:$0x10800] =	vst v63  }
.LBB2_5:
0x17b: {  	_ =	sfence.sel $0x180000  }
0x17c: {  	[bflag:$0x0] =	sbarrier.arrive $0xFFFF  }
0x17d: {  	_ =	strace $0x9000004D  }
0x17e: {  	s0 =	stileid.u32;
	[bflag:$0x2] =	sbarrier.arrive $0xFFFF  }
0x17f: {  	p0 =	sne.s32 s0, $0x0;
	s0 =	rddreg [dreg:$0x2]  }
0x180: {  	s0 =	sadd.s32 @!p0 $0x100000, s0  }
0x181: {  	[sflag:s0] =	ssyncadd.tile.s32 @!p0 $0x1;
	_ =	shalt  }
.Lfunc_end2:
_tile_overlayer_lowered:
.L_overlay_start_2:
0x182: {  	(tag) =	ssettag $0x2  }
0x183: {  	s0 =	rddreg [dreg:$0x0];
	s2 =	stileid.u32  }
0x184: {  	s1 =	rddreg [dreg:$0x1];
	p0 =	sne.s32 s2, $0x0  }
0x185: {  	s3 =	rddreg [dreg:$0x2];
	[bflag:$0x3] =	sbarrier.arrive $0xFFFF;
	s2 =	simm.s32 @!p0 $0x1C05  }
0x186: {  	[timem:s3], [sflag:s2] =	dma.local @!p0 [hbm:s0], s1  }
0x187: {  	s0 =	simm.s32 @!p0 $0x5  }
0x188: {  	_ =	swait.ge @!p0 [sflag:s0], s1  }
0x189: {  	s1 =	ssub.s32 @!p0 $0x0, s1;
	[sflag:s0] =	ssyncset.done @!p0 $0x0  }
0x18a: {  	[sflag:s0] =	ssyncadd.s32 @!p0 s1  }
0x18b: {  	[bflag:$0x3] =	sbarrier.arrive $0xFFFF  }
0x18c: {  	_ =	shalt  }

</sc_bundles>
